<compile_context>
chip_gen: v7x
topology: tpu7x:2x2x1
jax: 0.10.2.dev20260603
libtpu: 0.0.44.dev20260713+nightly
codegen_flags: <defaults>
</compile_context>

<pallas_src>
import functools

import jax
import jax.numpy as jnp
from jax import lax
from jax.experimental import pallas as pl
from jax.experimental.pallas import tpu as pltpu
from jax.experimental.pallas import tpu_sc as plsc

NC, NS = 2, 16
NW = NC * NS
LANES = 16


def _rsqrt(v):
    s = v * 0.5 + 0.5
    for _ in range(24):
        s = 0.5 * (s + v / s)
    return 1.0 / s


@functools.lru_cache(maxsize=None)
def _build(B, SEQ):
    rows_per_w = B // NW
    chunk = 64
    nchunk = rows_per_w // chunk
    nfull = SEQ // LANES
    tail = SEQ - nfull * LANES
    tail_c0 = SEQ - LANES

    mesh = plsc.VectorSubcoreMesh(
        core_axis_name="c", subcore_axis_name="s",
        num_cores=NC, num_subcores=NS)

    @functools.partial(
        pl.kernel,
        out_type=jax.ShapeDtypeStruct((2 * B,), jnp.float32),
        mesh=mesh,
        scratch_types=[
            pltpu.VMEM((chunk, SEQ), jnp.int32),
            pltpu.VMEM((chunk, SEQ), jnp.int32),
            pltpu.VMEM((96,), jnp.float32),
            pltpu.VMEM((112,), jnp.float32),
            pltpu.VMEM((112,), jnp.float32),
            pltpu.VMEM((LANES,), jnp.float32),
            pltpu.VMEM((LANES,), jnp.float32),
            pltpu.VMEM((2 * rows_per_w,), jnp.float32),
            pltpu.SemaphoreType.DMA,
            pltpu.SemaphoreType.DMA,
        ],
        compiler_params=pltpu.CompilerParams(use_tc_tiling_on_sc=True,
                                             needs_layout_passes=False),
    )
    def tiny_kernel(x_hbm, params_hbm, out_hbm,
                    xv0, xv1, params_v, pair0_v, pair1_v,
                    t0_v, t1_v, outv, sem0, sem1):
        wid = lax.axis_index("s") * NC + lax.axis_index("c")
        xbufs, sems = (xv0, xv1), (sem0, sem1)

        def start(ci, buf):
            base = wid * rows_per_w + ci * chunk
            return pltpu.async_copy(
                x_hbm.at[pl.ds(base, chunk), :], xbufs[buf], sems[buf])

        cp0 = start(0, 0)

        pltpu.sync_copy(params_hbm, params_v)

        pa = params_v[pl.ds(4 * LANES, LANES)]
        pb = params_v[pl.ds(5 * LANES, LANES)]

        c = [params_v[pl.ds(k * LANES, LANES)] for k in range(4)]
        mu = (c[0] + c[1] + c[2] + c[3]) * 0.25
        d = [ck - mu for ck in c]
        var = (d[0] * d[0] + d[1] * d[1] + d[2] * d[2] + d[3] * d[3]) * 0.25
        r = _rsqrt(var + 1e-5)
        ln = [d[k] * r * pa[k] + pa[4 + k] for k in range(4)]
        inv = 1.0 / SEQ
        t0 = (ln[0] * pa[8] + ln[1] * pa[9]
              + ln[2] * pa[10] + ln[3] * pa[11]
              + pb[0]) * inv
        t1 = (ln[0] * pa[12] + ln[1] * pa[13]
              + ln[2] * pa[14] + ln[3] * pa[15]
              + pb[1]) * inv
        t0_v[...] = t0
        t1_v[...] = t1

        for hi in range(10):
            pair0_v[pl.ds(10 * hi, LANES)] = t0[hi] + t0
            pair1_v[pl.ds(10 * hi, LANES)] = t1[hi] + t1

        iota = lax.iota(jnp.int32, LANES)
        zerof = jnp.zeros((LANES,), jnp.float32)
        tmask = iota >= (LANES - tail)

        cps = [cp0, None]
        for ci in range(nchunk):
            buf = ci % 2
            cps[buf].wait()
            if ci + 1 < nchunk:
                cps[(ci + 1) % 2] = start(ci + 1, (ci + 1) % 2)
            xv = xbufs[buf]

            def gbody(g, _, xv=xv, ci=ci):
                def sbody(s, ov, xv=xv, g=g):
                    ov0, ov1 = ov
                    row = g * LANES + s
                    v = [xv[row, pl.ds(16 * m, LANES)] for m in range(nfull)]
                    tl = xv[row, pl.ds(tail_c0, LANES)]
                    a0, a1 = zerof, zerof
                    for m in range(nfull // 2):
                        q = v[2 * m] * 10 + v[2 * m + 1]
                        a0 = a0 + plsc.load_gather(pair0_v, [q])
                        a1 = a1 + plsc.load_gather(pair1_v, [q])
                    a0 = a0 + jnp.where(tmask, plsc.load_gather(t0_v, [tl]),
                                        0.0)
                    a1 = a1 + jnp.where(tmask, plsc.load_gather(t1_v, [tl]),
                                        0.0)
                    s0 = jnp.sum(a0)
                    s1 = jnp.sum(a1)
                    return (jnp.where(iota == s, s0, ov0),
                            jnp.where(iota == s, s1, ov1))

                ov0, ov1 = lax.fori_loop(0, LANES, sbody, (zerof, zerof),
                                         unroll=2)
                base = ci * chunk + g * LANES
                outv[pl.ds(base, LANES)] = ov0
                outv[pl.ds(rows_per_w + base, LANES)] = ov1
                return 0

            lax.fori_loop(0, chunk // LANES, gbody, 0)

        pltpu.sync_copy(outv.at[pl.ds(0, rows_per_w)],
                        out_hbm.at[pl.ds(wid * rows_per_w, rows_per_w)])
        pltpu.sync_copy(outv.at[pl.ds(rows_per_w, rows_per_w)],
                        out_hbm.at[pl.ds(B + wid * rows_per_w, rows_per_w)])

    return tiny_kernel


def kernel(x, table, gamma, beta, W, b):
    B, SEQ = x.shape
    tcols = jnp.pad(table.T, ((0, 0), (0, LANES - table.shape[0])))
    params = jnp.concatenate(
        [tcols.reshape(-1), gamma, beta, W.reshape(-1), b,
         jnp.zeros((14,), jnp.float32)]).astype(jnp.float32)
    flat = _build(B, SEQ)(x, params)
    return flat.reshape(2, B).T

# --- scband reference (transcript-rebuilt; emitter-appended) ---
"""Pipeline reference for scband-tiny-50964081934573 (READ-ONLY COPY).

The authoritative reference and input builder live on the scoring server;
editing this copy changes nothing except your own understanding.
"""

import jax, jax.numpy as jnp
import numpy as np


def setup_inputs(seed: int = 0) -> dict:
    key = jax.random.key(seed)
    kx, kt, kg, kb, kw, kbb = jax.random.split(key, 6)
    x = jax.random.randint(kx, (16384, 200), 0, 10, dtype=jnp.int32)
    table = jax.random.normal(kt, (10, 4), dtype=jnp.float32)
    gamma = jnp.ones((4,), dtype=jnp.float32)
    beta = jnp.zeros((4,), dtype=jnp.float32)
    W = jax.random.normal(kw, (2, 4), dtype=jnp.float32) * 0.5
    b = jax.random.normal(kbb, (2,), dtype=jnp.float32) * 0.1
    return {"x": x, "table": table, "gamma": gamma, "beta": beta, "W": W, "b": b}


def reference(x, table, gamma, beta, W, b):
    # embedding gather: [B, L] -> [B, L, 4]
    emb = jnp.take(table, x, axis=0)
    # LayerNorm over last dim (eps=1e-5, biased variance, matching torch)
    mu = jnp.mean(emb, axis=-1, keepdims=True)
    var = jnp.mean((emb - mu) ** 2, axis=-1, keepdims=True)
    ln = (emb - mu) / jnp.sqrt(var + 1e-5) * gamma + beta
    # mean-pool over sequence dim
    pooled = jnp.mean(ln, axis=1)  # [B, 4]
    # linear: [B, 4] @ [4, 2] + [2]
    return pooled @ W.T + b

if __name__ == "__main__":
    import jax
    _d = setup_inputs()
    print(jax.jit(kernel)(*tuple(_d.values())))

</pallas_src>

<mosaic_0001>
#map = affine_map<(d0, d1) -> (0, 0)>
#map1 = affine_map<(d0, d1) -> (0)>
module attributes {stable_mosaic.version = 14 : i64} {
  func.func @tiny_kernel(%arg0: i32, %arg1: i32, %arg2: memref<16384x200xi32, #tpu.memory_space<hbm>>, %arg3: memref<96xf32, #tpu.memory_space<hbm>>, %arg4: memref<32768xf32, #tpu.memory_space<hbm>>, %arg5: memref<64x200xi32, #tpu.memory_space<vmem>>, %arg6: memref<64x200xi32, #tpu.memory_space<vmem>>, %arg7: memref<96xf32, #tpu.memory_space<vmem>>, %arg8: memref<112xf32, #tpu.memory_space<vmem>>, %arg9: memref<112xf32, #tpu.memory_space<vmem>>, %arg10: memref<16xf32, #tpu.memory_space<vmem>>, %arg11: memref<16xf32, #tpu.memory_space<vmem>>, %arg12: memref<1024xf32, #tpu.memory_space<vmem>>, %arg13: memref<!tpu.dma_semaphore, #tpu.memory_space<semaphore_mem>>, %arg14: memref<!tpu.dma_semaphore, #tpu.memory_space<semaphore_mem>>) attributes {dimension_semantics = [#tpu.dimension_semantics<core_parallel>, #tpu.dimension_semantics<subcore_parallel>], iteration_bounds = array<i64: 2, 16>, scalar_prefetch = 0 : i64, scratch_operands = 10 : i64, tpu.core_type = #tpu.core_type<sc_vector_subcore>, window_params = [{transform_indices = #map}, {transform_indices = #map1}, {transform_indices = #map1}]} {
    %mul3A = arith.constant 2 : i32
    %mul3A_0 = arith.muli %arg1, %mul3A : i32
    %add3A = arith.addi %mul3A_0, %arg0 : i32
    %mul3A_1 = arith.constant 512 : i32
    %mul3A_2 = arith.muli %add3A, %mul3A_1 : i32
    %add3A_3 = arith.constant 0 : i32
    %add3A_4 = arith.addi %mul3A_2, %add3A_3 : i32
    %dma_start3A = arith.constant 0 : i32
    %dma_start3A_5 = tpu.memref_slice %arg2[%add3A_4, %dma_start3A] : memref<16384x200xi32, #tpu.memory_space<hbm>> -> memref<64x200xi32, #tpu.memory_space<hbm>>
    %dma_start3A_6 = arith.constant 0 : i32
    %dma_start3A_7 = tpu.memref_slice %arg2[%add3A_4, %dma_start3A_6] : memref<16384x200xi32, #tpu.memory_space<hbm>> -> memref<64x200xi32, #tpu.memory_space<hbm>>
    tpu.enqueue_dma source(%dma_start3A_7 : memref<64x200xi32, #tpu.memory_space<hbm>>) target(%arg5 : memref<64x200xi32, #tpu.memory_space<vmem>>) target_semaphore(%arg13 : memref<!tpu.dma_semaphore, #tpu.memory_space<semaphore_mem>>)
    "tpu.region"() ({
      %run_scoped3A = tpu.sem_alloc : memref<!tpu.dma_semaphore, #tpu.memory_space<semaphore_mem>>
      tpu.enqueue_dma source(%arg3 : memref<96xf32, #tpu.memory_space<hbm>>) target(%arg7 : memref<96xf32, #tpu.memory_space<vmem>>) target_semaphore(%run_scoped3A : memref<!tpu.dma_semaphore, #tpu.memory_space<semaphore_mem>>)
      tpu.wait_dma2 semaphore(%run_scoped3A : memref<!tpu.dma_semaphore, #tpu.memory_space<semaphore_mem>>) src(%arg3 : memref<96xf32, #tpu.memory_space<hbm>>) dst(%arg7 : memref<96xf32, #tpu.memory_space<vmem>>)
      tpu.yield
    }) : () -> ()
    %get3A = arith.constant 64 : index
    %get3A_8 = tpu.vector_load %arg7[%get3A] {strides = array<i32>} : memref<96xf32, #tpu.memory_space<vmem>>, vector<16xf32>,
    %get3A_9 = arith.constant 80 : index
    %get3A_10 = tpu.vector_load %arg7[%get3A_9] {strides = array<i32>} : memref<96xf32, #tpu.memory_space<vmem>>, vector<16xf32>,
    %get3A_11 = arith.constant 0 : index
    %get3A_12 = tpu.vector_load %arg7[%get3A_11] {strides = array<i32>} : memref<96xf32, #tpu.memory_space<vmem>>, vector<16xf32>,
    %get3A_13 = arith.constant 16 : index
    %get3A_14 = tpu.vector_load %arg7[%get3A_13] {strides = array<i32>} : memref<96xf32, #tpu.memory_space<vmem>>, vector<16xf32>,
    %get3A_15 = arith.constant 32 : index
    %get3A_16 = tpu.vector_load %arg7[%get3A_15] {strides = array<i32>} : memref<96xf32, #tpu.memory_space<vmem>>, vector<16xf32>,
    %get3A_17 = arith.constant 48 : index
    %get3A_18 = tpu.vector_load %arg7[%get3A_17] {strides = array<i32>} : memref<96xf32, #tpu.memory_space<vmem>>, vector<16xf32>,
    %add3A_19 = arith.addf %get3A_12, %get3A_14 : vector<16xf32>
    %add3A_20 = arith.addf %add3A_19, %get3A_16 : vector<16xf32>
    %add3A_21 = arith.addf %add3A_20, %get3A_18 : vector<16xf32>
    %mul3A_22 = arith.constant 2.500000e-01 : f32
    %mul3A_23 = vector.broadcast %mul3A_22 : f32 to vector<16xf32>
    %mul3A_24 = arith.mulf %add3A_21, %mul3A_23 : vector<16xf32>
    %sub3A = arith.subf %get3A_12, %mul3A_24 : vector<16xf32>
    %sub3A_25 = arith.subf %get3A_14, %mul3A_24 : vector<16xf32>
    %sub3A_26 = arith.subf %get3A_16, %mul3A_24 : vector<16xf32>
    %sub3A_27 = arith.subf %get3A_18, %mul3A_24 : vector<16xf32>
    %mul3A_28 = arith.mulf %sub3A, %sub3A : vector<16xf32>
    %mul3A_29 = arith.mulf %sub3A_25, %sub3A_25 : vector<16xf32>
    %add3A_30 = arith.addf %mul3A_28, %mul3A_29 : vector<16xf32>
    %mul3A_31 = arith.mulf %sub3A_26, %sub3A_26 : vector<16xf32>
    %add3A_32 = arith.addf %add3A_30, %mul3A_31 : vector<16xf32>
    %mul3A_33 = arith.mulf %sub3A_27, %sub3A_27 : vector<16xf32>
    %add3A_34 = arith.addf %add3A_32, %mul3A_33 : vector<16xf32>
    %mul3A_35 = arith.constant 2.500000e-01 : f32
    %mul3A_36 = vector.broadcast %mul3A_35 : f32 to vector<16xf32>
    %mul3A_37 = arith.mulf %add3A_34, %mul3A_36 : vector<16xf32>
    %add3A_38 = arith.constant 9.99999974E-6 : f32
    %add3A_39 = vector.broadcast %add3A_38 : f32 to vector<16xf32>
    %add3A_40 = arith.addf %mul3A_37, %add3A_39 : vector<16xf32>
    %mul3A_41 = arith.constant 5.000000e-01 : f32
    %mul3A_42 = vector.broadcast %mul3A_41 : f32 to vector<16xf32>
    %mul3A_43 = arith.mulf %add3A_40, %mul3A_42 : vector<16xf32>
    %add3A_44 = arith.constant 5.000000e-01 : f32
    %add3A_45 = vector.broadcast %add3A_44 : f32 to vector<16xf32>
    %add3A_46 = arith.addf %mul3A_43, %add3A_45 : vector<16xf32>
    %div3A = arith.divf %add3A_40, %add3A_46 : vector<16xf32>
    %add3A_47 = arith.addf %add3A_46, %div3A : vector<16xf32>
    %mul3A_48 = arith.constant 5.000000e-01 : f32
    %mul3A_49 = vector.broadcast %mul3A_48 : f32 to vector<16xf32>
    %mul3A_50 = arith.mulf %mul3A_49, %add3A_47 : vector<16xf32>
    %div3A_51 = arith.divf %add3A_40, %mul3A_50 : vector<16xf32>
    %add3A_52 = arith.addf %mul3A_50, %div3A_51 : vector<16xf32>
    %mul3A_53 = arith.constant 5.000000e-01 : f32
    %mul3A_54 = vector.broadcast %mul3A_53 : f32 to vector<16xf32>
    %mul3A_55 = arith.mulf %mul3A_54, %add3A_52 : vector<16xf32>
    %div3A_56 = arith.divf %add3A_40, %mul3A_55 : vector<16xf32>
    %add3A_57 = arith.addf %mul3A_55, %div3A_56 : vector<16xf32>
    %mul3A_58 = arith.constant 5.000000e-01 : f32
    %mul3A_59 = vector.broadcast %mul3A_58 : f32 to vector<16xf32>
    %mul3A_60 = arith.mulf %mul3A_59, %add3A_57 : vector<16xf32>
    %div3A_61 = arith.divf %add3A_40, %mul3A_60 : vector<16xf32>
    %add3A_62 = arith.addf %mul3A_60, %div3A_61 : vector<16xf32>
    %mul3A_63 = arith.constant 5.000000e-01 : f32
    %mul3A_64 = vector.broadcast %mul3A_63 : f32 to vector<16xf32>
    %mul3A_65 = arith.mulf %mul3A_64, %add3A_62 : vector<16xf32>
    %div3A_66 = arith.divf %add3A_40, %mul3A_65 : vector<16xf32>
    %add3A_67 = arith.addf %mul3A_65, %div3A_66 : vector<16xf32>
    %mul3A_68 = arith.constant 5.000000e-01 : f32
    %mul3A_69 = vector.broadcast %mul3A_68 : f32 to vector<16xf32>
    %mul3A_70 = arith.mulf %mul3A_69, %add3A_67 : vector<16xf32>
    %div3A_71 = arith.divf %add3A_40, %mul3A_70 : vector<16xf32>
    %add3A_72 = arith.addf %mul3A_70, %div3A_71 : vector<16xf32>
    %mul3A_73 = arith.constant 5.000000e-01 : f32
    %mul3A_74 = vector.broadcast %mul3A_73 : f32 to vector<16xf32>
    %mul3A_75 = arith.mulf %mul3A_74, %add3A_72 : vector<16xf32>
    %div3A_76 = arith.divf %add3A_40, %mul3A_75 : vector<16xf32>
    %add3A_77 = arith.addf %mul3A_75, %div3A_76 : vector<16xf32>
    %mul3A_78 = arith.constant 5.000000e-01 : f32
    %mul3A_79 = vector.broadcast %mul3A_78 : f32 to vector<16xf32>
    %mul3A_80 = arith.mulf %mul3A_79, %add3A_77 : vector<16xf32>
    %div3A_81 = arith.divf %add3A_40, %mul3A_80 : vector<16xf32>
    %add3A_82 = arith.addf %mul3A_80, %div3A_81 : vector<16xf32>
    %mul3A_83 = arith.constant 5.000000e-01 : f32
    %mul3A_84 = vector.broadcast %mul3A_83 : f32 to vector<16xf32>
    %mul3A_85 = arith.mulf %mul3A_84, %add3A_82 : vector<16xf32>
    %div3A_86 = arith.divf %add3A_40, %mul3A_85 : vector<16xf32>
    %add3A_87 = arith.addf %mul3A_85, %div3A_86 : vector<16xf32>
    %mul3A_88 = arith.constant 5.000000e-01 : f32
    %mul3A_89 = vector.broadcast %mul3A_88 : f32 to vector<16xf32>
    %mul3A_90 = arith.mulf %mul3A_89, %add3A_87 : vector<16xf32>
    %div3A_91 = arith.divf %add3A_40, %mul3A_90 : vector<16xf32>
    %add3A_92 = arith.addf %mul3A_90, %div3A_91 : vector<16xf32>
    %mul3A_93 = arith.constant 5.000000e-01 : f32
    %mul3A_94 = vector.broadcast %mul3A_93 : f32 to vector<16xf32>
    %mul3A_95 = arith.mulf %mul3A_94, %add3A_92 : vector<16xf32>
    %div3A_96 = arith.divf %add3A_40, %mul3A_95 : vector<16xf32>
    %add3A_97 = arith.addf %mul3A_95, %div3A_96 : vector<16xf32>
    %mul3A_98 = arith.constant 5.000000e-01 : f32
    %mul3A_99 = vector.broadcast %mul3A_98 : f32 to vector<16xf32>
    %mul3A_100 = arith.mulf %mul3A_99, %add3A_97 : vector<16xf32>
    %div3A_101 = arith.divf %add3A_40, %mul3A_100 : vector<16xf32>
    %add3A_102 = arith.addf %mul3A_100, %div3A_101 : vector<16xf32>
    %mul3A_103 = arith.constant 5.000000e-01 : f32
    %mul3A_104 = vector.broadcast %mul3A_103 : f32 to vector<16xf32>
    %mul3A_105 = arith.mulf %mul3A_104, %add3A_102 : vector<16xf32>
    %div3A_106 = arith.divf %add3A_40, %mul3A_105 : vector<16xf32>
    %add3A_107 = arith.addf %mul3A_105, %div3A_106 : vector<16xf32>
    %mul3A_108 = arith.constant 5.000000e-01 : f32
    %mul3A_109 = vector.broadcast %mul3A_108 : f32 to vector<16xf32>
    %mul3A_110 = arith.mulf %mul3A_109, %add3A_107 : vector<16xf32>
    %div3A_111 = arith.divf %add3A_40, %mul3A_110 : vector<16xf32>
    %add3A_112 = arith.addf %mul3A_110, %div3A_111 : vector<16xf32>
    %mul3A_113 = arith.constant 5.000000e-01 : f32
    %mul3A_114 = vector.broadcast %mul3A_113 : f32 to vector<16xf32>
    %mul3A_115 = arith.mulf %mul3A_114, %add3A_112 : vector<16xf32>
    %div3A_116 = arith.divf %add3A_40, %mul3A_115 : vector<16xf32>
    %add3A_117 = arith.addf %mul3A_115, %div3A_116 : vector<16xf32>
    %mul3A_118 = arith.constant 5.000000e-01 : f32
    %mul3A_119 = vector.broadcast %mul3A_118 : f32 to vector<16xf32>
    %mul3A_120 = arith.mulf %mul3A_119, %add3A_117 : vector<16xf32>
    %div3A_121 = arith.divf %add3A_40, %mul3A_120 : vector<16xf32>
    %add3A_122 = arith.addf %mul3A_120, %div3A_121 : vector<16xf32>
    %mul3A_123 = arith.constant 5.000000e-01 : f32
    %mul3A_124 = vector.broadcast %mul3A_123 : f32 to vector<16xf32>
    %mul3A_125 = arith.mulf %mul3A_124, %add3A_122 : vector<16xf32>
    %div3A_126 = arith.divf %add3A_40, %mul3A_125 : vector<16xf32>
    %add3A_127 = arith.addf %mul3A_125, %div3A_126 : vector<16xf32>
    %mul3A_128 = arith.constant 5.000000e-01 : f32
    %mul3A_129 = vector.broadcast %mul3A_128 : f32 to vector<16xf32>
    %mul3A_130 = arith.mulf %mul3A_129, %add3A_127 : vector<16xf32>
    %div3A_131 = arith.divf %add3A_40, %mul3A_130 : vector<16xf32>
    %add3A_132 = arith.addf %mul3A_130, %div3A_131 : vector<16xf32>
    %mul3A_133 = arith.constant 5.000000e-01 : f32
    %mul3A_134 = vector.broadcast %mul3A_133 : f32 to vector<16xf32>
    %mul3A_135 = arith.mulf %mul3A_134, %add3A_132 : vector<16xf32>
    %div3A_136 = arith.divf %add3A_40, %mul3A_135 : vector<16xf32>
    %add3A_137 = arith.addf %mul3A_135, %div3A_136 : vector<16xf32>
    %mul3A_138 = arith.constant 5.000000e-01 : f32
    %mul3A_139 = vector.broadcast %mul3A_138 : f32 to vector<16xf32>
    %mul3A_140 = arith.mulf %mul3A_139, %add3A_137 : vector<16xf32>
    %div3A_141 = arith.divf %add3A_40, %mul3A_140 : vector<16xf32>
    %add3A_142 = arith.addf %mul3A_140, %div3A_141 : vector<16xf32>
    %mul3A_143 = arith.constant 5.000000e-01 : f32
    %mul3A_144 = vector.broadcast %mul3A_143 : f32 to vector<16xf32>
    %mul3A_145 = arith.mulf %mul3A_144, %add3A_142 : vector<16xf32>
    %div3A_146 = arith.divf %add3A_40, %mul3A_145 : vector<16xf32>
    %add3A_147 = arith.addf %mul3A_145, %div3A_146 : vector<16xf32>
    %mul3A_148 = arith.constant 5.000000e-01 : f32
    %mul3A_149 = vector.broadcast %mul3A_148 : f32 to vector<16xf32>
    %mul3A_150 = arith.mulf %mul3A_149, %add3A_147 : vector<16xf32>
    %div3A_151 = arith.divf %add3A_40, %mul3A_150 : vector<16xf32>
    %add3A_152 = arith.addf %mul3A_150, %div3A_151 : vector<16xf32>
    %mul3A_153 = arith.constant 5.000000e-01 : f32
    %mul3A_154 = vector.broadcast %mul3A_153 : f32 to vector<16xf32>
    %mul3A_155 = arith.mulf %mul3A_154, %add3A_152 : vector<16xf32>
    %div3A_156 = arith.divf %add3A_40, %mul3A_155 : vector<16xf32>
    %add3A_157 = arith.addf %mul3A_155, %div3A_156 : vector<16xf32>
    %mul3A_158 = arith.constant 5.000000e-01 : f32
    %mul3A_159 = vector.broadcast %mul3A_158 : f32 to vector<16xf32>
    %mul3A_160 = arith.mulf %mul3A_159, %add3A_157 : vector<16xf32>
    %div3A_161 = arith.divf %add3A_40, %mul3A_160 : vector<16xf32>
    %add3A_162 = arith.addf %mul3A_160, %div3A_161 : vector<16xf32>
    %mul3A_163 = arith.constant 5.000000e-01 : f32
    %mul3A_164 = vector.broadcast %mul3A_163 : f32 to vector<16xf32>
    %mul3A_165 = arith.mulf %mul3A_164, %add3A_162 : vector<16xf32>
    %div3A_166 = arith.constant 1.000000e+00 : f32
    %div3A_167 = vector.broadcast %div3A_166 : f32 to vector<16xf32>
    %div3A_168 = arith.divf %div3A_167, %mul3A_165 : vector<16xf32>
    %mul3A_169 = arith.mulf %sub3A, %div3A_168 : vector<16xf32>
    %slice3A = vector.extract_strided_slice %get3A_8 {offsets = [0], sizes = [1], strides = [1]} : vector<16xf32> to vector<1xf32>
    %squeeze3A = vector.extract %slice3A[0] : f32 from vector<1xf32>
    %mul3A_170 = vector.broadcast %squeeze3A : f32 to vector<16xf32>
    %mul3A_171 = arith.mulf %mul3A_169, %mul3A_170 : vector<16xf32>
    %slice3A_172 = vector.extract_strided_slice %get3A_8 {offsets = [4], sizes = [1], strides = [1]} : vector<16xf32> to vector<1xf32>
    %squeeze3A_173 = vector.extract %slice3A_172[0] : f32 from vector<1xf32>
    %add3A_174 = vector.broadcast %squeeze3A_173 : f32 to vector<16xf32>
    %add3A_175 = arith.addf %mul3A_171, %add3A_174 : vector<16xf32>
    %mul3A_176 = arith.mulf %sub3A_25, %div3A_168 : vector<16xf32>
    %slice3A_177 = vector.extract_strided_slice %get3A_8 {offsets = [1], sizes = [1], strides = [1]} : vector<16xf32> to vector<1xf32>
    %squeeze3A_178 = vector.extract %slice3A_177[0] : f32 from vector<1xf32>
    %mul3A_179 = vector.broadcast %squeeze3A_178 : f32 to vector<16xf32>
    %mul3A_180 = arith.mulf %mul3A_176, %mul3A_179 : vector<16xf32>
    %slice3A_181 = vector.extract_strided_slice %get3A_8 {offsets = [5], sizes = [1], strides = [1]} : vector<16xf32> to vector<1xf32>
    %squeeze3A_182 = vector.extract %slice3A_181[0] : f32 from vector<1xf32>
    %add3A_183 = vector.broadcast %squeeze3A_182 : f32 to vector<16xf32>
    %add3A_184 = arith.addf %mul3A_180, %add3A_183 : vector<16xf32>
    %mul3A_185 = arith.mulf %sub3A_26, %div3A_168 : vector<16xf32>
    %slice3A_186 = vector.extract_strided_slice %get3A_8 {offsets = [2], sizes = [1], strides = [1]} : vector<16xf32> to vector<1xf32>
    %squeeze3A_187 = vector.extract %slice3A_186[0] : f32 from vector<1xf32>
    %mul3A_188 = vector.broadcast %squeeze3A_187 : f32 to vector<16xf32>
    %mul3A_189 = arith.mulf %mul3A_185, %mul3A_188 : vector<16xf32>
    %slice3A_190 = vector.extract_strided_slice %get3A_8 {offsets = [6], sizes = [1], strides = [1]} : vector<16xf32> to vector<1xf32>
    %squeeze3A_191 = vector.extract %slice3A_190[0] : f32 from vector<1xf32>
    %add3A_192 = vector.broadcast %squeeze3A_191 : f32 to vector<16xf32>
    %add3A_193 = arith.addf %mul3A_189, %add3A_192 : vector<16xf32>
    %mul3A_194 = arith.mulf %sub3A_27, %div3A_168 : vector<16xf32>
    %slice3A_195 = vector.extract_strided_slice %get3A_8 {offsets = [3], sizes = [1], strides = [1]} : vector<16xf32> to vector<1xf32>
    %squeeze3A_196 = vector.extract %slice3A_195[0] : f32 from vector<1xf32>
    %mul3A_197 = vector.broadcast %squeeze3A_196 : f32 to vector<16xf32>
    %mul3A_198 = arith.mulf %mul3A_194, %mul3A_197 : vector<16xf32>
    %slice3A_199 = vector.extract_strided_slice %get3A_8 {offsets = [7], sizes = [1], strides = [1]} : vector<16xf32> to vector<1xf32>
    %squeeze3A_200 = vector.extract %slice3A_199[0] : f32 from vector<1xf32>
    %add3A_201 = vector.broadcast %squeeze3A_200 : f32 to vector<16xf32>
    %add3A_202 = arith.addf %mul3A_198, %add3A_201 : vector<16xf32>
    %slice3A_203 = vector.extract_strided_slice %get3A_8 {offsets = [8], sizes = [1], strides = [1]} : vector<16xf32> to vector<1xf32>
    %squeeze3A_204 = vector.extract %slice3A_203[0] : f32 from vector<1xf32>
    %mul3A_205 = vector.broadcast %squeeze3A_204 : f32 to vector<16xf32>
    %mul3A_206 = arith.mulf %add3A_175, %mul3A_205 : vector<16xf32>
    %slice3A_207 = vector.extract_strided_slice %get3A_8 {offsets = [9], sizes = [1], strides = [1]} : vector<16xf32> to vector<1xf32>
    %squeeze3A_208 = vector.extract %slice3A_207[0] : f32 from vector<1xf32>
    %mul3A_209 = vector.broadcast %squeeze3A_208 : f32 to vector<16xf32>
    %mul3A_210 = arith.mulf %add3A_184, %mul3A_209 : vector<16xf32>
    %add3A_211 = arith.addf %mul3A_206, %mul3A_210 : vector<16xf32>
    %slice3A_212 = vector.extract_strided_slice %get3A_8 {offsets = [10], sizes = [1], strides = [1]} : vector<16xf32> to vector<1xf32>
    %squeeze3A_213 = vector.extract %slice3A_212[0] : f32 from vector<1xf32>
    %mul3A_214 = vector.broadcast %squeeze3A_213 : f32 to vector<16xf32>
    %mul3A_215 = arith.mulf %add3A_193, %mul3A_214 : vector<16xf32>
    %add3A_216 = arith.addf %add3A_211, %mul3A_215 : vector<16xf32>
    %slice3A_217 = vector.extract_strided_slice %get3A_8 {offsets = [11], sizes = [1], strides = [1]} : vector<16xf32> to vector<1xf32>
    %squeeze3A_218 = vector.extract %slice3A_217[0] : f32 from vector<1xf32>
    %mul3A_219 = vector.broadcast %squeeze3A_218 : f32 to vector<16xf32>
    %mul3A_220 = arith.mulf %add3A_202, %mul3A_219 : vector<16xf32>
    %add3A_221 = arith.addf %add3A_216, %mul3A_220 : vector<16xf32>
    %slice3A_222 = vector.extract_strided_slice %get3A_10 {offsets = [0], sizes = [1], strides = [1]} : vector<16xf32> to vector<1xf32>
    %squeeze3A_223 = vector.extract %slice3A_222[0] : f32 from vector<1xf32>
    %add3A_224 = vector.broadcast %squeeze3A_223 : f32 to vector<16xf32>
    %add3A_225 = arith.addf %add3A_221, %add3A_224 : vector<16xf32>
    %mul3A_226 = arith.constant 5.000000e-03 : f32
    %mul3A_227 = vector.broadcast %mul3A_226 : f32 to vector<16xf32>
    %mul3A_228 = arith.mulf %add3A_225, %mul3A_227 : vector<16xf32>
    %slice3A_229 = vector.extract_strided_slice %get3A_8 {offsets = [12], sizes = [1], strides = [1]} : vector<16xf32> to vector<1xf32>
    %squeeze3A_230 = vector.extract %slice3A_229[0] : f32 from vector<1xf32>
    %mul3A_231 = vector.broadcast %squeeze3A_230 : f32 to vector<16xf32>
    %mul3A_232 = arith.mulf %add3A_175, %mul3A_231 : vector<16xf32>
    %slice3A_233 = vector.extract_strided_slice %get3A_8 {offsets = [13], sizes = [1], strides = [1]} : vector<16xf32> to vector<1xf32>
    %squeeze3A_234 = vector.extract %slice3A_233[0] : f32 from vector<1xf32>
    %mul3A_235 = vector.broadcast %squeeze3A_234 : f32 to vector<16xf32>
    %mul3A_236 = arith.mulf %add3A_184, %mul3A_235 : vector<16xf32>
    %add3A_237 = arith.addf %mul3A_232, %mul3A_236 : vector<16xf32>
    %slice3A_238 = vector.extract_strided_slice %get3A_8 {offsets = [14], sizes = [1], strides = [1]} : vector<16xf32> to vector<1xf32>
    %squeeze3A_239 = vector.extract %slice3A_238[0] : f32 from vector<1xf32>
    %mul3A_240 = vector.broadcast %squeeze3A_239 : f32 to vector<16xf32>
    %mul3A_241 = arith.mulf %add3A_193, %mul3A_240 : vector<16xf32>
    %add3A_242 = arith.addf %add3A_237, %mul3A_241 : vector<16xf32>
    %slice3A_243 = vector.extract_strided_slice %get3A_8 {offsets = [15], sizes = [1], strides = [1]} : vector<16xf32> to vector<1xf32>
    %squeeze3A_244 = vector.extract %slice3A_243[0] : f32 from vector<1xf32>
    %mul3A_245 = vector.broadcast %squeeze3A_244 : f32 to vector<16xf32>
    %mul3A_246 = arith.mulf %add3A_202, %mul3A_245 : vector<16xf32>
    %add3A_247 = arith.addf %add3A_242, %mul3A_246 : vector<16xf32>
    %slice3A_248 = vector.extract_strided_slice %get3A_10 {offsets = [1], sizes = [1], strides = [1]} : vector<16xf32> to vector<1xf32>
    %squeeze3A_249 = vector.extract %slice3A_248[0] : f32 from vector<1xf32>
    %add3A_250 = vector.broadcast %squeeze3A_249 : f32 to vector<16xf32>
    %add3A_251 = arith.addf %add3A_247, %add3A_250 : vector<16xf32>
    %mul3A_252 = arith.constant 5.000000e-03 : f32
    %mul3A_253 = vector.broadcast %mul3A_252 : f32 to vector<16xf32>
    %mul3A_254 = arith.mulf %add3A_251, %mul3A_253 : vector<16xf32>
    %swap3A = arith.constant 0 : index
    %swap3A_255 = tpu.vector_load %arg10[%swap3A] {strides = array<i32>} : memref<16xf32, #tpu.memory_space<vmem>>, vector<16xf32>,
    tpu.vector_store %arg10[%swap3A], %mul3A_228 {strides = array<i32>} : memref<16xf32, #tpu.memory_space<vmem>>, vector<16xf32>,
    %swap3A_256 = arith.constant 0 : index
    %swap3A_257 = tpu.vector_load %arg11[%swap3A_256] {strides = array<i32>} : memref<16xf32, #tpu.memory_space<vmem>>, vector<16xf32>,
    tpu.vector_store %arg11[%swap3A_256], %mul3A_254 {strides = array<i32>} : memref<16xf32, #tpu.memory_space<vmem>>, vector<16xf32>,
    %slice3A_258 = vector.extract_strided_slice %mul3A_228 {offsets = [0], sizes = [1], strides = [1]} : vector<16xf32> to vector<1xf32>
    %squeeze3A_259 = vector.extract %slice3A_258[0] : f32 from vector<1xf32>
    %add3A_260 = vector.broadcast %squeeze3A_259 : f32 to vector<16xf32>
    %add3A_261 = arith.addf %add3A_260, %mul3A_228 : vector<16xf32>
    %swap3A_262 = arith.constant 0 : index
    %swap3A_263 = tpu.vector_load %arg8[%swap3A_262] {strides = array<i32>} : memref<112xf32, #tpu.memory_space<vmem>>, vector<16xf32>,
    tpu.vector_store %arg8[%swap3A_262], %add3A_261 {strides = array<i32>} : memref<112xf32, #tpu.memory_space<vmem>>, vector<16xf32>,
    %slice3A_264 = vector.extract_strided_slice %mul3A_254 {offsets = [0], sizes = [1], strides = [1]} : vector<16xf32> to vector<1xf32>
    %squeeze3A_265 = vector.extract %slice3A_264[0] : f32 from vector<1xf32>
    %add3A_266 = vector.broadcast %squeeze3A_265 : f32 to vector<16xf32>
    %add3A_267 = arith.addf %add3A_266, %mul3A_254 : vector<16xf32>
    %swap3A_268 = arith.constant 0 : index
    %swap3A_269 = tpu.vector_load %arg9[%swap3A_268] {strides = array<i32>} : memref<112xf32, #tpu.memory_space<vmem>>, vector<16xf32>,
    tpu.vector_store %arg9[%swap3A_268], %add3A_267 {strides = array<i32>} : memref<112xf32, #tpu.memory_space<vmem>>, vector<16xf32>,
    %slice3A_270 = vector.extract_strided_slice %mul3A_228 {offsets = [1], sizes = [1], strides = [1]} : vector<16xf32> to vector<1xf32>
    %squeeze3A_271 = vector.extract %slice3A_270[0] : f32 from vector<1xf32>
    %add3A_272 = vector.broadcast %squeeze3A_271 : f32 to vector<16xf32>
    %add3A_273 = arith.addf %add3A_272, %mul3A_228 : vector<16xf32>
    %swap3A_274 = arith.constant 10 : index
    %swap3A_275 = tpu.vector_load %arg8[%swap3A_274] {strides = array<i32>} : memref<112xf32, #tpu.memory_space<vmem>>, vector<16xf32>,
    tpu.vector_store %arg8[%swap3A_274], %add3A_273 {strides = array<i32>} : memref<112xf32, #tpu.memory_space<vmem>>, vector<16xf32>,
    %slice3A_276 = vector.extract_strided_slice %mul3A_254 {offsets = [1], sizes = [1], strides = [1]} : vector<16xf32> to vector<1xf32>
    %squeeze3A_277 = vector.extract %slice3A_276[0] : f32 from vector<1xf32>
    %add3A_278 = vector.broadcast %squeeze3A_277 : f32 to vector<16xf32>
    %add3A_279 = arith.addf %add3A_278, %mul3A_254 : vector<16xf32>
    %swap3A_280 = arith.constant 10 : index
    %swap3A_281 = tpu.vector_load %arg9[%swap3A_280] {strides = array<i32>} : memref<112xf32, #tpu.memory_space<vmem>>, vector<16xf32>,
    tpu.vector_store %arg9[%swap3A_280], %add3A_279 {strides = array<i32>} : memref<112xf32, #tpu.memory_space<vmem>>, vector<16xf32>,
    %slice3A_282 = vector.extract_strided_slice %mul3A_228 {offsets = [2], sizes = [1], strides = [1]} : vector<16xf32> to vector<1xf32>
    %squeeze3A_283 = vector.extract %slice3A_282[0] : f32 from vector<1xf32>
    %add3A_284 = vector.broadcast %squeeze3A_283 : f32 to vector<16xf32>
    %add3A_285 = arith.addf %add3A_284, %mul3A_228 : vector<16xf32>
    %swap3A_286 = arith.constant 20 : index
    %swap3A_287 = tpu.vector_load %arg8[%swap3A_286] {strides = array<i32>} : memref<112xf32, #tpu.memory_space<vmem>>, vector<16xf32>,
    tpu.vector_store %arg8[%swap3A_286], %add3A_285 {strides = array<i32>} : memref<112xf32, #tpu.memory_space<vmem>>, vector<16xf32>,
    %slice3A_288 = vector.extract_strided_slice %mul3A_254 {offsets = [2], sizes = [1], strides = [1]} : vector<16xf32> to vector<1xf32>
    %squeeze3A_289 = vector.extract %slice3A_288[0] : f32 from vector<1xf32>
    %add3A_290 = vector.broadcast %squeeze3A_289 : f32 to vector<16xf32>
    %add3A_291 = arith.addf %add3A_290, %mul3A_254 : vector<16xf32>
    %swap3A_292 = arith.constant 20 : index
    %swap3A_293 = tpu.vector_load %arg9[%swap3A_292] {strides = array<i32>} : memref<112xf32, #tpu.memory_space<vmem>>, vector<16xf32>,
    tpu.vector_store %arg9[%swap3A_292], %add3A_291 {strides = array<i32>} : memref<112xf32, #tpu.memory_space<vmem>>, vector<16xf32>,
    %slice3A_294 = vector.extract_strided_slice %mul3A_228 {offsets = [3], sizes = [1], strides = [1]} : vector<16xf32> to vector<1xf32>
    %squeeze3A_295 = vector.extract %slice3A_294[0] : f32 from vector<1xf32>
    %add3A_296 = vector.broadcast %squeeze3A_295 : f32 to vector<16xf32>
    %add3A_297 = arith.addf %add3A_296, %mul3A_228 : vector<16xf32>
    %swap3A_298 = arith.constant 30 : index
    %swap3A_299 = tpu.vector_load %arg8[%swap3A_298] {strides = array<i32>} : memref<112xf32, #tpu.memory_space<vmem>>, vector<16xf32>,
    tpu.vector_store %arg8[%swap3A_298], %add3A_297 {strides = array<i32>} : memref<112xf32, #tpu.memory_space<vmem>>, vector<16xf32>,
    %slice3A_300 = vector.extract_strided_slice %mul3A_254 {offsets = [3], sizes = [1], strides = [1]} : vector<16xf32> to vector<1xf32>
    %squeeze3A_301 = vector.extract %slice3A_300[0] : f32 from vector<1xf32>
    %add3A_302 = vector.broadcast %squeeze3A_301 : f32 to vector<16xf32>
    %add3A_303 = arith.addf %add3A_302, %mul3A_254 : vector<16xf32>
    %swap3A_304 = arith.constant 30 : index
    %swap3A_305 = tpu.vector_load %arg9[%swap3A_304] {strides = array<i32>} : memref<112xf32, #tpu.memory_space<vmem>>, vector<16xf32>,
    tpu.vector_store %arg9[%swap3A_304], %add3A_303 {strides = array<i32>} : memref<112xf32, #tpu.memory_space<vmem>>, vector<16xf32>,
    %slice3A_306 = vector.extract_strided_slice %mul3A_228 {offsets = [4], sizes = [1], strides = [1]} : vector<16xf32> to vector<1xf32>
    %squeeze3A_307 = vector.extract %slice3A_306[0] : f32 from vector<1xf32>
    %add3A_308 = vector.broadcast %squeeze3A_307 : f32 to vector<16xf32>
    %add3A_309 = arith.addf %add3A_308, %mul3A_228 : vector<16xf32>
    %swap3A_310 = arith.constant 40 : index
    %swap3A_311 = tpu.vector_load %arg8[%swap3A_310] {strides = array<i32>} : memref<112xf32, #tpu.memory_space<vmem>>, vector<16xf32>,
    tpu.vector_store %arg8[%swap3A_310], %add3A_309 {strides = array<i32>} : memref<112xf32, #tpu.memory_space<vmem>>, vector<16xf32>,
    %slice3A_312 = vector.extract_strided_slice %mul3A_254 {offsets = [4], sizes = [1], strides = [1]} : vector<16xf32> to vector<1xf32>
    %squeeze3A_313 = vector.extract %slice3A_312[0] : f32 from vector<1xf32>
    %add3A_314 = vector.broadcast %squeeze3A_313 : f32 to vector<16xf32>
    %add3A_315 = arith.addf %add3A_314, %mul3A_254 : vector<16xf32>
    %swap3A_316 = arith.constant 40 : index
    %swap3A_317 = tpu.vector_load %arg9[%swap3A_316] {strides = array<i32>} : memref<112xf32, #tpu.memory_space<vmem>>, vector<16xf32>,
    tpu.vector_store %arg9[%swap3A_316], %add3A_315 {strides = array<i32>} : memref<112xf32, #tpu.memory_space<vmem>>, vector<16xf32>,
    %slice3A_318 = vector.extract_strided_slice %mul3A_228 {offsets = [5], sizes = [1], strides = [1]} : vector<16xf32> to vector<1xf32>
    %squeeze3A_319 = vector.extract %slice3A_318[0] : f32 from vector<1xf32>
    %add3A_320 = vector.broadcast %squeeze3A_319 : f32 to vector<16xf32>
    %add3A_321 = arith.addf %add3A_320, %mul3A_228 : vector<16xf32>
    %swap3A_322 = arith.constant 50 : index
    %swap3A_323 = tpu.vector_load %arg8[%swap3A_322] {strides = array<i32>} : memref<112xf32, #tpu.memory_space<vmem>>, vector<16xf32>,
    tpu.vector_store %arg8[%swap3A_322], %add3A_321 {strides = array<i32>} : memref<112xf32, #tpu.memory_space<vmem>>, vector<16xf32>,
    %slice3A_324 = vector.extract_strided_slice %mul3A_254 {offsets = [5], sizes = [1], strides = [1]} : vector<16xf32> to vector<1xf32>
    %squeeze3A_325 = vector.extract %slice3A_324[0] : f32 from vector<1xf32>
    %add3A_326 = vector.broadcast %squeeze3A_325 : f32 to vector<16xf32>
    %add3A_327 = arith.addf %add3A_326, %mul3A_254 : vector<16xf32>
    %swap3A_328 = arith.constant 50 : index
    %swap3A_329 = tpu.vector_load %arg9[%swap3A_328] {strides = array<i32>} : memref<112xf32, #tpu.memory_space<vmem>>, vector<16xf32>,
    tpu.vector_store %arg9[%swap3A_328], %add3A_327 {strides = array<i32>} : memref<112xf32, #tpu.memory_space<vmem>>, vector<16xf32>,
    %slice3A_330 = vector.extract_strided_slice %mul3A_228 {offsets = [6], sizes = [1], strides = [1]} : vector<16xf32> to vector<1xf32>
    %squeeze3A_331 = vector.extract %slice3A_330[0] : f32 from vector<1xf32>
    %add3A_332 = vector.broadcast %squeeze3A_331 : f32 to vector<16xf32>
    %add3A_333 = arith.addf %add3A_332, %mul3A_228 : vector<16xf32>
    %swap3A_334 = arith.constant 60 : index
    %swap3A_335 = tpu.vector_load %arg8[%swap3A_334] {strides = array<i32>} : memref<112xf32, #tpu.memory_space<vmem>>, vector<16xf32>,
    tpu.vector_store %arg8[%swap3A_334], %add3A_333 {strides = array<i32>} : memref<112xf32, #tpu.memory_space<vmem>>, vector<16xf32>,
    %slice3A_336 = vector.extract_strided_slice %mul3A_254 {offsets = [6], sizes = [1], strides = [1]} : vector<16xf32> to vector<1xf32>
    %squeeze3A_337 = vector.extract %slice3A_336[0] : f32 from vector<1xf32>
    %add3A_338 = vector.broadcast %squeeze3A_337 : f32 to vector<16xf32>
    %add3A_339 = arith.addf %add3A_338, %mul3A_254 : vector<16xf32>
    %swap3A_340 = arith.constant 60 : index
    %swap3A_341 = tpu.vector_load %arg9[%swap3A_340] {strides = array<i32>} : memref<112xf32, #tpu.memory_space<vmem>>, vector<16xf32>,
    tpu.vector_store %arg9[%swap3A_340], %add3A_339 {strides = array<i32>} : memref<112xf32, #tpu.memory_space<vmem>>, vector<16xf32>,
    %slice3A_342 = vector.extract_strided_slice %mul3A_228 {offsets = [7], sizes = [1], strides = [1]} : vector<16xf32> to vector<1xf32>
    %squeeze3A_343 = vector.extract %slice3A_342[0] : f32 from vector<1xf32>
    %add3A_344 = vector.broadcast %squeeze3A_343 : f32 to vector<16xf32>
    %add3A_345 = arith.addf %add3A_344, %mul3A_228 : vector<16xf32>
    %swap3A_346 = arith.constant 70 : index
    %swap3A_347 = tpu.vector_load %arg8[%swap3A_346] {strides = array<i32>} : memref<112xf32, #tpu.memory_space<vmem>>, vector<16xf32>,
    tpu.vector_store %arg8[%swap3A_346], %add3A_345 {strides = array<i32>} : memref<112xf32, #tpu.memory_space<vmem>>, vector<16xf32>,
    %slice3A_348 = vector.extract_strided_slice %mul3A_254 {offsets = [7], sizes = [1], strides = [1]} : vector<16xf32> to vector<1xf32>
    %squeeze3A_349 = vector.extract %slice3A_348[0] : f32 from vector<1xf32>
    %add3A_350 = vector.broadcast %squeeze3A_349 : f32 to vector<16xf32>
    %add3A_351 = arith.addf %add3A_350, %mul3A_254 : vector<16xf32>
    %swap3A_352 = arith.constant 70 : index
    %swap3A_353 = tpu.vector_load %arg9[%swap3A_352] {strides = array<i32>} : memref<112xf32, #tpu.memory_space<vmem>>, vector<16xf32>,
    tpu.vector_store %arg9[%swap3A_352], %add3A_351 {strides = array<i32>} : memref<112xf32, #tpu.memory_space<vmem>>, vector<16xf32>,
    %slice3A_354 = vector.extract_strided_slice %mul3A_228 {offsets = [8], sizes = [1], strides = [1]} : vector<16xf32> to vector<1xf32>
    %squeeze3A_355 = vector.extract %slice3A_354[0] : f32 from vector<1xf32>
    %add3A_356 = vector.broadcast %squeeze3A_355 : f32 to vector<16xf32>
    %add3A_357 = arith.addf %add3A_356, %mul3A_228 : vector<16xf32>
    %swap3A_358 = arith.constant 80 : index
    %swap3A_359 = tpu.vector_load %arg8[%swap3A_358] {strides = array<i32>} : memref<112xf32, #tpu.memory_space<vmem>>, vector<16xf32>,
    tpu.vector_store %arg8[%swap3A_358], %add3A_357 {strides = array<i32>} : memref<112xf32, #tpu.memory_space<vmem>>, vector<16xf32>,
    %slice3A_360 = vector.extract_strided_slice %mul3A_254 {offsets = [8], sizes = [1], strides = [1]} : vector<16xf32> to vector<1xf32>
    %squeeze3A_361 = vector.extract %slice3A_360[0] : f32 from vector<1xf32>
    %add3A_362 = vector.broadcast %squeeze3A_361 : f32 to vector<16xf32>
    %add3A_363 = arith.addf %add3A_362, %mul3A_254 : vector<16xf32>
    %swap3A_364 = arith.constant 80 : index
    %swap3A_365 = tpu.vector_load %arg9[%swap3A_364] {strides = array<i32>} : memref<112xf32, #tpu.memory_space<vmem>>, vector<16xf32>,
    tpu.vector_store %arg9[%swap3A_364], %add3A_363 {strides = array<i32>} : memref<112xf32, #tpu.memory_space<vmem>>, vector<16xf32>,
    %slice3A_366 = vector.extract_strided_slice %mul3A_228 {offsets = [9], sizes = [1], strides = [1]} : vector<16xf32> to vector<1xf32>
    %squeeze3A_367 = vector.extract %slice3A_366[0] : f32 from vector<1xf32>
    %add3A_368 = vector.broadcast %squeeze3A_367 : f32 to vector<16xf32>
    %add3A_369 = arith.addf %add3A_368, %mul3A_228 : vector<16xf32>
    %swap3A_370 = arith.constant 90 : index
    %swap3A_371 = tpu.vector_load %arg8[%swap3A_370] {strides = array<i32>} : memref<112xf32, #tpu.memory_space<vmem>>, vector<16xf32>,
    tpu.vector_store %arg8[%swap3A_370], %add3A_369 {strides = array<i32>} : memref<112xf32, #tpu.memory_space<vmem>>, vector<16xf32>,
    %slice3A_372 = vector.extract_strided_slice %mul3A_254 {offsets = [9], sizes = [1], strides = [1]} : vector<16xf32> to vector<1xf32>
    %squeeze3A_373 = vector.extract %slice3A_372[0] : f32 from vector<1xf32>
    %add3A_374 = vector.broadcast %squeeze3A_373 : f32 to vector<16xf32>
    %add3A_375 = arith.addf %add3A_374, %mul3A_254 : vector<16xf32>
    %swap3A_376 = arith.constant 90 : index
    %swap3A_377 = tpu.vector_load %arg9[%swap3A_376] {strides = array<i32>} : memref<112xf32, #tpu.memory_space<vmem>>, vector<16xf32>,
    tpu.vector_store %arg9[%swap3A_376], %add3A_375 {strides = array<i32>} : memref<112xf32, #tpu.memory_space<vmem>>, vector<16xf32>,
    %iota3A = tpu.iota {dimensions = array<i32: 0>} : vector<16xi32>
    %broadcast_in_dim3A = arith.constant 0.000000e+00 : f32
    %broadcast_in_dim3A_378 = vector.broadcast %broadcast_in_dim3A : f32 to vector<16xf32>
    %ge3A = arith.constant 8 : i32
    %ge3A_379 = vector.broadcast %ge3A : i32 to vector<16xi32>
    %ge3A_380 = arith.cmpi sge, %iota3A, %ge3A_379 : vector<16xi32>
    %dma_wait3A = arith.constant 0 : i32
    %dma_wait3A_381 = tpu.memref_slice %arg2[%add3A_4, %dma_wait3A] : memref<16384x200xi32, #tpu.memory_space<hbm>> -> memref<64x200xi32, #tpu.memory_space<hbm>>
    %dma_wait3A_382 = arith.constant 0 : i32
    %dma_wait3A_383 = tpu.memref_slice %arg2[%add3A_4, %dma_wait3A_382] : memref<16384x200xi32, #tpu.memory_space<hbm>> -> memref<64x200xi32, #tpu.memory_space<hbm>>
    tpu.wait_dma2 semaphore(%arg13 : memref<!tpu.dma_semaphore, #tpu.memory_space<semaphore_mem>>) src(%dma_wait3A_383 : memref<64x200xi32, #tpu.memory_space<hbm>>) dst(%arg5 : memref<64x200xi32, #tpu.memory_space<vmem>>)
    %mul3A_384 = arith.constant 512 : i32
    %mul3A_385 = arith.muli %add3A, %mul3A_384 : i32
    %add3A_386 = arith.constant 64 : i32
    %add3A_387 = arith.addi %mul3A_385, %add3A_386 : i32
    %dma_start3A_388 = arith.constant 0 : i32
    %dma_start3A_389 = tpu.memref_slice %arg2[%add3A_387, %dma_start3A_388] : memref<16384x200xi32, #tpu.memory_space<hbm>> -> memref<64x200xi32, #tpu.memory_space<hbm>>
    %dma_start3A_390 = arith.constant 0 : i32
    %dma_start3A_391 = tpu.memref_slice %arg2[%add3A_387, %dma_start3A_390] : memref<16384x200xi32, #tpu.memory_space<hbm>> -> memref<64x200xi32, #tpu.memory_space<hbm>>
    tpu.enqueue_dma source(%dma_start3A_391 : memref<64x200xi32, #tpu.memory_space<hbm>>) target(%arg6 : memref<64x200xi32, #tpu.memory_space<vmem>>) target_semaphore(%arg14 : memref<!tpu.dma_semaphore, #tpu.memory_space<semaphore_mem>>)
    %scan3A = arith.constant 0 : i32
    %scan3A_392 = arith.constant 0 : i32
    %scan3A_393 = arith.constant 4 : i32
    %scan3A_394 = arith.addi %scan3A_392, %scan3A_393 : i32
    %scan3A_395 = arith.constant 1 : i32
    %scan3A_396 = scf.for %scan3A_529 = %scan3A_392 to %scan3A_394 step %scan3A_395 iter_args(%scan3A_530 = %scan3A) -> (i32)  : i32 {
      %scan3A_531 = arith.constant 0 : i32
      %scan3A_532 = arith.constant 16 : i32
      %scan3A_533 = arith.addi %scan3A_531, %scan3A_532 : i32
      %scan3A_534 = arith.constant 2 : i32
      %scan3A_535:2 = scf.for %scan3A_548 = %scan3A_531 to %scan3A_533 step %scan3A_534 iter_args(%scan3A_549 = %broadcast_in_dim3A_378, %scan3A_550 = %broadcast_in_dim3A_378) -> (vector<16xf32>, vector<16xf32>)  : i32 {
        %mul3A_551 = arith.constant 16 : i32
        %mul3A_552 = arith.muli %scan3A_529, %mul3A_551 : i32
        %add3A_553 = arith.addi %mul3A_552, %scan3A_548 : i32
        %get3A_554 = arith.index_cast %add3A_553 : i32 to index
        %get3A_555 = arith.constant 0 : index
        %get3A_556 = tpu.vector_load %arg5[%get3A_554, %get3A_555] {strides = array<i32>} : memref<64x200xi32, #tpu.memory_space<vmem>>, vector<16xi32>,
        %get3A_557 = arith.index_cast %add3A_553 : i32 to index
        %get3A_558 = arith.constant 16 : index
        %get3A_559 = tpu.vector_load %arg5[%get3A_557, %get3A_558] {strides = array<i32>} : memref<64x200xi32, #tpu.memory_space<vmem>>, vector<16xi32>,
        %get3A_560 = arith.index_cast %add3A_553 : i32 to index
        %get3A_561 = arith.constant 32 : index
        %get3A_562 = tpu.vector_load %arg5[%get3A_560, %get3A_561] {strides = array<i32>} : memref<64x200xi32, #tpu.memory_space<vmem>>, vector<16xi32>,
        %get3A_563 = arith.index_cast %add3A_553 : i32 to index
        %get3A_564 = arith.constant 48 : index
        %get3A_565 = tpu.vector_load %arg5[%get3A_563, %get3A_564] {strides = array<i32>} : memref<64x200xi32, #tpu.memory_space<vmem>>, vector<16xi32>,
        %get3A_566 = arith.index_cast %add3A_553 : i32 to index
        %get3A_567 = arith.constant 64 : index
        %get3A_568 = tpu.vector_load %arg5[%get3A_566, %get3A_567] {strides = array<i32>} : memref<64x200xi32, #tpu.memory_space<vmem>>, vector<16xi32>,
        %get3A_569 = arith.index_cast %add3A_553 : i32 to index
        %get3A_570 = arith.constant 80 : index
        %get3A_571 = tpu.vector_load %arg5[%get3A_569, %get3A_570] {strides = array<i32>} : memref<64x200xi32, #tpu.memory_space<vmem>>, vector<16xi32>,
        %get3A_572 = arith.index_cast %add3A_553 : i32 to index
        %get3A_573 = arith.constant 96 : index
        %get3A_574 = tpu.vector_load %arg5[%get3A_572, %get3A_573] {strides = array<i32>} : memref<64x200xi32, #tpu.memory_space<vmem>>, vector<16xi32>,
        %get3A_575 = arith.index_cast %add3A_553 : i32 to index
        %get3A_576 = arith.constant 112 : index
        %get3A_577 = tpu.vector_load %arg5[%get3A_575, %get3A_576] {strides = array<i32>} : memref<64x200xi32, #tpu.memory_space<vmem>>, vector<16xi32>,
        %get3A_578 = arith.index_cast %add3A_553 : i32 to index
        %get3A_579 = arith.constant 128 : index
        %get3A_580 = tpu.vector_load %arg5[%get3A_578, %get3A_579] {strides = array<i32>} : memref<64x200xi32, #tpu.memory_space<vmem>>, vector<16xi32>,
        %get3A_581 = arith.index_cast %add3A_553 : i32 to index
        %get3A_582 = arith.constant 144 : index
        %get3A_583 = tpu.vector_load %arg5[%get3A_581, %get3A_582] {strides = array<i32>} : memref<64x200xi32, #tpu.memory_space<vmem>>, vector<16xi32>,
        %get3A_584 = arith.index_cast %add3A_553 : i32 to index
        %get3A_585 = arith.constant 160 : index
        %get3A_586 = tpu.vector_load %arg5[%get3A_584, %get3A_585] {strides = array<i32>} : memref<64x200xi32, #tpu.memory_space<vmem>>, vector<16xi32>,
        %get3A_587 = arith.index_cast %add3A_553 : i32 to index
        %get3A_588 = arith.constant 176 : index
        %get3A_589 = tpu.vector_load %arg5[%get3A_587, %get3A_588] {strides = array<i32>} : memref<64x200xi32, #tpu.memory_space<vmem>>, vector<16xi32>,
        %get3A_590 = arith.index_cast %add3A_553 : i32 to index
        %get3A_591 = arith.constant 184 : index
        %get3A_592 = tpu.vector_load %arg5[%get3A_590, %get3A_591] {strides = array<i32>} : memref<64x200xi32, #tpu.memory_space<vmem>>, vector<16xi32>,
        %mul3A_593 = arith.constant 10 : i32
        %mul3A_594 = vector.broadcast %mul3A_593 : i32 to vector<16xi32>
        %mul3A_595 = arith.muli %get3A_556, %mul3A_594 : vector<16xi32>
        %add3A_596 = arith.addi %mul3A_595, %get3A_559 : vector<16xi32>
        %gather3A = tpu.vector_load_idx %arg8[%add3A_596] : memref<112xf32, #tpu.memory_space<vmem>>[vector<16xi32>], vector<16xf32>,
        %add3A_597 = arith.addf %broadcast_in_dim3A_378, %gather3A : vector<16xf32>
        %gather3A_598 = tpu.vector_load_idx %arg9[%add3A_596] : memref<112xf32, #tpu.memory_space<vmem>>[vector<16xi32>], vector<16xf32>,
        %add3A_599 = arith.addf %broadcast_in_dim3A_378, %gather3A_598 : vector<16xf32>
        %mul3A_600 = arith.constant 10 : i32
        %mul3A_601 = vector.broadcast %mul3A_600 : i32 to vector<16xi32>
        %mul3A_602 = arith.muli %get3A_562, %mul3A_601 : vector<16xi32>
        %add3A_603 = arith.addi %mul3A_602, %get3A_565 : vector<16xi32>
        %gather3A_604 = tpu.vector_load_idx %arg8[%add3A_603] : memref<112xf32, #tpu.memory_space<vmem>>[vector<16xi32>], vector<16xf32>,
        %add3A_605 = arith.addf %add3A_597, %gather3A_604 : vector<16xf32>
        %gather3A_606 = tpu.vector_load_idx %arg9[%add3A_603] : memref<112xf32, #tpu.memory_space<vmem>>[vector<16xi32>], vector<16xf32>,
        %add3A_607 = arith.addf %add3A_599, %gather3A_606 : vector<16xf32>
        %mul3A_608 = arith.constant 10 : i32
        %mul3A_609 = vector.broadcast %mul3A_608 : i32 to vector<16xi32>
        %mul3A_610 = arith.muli %get3A_568, %mul3A_609 : vector<16xi32>
        %add3A_611 = arith.addi %mul3A_610, %get3A_571 : vector<16xi32>
        %gather3A_612 = tpu.vector_load_idx %arg8[%add3A_611] : memref<112xf32, #tpu.memory_space<vmem>>[vector<16xi32>], vector<16xf32>,
        %add3A_613 = arith.addf %add3A_605, %gather3A_612 : vector<16xf32>
        %gather3A_614 = tpu.vector_load_idx %arg9[%add3A_611] : memref<112xf32, #tpu.memory_space<vmem>>[vector<16xi32>], vector<16xf32>,
        %add3A_615 = arith.addf %add3A_607, %gather3A_614 : vector<16xf32>
        %mul3A_616 = arith.constant 10 : i32
        %mul3A_617 = vector.broadcast %mul3A_616 : i32 to vector<16xi32>
        %mul3A_618 = arith.muli %get3A_574, %mul3A_617 : vector<16xi32>
        %add3A_619 = arith.addi %mul3A_618, %get3A_577 : vector<16xi32>
        %gather3A_620 = tpu.vector_load_idx %arg8[%add3A_619] : memref<112xf32, #tpu.memory_space<vmem>>[vector<16xi32>], vector<16xf32>,
        %add3A_621 = arith.addf %add3A_613, %gather3A_620 : vector<16xf32>
        %gather3A_622 = tpu.vector_load_idx %arg9[%add3A_619] : memref<112xf32, #tpu.memory_space<vmem>>[vector<16xi32>], vector<16xf32>,
        %add3A_623 = arith.addf %add3A_615, %gather3A_622 : vector<16xf32>
        %mul3A_624 = arith.constant 10 : i32
        %mul3A_625 = vector.broadcast %mul3A_624 : i32 to vector<16xi32>
        %mul3A_626 = arith.muli %get3A_580, %mul3A_625 : vector<16xi32>
        %add3A_627 = arith.addi %mul3A_626, %get3A_583 : vector<16xi32>
        %gather3A_628 = tpu.vector_load_idx %arg8[%add3A_627] : memref<112xf32, #tpu.memory_space<vmem>>[vector<16xi32>], vector<16xf32>,
        %add3A_629 = arith.addf %add3A_621, %gather3A_628 : vector<16xf32>
        %gather3A_630 = tpu.vector_load_idx %arg9[%add3A_627] : memref<112xf32, #tpu.memory_space<vmem>>[vector<16xi32>], vector<16xf32>,
        %add3A_631 = arith.addf %add3A_623, %gather3A_630 : vector<16xf32>
        %mul3A_632 = arith.constant 10 : i32
        %mul3A_633 = vector.broadcast %mul3A_632 : i32 to vector<16xi32>
        %mul3A_634 = arith.muli %get3A_586, %mul3A_633 : vector<16xi32>
        %add3A_635 = arith.addi %mul3A_634, %get3A_589 : vector<16xi32>
        %gather3A_636 = tpu.vector_load_idx %arg8[%add3A_635] : memref<112xf32, #tpu.memory_space<vmem>>[vector<16xi32>], vector<16xf32>,
        %add3A_637 = arith.addf %add3A_629, %gather3A_636 : vector<16xf32>
        %gather3A_638 = tpu.vector_load_idx %arg9[%add3A_635] : memref<112xf32, #tpu.memory_space<vmem>>[vector<16xi32>], vector<16xf32>,
        %add3A_639 = arith.addf %add3A_631, %gather3A_638 : vector<16xf32>
        %gather3A_640 = tpu.vector_load_idx %arg10[%get3A_592] : memref<16xf32, #tpu.memory_space<vmem>>[vector<16xi32>], vector<16xf32>,
        %jit3A = arith.constant 0.000000e+00 : f32
        %broadcast_in_dim3A_641 = vector.broadcast %jit3A : f32 to vector<16xf32>
        %select_n3A = arith.select %ge3A_380, %gather3A_640, %broadcast_in_dim3A_641 : vector<16xi1>, vector<16xf32>
        %add3A_642 = arith.addf %add3A_637, %select_n3A : vector<16xf32>
        %gather3A_643 = tpu.vector_load_idx %arg11[%get3A_592] : memref<16xf32, #tpu.memory_space<vmem>>[vector<16xi32>], vector<16xf32>,
        %jit3A_644 = arith.constant 0.000000e+00 : f32
        %broadcast_in_dim3A_645 = vector.broadcast %jit3A_644 : f32 to vector<16xf32>
        %select_n3A_646 = arith.select %ge3A_380, %gather3A_643, %broadcast_in_dim3A_645 : vector<16xi1>, vector<16xf32>
        %add3A_647 = arith.addf %add3A_639, %select_n3A_646 : vector<16xf32>
        %reduce_sum3A = arith.constant true
        %reduce_sum3A_648 = vector.broadcast %reduce_sum3A : i1 to vector<16xi1>
        %reduce_sum3A_649 = tpu.scan <sum>, %add3A_642 masked %reduce_sum3A_648 : vector<16xf32>, vector<16xi1> -> vector<16xf32>
        %reduce_sum3A_650 = vector.extract %reduce_sum3A_649[15] : f32 from vector<16xf32>
        %reduce_sum3A_651 = arith.constant true
        %reduce_sum3A_652 = vector.broadcast %reduce_sum3A_651 : i1 to vector<16xi1>
        %reduce_sum3A_653 = tpu.scan <sum>, %add3A_647 masked %reduce_sum3A_652 : vector<16xf32>, vector<16xi1> -> vector<16xf32>
        %reduce_sum3A_654 = vector.extract %reduce_sum3A_653[15] : f32 from vector<16xf32>
        %eq3A = vector.broadcast %scan3A_548 : i32 to vector<16xi32>
        %eq3A_655 = arith.cmpi eq, %iota3A, %eq3A : vector<16xi32>
        %broadcast_in_dim3A_656 = vector.broadcast %reduce_sum3A_650 : f32 to vector<16xf32>
        %select_n3A_657 = arith.select %eq3A_655, %broadcast_in_dim3A_656, %scan3A_549 : vector<16xi1>, vector<16xf32>
        %eq3A_658 = vector.broadcast %scan3A_548 : i32 to vector<16xi32>
        %eq3A_659 = arith.cmpi eq, %iota3A, %eq3A_658 : vector<16xi32>
        %broadcast_in_dim3A_660 = vector.broadcast %reduce_sum3A_654 : f32 to vector<16xf32>
        %select_n3A_661 = arith.select %eq3A_659, %broadcast_in_dim3A_660, %scan3A_550 : vector<16xi1>, vector<16xf32>
        %scan3A_662 = arith.constant 1 : i32
        %scan3A_663 = arith.addi %scan3A_548, %scan3A_662 : i32
        %mul3A_664 = arith.constant 16 : i32
        %mul3A_665 = arith.muli %scan3A_529, %mul3A_664 : i32
        %add3A_666 = arith.addi %mul3A_665, %scan3A_663 : i32
        %get3A_667 = arith.index_cast %add3A_666 : i32 to index
        %get3A_668 = arith.constant 0 : index
        %get3A_669 = tpu.vector_load %arg5[%get3A_667, %get3A_668] {strides = array<i32>} : memref<64x200xi32, #tpu.memory_space<vmem>>, vector<16xi32>,
        %get3A_670 = arith.index_cast %add3A_666 : i32 to index
        %get3A_671 = arith.constant 16 : index
        %get3A_672 = tpu.vector_load %arg5[%get3A_670, %get3A_671] {strides = array<i32>} : memref<64x200xi32, #tpu.memory_space<vmem>>, vector<16xi32>,
        %get3A_673 = arith.index_cast %add3A_666 : i32 to index
        %get3A_674 = arith.constant 32 : index
        %get3A_675 = tpu.vector_load %arg5[%get3A_673, %get3A_674] {strides = array<i32>} : memref<64x200xi32, #tpu.memory_space<vmem>>, vector<16xi32>,
        %get3A_676 = arith.index_cast %add3A_666 : i32 to index
        %get3A_677 = arith.constant 48 : index
        %get3A_678 = tpu.vector_load %arg5[%get3A_676, %get3A_677] {strides = array<i32>} : memref<64x200xi32, #tpu.memory_space<vmem>>, vector<16xi32>,
        %get3A_679 = arith.index_cast %add3A_666 : i32 to index
        %get3A_680 = arith.constant 64 : index
        %get3A_681 = tpu.vector_load %arg5[%get3A_679, %get3A_680] {strides = array<i32>} : memref<64x200xi32, #tpu.memory_space<vmem>>, vector<16xi32>,
        %get3A_682 = arith.index_cast %add3A_666 : i32 to index
        %get3A_683 = arith.constant 80 : index
        %get3A_684 = tpu.vector_load %arg5[%get3A_682, %get3A_683] {strides = array<i32>} : memref<64x200xi32, #tpu.memory_space<vmem>>, vector<16xi32>,
        %get3A_685 = arith.index_cast %add3A_666 : i32 to index
        %get3A_686 = arith.constant 96 : index
        %get3A_687 = tpu.vector_load %arg5[%get3A_685, %get3A_686] {strides = array<i32>} : memref<64x200xi32, #tpu.memory_space<vmem>>, vector<16xi32>,
        %get3A_688 = arith.index_cast %add3A_666 : i32 to index
        %get3A_689 = arith.constant 112 : index
        %get3A_690 = tpu.vector_load %arg5[%get3A_688, %get3A_689] {strides = array<i32>} : memref<64x200xi32, #tpu.memory_space<vmem>>, vector<16xi32>,
        %get3A_691 = arith.index_cast %add3A_666 : i32 to index
        %get3A_692 = arith.constant 128 : index
        %get3A_693 = tpu.vector_load %arg5[%get3A_691, %get3A_692] {strides = array<i32>} : memref<64x200xi32, #tpu.memory_space<vmem>>, vector<16xi32>,
        %get3A_694 = arith.index_cast %add3A_666 : i32 to index
        %get3A_695 = arith.constant 144 : index
        %get3A_696 = tpu.vector_load %arg5[%get3A_694, %get3A_695] {strides = array<i32>} : memref<64x200xi32, #tpu.memory_space<vmem>>, vector<16xi32>,
        %get3A_697 = arith.index_cast %add3A_666 : i32 to index
        %get3A_698 = arith.constant 160 : index
        %get3A_699 = tpu.vector_load %arg5[%get3A_697, %get3A_698] {strides = array<i32>} : memref<64x200xi32, #tpu.memory_space<vmem>>, vector<16xi32>,
        %get3A_700 = arith.index_cast %add3A_666 : i32 to index
        %get3A_701 = arith.constant 176 : index
        %get3A_702 = tpu.vector_load %arg5[%get3A_700, %get3A_701] {strides = array<i32>} : memref<64x200xi32, #tpu.memory_space<vmem>>, vector<16xi32>,
        %get3A_703 = arith.index_cast %add3A_666 : i32 to index
        %get3A_704 = arith.constant 184 : index
        %get3A_705 = tpu.vector_load %arg5[%get3A_703, %get3A_704] {strides = array<i32>} : memref<64x200xi32, #tpu.memory_space<vmem>>, vector<16xi32>,
        %mul3A_706 = arith.constant 10 : i32
        %mul3A_707 = vector.broadcast %mul3A_706 : i32 to vector<16xi32>
        %mul3A_708 = arith.muli %get3A_669, %mul3A_707 : vector<16xi32>
        %add3A_709 = arith.addi %mul3A_708, %get3A_672 : vector<16xi32>
        %gather3A_710 = tpu.vector_load_idx %arg8[%add3A_709] : memref<112xf32, #tpu.memory_space<vmem>>[vector<16xi32>], vector<16xf32>,
        %add3A_711 = arith.addf %broadcast_in_dim3A_378, %gather3A_710 : vector<16xf32>
        %gather3A_712 = tpu.vector_load_idx %arg9[%add3A_709] : memref<112xf32, #tpu.memory_space<vmem>>[vector<16xi32>], vector<16xf32>,
        %add3A_713 = arith.addf %broadcast_in_dim3A_378, %gather3A_712 : vector<16xf32>
        %mul3A_714 = arith.constant 10 : i32
        %mul3A_715 = vector.broadcast %mul3A_714 : i32 to vector<16xi32>
        %mul3A_716 = arith.muli %get3A_675, %mul3A_715 : vector<16xi32>
        %add3A_717 = arith.addi %mul3A_716, %get3A_678 : vector<16xi32>
        %gather3A_718 = tpu.vector_load_idx %arg8[%add3A_717] : memref<112xf32, #tpu.memory_space<vmem>>[vector<16xi32>], vector<16xf32>,
        %add3A_719 = arith.addf %add3A_711, %gather3A_718 : vector<16xf32>
        %gather3A_720 = tpu.vector_load_idx %arg9[%add3A_717] : memref<112xf32, #tpu.memory_space<vmem>>[vector<16xi32>], vector<16xf32>,
        %add3A_721 = arith.addf %add3A_713, %gather3A_720 : vector<16xf32>
        %mul3A_722 = arith.constant 10 : i32
        %mul3A_723 = vector.broadcast %mul3A_722 : i32 to vector<16xi32>
        %mul3A_724 = arith.muli %get3A_681, %mul3A_723 : vector<16xi32>
        %add3A_725 = arith.addi %mul3A_724, %get3A_684 : vector<16xi32>
        %gather3A_726 = tpu.vector_load_idx %arg8[%add3A_725] : memref<112xf32, #tpu.memory_space<vmem>>[vector<16xi32>], vector<16xf32>,
        %add3A_727 = arith.addf %add3A_719, %gather3A_726 : vector<16xf32>
        %gather3A_728 = tpu.vector_load_idx %arg9[%add3A_725] : memref<112xf32, #tpu.memory_space<vmem>>[vector<16xi32>], vector<16xf32>,
        %add3A_729 = arith.addf %add3A_721, %gather3A_728 : vector<16xf32>
        %mul3A_730 = arith.constant 10 : i32
        %mul3A_731 = vector.broadcast %mul3A_730 : i32 to vector<16xi32>
        %mul3A_732 = arith.muli %get3A_687, %mul3A_731 : vector<16xi32>
        %add3A_733 = arith.addi %mul3A_732, %get3A_690 : vector<16xi32>
        %gather3A_734 = tpu.vector_load_idx %arg8[%add3A_733] : memref<112xf32, #tpu.memory_space<vmem>>[vector<16xi32>], vector<16xf32>,
        %add3A_735 = arith.addf %add3A_727, %gather3A_734 : vector<16xf32>
        %gather3A_736 = tpu.vector_load_idx %arg9[%add3A_733] : memref<112xf32, #tpu.memory_space<vmem>>[vector<16xi32>], vector<16xf32>,
        %add3A_737 = arith.addf %add3A_729, %gather3A_736 : vector<16xf32>
        %mul3A_738 = arith.constant 10 : i32
        %mul3A_739 = vector.broadcast %mul3A_738 : i32 to vector<16xi32>
        %mul3A_740 = arith.muli %get3A_693, %mul3A_739 : vector<16xi32>
        %add3A_741 = arith.addi %mul3A_740, %get3A_696 : vector<16xi32>
        %gather3A_742 = tpu.vector_load_idx %arg8[%add3A_741] : memref<112xf32, #tpu.memory_space<vmem>>[vector<16xi32>], vector<16xf32>,
        %add3A_743 = arith.addf %add3A_735, %gather3A_742 : vector<16xf32>
        %gather3A_744 = tpu.vector_load_idx %arg9[%add3A_741] : memref<112xf32, #tpu.memory_space<vmem>>[vector<16xi32>], vector<16xf32>,
        %add3A_745 = arith.addf %add3A_737, %gather3A_744 : vector<16xf32>
        %mul3A_746 = arith.constant 10 : i32
        %mul3A_747 = vector.broadcast %mul3A_746 : i32 to vector<16xi32>
        %mul3A_748 = arith.muli %get3A_699, %mul3A_747 : vector<16xi32>
        %add3A_749 = arith.addi %mul3A_748, %get3A_702 : vector<16xi32>
        %gather3A_750 = tpu.vector_load_idx %arg8[%add3A_749] : memref<112xf32, #tpu.memory_space<vmem>>[vector<16xi32>], vector<16xf32>,
        %add3A_751 = arith.addf %add3A_743, %gather3A_750 : vector<16xf32>
        %gather3A_752 = tpu.vector_load_idx %arg9[%add3A_749] : memref<112xf32, #tpu.memory_space<vmem>>[vector<16xi32>], vector<16xf32>,
        %add3A_753 = arith.addf %add3A_745, %gather3A_752 : vector<16xf32>
        %gather3A_754 = tpu.vector_load_idx %arg10[%get3A_705] : memref<16xf32, #tpu.memory_space<vmem>>[vector<16xi32>], vector<16xf32>,
        %jit3A_755 = arith.constant 0.000000e+00 : f32
        %broadcast_in_dim3A_756 = vector.broadcast %jit3A_755 : f32 to vector<16xf32>
        %select_n3A_757 = arith.select %ge3A_380, %gather3A_754, %broadcast_in_dim3A_756 : vector<16xi1>, vector<16xf32>
        %add3A_758 = arith.addf %add3A_751, %select_n3A_757 : vector<16xf32>
        %gather3A_759 = tpu.vector_load_idx %arg11[%get3A_705] : memref<16xf32, #tpu.memory_space<vmem>>[vector<16xi32>], vector<16xf32>,
        %jit3A_760 = arith.constant 0.000000e+00 : f32
        %broadcast_in_dim3A_761 = vector.broadcast %jit3A_760 : f32 to vector<16xf32>
        %select_n3A_762 = arith.select %ge3A_380, %gather3A_759, %broadcast_in_dim3A_761 : vector<16xi1>, vector<16xf32>
        %add3A_763 = arith.addf %add3A_753, %select_n3A_762 : vector<16xf32>
        %reduce_sum3A_764 = arith.constant true
        %reduce_sum3A_765 = vector.broadcast %reduce_sum3A_764 : i1 to vector<16xi1>
        %reduce_sum3A_766 = tpu.scan <sum>, %add3A_758 masked %reduce_sum3A_765 : vector<16xf32>, vector<16xi1> -> vector<16xf32>
        %reduce_sum3A_767 = vector.extract %reduce_sum3A_766[15] : f32 from vector<16xf32>
        %reduce_sum3A_768 = arith.constant true
        %reduce_sum3A_769 = vector.broadcast %reduce_sum3A_768 : i1 to vector<16xi1>
        %reduce_sum3A_770 = tpu.scan <sum>, %add3A_763 masked %reduce_sum3A_769 : vector<16xf32>, vector<16xi1> -> vector<16xf32>
        %reduce_sum3A_771 = vector.extract %reduce_sum3A_770[15] : f32 from vector<16xf32>
        %eq3A_772 = vector.broadcast %scan3A_663 : i32 to vector<16xi32>
        %eq3A_773 = arith.cmpi eq, %iota3A, %eq3A_772 : vector<16xi32>
        %broadcast_in_dim3A_774 = vector.broadcast %reduce_sum3A_767 : f32 to vector<16xf32>
        %select_n3A_775 = arith.select %eq3A_773, %broadcast_in_dim3A_774, %select_n3A_657 : vector<16xi1>, vector<16xf32>
        %eq3A_776 = vector.broadcast %scan3A_663 : i32 to vector<16xi32>
        %eq3A_777 = arith.cmpi eq, %iota3A, %eq3A_776 : vector<16xi32>
        %broadcast_in_dim3A_778 = vector.broadcast %reduce_sum3A_771 : f32 to vector<16xf32>
        %select_n3A_779 = arith.select %eq3A_777, %broadcast_in_dim3A_778, %select_n3A_661 : vector<16xi1>, vector<16xf32>
        scf.yield %select_n3A_775, %select_n3A_779 : vector<16xf32>, vector<16xf32>
      }
      %scan3A_536 = arith.constant 16 : i32
      %mul3A_537 = arith.constant 16 : i32
      %mul3A_538 = arith.muli %scan3A_529, %mul3A_537 : i32
      %add3A_539 = arith.constant 0 : i32
      %add3A_540 = arith.addi %add3A_539, %mul3A_538 : i32
      %swap3A_541 = arith.index_cast %add3A_540 : i32 to index
      %swap3A_542 = tpu.vector_load %arg12[%swap3A_541] {strides = array<i32>} : memref<1024xf32, #tpu.memory_space<vmem>>, vector<16xf32>,
      tpu.vector_store %arg12[%swap3A_541], %scan3A_535#0 {strides = array<i32>} : memref<1024xf32, #tpu.memory_space<vmem>>, vector<16xf32>,
      %add3A_543 = arith.constant 512 : i32
      %add3A_544 = arith.addi %add3A_543, %add3A_540 : i32
      %swap3A_545 = arith.index_cast %add3A_544 : i32 to index
      %swap3A_546 = tpu.vector_load %arg12[%swap3A_545] {strides = array<i32>} : memref<1024xf32, #tpu.memory_space<vmem>>, vector<16xf32>,
      tpu.vector_store %arg12[%swap3A_545], %scan3A_535#1 {strides = array<i32>} : memref<1024xf32, #tpu.memory_space<vmem>>, vector<16xf32>,
      %scan3A_547 = arith.constant 0 : i32
      scf.yield %scan3A_547 : i32
    }
    %scan3A_397 = arith.constant 4 : i32
    %dma_wait3A_398 = arith.constant 0 : i32
    %dma_wait3A_399 = tpu.memref_slice %arg2[%add3A_387, %dma_wait3A_398] : memref<16384x200xi32, #tpu.memory_space<hbm>> -> memref<64x200xi32, #tpu.memory_space<hbm>>
    %dma_wait3A_400 = arith.constant 0 : i32
    %dma_wait3A_401 = tpu.memref_slice %arg2[%add3A_387, %dma_wait3A_400] : memref<16384x200xi32, #tpu.memory_space<hbm>> -> memref<64x200xi32, #tpu.memory_space<hbm>>
    tpu.wait_dma2 semaphore(%arg14 : memref<!tpu.dma_semaphore, #tpu.memory_space<semaphore_mem>>) src(%dma_wait3A_401 : memref<64x200xi32, #tpu.memory_space<hbm>>) dst(%arg6 : memref<64x200xi32, #tpu.memory_space<vmem>>)
    %mul3A_402 = arith.constant 512 : i32
    %mul3A_403 = arith.muli %add3A, %mul3A_402 : i32
    %add3A_404 = arith.constant 128 : i32
    %add3A_405 = arith.addi %mul3A_403, %add3A_404 : i32
    %dma_start3A_406 = arith.constant 0 : i32
    %dma_start3A_407 = tpu.memref_slice %arg2[%add3A_405, %dma_start3A_406] : memref<16384x200xi32, #tpu.memory_space<hbm>> -> memref<64x200xi32, #tpu.memory_space<hbm>>
    %dma_start3A_408 = arith.constant 0 : i32
    %dma_start3A_409 = tpu.memref_slice %arg2[%add3A_405, %dma_start3A_408] : memref<16384x200xi32, #tpu.memory_space<hbm>> -> memref<64x200xi32, #tpu.memory_space<hbm>>
    tpu.enqueue_dma source(%dma_start3A_409 : memref<64x200xi32, #tpu.memory_space<hbm>>) target(%arg5 : memref<64x200xi32, #tpu.memory_space<vmem>>) target_semaphore(%arg13 : memref<!tpu.dma_semaphore, #tpu.memory_space<semaphore_mem>>)
    %scan3A_410 = arith.constant 0 : i32
    %scan3A_411 = arith.constant 0 : i32
    %scan3A_412 = arith.constant 4 : i32
    %scan3A_413 = arith.addi %scan3A_411, %scan3A_412 : i32
    %scan3A_414 = arith.constant 1 : i32
    %scan3A_415 = scf.for %scan3A_529 = %scan3A_411 to %scan3A_413 step %scan3A_414 iter_args(%scan3A_530 = %scan3A_410) -> (i32)  : i32 {
      %scan3A_531 = arith.constant 0 : i32
      %scan3A_532 = arith.constant 16 : i32
      %scan3A_533 = arith.addi %scan3A_531, %scan3A_532 : i32
      %scan3A_534 = arith.constant 2 : i32
      %scan3A_535:2 = scf.for %scan3A_548 = %scan3A_531 to %scan3A_533 step %scan3A_534 iter_args(%scan3A_549 = %broadcast_in_dim3A_378, %scan3A_550 = %broadcast_in_dim3A_378) -> (vector<16xf32>, vector<16xf32>)  : i32 {
        %mul3A_551 = arith.constant 16 : i32
        %mul3A_552 = arith.muli %scan3A_529, %mul3A_551 : i32
        %add3A_553 = arith.addi %mul3A_552, %scan3A_548 : i32
        %get3A_554 = arith.index_cast %add3A_553 : i32 to index
        %get3A_555 = arith.constant 0 : index
        %get3A_556 = tpu.vector_load %arg6[%get3A_554, %get3A_555] {strides = array<i32>} : memref<64x200xi32, #tpu.memory_space<vmem>>, vector<16xi32>,
        %get3A_557 = arith.index_cast %add3A_553 : i32 to index
        %get3A_558 = arith.constant 16 : index
        %get3A_559 = tpu.vector_load %arg6[%get3A_557, %get3A_558] {strides = array<i32>} : memref<64x200xi32, #tpu.memory_space<vmem>>, vector<16xi32>,
        %get3A_560 = arith.index_cast %add3A_553 : i32 to index
        %get3A_561 = arith.constant 32 : index
        %get3A_562 = tpu.vector_load %arg6[%get3A_560, %get3A_561] {strides = array<i32>} : memref<64x200xi32, #tpu.memory_space<vmem>>, vector<16xi32>,
        %get3A_563 = arith.index_cast %add3A_553 : i32 to index
        %get3A_564 = arith.constant 48 : index
        %get3A_565 = tpu.vector_load %arg6[%get3A_563, %get3A_564] {strides = array<i32>} : memref<64x200xi32, #tpu.memory_space<vmem>>, vector<16xi32>,
        %get3A_566 = arith.index_cast %add3A_553 : i32 to index
        %get3A_567 = arith.constant 64 : index
        %get3A_568 = tpu.vector_load %arg6[%get3A_566, %get3A_567] {strides = array<i32>} : memref<64x200xi32, #tpu.memory_space<vmem>>, vector<16xi32>,
        %get3A_569 = arith.index_cast %add3A_553 : i32 to index
        %get3A_570 = arith.constant 80 : index
        %get3A_571 = tpu.vector_load %arg6[%get3A_569, %get3A_570] {strides = array<i32>} : memref<64x200xi32, #tpu.memory_space<vmem>>, vector<16xi32>,
        %get3A_572 = arith.index_cast %add3A_553 : i32 to index
        %get3A_573 = arith.constant 96 : index
        %get3A_574 = tpu.vector_load %arg6[%get3A_572, %get3A_573] {strides = array<i32>} : memref<64x200xi32, #tpu.memory_space<vmem>>, vector<16xi32>,
        %get3A_575 = arith.index_cast %add3A_553 : i32 to index
        %get3A_576 = arith.constant 112 : index
        %get3A_577 = tpu.vector_load %arg6[%get3A_575, %get3A_576] {strides = array<i32>} : memref<64x200xi32, #tpu.memory_space<vmem>>, vector<16xi32>,
        %get3A_578 = arith.index_cast %add3A_553 : i32 to index
        %get3A_579 = arith.constant 128 : index
        %get3A_580 = tpu.vector_load %arg6[%get3A_578, %get3A_579] {strides = array<i32>} : memref<64x200xi32, #tpu.memory_space<vmem>>, vector<16xi32>,
        %get3A_581 = arith.index_cast %add3A_553 : i32 to index
        %get3A_582 = arith.constant 144 : index
        %get3A_583 = tpu.vector_load %arg6[%get3A_581, %get3A_582] {strides = array<i32>} : memref<64x200xi32, #tpu.memory_space<vmem>>, vector<16xi32>,
        %get3A_584 = arith.index_cast %add3A_553 : i32 to index
        %get3A_585 = arith.constant 160 : index
        %get3A_586 = tpu.vector_load %arg6[%get3A_584, %get3A_585] {strides = array<i32>} : memref<64x200xi32, #tpu.memory_space<vmem>>, vector<16xi32>,
        %get3A_587 = arith.index_cast %add3A_553 : i32 to index
        %get3A_588 = arith.constant 176 : index
        %get3A_589 = tpu.vector_load %arg6[%get3A_587, %get3A_588] {strides = array<i32>} : memref<64x200xi32, #tpu.memory_space<vmem>>, vector<16xi32>,
        %get3A_590 = arith.index_cast %add3A_553 : i32 to index
        %get3A_591 = arith.constant 184 : index
        %get3A_592 = tpu.vector_load %arg6[%get3A_590, %get3A_591] {strides = array<i32>} : memref<64x200xi32, #tpu.memory_space<vmem>>, vector<16xi32>,
        %mul3A_593 = arith.constant 10 : i32
        %mul3A_594 = vector.broadcast %mul3A_593 : i32 to vector<16xi32>
        %mul3A_595 = arith.muli %get3A_556, %mul3A_594 : vector<16xi32>
        %add3A_596 = arith.addi %mul3A_595, %get3A_559 : vector<16xi32>
        %gather3A = tpu.vector_load_idx %arg8[%add3A_596] : memref<112xf32, #tpu.memory_space<vmem>>[vector<16xi32>], vector<16xf32>,
        %add3A_597 = arith.addf %broadcast_in_dim3A_378, %gather3A : vector<16xf32>
        %gather3A_598 = tpu.vector_load_idx %arg9[%add3A_596] : memref<112xf32, #tpu.memory_space<vmem>>[vector<16xi32>], vector<16xf32>,
        %add3A_599 = arith.addf %broadcast_in_dim3A_378, %gather3A_598 : vector<16xf32>
        %mul3A_600 = arith.constant 10 : i32
        %mul3A_601 = vector.broadcast %mul3A_600 : i32 to vector<16xi32>
        %mul3A_602 = arith.muli %get3A_562, %mul3A_601 : vector<16xi32>
        %add3A_603 = arith.addi %mul3A_602, %get3A_565 : vector<16xi32>
        %gather3A_604 = tpu.vector_load_idx %arg8[%add3A_603] : memref<112xf32, #tpu.memory_space<vmem>>[vector<16xi32>], vector<16xf32>,
        %add3A_605 = arith.addf %add3A_597, %gather3A_604 : vector<16xf32>
        %gather3A_606 = tpu.vector_load_idx %arg9[%add3A_603] : memref<112xf32, #tpu.memory_space<vmem>>[vector<16xi32>], vector<16xf32>,
        %add3A_607 = arith.addf %add3A_599, %gather3A_606 : vector<16xf32>
        %mul3A_608 = arith.constant 10 : i32
        %mul3A_609 = vector.broadcast %mul3A_608 : i32 to vector<16xi32>
        %mul3A_610 = arith.muli %get3A_568, %mul3A_609 : vector<16xi32>
        %add3A_611 = arith.addi %mul3A_610, %get3A_571 : vector<16xi32>
        %gather3A_612 = tpu.vector_load_idx %arg8[%add3A_611] : memref<112xf32, #tpu.memory_space<vmem>>[vector<16xi32>], vector<16xf32>,
        %add3A_613 = arith.addf %add3A_605, %gather3A_612 : vector<16xf32>
        %gather3A_614 = tpu.vector_load_idx %arg9[%add3A_611] : memref<112xf32, #tpu.memory_space<vmem>>[vector<16xi32>], vector<16xf32>,
        %add3A_615 = arith.addf %add3A_607, %gather3A_614 : vector<16xf32>
        %mul3A_616 = arith.constant 10 : i32
        %mul3A_617 = vector.broadcast %mul3A_616 : i32 to vector<16xi32>
        %mul3A_618 = arith.muli %get3A_574, %mul3A_617 : vector<16xi32>
        %add3A_619 = arith.addi %mul3A_618, %get3A_577 : vector<16xi32>
        %gather3A_620 = tpu.vector_load_idx %arg8[%add3A_619] : memref<112xf32, #tpu.memory_space<vmem>>[vector<16xi32>], vector<16xf32>,
        %add3A_621 = arith.addf %add3A_613, %gather3A_620 : vector<16xf32>
        %gather3A_622 = tpu.vector_load_idx %arg9[%add3A_619] : memref<112xf32, #tpu.memory_space<vmem>>[vector<16xi32>], vector<16xf32>,
        %add3A_623 = arith.addf %add3A_615, %gather3A_622 : vector<16xf32>
        %mul3A_624 = arith.constant 10 : i32
        %mul3A_625 = vector.broadcast %mul3A_624 : i32 to vector<16xi32>
        %mul3A_626 = arith.muli %get3A_580, %mul3A_625 : vector<16xi32>
        %add3A_627 = arith.addi %mul3A_626, %get3A_583 : vector<16xi32>
        %gather3A_628 = tpu.vector_load_idx %arg8[%add3A_627] : memref<112xf32, #tpu.memory_space<vmem>>[vector<16xi32>], vector<16xf32>,
        %add3A_629 = arith.addf %add3A_621, %gather3A_628 : vector<16xf32>
        %gather3A_630 = tpu.vector_load_idx %arg9[%add3A_627] : memref<112xf32, #tpu.memory_space<vmem>>[vector<16xi32>], vector<16xf32>,
        %add3A_631 = arith.addf %add3A_623, %gather3A_630 : vector<16xf32>
        %mul3A_632 = arith.constant 10 : i32
        %mul3A_633 = vector.broadcast %mul3A_632 : i32 to vector<16xi32>
        %mul3A_634 = arith.muli %get3A_586, %mul3A_633 : vector<16xi32>
        %add3A_635 = arith.addi %mul3A_634, %get3A_589 : vector<16xi32>
        %gather3A_636 = tpu.vector_load_idx %arg8[%add3A_635] : memref<112xf32, #tpu.memory_space<vmem>>[vector<16xi32>], vector<16xf32>,
        %add3A_637 = arith.addf %add3A_629, %gather3A_636 : vector<16xf32>
        %gather3A_638 = tpu.vector_load_idx %arg9[%add3A_635] : memref<112xf32, #tpu.memory_space<vmem>>[vector<16xi32>], vector<16xf32>,
        %add3A_639 = arith.addf %add3A_631, %gather3A_638 : vector<16xf32>
        %gather3A_640 = tpu.vector_load_idx %arg10[%get3A_592] : memref<16xf32, #tpu.memory_space<vmem>>[vector<16xi32>], vector<16xf32>,
        %jit3A = arith.constant 0.000000e+00 : f32
        %broadcast_in_dim3A_641 = vector.broadcast %jit3A : f32 to vector<16xf32>
        %select_n3A = arith.select %ge3A_380, %gather3A_640, %broadcast_in_dim3A_641 : vector<16xi1>, vector<16xf32>
        %add3A_642 = arith.addf %add3A_637, %select_n3A : vector<16xf32>
        %gather3A_643 = tpu.vector_load_idx %arg11[%get3A_592] : memref<16xf32, #tpu.memory_space<vmem>>[vector<16xi32>], vector<16xf32>,
        %jit3A_644 = arith.constant 0.000000e+00 : f32
        %broadcast_in_dim3A_645 = vector.broadcast %jit3A_644 : f32 to vector<16xf32>
        %select_n3A_646 = arith.select %ge3A_380, %gather3A_643, %broadcast_in_dim3A_645 : vector<16xi1>, vector<16xf32>
        %add3A_647 = arith.addf %add3A_639, %select_n3A_646 : vector<16xf32>
        %reduce_sum3A = arith.constant true
        %reduce_sum3A_648 = vector.broadcast %reduce_sum3A : i1 to vector<16xi1>
        %reduce_sum3A_649 = tpu.scan <sum>, %add3A_642 masked %reduce_sum3A_648 : vector<16xf32>, vector<16xi1> -> vector<16xf32>
        %reduce_sum3A_650 = vector.extract %reduce_sum3A_649[15] : f32 from vector<16xf32>
        %reduce_sum3A_651 = arith.constant true
        %reduce_sum3A_652 = vector.broadcast %reduce_sum3A_651 : i1 to vector<16xi1>
        %reduce_sum3A_653 = tpu.scan <sum>, %add3A_647 masked %reduce_sum3A_652 : vector<16xf32>, vector<16xi1> -> vector<16xf32>
        %reduce_sum3A_654 = vector.extract %reduce_sum3A_653[15] : f32 from vector<16xf32>
        %eq3A = vector.broadcast %scan3A_548 : i32 to vector<16xi32>
        %eq3A_655 = arith.cmpi eq, %iota3A, %eq3A : vector<16xi32>
        %broadcast_in_dim3A_656 = vector.broadcast %reduce_sum3A_650 : f32 to vector<16xf32>
        %select_n3A_657 = arith.select %eq3A_655, %broadcast_in_dim3A_656, %scan3A_549 : vector<16xi1>, vector<16xf32>
        %eq3A_658 = vector.broadcast %scan3A_548 : i32 to vector<16xi32>
        %eq3A_659 = arith.cmpi eq, %iota3A, %eq3A_658 : vector<16xi32>
        %broadcast_in_dim3A_660 = vector.broadcast %reduce_sum3A_654 : f32 to vector<16xf32>
        %select_n3A_661 = arith.select %eq3A_659, %broadcast_in_dim3A_660, %scan3A_550 : vector<16xi1>, vector<16xf32>
        %scan3A_662 = arith.constant 1 : i32
        %scan3A_663 = arith.addi %scan3A_548, %scan3A_662 : i32
        %mul3A_664 = arith.constant 16 : i32
        %mul3A_665 = arith.muli %scan3A_529, %mul3A_664 : i32
        %add3A_666 = arith.addi %mul3A_665, %scan3A_663 : i32
        %get3A_667 = arith.index_cast %add3A_666 : i32 to index
        %get3A_668 = arith.constant 0 : index
        %get3A_669 = tpu.vector_load %arg6[%get3A_667, %get3A_668] {strides = array<i32>} : memref<64x200xi32, #tpu.memory_space<vmem>>, vector<16xi32>,
        %get3A_670 = arith.index_cast %add3A_666 : i32 to index
        %get3A_671 = arith.constant 16 : index
        %get3A_672 = tpu.vector_load %arg6[%get3A_670, %get3A_671] {strides = array<i32>} : memref<64x200xi32, #tpu.memory_space<vmem>>, vector<16xi32>,
        %get3A_673 = arith.index_cast %add3A_666 : i32 to index
        %get3A_674 = arith.constant 32 : index
        %get3A_675 = tpu.vector_load %arg6[%get3A_673, %get3A_674] {strides = array<i32>} : memref<64x200xi32, #tpu.memory_space<vmem>>, vector<16xi32>,
        %get3A_676 = arith.index_cast %add3A_666 : i32 to index
        %get3A_677 = arith.constant 48 : index
        %get3A_678 = tpu.vector_load %arg6[%get3A_676, %get3A_677] {strides = array<i32>} : memref<64x200xi32, #tpu.memory_space<vmem>>, vector<16xi32>,
        %get3A_679 = arith.index_cast %add3A_666 : i32 to index
        %get3A_680 = arith.constant 64 : index
        %get3A_681 = tpu.vector_load %arg6[%get3A_679, %get3A_680] {strides = array<i32>} : memref<64x200xi32, #tpu.memory_space<vmem>>, vector<16xi32>,
        %get3A_682 = arith.index_cast %add3A_666 : i32 to index
        %get3A_683 = arith.constant 80 : index
        %get3A_684 = tpu.vector_load %arg6[%get3A_682, %get3A_683] {strides = array<i32>} : memref<64x200xi32, #tpu.memory_space<vmem>>, vector<16xi32>,
        %get3A_685 = arith.index_cast %add3A_666 : i32 to index
        %get3A_686 = arith.constant 96 : index
        %get3A_687 = tpu.vector_load %arg6[%get3A_685, %get3A_686] {strides = array<i32>} : memref<64x200xi32, #tpu.memory_space<vmem>>, vector<16xi32>,
        %get3A_688 = arith.index_cast %add3A_666 : i32 to index
        %get3A_689 = arith.constant 112 : index
        %get3A_690 = tpu.vector_load %arg6[%get3A_688, %get3A_689] {strides = array<i32>} : memref<64x200xi32, #tpu.memory_space<vmem>>, vector<16xi32>,
        %get3A_691 = arith.index_cast %add3A_666 : i32 to index
        %get3A_692 = arith.constant 128 : index
        %get3A_693 = tpu.vector_load %arg6[%get3A_691, %get3A_692] {strides = array<i32>} : memref<64x200xi32, #tpu.memory_space<vmem>>, vector<16xi32>,
        %get3A_694 = arith.index_cast %add3A_666 : i32 to index
        %get3A_695 = arith.constant 144 : index
        %get3A_696 = tpu.vector_load %arg6[%get3A_694, %get3A_695] {strides = array<i32>} : memref<64x200xi32, #tpu.memory_space<vmem>>, vector<16xi32>,
        %get3A_697 = arith.index_cast %add3A_666 : i32 to index
        %get3A_698 = arith.constant 160 : index
        %get3A_699 = tpu.vector_load %arg6[%get3A_697, %get3A_698] {strides = array<i32>} : memref<64x200xi32, #tpu.memory_space<vmem>>, vector<16xi32>,
        %get3A_700 = arith.index_cast %add3A_666 : i32 to index
        %get3A_701 = arith.constant 176 : index
        %get3A_702 = tpu.vector_load %arg6[%get3A_700, %get3A_701] {strides = array<i32>} : memref<64x200xi32, #tpu.memory_space<vmem>>, vector<16xi32>,
        %get3A_703 = arith.index_cast %add3A_666 : i32 to index
        %get3A_704 = arith.constant 184 : index
        %get3A_705 = tpu.vector_load %arg6[%get3A_703, %get3A_704] {strides = array<i32>} : memref<64x200xi32, #tpu.memory_space<vmem>>, vector<16xi32>,
        %mul3A_706 = arith.constant 10 : i32
        %mul3A_707 = vector.broadcast %mul3A_706 : i32 to vector<16xi32>
        %mul3A_708 = arith.muli %get3A_669, %mul3A_707 : vector<16xi32>
        %add3A_709 = arith.addi %mul3A_708, %get3A_672 : vector<16xi32>
        %gather3A_710 = tpu.vector_load_idx %arg8[%add3A_709] : memref<112xf32, #tpu.memory_space<vmem>>[vector<16xi32>], vector<16xf32>,
        %add3A_711 = arith.addf %broadcast_in_dim3A_378, %gather3A_710 : vector<16xf32>
        %gather3A_712 = tpu.vector_load_idx %arg9[%add3A_709] : memref<112xf32, #tpu.memory_space<vmem>>[vector<16xi32>], vector<16xf32>,
        %add3A_713 = arith.addf %broadcast_in_dim3A_378, %gather3A_712 : vector<16xf32>
        %mul3A_714 = arith.constant 10 : i32
        %mul3A_715 = vector.broadcast %mul3A_714 : i32 to vector<16xi32>
        %mul3A_716 = arith.muli %get3A_675, %mul3A_715 : vector<16xi32>
        %add3A_717 = arith.addi %mul3A_716, %get3A_678 : vector<16xi32>
        %gather3A_718 = tpu.vector_load_idx %arg8[%add3A_717] : memref<112xf32, #tpu.memory_space<vmem>>[vector<16xi32>], vector<16xf32>,
        %add3A_719 = arith.addf %add3A_711, %gather3A_718 : vector<16xf32>
        %gather3A_720 = tpu.vector_load_idx %arg9[%add3A_717] : memref<112xf32, #tpu.memory_space<vmem>>[vector<16xi32>], vector<16xf32>,
        %add3A_721 = arith.addf %add3A_713, %gather3A_720 : vector<16xf32>
        %mul3A_722 = arith.constant 10 : i32
        %mul3A_723 = vector.broadcast %mul3A_722 : i32 to vector<16xi32>
        %mul3A_724 = arith.muli %get3A_681, %mul3A_723 : vector<16xi32>
        %add3A_725 = arith.addi %mul3A_724, %get3A_684 : vector<16xi32>
        %gather3A_726 = tpu.vector_load_idx %arg8[%add3A_725] : memref<112xf32, #tpu.memory_space<vmem>>[vector<16xi32>], vector<16xf32>,
        %add3A_727 = arith.addf %add3A_719, %gather3A_726 : vector<16xf32>
        %gather3A_728 = tpu.vector_load_idx %arg9[%add3A_725] : memref<112xf32, #tpu.memory_space<vmem>>[vector<16xi32>], vector<16xf32>,
        %add3A_729 = arith.addf %add3A_721, %gather3A_728 : vector<16xf32>
        %mul3A_730 = arith.constant 10 : i32
        %mul3A_731 = vector.broadcast %mul3A_730 : i32 to vector<16xi32>
        %mul3A_732 = arith.muli %get3A_687, %mul3A_731 : vector<16xi32>
        %add3A_733 = arith.addi %mul3A_732, %get3A_690 : vector<16xi32>
        %gather3A_734 = tpu.vector_load_idx %arg8[%add3A_733] : memref<112xf32, #tpu.memory_space<vmem>>[vector<16xi32>], vector<16xf32>,
        %add3A_735 = arith.addf %add3A_727, %gather3A_734 : vector<16xf32>
        %gather3A_736 = tpu.vector_load_idx %arg9[%add3A_733] : memref<112xf32, #tpu.memory_space<vmem>>[vector<16xi32>], vector<16xf32>,
        %add3A_737 = arith.addf %add3A_729, %gather3A_736 : vector<16xf32>
        %mul3A_738 = arith.constant 10 : i32
        %mul3A_739 = vector.broadcast %mul3A_738 : i32 to vector<16xi32>
        %mul3A_740 = arith.muli %get3A_693, %mul3A_739 : vector<16xi32>
        %add3A_741 = arith.addi %mul3A_740, %get3A_696 : vector<16xi32>
        %gather3A_742 = tpu.vector_load_idx %arg8[%add3A_741] : memref<112xf32, #tpu.memory_space<vmem>>[vector<16xi32>], vector<16xf32>,
        %add3A_743 = arith.addf %add3A_735, %gather3A_742 : vector<16xf32>
        %gather3A_744 = tpu.vector_load_idx %arg9[%add3A_741] : memref<112xf32, #tpu.memory_space<vmem>>[vector<16xi32>], vector<16xf32>,
        %add3A_745 = arith.addf %add3A_737, %gather3A_744 : vector<16xf32>
        %mul3A_746 = arith.constant 10 : i32
        %mul3A_747 = vector.broadcast %mul3A_746 : i32 to vector<16xi32>
        %mul3A_748 = arith.muli %get3A_699, %mul3A_747 : vector<16xi32>
        %add3A_749 = arith.addi %mul3A_748, %get3A_702 : vector<16xi32>
        %gather3A_750 = tpu.vector_load_idx %arg8[%add3A_749] : memref<112xf32, #tpu.memory_space<vmem>>[vector<16xi32>], vector<16xf32>,
        %add3A_751 = arith.addf %add3A_743, %gather3A_750 : vector<16xf32>
        %gather3A_752 = tpu.vector_load_idx %arg9[%add3A_749] : memref<112xf32, #tpu.memory_space<vmem>>[vector<16xi32>], vector<16xf32>,
        %add3A_753 = arith.addf %add3A_745, %gather3A_752 : vector<16xf32>
        %gather3A_754 = tpu.vector_load_idx %arg10[%get3A_705] : memref<16xf32, #tpu.memory_space<vmem>>[vector<16xi32>], vector<16xf32>,
        %jit3A_755 = arith.constant 0.000000e+00 : f32
        %broadcast_in_dim3A_756 = vector.broadcast %jit3A_755 : f32 to vector<16xf32>
        %select_n3A_757 = arith.select %ge3A_380, %gather3A_754, %broadcast_in_dim3A_756 : vector<16xi1>, vector<16xf32>
        %add3A_758 = arith.addf %add3A_751, %select_n3A_757 : vector<16xf32>
        %gather3A_759 = tpu.vector_load_idx %arg11[%get3A_705] : memref<16xf32, #tpu.memory_space<vmem>>[vector<16xi32>], vector<16xf32>,
        %jit3A_760 = arith.constant 0.000000e+00 : f32
        %broadcast_in_dim3A_761 = vector.broadcast %jit3A_760 : f32 to vector<16xf32>
        %select_n3A_762 = arith.select %ge3A_380, %gather3A_759, %broadcast_in_dim3A_761 : vector<16xi1>, vector<16xf32>
        %add3A_763 = arith.addf %add3A_753, %select_n3A_762 : vector<16xf32>
        %reduce_sum3A_764 = arith.constant true
        %reduce_sum3A_765 = vector.broadcast %reduce_sum3A_764 : i1 to vector<16xi1>
        %reduce_sum3A_766 = tpu.scan <sum>, %add3A_758 masked %reduce_sum3A_765 : vector<16xf32>, vector<16xi1> -> vector<16xf32>
        %reduce_sum3A_767 = vector.extract %reduce_sum3A_766[15] : f32 from vector<16xf32>
        %reduce_sum3A_768 = arith.constant true
        %reduce_sum3A_769 = vector.broadcast %reduce_sum3A_768 : i1 to vector<16xi1>
        %reduce_sum3A_770 = tpu.scan <sum>, %add3A_763 masked %reduce_sum3A_769 : vector<16xf32>, vector<16xi1> -> vector<16xf32>
        %reduce_sum3A_771 = vector.extract %reduce_sum3A_770[15] : f32 from vector<16xf32>
        %eq3A_772 = vector.broadcast %scan3A_663 : i32 to vector<16xi32>
        %eq3A_773 = arith.cmpi eq, %iota3A, %eq3A_772 : vector<16xi32>
        %broadcast_in_dim3A_774 = vector.broadcast %reduce_sum3A_767 : f32 to vector<16xf32>
        %select_n3A_775 = arith.select %eq3A_773, %broadcast_in_dim3A_774, %select_n3A_657 : vector<16xi1>, vector<16xf32>
        %eq3A_776 = vector.broadcast %scan3A_663 : i32 to vector<16xi32>
        %eq3A_777 = arith.cmpi eq, %iota3A, %eq3A_776 : vector<16xi32>
        %broadcast_in_dim3A_778 = vector.broadcast %reduce_sum3A_771 : f32 to vector<16xf32>
        %select_n3A_779 = arith.select %eq3A_777, %broadcast_in_dim3A_778, %select_n3A_661 : vector<16xi1>, vector<16xf32>
        scf.yield %select_n3A_775, %select_n3A_779 : vector<16xf32>, vector<16xf32>
      }
      %scan3A_536 = arith.constant 16 : i32
      %mul3A_537 = arith.constant 16 : i32
      %mul3A_538 = arith.muli %scan3A_529, %mul3A_537 : i32
      %add3A_539 = arith.constant 64 : i32
      %add3A_540 = arith.addi %add3A_539, %mul3A_538 : i32
      %swap3A_541 = arith.index_cast %add3A_540 : i32 to index
      %swap3A_542 = tpu.vector_load %arg12[%swap3A_541] {strides = array<i32>} : memref<1024xf32, #tpu.memory_space<vmem>>, vector<16xf32>,
      tpu.vector_store %arg12[%swap3A_541], %scan3A_535#0 {strides = array<i32>} : memref<1024xf32, #tpu.memory_space<vmem>>, vector<16xf32>,
      %add3A_543 = arith.constant 512 : i32
      %add3A_544 = arith.addi %add3A_543, %add3A_540 : i32
      %swap3A_545 = arith.index_cast %add3A_544 : i32 to index
      %swap3A_546 = tpu.vector_load %arg12[%swap3A_545] {strides = array<i32>} : memref<1024xf32, #tpu.memory_space<vmem>>, vector<16xf32>,
      tpu.vector_store %arg12[%swap3A_545], %scan3A_535#1 {strides = array<i32>} : memref<1024xf32, #tpu.memory_space<vmem>>, vector<16xf32>,
      %scan3A_547 = arith.constant 0 : i32
      scf.yield %scan3A_547 : i32
    }
    %scan3A_416 = arith.constant 4 : i32
    %dma_wait3A_417 = arith.constant 0 : i32
    %dma_wait3A_418 = tpu.memref_slice %arg2[%add3A_405, %dma_wait3A_417] : memref<16384x200xi32, #tpu.memory_space<hbm>> -> memref<64x200xi32, #tpu.memory_space<hbm>>
    %dma_wait3A_419 = arith.constant 0 : i32
    %dma_wait3A_420 = tpu.memref_slice %arg2[%add3A_405, %dma_wait3A_419] : memref<16384x200xi32, #tpu.memory_space<hbm>> -> memref<64x200xi32, #tpu.memory_space<hbm>>
    tpu.wait_dma2 semaphore(%arg13 : memref<!tpu.dma_semaphore, #tpu.memory_space<semaphore_mem>>) src(%dma_wait3A_420 : memref<64x200xi32, #tpu.memory_space<hbm>>) dst(%arg5 : memref<64x200xi32, #tpu.memory_space<vmem>>)
    %mul3A_421 = arith.constant 512 : i32
    %mul3A_422 = arith.muli %add3A, %mul3A_421 : i32
    %add3A_423 = arith.constant 192 : i32
    %add3A_424 = arith.addi %mul3A_422, %add3A_423 : i32
    %dma_start3A_425 = arith.constant 0 : i32
    %dma_start3A_426 = tpu.memref_slice %arg2[%add3A_424, %dma_start3A_425] : memref<16384x200xi32, #tpu.memory_space<hbm>> -> memref<64x200xi32, #tpu.memory_space<hbm>>
    %dma_start3A_427 = arith.constant 0 : i32
    %dma_start3A_428 = tpu.memref_slice %arg2[%add3A_424, %dma_start3A_427] : memref<16384x200xi32, #tpu.memory_space<hbm>> -> memref<64x200xi32, #tpu.memory_space<hbm>>
    tpu.enqueue_dma source(%dma_start3A_428 : memref<64x200xi32, #tpu.memory_space<hbm>>) target(%arg6 : memref<64x200xi32, #tpu.memory_space<vmem>>) target_semaphore(%arg14 : memref<!tpu.dma_semaphore, #tpu.memory_space<semaphore_mem>>)
    %scan3A_429 = arith.constant 0 : i32
    %scan3A_430 = arith.constant 0 : i32
    %scan3A_431 = arith.constant 4 : i32
    %scan3A_432 = arith.addi %scan3A_430, %scan3A_431 : i32
    %scan3A_433 = arith.constant 1 : i32
    %scan3A_434 = scf.for %scan3A_529 = %scan3A_430 to %scan3A_432 step %scan3A_433 iter_args(%scan3A_530 = %scan3A_429) -> (i32)  : i32 {
      %scan3A_531 = arith.constant 0 : i32
      %scan3A_532 = arith.constant 16 : i32
      %scan3A_533 = arith.addi %scan3A_531, %scan3A_532 : i32
      %scan3A_534 = arith.constant 2 : i32
      %scan3A_535:2 = scf.for %scan3A_548 = %scan3A_531 to %scan3A_533 step %scan3A_534 iter_args(%scan3A_549 = %broadcast_in_dim3A_378, %scan3A_550 = %broadcast_in_dim3A_378) -> (vector<16xf32>, vector<16xf32>)  : i32 {
        %mul3A_551 = arith.constant 16 : i32
        %mul3A_552 = arith.muli %scan3A_529, %mul3A_551 : i32
        %add3A_553 = arith.addi %mul3A_552, %scan3A_548 : i32
        %get3A_554 = arith.index_cast %add3A_553 : i32 to index
        %get3A_555 = arith.constant 0 : index
        %get3A_556 = tpu.vector_load %arg5[%get3A_554, %get3A_555] {strides = array<i32>} : memref<64x200xi32, #tpu.memory_space<vmem>>, vector<16xi32>,
        %get3A_557 = arith.index_cast %add3A_553 : i32 to index
        %get3A_558 = arith.constant 16 : index
        %get3A_559 = tpu.vector_load %arg5[%get3A_557, %get3A_558] {strides = array<i32>} : memref<64x200xi32, #tpu.memory_space<vmem>>, vector<16xi32>,
        %get3A_560 = arith.index_cast %add3A_553 : i32 to index
        %get3A_561 = arith.constant 32 : index
        %get3A_562 = tpu.vector_load %arg5[%get3A_560, %get3A_561] {strides = array<i32>} : memref<64x200xi32, #tpu.memory_space<vmem>>, vector<16xi32>,
        %get3A_563 = arith.index_cast %add3A_553 : i32 to index
        %get3A_564 = arith.constant 48 : index
        %get3A_565 = tpu.vector_load %arg5[%get3A_563, %get3A_564] {strides = array<i32>} : memref<64x200xi32, #tpu.memory_space<vmem>>, vector<16xi32>,
        %get3A_566 = arith.index_cast %add3A_553 : i32 to index
        %get3A_567 = arith.constant 64 : index
        %get3A_568 = tpu.vector_load %arg5[%get3A_566, %get3A_567] {strides = array<i32>} : memref<64x200xi32, #tpu.memory_space<vmem>>, vector<16xi32>,
        %get3A_569 = arith.index_cast %add3A_553 : i32 to index
        %get3A_570 = arith.constant 80 : index
        %get3A_571 = tpu.vector_load %arg5[%get3A_569, %get3A_570] {strides = array<i32>} : memref<64x200xi32, #tpu.memory_space<vmem>>, vector<16xi32>,
        %get3A_572 = arith.index_cast %add3A_553 : i32 to index
        %get3A_573 = arith.constant 96 : index
        %get3A_574 = tpu.vector_load %arg5[%get3A_572, %get3A_573] {strides = array<i32>} : memref<64x200xi32, #tpu.memory_space<vmem>>, vector<16xi32>,
        %get3A_575 = arith.index_cast %add3A_553 : i32 to index
        %get3A_576 = arith.constant 112 : index
        %get3A_577 = tpu.vector_load %arg5[%get3A_575, %get3A_576] {strides = array<i32>} : memref<64x200xi32, #tpu.memory_space<vmem>>, vector<16xi32>,
        %get3A_578 = arith.index_cast %add3A_553 : i32 to index
        %get3A_579 = arith.constant 128 : index
        %get3A_580 = tpu.vector_load %arg5[%get3A_578, %get3A_579] {strides = array<i32>} : memref<64x200xi32, #tpu.memory_space<vmem>>, vector<16xi32>,
        %get3A_581 = arith.index_cast %add3A_553 : i32 to index
        %get3A_582 = arith.constant 144 : index
        %get3A_583 = tpu.vector_load %arg5[%get3A_581, %get3A_582] {strides = array<i32>} : memref<64x200xi32, #tpu.memory_space<vmem>>, vector<16xi32>,
        %get3A_584 = arith.index_cast %add3A_553 : i32 to index
        %get3A_585 = arith.constant 160 : index
        %get3A_586 = tpu.vector_load %arg5[%get3A_584, %get3A_585] {strides = array<i32>} : memref<64x200xi32, #tpu.memory_space<vmem>>, vector<16xi32>,
        %get3A_587 = arith.index_cast %add3A_553 : i32 to index
        %get3A_588 = arith.constant 176 : index
        %get3A_589 = tpu.vector_load %arg5[%get3A_587, %get3A_588] {strides = array<i32>} : memref<64x200xi32, #tpu.memory_space<vmem>>, vector<16xi32>,
        %get3A_590 = arith.index_cast %add3A_553 : i32 to index
        %get3A_591 = arith.constant 184 : index
        %get3A_592 = tpu.vector_load %arg5[%get3A_590, %get3A_591] {strides = array<i32>} : memref<64x200xi32, #tpu.memory_space<vmem>>, vector<16xi32>,
        %mul3A_593 = arith.constant 10 : i32
        %mul3A_594 = vector.broadcast %mul3A_593 : i32 to vector<16xi32>
        %mul3A_595 = arith.muli %get3A_556, %mul3A_594 : vector<16xi32>
        %add3A_596 = arith.addi %mul3A_595, %get3A_559 : vector<16xi32>
        %gather3A = tpu.vector_load_idx %arg8[%add3A_596] : memref<112xf32, #tpu.memory_space<vmem>>[vector<16xi32>], vector<16xf32>,
        %add3A_597 = arith.addf %broadcast_in_dim3A_378, %gather3A : vector<16xf32>
        %gather3A_598 = tpu.vector_load_idx %arg9[%add3A_596] : memref<112xf32, #tpu.memory_space<vmem>>[vector<16xi32>], vector<16xf32>,
        %add3A_599 = arith.addf %broadcast_in_dim3A_378, %gather3A_598 : vector<16xf32>
        %mul3A_600 = arith.constant 10 : i32
        %mul3A_601 = vector.broadcast %mul3A_600 : i32 to vector<16xi32>
        %mul3A_602 = arith.muli %get3A_562, %mul3A_601 : vector<16xi32>
        %add3A_603 = arith.addi %mul3A_602, %get3A_565 : vector<16xi32>
        %gather3A_604 = tpu.vector_load_idx %arg8[%add3A_603] : memref<112xf32, #tpu.memory_space<vmem>>[vector<16xi32>], vector<16xf32>,
        %add3A_605 = arith.addf %add3A_597, %gather3A_604 : vector<16xf32>
        %gather3A_606 = tpu.vector_load_idx %arg9[%add3A_603] : memref<112xf32, #tpu.memory_space<vmem>>[vector<16xi32>], vector<16xf32>,
        %add3A_607 = arith.addf %add3A_599, %gather3A_606 : vector<16xf32>
        %mul3A_608 = arith.constant 10 : i32
        %mul3A_609 = vector.broadcast %mul3A_608 : i32 to vector<16xi32>
        %mul3A_610 = arith.muli %get3A_568, %mul3A_609 : vector<16xi32>
        %add3A_611 = arith.addi %mul3A_610, %get3A_571 : vector<16xi32>
        %gather3A_612 = tpu.vector_load_idx %arg8[%add3A_611] : memref<112xf32, #tpu.memory_space<vmem>>[vector<16xi32>], vector<16xf32>,
        %add3A_613 = arith.addf %add3A_605, %gather3A_612 : vector<16xf32>
        %gather3A_614 = tpu.vector_load_idx %arg9[%add3A_611] : memref<112xf32, #tpu.memory_space<vmem>>[vector<16xi32>], vector<16xf32>,
        %add3A_615 = arith.addf %add3A_607, %gather3A_614 : vector<16xf32>
        %mul3A_616 = arith.constant 10 : i32
        %mul3A_617 = vector.broadcast %mul3A_616 : i32 to vector<16xi32>
        %mul3A_618 = arith.muli %get3A_574, %mul3A_617 : vector<16xi32>
        %add3A_619 = arith.addi %mul3A_618, %get3A_577 : vector<16xi32>
        %gather3A_620 = tpu.vector_load_idx %arg8[%add3A_619] : memref<112xf32, #tpu.memory_space<vmem>>[vector<16xi32>], vector<16xf32>,
        %add3A_621 = arith.addf %add3A_613, %gather3A_620 : vector<16xf32>
        %gather3A_622 = tpu.vector_load_idx %arg9[%add3A_619] : memref<112xf32, #tpu.memory_space<vmem>>[vector<16xi32>], vector<16xf32>,
        %add3A_623 = arith.addf %add3A_615, %gather3A_622 : vector<16xf32>
        %mul3A_624 = arith.constant 10 : i32
        %mul3A_625 = vector.broadcast %mul3A_624 : i32 to vector<16xi32>
        %mul3A_626 = arith.muli %get3A_580, %mul3A_625 : vector<16xi32>
        %add3A_627 = arith.addi %mul3A_626, %get3A_583 : vector<16xi32>
        %gather3A_628 = tpu.vector_load_idx %arg8[%add3A_627] : memref<112xf32, #tpu.memory_space<vmem>>[vector<16xi32>], vector<16xf32>,
        %add3A_629 = arith.addf %add3A_621, %gather3A_628 : vector<16xf32>
        %gather3A_630 = tpu.vector_load_idx %arg9[%add3A_627] : memref<112xf32, #tpu.memory_space<vmem>>[vector<16xi32>], vector<16xf32>,
        %add3A_631 = arith.addf %add3A_623, %gather3A_630 : vector<16xf32>
        %mul3A_632 = arith.constant 10 : i32
        %mul3A_633 = vector.broadcast %mul3A_632 : i32 to vector<16xi32>
        %mul3A_634 = arith.muli %get3A_586, %mul3A_633 : vector<16xi32>
        %add3A_635 = arith.addi %mul3A_634, %get3A_589 : vector<16xi32>
        %gather3A_636 = tpu.vector_load_idx %arg8[%add3A_635] : memref<112xf32, #tpu.memory_space<vmem>>[vector<16xi32>], vector<16xf32>,
        %add3A_637 = arith.addf %add3A_629, %gather3A_636 : vector<16xf32>
        %gather3A_638 = tpu.vector_load_idx %arg9[%add3A_635] : memref<112xf32, #tpu.memory_space<vmem>>[vector<16xi32>], vector<16xf32>,
        %add3A_639 = arith.addf %add3A_631, %gather3A_638 : vector<16xf32>
        %gather3A_640 = tpu.vector_load_idx %arg10[%get3A_592] : memref<16xf32, #tpu.memory_space<vmem>>[vector<16xi32>], vector<16xf32>,
        %jit3A = arith.constant 0.000000e+00 : f32
        %broadcast_in_dim3A_641 = vector.broadcast %jit3A : f32 to vector<16xf32>
        %select_n3A = arith.select %ge3A_380, %gather3A_640, %broadcast_in_dim3A_641 : vector<16xi1>, vector<16xf32>
        %add3A_642 = arith.addf %add3A_637, %select_n3A : vector<16xf32>
        %gather3A_643 = tpu.vector_load_idx %arg11[%get3A_592] : memref<16xf32, #tpu.memory_space<vmem>>[vector<16xi32>], vector<16xf32>,
        %jit3A_644 = arith.constant 0.000000e+00 : f32
        %broadcast_in_dim3A_645 = vector.broadcast %jit3A_644 : f32 to vector<16xf32>
        %select_n3A_646 = arith.select %ge3A_380, %gather3A_643, %broadcast_in_dim3A_645 : vector<16xi1>, vector<16xf32>
        %add3A_647 = arith.addf %add3A_639, %select_n3A_646 : vector<16xf32>
        %reduce_sum3A = arith.constant true
        %reduce_sum3A_648 = vector.broadcast %reduce_sum3A : i1 to vector<16xi1>
        %reduce_sum3A_649 = tpu.scan <sum>, %add3A_642 masked %reduce_sum3A_648 : vector<16xf32>, vector<16xi1> -> vector<16xf32>
        %reduce_sum3A_650 = vector.extract %reduce_sum3A_649[15] : f32 from vector<16xf32>
        %reduce_sum3A_651 = arith.constant true
        %reduce_sum3A_652 = vector.broadcast %reduce_sum3A_651 : i1 to vector<16xi1>
        %reduce_sum3A_653 = tpu.scan <sum>, %add3A_647 masked %reduce_sum3A_652 : vector<16xf32>, vector<16xi1> -> vector<16xf32>
        %reduce_sum3A_654 = vector.extract %reduce_sum3A_653[15] : f32 from vector<16xf32>
        %eq3A = vector.broadcast %scan3A_548 : i32 to vector<16xi32>
        %eq3A_655 = arith.cmpi eq, %iota3A, %eq3A : vector<16xi32>
        %broadcast_in_dim3A_656 = vector.broadcast %reduce_sum3A_650 : f32 to vector<16xf32>
        %select_n3A_657 = arith.select %eq3A_655, %broadcast_in_dim3A_656, %scan3A_549 : vector<16xi1>, vector<16xf32>
        %eq3A_658 = vector.broadcast %scan3A_548 : i32 to vector<16xi32>
        %eq3A_659 = arith.cmpi eq, %iota3A, %eq3A_658 : vector<16xi32>
        %broadcast_in_dim3A_660 = vector.broadcast %reduce_sum3A_654 : f32 to vector<16xf32>
        %select_n3A_661 = arith.select %eq3A_659, %broadcast_in_dim3A_660, %scan3A_550 : vector<16xi1>, vector<16xf32>
        %scan3A_662 = arith.constant 1 : i32
        %scan3A_663 = arith.addi %scan3A_548, %scan3A_662 : i32
        %mul3A_664 = arith.constant 16 : i32
        %mul3A_665 = arith.muli %scan3A_529, %mul3A_664 : i32
        %add3A_666 = arith.addi %mul3A_665, %scan3A_663 : i32
        %get3A_667 = arith.index_cast %add3A_666 : i32 to index
        %get3A_668 = arith.constant 0 : index
        %get3A_669 = tpu.vector_load %arg5[%get3A_667, %get3A_668] {strides = array<i32>} : memref<64x200xi32, #tpu.memory_space<vmem>>, vector<16xi32>,
        %get3A_670 = arith.index_cast %add3A_666 : i32 to index
        %get3A_671 = arith.constant 16 : index
        %get3A_672 = tpu.vector_load %arg5[%get3A_670, %get3A_671] {strides = array<i32>} : memref<64x200xi32, #tpu.memory_space<vmem>>, vector<16xi32>,
        %get3A_673 = arith.index_cast %add3A_666 : i32 to index
        %get3A_674 = arith.constant 32 : index
        %get3A_675 = tpu.vector_load %arg5[%get3A_673, %get3A_674] {strides = array<i32>} : memref<64x200xi32, #tpu.memory_space<vmem>>, vector<16xi32>,
        %get3A_676 = arith.index_cast %add3A_666 : i32 to index
        %get3A_677 = arith.constant 48 : index
        %get3A_678 = tpu.vector_load %arg5[%get3A_676, %get3A_677] {strides = array<i32>} : memref<64x200xi32, #tpu.memory_space<vmem>>, vector<16xi32>,
        %get3A_679 = arith.index_cast %add3A_666 : i32 to index
        %get3A_680 = arith.constant 64 : index
        %get3A_681 = tpu.vector_load %arg5[%get3A_679, %get3A_680] {strides = array<i32>} : memref<64x200xi32, #tpu.memory_space<vmem>>, vector<16xi32>,
        %get3A_682 = arith.index_cast %add3A_666 : i32 to index
        %get3A_683 = arith.constant 80 : index
        %get3A_684 = tpu.vector_load %arg5[%get3A_682, %get3A_683] {strides = array<i32>} : memref<64x200xi32, #tpu.memory_space<vmem>>, vector<16xi32>,
        %get3A_685 = arith.index_cast %add3A_666 : i32 to index
        %get3A_686 = arith.constant 96 : index
        %get3A_687 = tpu.vector_load %arg5[%get3A_685, %get3A_686] {strides = array<i32>} : memref<64x200xi32, #tpu.memory_space<vmem>>, vector<16xi32>,
        %get3A_688 = arith.index_cast %add3A_666 : i32 to index
        %get3A_689 = arith.constant 112 : index
        %get3A_690 = tpu.vector_load %arg5[%get3A_688, %get3A_689] {strides = array<i32>} : memref<64x200xi32, #tpu.memory_space<vmem>>, vector<16xi32>,
        %get3A_691 = arith.index_cast %add3A_666 : i32 to index
        %get3A_692 = arith.constant 128 : index
        %get3A_693 = tpu.vector_load %arg5[%get3A_691, %get3A_692] {strides = array<i32>} : memref<64x200xi32, #tpu.memory_space<vmem>>, vector<16xi32>,
        %get3A_694 = arith.index_cast %add3A_666 : i32 to index
        %get3A_695 = arith.constant 144 : index
        %get3A_696 = tpu.vector_load %arg5[%get3A_694, %get3A_695] {strides = array<i32>} : memref<64x200xi32, #tpu.memory_space<vmem>>, vector<16xi32>,
        %get3A_697 = arith.index_cast %add3A_666 : i32 to index
        %get3A_698 = arith.constant 160 : index
        %get3A_699 = tpu.vector_load %arg5[%get3A_697, %get3A_698] {strides = array<i32>} : memref<64x200xi32, #tpu.memory_space<vmem>>, vector<16xi32>,
        %get3A_700 = arith.index_cast %add3A_666 : i32 to index
        %get3A_701 = arith.constant 176 : index
        %get3A_702 = tpu.vector_load %arg5[%get3A_700, %get3A_701] {strides = array<i32>} : memref<64x200xi32, #tpu.memory_space<vmem>>, vector<16xi32>,
        %get3A_703 = arith.index_cast %add3A_666 : i32 to index
        %get3A_704 = arith.constant 184 : index
        %get3A_705 = tpu.vector_load %arg5[%get3A_703, %get3A_704] {strides = array<i32>} : memref<64x200xi32, #tpu.memory_space<vmem>>, vector<16xi32>,
        %mul3A_706 = arith.constant 10 : i32
        %mul3A_707 = vector.broadcast %mul3A_706 : i32 to vector<16xi32>
        %mul3A_708 = arith.muli %get3A_669, %mul3A_707 : vector<16xi32>
        %add3A_709 = arith.addi %mul3A_708, %get3A_672 : vector<16xi32>
        %gather3A_710 = tpu.vector_load_idx %arg8[%add3A_709] : memref<112xf32, #tpu.memory_space<vmem>>[vector<16xi32>], vector<16xf32>,
        %add3A_711 = arith.addf %broadcast_in_dim3A_378, %gather3A_710 : vector<16xf32>
        %gather3A_712 = tpu.vector_load_idx %arg9[%add3A_709] : memref<112xf32, #tpu.memory_space<vmem>>[vector<16xi32>], vector<16xf32>,
        %add3A_713 = arith.addf %broadcast_in_dim3A_378, %gather3A_712 : vector<16xf32>
        %mul3A_714 = arith.constant 10 : i32
        %mul3A_715 = vector.broadcast %mul3A_714 : i32 to vector<16xi32>
        %mul3A_716 = arith.muli %get3A_675, %mul3A_715 : vector<16xi32>
        %add3A_717 = arith.addi %mul3A_716, %get3A_678 : vector<16xi32>
        %gather3A_718 = tpu.vector_load_idx %arg8[%add3A_717] : memref<112xf32, #tpu.memory_space<vmem>>[vector<16xi32>], vector<16xf32>,
        %add3A_719 = arith.addf %add3A_711, %gather3A_718 : vector<16xf32>
        %gather3A_720 = tpu.vector_load_idx %arg9[%add3A_717] : memref<112xf32, #tpu.memory_space<vmem>>[vector<16xi32>], vector<16xf32>,
        %add3A_721 = arith.addf %add3A_713, %gather3A_720 : vector<16xf32>
        %mul3A_722 = arith.constant 10 : i32
        %mul3A_723 = vector.broadcast %mul3A_722 : i32 to vector<16xi32>
        %mul3A_724 = arith.muli %get3A_681, %mul3A_723 : vector<16xi32>
        %add3A_725 = arith.addi %mul3A_724, %get3A_684 : vector<16xi32>
        %gather3A_726 = tpu.vector_load_idx %arg8[%add3A_725] : memref<112xf32, #tpu.memory_space<vmem>>[vector<16xi32>], vector<16xf32>,
        %add3A_727 = arith.addf %add3A_719, %gather3A_726 : vector<16xf32>
        %gather3A_728 = tpu.vector_load_idx %arg9[%add3A_725] : memref<112xf32, #tpu.memory_space<vmem>>[vector<16xi32>], vector<16xf32>,
        %add3A_729 = arith.addf %add3A_721, %gather3A_728 : vector<16xf32>
        %mul3A_730 = arith.constant 10 : i32
        %mul3A_731 = vector.broadcast %mul3A_730 : i32 to vector<16xi32>
        %mul3A_732 = arith.muli %get3A_687, %mul3A_731 : vector<16xi32>
        %add3A_733 = arith.addi %mul3A_732, %get3A_690 : vector<16xi32>
        %gather3A_734 = tpu.vector_load_idx %arg8[%add3A_733] : memref<112xf32, #tpu.memory_space<vmem>>[vector<16xi32>], vector<16xf32>,
        %add3A_735 = arith.addf %add3A_727, %gather3A_734 : vector<16xf32>
        %gather3A_736 = tpu.vector_load_idx %arg9[%add3A_733] : memref<112xf32, #tpu.memory_space<vmem>>[vector<16xi32>], vector<16xf32>,
        %add3A_737 = arith.addf %add3A_729, %gather3A_736 : vector<16xf32>
        %mul3A_738 = arith.constant 10 : i32
        %mul3A_739 = vector.broadcast %mul3A_738 : i32 to vector<16xi32>
        %mul3A_740 = arith.muli %get3A_693, %mul3A_739 : vector<16xi32>
        %add3A_741 = arith.addi %mul3A_740, %get3A_696 : vector<16xi32>
        %gather3A_742 = tpu.vector_load_idx %arg8[%add3A_741] : memref<112xf32, #tpu.memory_space<vmem>>[vector<16xi32>], vector<16xf32>,
        %add3A_743 = arith.addf %add3A_735, %gather3A_742 : vector<16xf32>
        %gather3A_744 = tpu.vector_load_idx %arg9[%add3A_741] : memref<112xf32, #tpu.memory_space<vmem>>[vector<16xi32>], vector<16xf32>,
        %add3A_745 = arith.addf %add3A_737, %gather3A_744 : vector<16xf32>
        %mul3A_746 = arith.constant 10 : i32
        %mul3A_747 = vector.broadcast %mul3A_746 : i32 to vector<16xi32>
        %mul3A_748 = arith.muli %get3A_699, %mul3A_747 : vector<16xi32>
        %add3A_749 = arith.addi %mul3A_748, %get3A_702 : vector<16xi32>
        %gather3A_750 = tpu.vector_load_idx %arg8[%add3A_749] : memref<112xf32, #tpu.memory_space<vmem>>[vector<16xi32>], vector<16xf32>,
        %add3A_751 = arith.addf %add3A_743, %gather3A_750 : vector<16xf32>
        %gather3A_752 = tpu.vector_load_idx %arg9[%add3A_749] : memref<112xf32, #tpu.memory_space<vmem>>[vector<16xi32>], vector<16xf32>,
        %add3A_753 = arith.addf %add3A_745, %gather3A_752 : vector<16xf32>
        %gather3A_754 = tpu.vector_load_idx %arg10[%get3A_705] : memref<16xf32, #tpu.memory_space<vmem>>[vector<16xi32>], vector<16xf32>,
        %jit3A_755 = arith.constant 0.000000e+00 : f32
        %broadcast_in_dim3A_756 = vector.broadcast %jit3A_755 : f32 to vector<16xf32>
        %select_n3A_757 = arith.select %ge3A_380, %gather3A_754, %broadcast_in_dim3A_756 : vector<16xi1>, vector<16xf32>
        %add3A_758 = arith.addf %add3A_751, %select_n3A_757 : vector<16xf32>
        %gather3A_759 = tpu.vector_load_idx %arg11[%get3A_705] : memref<16xf32, #tpu.memory_space<vmem>>[vector<16xi32>], vector<16xf32>,
        %jit3A_760 = arith.constant 0.000000e+00 : f32
        %broadcast_in_dim3A_761 = vector.broadcast %jit3A_760 : f32 to vector<16xf32>
        %select_n3A_762 = arith.select %ge3A_380, %gather3A_759, %broadcast_in_dim3A_761 : vector<16xi1>, vector<16xf32>
        %add3A_763 = arith.addf %add3A_753, %select_n3A_762 : vector<16xf32>
        %reduce_sum3A_764 = arith.constant true
        %reduce_sum3A_765 = vector.broadcast %reduce_sum3A_764 : i1 to vector<16xi1>
        %reduce_sum3A_766 = tpu.scan <sum>, %add3A_758 masked %reduce_sum3A_765 : vector<16xf32>, vector<16xi1> -> vector<16xf32>
        %reduce_sum3A_767 = vector.extract %reduce_sum3A_766[15] : f32 from vector<16xf32>
        %reduce_sum3A_768 = arith.constant true
        %reduce_sum3A_769 = vector.broadcast %reduce_sum3A_768 : i1 to vector<16xi1>
        %reduce_sum3A_770 = tpu.scan <sum>, %add3A_763 masked %reduce_sum3A_769 : vector<16xf32>, vector<16xi1> -> vector<16xf32>
        %reduce_sum3A_771 = vector.extract %reduce_sum3A_770[15] : f32 from vector<16xf32>
        %eq3A_772 = vector.broadcast %scan3A_663 : i32 to vector<16xi32>
        %eq3A_773 = arith.cmpi eq, %iota3A, %eq3A_772 : vector<16xi32>
        %broadcast_in_dim3A_774 = vector.broadcast %reduce_sum3A_767 : f32 to vector<16xf32>
        %select_n3A_775 = arith.select %eq3A_773, %broadcast_in_dim3A_774, %select_n3A_657 : vector<16xi1>, vector<16xf32>
        %eq3A_776 = vector.broadcast %scan3A_663 : i32 to vector<16xi32>
        %eq3A_777 = arith.cmpi eq, %iota3A, %eq3A_776 : vector<16xi32>
        %broadcast_in_dim3A_778 = vector.broadcast %reduce_sum3A_771 : f32 to vector<16xf32>
        %select_n3A_779 = arith.select %eq3A_777, %broadcast_in_dim3A_778, %select_n3A_661 : vector<16xi1>, vector<16xf32>
        scf.yield %select_n3A_775, %select_n3A_779 : vector<16xf32>, vector<16xf32>
      }
      %scan3A_536 = arith.constant 16 : i32
      %mul3A_537 = arith.constant 16 : i32
      %mul3A_538 = arith.muli %scan3A_529, %mul3A_537 : i32
      %add3A_539 = arith.constant 128 : i32
      %add3A_540 = arith.addi %add3A_539, %mul3A_538 : i32
      %swap3A_541 = arith.index_cast %add3A_540 : i32 to index
      %swap3A_542 = tpu.vector_load %arg12[%swap3A_541] {strides = array<i32>} : memref<1024xf32, #tpu.memory_space<vmem>>, vector<16xf32>,
      tpu.vector_store %arg12[%swap3A_541], %scan3A_535#0 {strides = array<i32>} : memref<1024xf32, #tpu.memory_space<vmem>>, vector<16xf32>,
      %add3A_543 = arith.constant 512 : i32
      %add3A_544 = arith.addi %add3A_543, %add3A_540 : i32
      %swap3A_545 = arith.index_cast %add3A_544 : i32 to index
      %swap3A_546 = tpu.vector_load %arg12[%swap3A_545] {strides = array<i32>} : memref<1024xf32, #tpu.memory_space<vmem>>, vector<16xf32>,
      tpu.vector_store %arg12[%swap3A_545], %scan3A_535#1 {strides = array<i32>} : memref<1024xf32, #tpu.memory_space<vmem>>, vector<16xf32>,
      %scan3A_547 = arith.constant 0 : i32
      scf.yield %scan3A_547 : i32
    }
    %scan3A_435 = arith.constant 4 : i32
    %dma_wait3A_436 = arith.constant 0 : i32
    %dma_wait3A_437 = tpu.memref_slice %arg2[%add3A_424, %dma_wait3A_436] : memref<16384x200xi32, #tpu.memory_space<hbm>> -> memref<64x200xi32, #tpu.memory_space<hbm>>
    %dma_wait3A_438 = arith.constant 0 : i32
    %dma_wait3A_439 = tpu.memref_slice %arg2[%add3A_424, %dma_wait3A_438] : memref<16384x200xi32, #tpu.memory_space<hbm>> -> memref<64x200xi32, #tpu.memory_space<hbm>>
    tpu.wait_dma2 semaphore(%arg14 : memref<!tpu.dma_semaphore, #tpu.memory_space<semaphore_mem>>) src(%dma_wait3A_439 : memref<64x200xi32, #tpu.memory_space<hbm>>) dst(%arg6 : memref<64x200xi32, #tpu.memory_space<vmem>>)
    %mul3A_440 = arith.constant 512 : i32
    %mul3A_441 = arith.muli %add3A, %mul3A_440 : i32
    %add3A_442 = arith.constant 256 : i32
    %add3A_443 = arith.addi %mul3A_441, %add3A_442 : i32
    %dma_start3A_444 = arith.constant 0 : i32
    %dma_start3A_445 = tpu.memref_slice %arg2[%add3A_443, %dma_start3A_444] : memref<16384x200xi32, #tpu.memory_space<hbm>> -> memref<64x200xi32, #tpu.memory_space<hbm>>
    %dma_start3A_446 = arith.constant 0 : i32
    %dma_start3A_447 = tpu.memref_slice %arg2[%add3A_443, %dma_start3A_446] : memref<16384x200xi32, #tpu.memory_space<hbm>> -> memref<64x200xi32, #tpu.memory_space<hbm>>
    tpu.enqueue_dma source(%dma_start3A_447 : memref<64x200xi32, #tpu.memory_space<hbm>>) target(%arg5 : memref<64x200xi32, #tpu.memory_space<vmem>>) target_semaphore(%arg13 : memref<!tpu.dma_semaphore, #tpu.memory_space<semaphore_mem>>)
    %scan3A_448 = arith.constant 0 : i32
    %scan3A_449 = arith.constant 0 : i32
    %scan3A_450 = arith.constant 4 : i32
    %scan3A_451 = arith.addi %scan3A_449, %scan3A_450 : i32
    %scan3A_452 = arith.constant 1 : i32
    %scan3A_453 = scf.for %scan3A_529 = %scan3A_449 to %scan3A_451 step %scan3A_452 iter_args(%scan3A_530 = %scan3A_448) -> (i32)  : i32 {
      %scan3A_531 = arith.constant 0 : i32
      %scan3A_532 = arith.constant 16 : i32
      %scan3A_533 = arith.addi %scan3A_531, %scan3A_532 : i32
      %scan3A_534 = arith.constant 2 : i32
      %scan3A_535:2 = scf.for %scan3A_548 = %scan3A_531 to %scan3A_533 step %scan3A_534 iter_args(%scan3A_549 = %broadcast_in_dim3A_378, %scan3A_550 = %broadcast_in_dim3A_378) -> (vector<16xf32>, vector<16xf32>)  : i32 {
        %mul3A_551 = arith.constant 16 : i32
        %mul3A_552 = arith.muli %scan3A_529, %mul3A_551 : i32
        %add3A_553 = arith.addi %mul3A_552, %scan3A_548 : i32
        %get3A_554 = arith.index_cast %add3A_553 : i32 to index
        %get3A_555 = arith.constant 0 : index
        %get3A_556 = tpu.vector_load %arg6[%get3A_554, %get3A_555] {strides = array<i32>} : memref<64x200xi32, #tpu.memory_space<vmem>>, vector<16xi32>,
        %get3A_557 = arith.index_cast %add3A_553 : i32 to index
        %get3A_558 = arith.constant 16 : index
        %get3A_559 = tpu.vector_load %arg6[%get3A_557, %get3A_558] {strides = array<i32>} : memref<64x200xi32, #tpu.memory_space<vmem>>, vector<16xi32>,
        %get3A_560 = arith.index_cast %add3A_553 : i32 to index
        %get3A_561 = arith.constant 32 : index
        %get3A_562 = tpu.vector_load %arg6[%get3A_560, %get3A_561] {strides = array<i32>} : memref<64x200xi32, #tpu.memory_space<vmem>>, vector<16xi32>,
        %get3A_563 = arith.index_cast %add3A_553 : i32 to index
        %get3A_564 = arith.constant 48 : index
        %get3A_565 = tpu.vector_load %arg6[%get3A_563, %get3A_564] {strides = array<i32>} : memref<64x200xi32, #tpu.memory_space<vmem>>, vector<16xi32>,
        %get3A_566 = arith.index_cast %add3A_553 : i32 to index
        %get3A_567 = arith.constant 64 : index
        %get3A_568 = tpu.vector_load %arg6[%get3A_566, %get3A_567] {strides = array<i32>} : memref<64x200xi32, #tpu.memory_space<vmem>>, vector<16xi32>,
        %get3A_569 = arith.index_cast %add3A_553 : i32 to index
        %get3A_570 = arith.constant 80 : index
        %get3A_571 = tpu.vector_load %arg6[%get3A_569, %get3A_570] {strides = array<i32>} : memref<64x200xi32, #tpu.memory_space<vmem>>, vector<16xi32>,
        %get3A_572 = arith.index_cast %add3A_553 : i32 to index
        %get3A_573 = arith.constant 96 : index
        %get3A_574 = tpu.vector_load %arg6[%get3A_572, %get3A_573] {strides = array<i32>} : memref<64x200xi32, #tpu.memory_space<vmem>>, vector<16xi32>,
        %get3A_575 = arith.index_cast %add3A_553 : i32 to index
        %get3A_576 = arith.constant 112 : index
        %get3A_577 = tpu.vector_load %arg6[%get3A_575, %get3A_576] {strides = array<i32>} : memref<64x200xi32, #tpu.memory_space<vmem>>, vector<16xi32>,
        %get3A_578 = arith.index_cast %add3A_553 : i32 to index
        %get3A_579 = arith.constant 128 : index
        %get3A_580 = tpu.vector_load %arg6[%get3A_578, %get3A_579] {strides = array<i32>} : memref<64x200xi32, #tpu.memory_space<vmem>>, vector<16xi32>,
        %get3A_581 = arith.index_cast %add3A_553 : i32 to index
        %get3A_582 = arith.constant 144 : index
        %get3A_583 = tpu.vector_load %arg6[%get3A_581, %get3A_582] {strides = array<i32>} : memref<64x200xi32, #tpu.memory_space<vmem>>, vector<16xi32>,
        %get3A_584 = arith.index_cast %add3A_553 : i32 to index
        %get3A_585 = arith.constant 160 : index
        %get3A_586 = tpu.vector_load %arg6[%get3A_584, %get3A_585] {strides = array<i32>} : memref<64x200xi32, #tpu.memory_space<vmem>>, vector<16xi32>,
        %get3A_587 = arith.index_cast %add3A_553 : i32 to index
        %get3A_588 = arith.constant 176 : index
        %get3A_589 = tpu.vector_load %arg6[%get3A_587, %get3A_588] {strides = array<i32>} : memref<64x200xi32, #tpu.memory_space<vmem>>, vector<16xi32>,
        %get3A_590 = arith.index_cast %add3A_553 : i32 to index
        %get3A_591 = arith.constant 184 : index
        %get3A_592 = tpu.vector_load %arg6[%get3A_590, %get3A_591] {strides = array<i32>} : memref<64x200xi32, #tpu.memory_space<vmem>>, vector<16xi32>,
        %mul3A_593 = arith.constant 10 : i32
        %mul3A_594 = vector.broadcast %mul3A_593 : i32 to vector<16xi32>
        %mul3A_595 = arith.muli %get3A_556, %mul3A_594 : vector<16xi32>
        %add3A_596 = arith.addi %mul3A_595, %get3A_559 : vector<16xi32>
        %gather3A = tpu.vector_load_idx %arg8[%add3A_596] : memref<112xf32, #tpu.memory_space<vmem>>[vector<16xi32>], vector<16xf32>,
        %add3A_597 = arith.addf %broadcast_in_dim3A_378, %gather3A : vector<16xf32>
        %gather3A_598 = tpu.vector_load_idx %arg9[%add3A_596] : memref<112xf32, #tpu.memory_space<vmem>>[vector<16xi32>], vector<16xf32>,
        %add3A_599 = arith.addf %broadcast_in_dim3A_378, %gather3A_598 : vector<16xf32>
        %mul3A_600 = arith.constant 10 : i32
        %mul3A_601 = vector.broadcast %mul3A_600 : i32 to vector<16xi32>
        %mul3A_602 = arith.muli %get3A_562, %mul3A_601 : vector<16xi32>
        %add3A_603 = arith.addi %mul3A_602, %get3A_565 : vector<16xi32>
        %gather3A_604 = tpu.vector_load_idx %arg8[%add3A_603] : memref<112xf32, #tpu.memory_space<vmem>>[vector<16xi32>], vector<16xf32>,
        %add3A_605 = arith.addf %add3A_597, %gather3A_604 : vector<16xf32>
        %gather3A_606 = tpu.vector_load_idx %arg9[%add3A_603] : memref<112xf32, #tpu.memory_space<vmem>>[vector<16xi32>], vector<16xf32>,
        %add3A_607 = arith.addf %add3A_599, %gather3A_606 : vector<16xf32>
        %mul3A_608 = arith.constant 10 : i32
        %mul3A_609 = vector.broadcast %mul3A_608 : i32 to vector<16xi32>
        %mul3A_610 = arith.muli %get3A_568, %mul3A_609 : vector<16xi32>
        %add3A_611 = arith.addi %mul3A_610, %get3A_571 : vector<16xi32>
        %gather3A_612 = tpu.vector_load_idx %arg8[%add3A_611] : memref<112xf32, #tpu.memory_space<vmem>>[vector<16xi32>], vector<16xf32>,
        %add3A_613 = arith.addf %add3A_605, %gather3A_612 : vector<16xf32>
        %gather3A_614 = tpu.vector_load_idx %arg9[%add3A_611] : memref<112xf32, #tpu.memory_space<vmem>>[vector<16xi32>], vector<16xf32>,
        %add3A_615 = arith.addf %add3A_607, %gather3A_614 : vector<16xf32>
        %mul3A_616 = arith.constant 10 : i32
        %mul3A_617 = vector.broadcast %mul3A_616 : i32 to vector<16xi32>
        %mul3A_618 = arith.muli %get3A_574, %mul3A_617 : vector<16xi32>
        %add3A_619 = arith.addi %mul3A_618, %get3A_577 : vector<16xi32>
        %gather3A_620 = tpu.vector_load_idx %arg8[%add3A_619] : memref<112xf32, #tpu.memory_space<vmem>>[vector<16xi32>], vector<16xf32>,
        %add3A_621 = arith.addf %add3A_613, %gather3A_620 : vector<16xf32>
        %gather3A_622 = tpu.vector_load_idx %arg9[%add3A_619] : memref<112xf32, #tpu.memory_space<vmem>>[vector<16xi32>], vector<16xf32>,
        %add3A_623 = arith.addf %add3A_615, %gather3A_622 : vector<16xf32>
        %mul3A_624 = arith.constant 10 : i32
        %mul3A_625 = vector.broadcast %mul3A_624 : i32 to vector<16xi32>
        %mul3A_626 = arith.muli %get3A_580, %mul3A_625 : vector<16xi32>
        %add3A_627 = arith.addi %mul3A_626, %get3A_583 : vector<16xi32>
        %gather3A_628 = tpu.vector_load_idx %arg8[%add3A_627] : memref<112xf32, #tpu.memory_space<vmem>>[vector<16xi32>], vector<16xf32>,
        %add3A_629 = arith.addf %add3A_621, %gather3A_628 : vector<16xf32>
        %gather3A_630 = tpu.vector_load_idx %arg9[%add3A_627] : memref<112xf32, #tpu.memory_space<vmem>>[vector<16xi32>], vector<16xf32>,
        %add3A_631 = arith.addf %add3A_623, %gather3A_630 : vector<16xf32>
        %mul3A_632 = arith.constant 10 : i32
        %mul3A_633 = vector.broadcast %mul3A_632 : i32 to vector<16xi32>
        %mul3A_634 = arith.muli %get3A_586, %mul3A_633 : vector<16xi32>
        %add3A_635 = arith.addi %mul3A_634, %get3A_589 : vector<16xi32>
        %gather3A_636 = tpu.vector_load_idx %arg8[%add3A_635] : memref<112xf32, #tpu.memory_space<vmem>>[vector<16xi32>], vector<16xf32>,
        %add3A_637 = arith.addf %add3A_629, %gather3A_636 : vector<16xf32>
        %gather3A_638 = tpu.vector_load_idx %arg9[%add3A_635] : memref<112xf32, #tpu.memory_space<vmem>>[vector<16xi32>], vector<16xf32>,
        %add3A_639 = arith.addf %add3A_631, %gather3A_638 : vector<16xf32>
        %gather3A_640 = tpu.vector_load_idx %arg10[%get3A_592] : memref<16xf32, #tpu.memory_space<vmem>>[vector<16xi32>], vector<16xf32>,
        %jit3A = arith.constant 0.000000e+00 : f32
        %broadcast_in_dim3A_641 = vector.broadcast %jit3A : f32 to vector<16xf32>
        %select_n3A = arith.select %ge3A_380, %gather3A_640, %broadcast_in_dim3A_641 : vector<16xi1>, vector<16xf32>
        %add3A_642 = arith.addf %add3A_637, %select_n3A : vector<16xf32>
        %gather3A_643 = tpu.vector_load_idx %arg11[%get3A_592] : memref<16xf32, #tpu.memory_space<vmem>>[vector<16xi32>], vector<16xf32>,
        %jit3A_644 = arith.constant 0.000000e+00 : f32
        %broadcast_in_dim3A_645 = vector.broadcast %jit3A_644 : f32 to vector<16xf32>
        %select_n3A_646 = arith.select %ge3A_380, %gather3A_643, %broadcast_in_dim3A_645 : vector<16xi1>, vector<16xf32>
        %add3A_647 = arith.addf %add3A_639, %select_n3A_646 : vector<16xf32>
        %reduce_sum3A = arith.constant true
        %reduce_sum3A_648 = vector.broadcast %reduce_sum3A : i1 to vector<16xi1>
        %reduce_sum3A_649 = tpu.scan <sum>, %add3A_642 masked %reduce_sum3A_648 : vector<16xf32>, vector<16xi1> -> vector<16xf32>
        %reduce_sum3A_650 = vector.extract %reduce_sum3A_649[15] : f32 from vector<16xf32>
        %reduce_sum3A_651 = arith.constant true
        %reduce_sum3A_652 = vector.broadcast %reduce_sum3A_651 : i1 to vector<16xi1>
        %reduce_sum3A_653 = tpu.scan <sum>, %add3A_647 masked %reduce_sum3A_652 : vector<16xf32>, vector<16xi1> -> vector<16xf32>
        %reduce_sum3A_654 = vector.extract %reduce_sum3A_653[15] : f32 from vector<16xf32>
        %eq3A = vector.broadcast %scan3A_548 : i32 to vector<16xi32>
        %eq3A_655 = arith.cmpi eq, %iota3A, %eq3A : vector<16xi32>
        %broadcast_in_dim3A_656 = vector.broadcast %reduce_sum3A_650 : f32 to vector<16xf32>
        %select_n3A_657 = arith.select %eq3A_655, %broadcast_in_dim3A_656, %scan3A_549 : vector<16xi1>, vector<16xf32>
        %eq3A_658 = vector.broadcast %scan3A_548 : i32 to vector<16xi32>
        %eq3A_659 = arith.cmpi eq, %iota3A, %eq3A_658 : vector<16xi32>
        %broadcast_in_dim3A_660 = vector.broadcast %reduce_sum3A_654 : f32 to vector<16xf32>
        %select_n3A_661 = arith.select %eq3A_659, %broadcast_in_dim3A_660, %scan3A_550 : vector<16xi1>, vector<16xf32>
        %scan3A_662 = arith.constant 1 : i32
        %scan3A_663 = arith.addi %scan3A_548, %scan3A_662 : i32
        %mul3A_664 = arith.constant 16 : i32
        %mul3A_665 = arith.muli %scan3A_529, %mul3A_664 : i32
        %add3A_666 = arith.addi %mul3A_665, %scan3A_663 : i32
        %get3A_667 = arith.index_cast %add3A_666 : i32 to index
        %get3A_668 = arith.constant 0 : index
        %get3A_669 = tpu.vector_load %arg6[%get3A_667, %get3A_668] {strides = array<i32>} : memref<64x200xi32, #tpu.memory_space<vmem>>, vector<16xi32>,
        %get3A_670 = arith.index_cast %add3A_666 : i32 to index
        %get3A_671 = arith.constant 16 : index
        %get3A_672 = tpu.vector_load %arg6[%get3A_670, %get3A_671] {strides = array<i32>} : memref<64x200xi32, #tpu.memory_space<vmem>>, vector<16xi32>,
        %get3A_673 = arith.index_cast %add3A_666 : i32 to index
        %get3A_674 = arith.constant 32 : index
        %get3A_675 = tpu.vector_load %arg6[%get3A_673, %get3A_674] {strides = array<i32>} : memref<64x200xi32, #tpu.memory_space<vmem>>, vector<16xi32>,
        %get3A_676 = arith.index_cast %add3A_666 : i32 to index
        %get3A_677 = arith.constant 48 : index
        %get3A_678 = tpu.vector_load %arg6[%get3A_676, %get3A_677] {strides = array<i32>} : memref<64x200xi32, #tpu.memory_space<vmem>>, vector<16xi32>,
        %get3A_679 = arith.index_cast %add3A_666 : i32 to index
        %get3A_680 = arith.constant 64 : index
        %get3A_681 = tpu.vector_load %arg6[%get3A_679, %get3A_680] {strides = array<i32>} : memref<64x200xi32, #tpu.memory_space<vmem>>, vector<16xi32>,
        %get3A_682 = arith.index_cast %add3A_666 : i32 to index
        %get3A_683 = arith.constant 80 : index
        %get3A_684 = tpu.vector_load %arg6[%get3A_682, %get3A_683] {strides = array<i32>} : memref<64x200xi32, #tpu.memory_space<vmem>>, vector<16xi32>,
        %get3A_685 = arith.index_cast %add3A_666 : i32 to index
        %get3A_686 = arith.constant 96 : index
        %get3A_687 = tpu.vector_load %arg6[%get3A_685, %get3A_686] {strides = array<i32>} : memref<64x200xi32, #tpu.memory_space<vmem>>, vector<16xi32>,
        %get3A_688 = arith.index_cast %add3A_666 : i32 to index
        %get3A_689 = arith.constant 112 : index
        %get3A_690 = tpu.vector_load %arg6[%get3A_688, %get3A_689] {strides = array<i32>} : memref<64x200xi32, #tpu.memory_space<vmem>>, vector<16xi32>,
        %get3A_691 = arith.index_cast %add3A_666 : i32 to index
        %get3A_692 = arith.constant 128 : index
        %get3A_693 = tpu.vector_load %arg6[%get3A_691, %get3A_692] {strides = array<i32>} : memref<64x200xi32, #tpu.memory_space<vmem>>, vector<16xi32>,
        %get3A_694 = arith.index_cast %add3A_666 : i32 to index
        %get3A_695 = arith.constant 144 : index
        %get3A_696 = tpu.vector_load %arg6[%get3A_694, %get3A_695] {strides = array<i32>} : memref<64x200xi32, #tpu.memory_space<vmem>>, vector<16xi32>,
        %get3A_697 = arith.index_cast %add3A_666 : i32 to index
        %get3A_698 = arith.constant 160 : index
        %get3A_699 = tpu.vector_load %arg6[%get3A_697, %get3A_698] {strides = array<i32>} : memref<64x200xi32, #tpu.memory_space<vmem>>, vector<16xi32>,
        %get3A_700 = arith.index_cast %add3A_666 : i32 to index
        %get3A_701 = arith.constant 176 : index
        %get3A_702 = tpu.vector_load %arg6[%get3A_700, %get3A_701] {strides = array<i32>} : memref<64x200xi32, #tpu.memory_space<vmem>>, vector<16xi32>,
        %get3A_703 = arith.index_cast %add3A_666 : i32 to index
        %get3A_704 = arith.constant 184 : index
        %get3A_705 = tpu.vector_load %arg6[%get3A_703, %get3A_704] {strides = array<i32>} : memref<64x200xi32, #tpu.memory_space<vmem>>, vector<16xi32>,
        %mul3A_706 = arith.constant 10 : i32
        %mul3A_707 = vector.broadcast %mul3A_706 : i32 to vector<16xi32>
        %mul3A_708 = arith.muli %get3A_669, %mul3A_707 : vector<16xi32>
        %add3A_709 = arith.addi %mul3A_708, %get3A_672 : vector<16xi32>
        %gather3A_710 = tpu.vector_load_idx %arg8[%add3A_709] : memref<112xf32, #tpu.memory_space<vmem>>[vector<16xi32>], vector<16xf32>,
        %add3A_711 = arith.addf %broadcast_in_dim3A_378, %gather3A_710 : vector<16xf32>
        %gather3A_712 = tpu.vector_load_idx %arg9[%add3A_709] : memref<112xf32, #tpu.memory_space<vmem>>[vector<16xi32>], vector<16xf32>,
        %add3A_713 = arith.addf %broadcast_in_dim3A_378, %gather3A_712 : vector<16xf32>
        %mul3A_714 = arith.constant 10 : i32
        %mul3A_715 = vector.broadcast %mul3A_714 : i32 to vector<16xi32>
        %mul3A_716 = arith.muli %get3A_675, %mul3A_715 : vector<16xi32>
        %add3A_717 = arith.addi %mul3A_716, %get3A_678 : vector<16xi32>
        %gather3A_718 = tpu.vector_load_idx %arg8[%add3A_717] : memref<112xf32, #tpu.memory_space<vmem>>[vector<16xi32>], vector<16xf32>,
        %add3A_719 = arith.addf %add3A_711, %gather3A_718 : vector<16xf32>
        %gather3A_720 = tpu.vector_load_idx %arg9[%add3A_717] : memref<112xf32, #tpu.memory_space<vmem>>[vector<16xi32>], vector<16xf32>,
        %add3A_721 = arith.addf %add3A_713, %gather3A_720 : vector<16xf32>
        %mul3A_722 = arith.constant 10 : i32
        %mul3A_723 = vector.broadcast %mul3A_722 : i32 to vector<16xi32>
        %mul3A_724 = arith.muli %get3A_681, %mul3A_723 : vector<16xi32>
        %add3A_725 = arith.addi %mul3A_724, %get3A_684 : vector<16xi32>
        %gather3A_726 = tpu.vector_load_idx %arg8[%add3A_725] : memref<112xf32, #tpu.memory_space<vmem>>[vector<16xi32>], vector<16xf32>,
        %add3A_727 = arith.addf %add3A_719, %gather3A_726 : vector<16xf32>
        %gather3A_728 = tpu.vector_load_idx %arg9[%add3A_725] : memref<112xf32, #tpu.memory_space<vmem>>[vector<16xi32>], vector<16xf32>,
        %add3A_729 = arith.addf %add3A_721, %gather3A_728 : vector<16xf32>
        %mul3A_730 = arith.constant 10 : i32
        %mul3A_731 = vector.broadcast %mul3A_730 : i32 to vector<16xi32>
        %mul3A_732 = arith.muli %get3A_687, %mul3A_731 : vector<16xi32>
        %add3A_733 = arith.addi %mul3A_732, %get3A_690 : vector<16xi32>
        %gather3A_734 = tpu.vector_load_idx %arg8[%add3A_733] : memref<112xf32, #tpu.memory_space<vmem>>[vector<16xi32>], vector<16xf32>,
        %add3A_735 = arith.addf %add3A_727, %gather3A_734 : vector<16xf32>
        %gather3A_736 = tpu.vector_load_idx %arg9[%add3A_733] : memref<112xf32, #tpu.memory_space<vmem>>[vector<16xi32>], vector<16xf32>,
        %add3A_737 = arith.addf %add3A_729, %gather3A_736 : vector<16xf32>
        %mul3A_738 = arith.constant 10 : i32
        %mul3A_739 = vector.broadcast %mul3A_738 : i32 to vector<16xi32>
        %mul3A_740 = arith.muli %get3A_693, %mul3A_739 : vector<16xi32>
        %add3A_741 = arith.addi %mul3A_740, %get3A_696 : vector<16xi32>
        %gather3A_742 = tpu.vector_load_idx %arg8[%add3A_741] : memref<112xf32, #tpu.memory_space<vmem>>[vector<16xi32>], vector<16xf32>,
        %add3A_743 = arith.addf %add3A_735, %gather3A_742 : vector<16xf32>
        %gather3A_744 = tpu.vector_load_idx %arg9[%add3A_741] : memref<112xf32, #tpu.memory_space<vmem>>[vector<16xi32>], vector<16xf32>,
        %add3A_745 = arith.addf %add3A_737, %gather3A_744 : vector<16xf32>
        %mul3A_746 = arith.constant 10 : i32
        %mul3A_747 = vector.broadcast %mul3A_746 : i32 to vector<16xi32>
        %mul3A_748 = arith.muli %get3A_699, %mul3A_747 : vector<16xi32>
        %add3A_749 = arith.addi %mul3A_748, %get3A_702 : vector<16xi32>
        %gather3A_750 = tpu.vector_load_idx %arg8[%add3A_749] : memref<112xf32, #tpu.memory_space<vmem>>[vector<16xi32>], vector<16xf32>,
        %add3A_751 = arith.addf %add3A_743, %gather3A_750 : vector<16xf32>
        %gather3A_752 = tpu.vector_load_idx %arg9[%add3A_749] : memref<112xf32, #tpu.memory_space<vmem>>[vector<16xi32>], vector<16xf32>,
        %add3A_753 = arith.addf %add3A_745, %gather3A_752 : vector<16xf32>
        %gather3A_754 = tpu.vector_load_idx %arg10[%get3A_705] : memref<16xf32, #tpu.memory_space<vmem>>[vector<16xi32>], vector<16xf32>,
        %jit3A_755 = arith.constant 0.000000e+00 : f32
        %broadcast_in_dim3A_756 = vector.broadcast %jit3A_755 : f32 to vector<16xf32>
        %select_n3A_757 = arith.select %ge3A_380, %gather3A_754, %broadcast_in_dim3A_756 : vector<16xi1>, vector<16xf32>
        %add3A_758 = arith.addf %add3A_751, %select_n3A_757 : vector<16xf32>
        %gather3A_759 = tpu.vector_load_idx %arg11[%get3A_705] : memref<16xf32, #tpu.memory_space<vmem>>[vector<16xi32>], vector<16xf32>,
        %jit3A_760 = arith.constant 0.000000e+00 : f32
        %broadcast_in_dim3A_761 = vector.broadcast %jit3A_760 : f32 to vector<16xf32>
        %select_n3A_762 = arith.select %ge3A_380, %gather3A_759, %broadcast_in_dim3A_761 : vector<16xi1>, vector<16xf32>
        %add3A_763 = arith.addf %add3A_753, %select_n3A_762 : vector<16xf32>
        %reduce_sum3A_764 = arith.constant true
        %reduce_sum3A_765 = vector.broadcast %reduce_sum3A_764 : i1 to vector<16xi1>
        %reduce_sum3A_766 = tpu.scan <sum>, %add3A_758 masked %reduce_sum3A_765 : vector<16xf32>, vector<16xi1> -> vector<16xf32>
        %reduce_sum3A_767 = vector.extract %reduce_sum3A_766[15] : f32 from vector<16xf32>
        %reduce_sum3A_768 = arith.constant true
        %reduce_sum3A_769 = vector.broadcast %reduce_sum3A_768 : i1 to vector<16xi1>
        %reduce_sum3A_770 = tpu.scan <sum>, %add3A_763 masked %reduce_sum3A_769 : vector<16xf32>, vector<16xi1> -> vector<16xf32>
        %reduce_sum3A_771 = vector.extract %reduce_sum3A_770[15] : f32 from vector<16xf32>
        %eq3A_772 = vector.broadcast %scan3A_663 : i32 to vector<16xi32>
        %eq3A_773 = arith.cmpi eq, %iota3A, %eq3A_772 : vector<16xi32>
        %broadcast_in_dim3A_774 = vector.broadcast %reduce_sum3A_767 : f32 to vector<16xf32>
        %select_n3A_775 = arith.select %eq3A_773, %broadcast_in_dim3A_774, %select_n3A_657 : vector<16xi1>, vector<16xf32>
        %eq3A_776 = vector.broadcast %scan3A_663 : i32 to vector<16xi32>
        %eq3A_777 = arith.cmpi eq, %iota3A, %eq3A_776 : vector<16xi32>
        %broadcast_in_dim3A_778 = vector.broadcast %reduce_sum3A_771 : f32 to vector<16xf32>
        %select_n3A_779 = arith.select %eq3A_777, %broadcast_in_dim3A_778, %select_n3A_661 : vector<16xi1>, vector<16xf32>
        scf.yield %select_n3A_775, %select_n3A_779 : vector<16xf32>, vector<16xf32>
      }
      %scan3A_536 = arith.constant 16 : i32
      %mul3A_537 = arith.constant 16 : i32
      %mul3A_538 = arith.muli %scan3A_529, %mul3A_537 : i32
      %add3A_539 = arith.constant 192 : i32
      %add3A_540 = arith.addi %add3A_539, %mul3A_538 : i32
      %swap3A_541 = arith.index_cast %add3A_540 : i32 to index
      %swap3A_542 = tpu.vector_load %arg12[%swap3A_541] {strides = array<i32>} : memref<1024xf32, #tpu.memory_space<vmem>>, vector<16xf32>,
      tpu.vector_store %arg12[%swap3A_541], %scan3A_535#0 {strides = array<i32>} : memref<1024xf32, #tpu.memory_space<vmem>>, vector<16xf32>,
      %add3A_543 = arith.constant 512 : i32
      %add3A_544 = arith.addi %add3A_543, %add3A_540 : i32
      %swap3A_545 = arith.index_cast %add3A_544 : i32 to index
      %swap3A_546 = tpu.vector_load %arg12[%swap3A_545] {strides = array<i32>} : memref<1024xf32, #tpu.memory_space<vmem>>, vector<16xf32>,
      tpu.vector_store %arg12[%swap3A_545], %scan3A_535#1 {strides = array<i32>} : memref<1024xf32, #tpu.memory_space<vmem>>, vector<16xf32>,
      %scan3A_547 = arith.constant 0 : i32
      scf.yield %scan3A_547 : i32
    }
    %scan3A_454 = arith.constant 4 : i32
    %dma_wait3A_455 = arith.constant 0 : i32
    %dma_wait3A_456 = tpu.memref_slice %arg2[%add3A_443, %dma_wait3A_455] : memref<16384x200xi32, #tpu.memory_space<hbm>> -> memref<64x200xi32, #tpu.memory_space<hbm>>
    %dma_wait3A_457 = arith.constant 0 : i32
    %dma_wait3A_458 = tpu.memref_slice %arg2[%add3A_443, %dma_wait3A_457] : memref<16384x200xi32, #tpu.memory_space<hbm>> -> memref<64x200xi32, #tpu.memory_space<hbm>>
    tpu.wait_dma2 semaphore(%arg13 : memref<!tpu.dma_semaphore, #tpu.memory_space<semaphore_mem>>) src(%dma_wait3A_458 : memref<64x200xi32, #tpu.memory_space<hbm>>) dst(%arg5 : memref<64x200xi32, #tpu.memory_space<vmem>>)
    %mul3A_459 = arith.constant 512 : i32
    %mul3A_460 = arith.muli %add3A, %mul3A_459 : i32
    %add3A_461 = arith.constant 320 : i32
    %add3A_462 = arith.addi %mul3A_460, %add3A_461 : i32
    %dma_start3A_463 = arith.constant 0 : i32
    %dma_start3A_464 = tpu.memref_slice %arg2[%add3A_462, %dma_start3A_463] : memref<16384x200xi32, #tpu.memory_space<hbm>> -> memref<64x200xi32, #tpu.memory_space<hbm>>
    %dma_start3A_465 = arith.constant 0 : i32
    %dma_start3A_466 = tpu.memref_slice %arg2[%add3A_462, %dma_start3A_465] : memref<16384x200xi32, #tpu.memory_space<hbm>> -> memref<64x200xi32, #tpu.memory_space<hbm>>
    tpu.enqueue_dma source(%dma_start3A_466 : memref<64x200xi32, #tpu.memory_space<hbm>>) target(%arg6 : memref<64x200xi32, #tpu.memory_space<vmem>>) target_semaphore(%arg14 : memref<!tpu.dma_semaphore, #tpu.memory_space<semaphore_mem>>)
    %scan3A_467 = arith.constant 0 : i32
    %scan3A_468 = arith.constant 0 : i32
    %scan3A_469 = arith.constant 4 : i32
    %scan3A_470 = arith.addi %scan3A_468, %scan3A_469 : i32
    %scan3A_471 = arith.constant 1 : i32
    %scan3A_472 = scf.for %scan3A_529 = %scan3A_468 to %scan3A_470 step %scan3A_471 iter_args(%scan3A_530 = %scan3A_467) -> (i32)  : i32 {
      %scan3A_531 = arith.constant 0 : i32
      %scan3A_532 = arith.constant 16 : i32
      %scan3A_533 = arith.addi %scan3A_531, %scan3A_532 : i32
      %scan3A_534 = arith.constant 2 : i32
      %scan3A_535:2 = scf.for %scan3A_548 = %scan3A_531 to %scan3A_533 step %scan3A_534 iter_args(%scan3A_549 = %broadcast_in_dim3A_378, %scan3A_550 = %broadcast_in_dim3A_378) -> (vector<16xf32>, vector<16xf32>)  : i32 {
        %mul3A_551 = arith.constant 16 : i32
        %mul3A_552 = arith.muli %scan3A_529, %mul3A_551 : i32
        %add3A_553 = arith.addi %mul3A_552, %scan3A_548 : i32
        %get3A_554 = arith.index_cast %add3A_553 : i32 to index
        %get3A_555 = arith.constant 0 : index
        %get3A_556 = tpu.vector_load %arg5[%get3A_554, %get3A_555] {strides = array<i32>} : memref<64x200xi32, #tpu.memory_space<vmem>>, vector<16xi32>,
        %get3A_557 = arith.index_cast %add3A_553 : i32 to index
        %get3A_558 = arith.constant 16 : index
        %get3A_559 = tpu.vector_load %arg5[%get3A_557, %get3A_558] {strides = array<i32>} : memref<64x200xi32, #tpu.memory_space<vmem>>, vector<16xi32>,
        %get3A_560 = arith.index_cast %add3A_553 : i32 to index
        %get3A_561 = arith.constant 32 : index
        %get3A_562 = tpu.vector_load %arg5[%get3A_560, %get3A_561] {strides = array<i32>} : memref<64x200xi32, #tpu.memory_space<vmem>>, vector<16xi32>,
        %get3A_563 = arith.index_cast %add3A_553 : i32 to index
        %get3A_564 = arith.constant 48 : index
        %get3A_565 = tpu.vector_load %arg5[%get3A_563, %get3A_564] {strides = array<i32>} : memref<64x200xi32, #tpu.memory_space<vmem>>, vector<16xi32>,
        %get3A_566 = arith.index_cast %add3A_553 : i32 to index
        %get3A_567 = arith.constant 64 : index
        %get3A_568 = tpu.vector_load %arg5[%get3A_566, %get3A_567] {strides = array<i32>} : memref<64x200xi32, #tpu.memory_space<vmem>>, vector<16xi32>,
        %get3A_569 = arith.index_cast %add3A_553 : i32 to index
        %get3A_570 = arith.constant 80 : index
        %get3A_571 = tpu.vector_load %arg5[%get3A_569, %get3A_570] {strides = array<i32>} : memref<64x200xi32, #tpu.memory_space<vmem>>, vector<16xi32>,
        %get3A_572 = arith.index_cast %add3A_553 : i32 to index
        %get3A_573 = arith.constant 96 : index
        %get3A_574 = tpu.vector_load %arg5[%get3A_572, %get3A_573] {strides = array<i32>} : memref<64x200xi32, #tpu.memory_space<vmem>>, vector<16xi32>,
        %get3A_575 = arith.index_cast %add3A_553 : i32 to index
        %get3A_576 = arith.constant 112 : index
        %get3A_577 = tpu.vector_load %arg5[%get3A_575, %get3A_576] {strides = array<i32>} : memref<64x200xi32, #tpu.memory_space<vmem>>, vector<16xi32>,
        %get3A_578 = arith.index_cast %add3A_553 : i32 to index
        %get3A_579 = arith.constant 128 : index
        %get3A_580 = tpu.vector_load %arg5[%get3A_578, %get3A_579] {strides = array<i32>} : memref<64x200xi32, #tpu.memory_space<vmem>>, vector<16xi32>,
        %get3A_581 = arith.index_cast %add3A_553 : i32 to index
        %get3A_582 = arith.constant 144 : index
        %get3A_583 = tpu.vector_load %arg5[%get3A_581, %get3A_582] {strides = array<i32>} : memref<64x200xi32, #tpu.memory_space<vmem>>, vector<16xi32>,
        %get3A_584 = arith.index_cast %add3A_553 : i32 to index
        %get3A_585 = arith.constant 160 : index
        %get3A_586 = tpu.vector_load %arg5[%get3A_584, %get3A_585] {strides = array<i32>} : memref<64x200xi32, #tpu.memory_space<vmem>>, vector<16xi32>,
        %get3A_587 = arith.index_cast %add3A_553 : i32 to index
        %get3A_588 = arith.constant 176 : index
        %get3A_589 = tpu.vector_load %arg5[%get3A_587, %get3A_588] {strides = array<i32>} : memref<64x200xi32, #tpu.memory_space<vmem>>, vector<16xi32>,
        %get3A_590 = arith.index_cast %add3A_553 : i32 to index
        %get3A_591 = arith.constant 184 : index
        %get3A_592 = tpu.vector_load %arg5[%get3A_590, %get3A_591] {strides = array<i32>} : memref<64x200xi32, #tpu.memory_space<vmem>>, vector<16xi32>,
        %mul3A_593 = arith.constant 10 : i32
        %mul3A_594 = vector.broadcast %mul3A_593 : i32 to vector<16xi32>
        %mul3A_595 = arith.muli %get3A_556, %mul3A_594 : vector<16xi32>
        %add3A_596 = arith.addi %mul3A_595, %get3A_559 : vector<16xi32>
        %gather3A = tpu.vector_load_idx %arg8[%add3A_596] : memref<112xf32, #tpu.memory_space<vmem>>[vector<16xi32>], vector<16xf32>,
        %add3A_597 = arith.addf %broadcast_in_dim3A_378, %gather3A : vector<16xf32>
        %gather3A_598 = tpu.vector_load_idx %arg9[%add3A_596] : memref<112xf32, #tpu.memory_space<vmem>>[vector<16xi32>], vector<16xf32>,
        %add3A_599 = arith.addf %broadcast_in_dim3A_378, %gather3A_598 : vector<16xf32>
        %mul3A_600 = arith.constant 10 : i32
        %mul3A_601 = vector.broadcast %mul3A_600 : i32 to vector<16xi32>
        %mul3A_602 = arith.muli %get3A_562, %mul3A_601 : vector<16xi32>
        %add3A_603 = arith.addi %mul3A_602, %get3A_565 : vector<16xi32>
        %gather3A_604 = tpu.vector_load_idx %arg8[%add3A_603] : memref<112xf32, #tpu.memory_space<vmem>>[vector<16xi32>], vector<16xf32>,
        %add3A_605 = arith.addf %add3A_597, %gather3A_604 : vector<16xf32>
        %gather3A_606 = tpu.vector_load_idx %arg9[%add3A_603] : memref<112xf32, #tpu.memory_space<vmem>>[vector<16xi32>], vector<16xf32>,
        %add3A_607 = arith.addf %add3A_599, %gather3A_606 : vector<16xf32>
        %mul3A_608 = arith.constant 10 : i32
        %mul3A_609 = vector.broadcast %mul3A_608 : i32 to vector<16xi32>
        %mul3A_610 = arith.muli %get3A_568, %mul3A_609 : vector<16xi32>
        %add3A_611 = arith.addi %mul3A_610, %get3A_571 : vector<16xi32>
        %gather3A_612 = tpu.vector_load_idx %arg8[%add3A_611] : memref<112xf32, #tpu.memory_space<vmem>>[vector<16xi32>], vector<16xf32>,
        %add3A_613 = arith.addf %add3A_605, %gather3A_612 : vector<16xf32>
        %gather3A_614 = tpu.vector_load_idx %arg9[%add3A_611] : memref<112xf32, #tpu.memory_space<vmem>>[vector<16xi32>], vector<16xf32>,
        %add3A_615 = arith.addf %add3A_607, %gather3A_614 : vector<16xf32>
        %mul3A_616 = arith.constant 10 : i32
        %mul3A_617 = vector.broadcast %mul3A_616 : i32 to vector<16xi32>
        %mul3A_618 = arith.muli %get3A_574, %mul3A_617 : vector<16xi32>
        %add3A_619 = arith.addi %mul3A_618, %get3A_577 : vector<16xi32>
        %gather3A_620 = tpu.vector_load_idx %arg8[%add3A_619] : memref<112xf32, #tpu.memory_space<vmem>>[vector<16xi32>], vector<16xf32>,
        %add3A_621 = arith.addf %add3A_613, %gather3A_620 : vector<16xf32>
        %gather3A_622 = tpu.vector_load_idx %arg9[%add3A_619] : memref<112xf32, #tpu.memory_space<vmem>>[vector<16xi32>], vector<16xf32>,
        %add3A_623 = arith.addf %add3A_615, %gather3A_622 : vector<16xf32>
        %mul3A_624 = arith.constant 10 : i32
        %mul3A_625 = vector.broadcast %mul3A_624 : i32 to vector<16xi32>
        %mul3A_626 = arith.muli %get3A_580, %mul3A_625 : vector<16xi32>
        %add3A_627 = arith.addi %mul3A_626, %get3A_583 : vector<16xi32>
        %gather3A_628 = tpu.vector_load_idx %arg8[%add3A_627] : memref<112xf32, #tpu.memory_space<vmem>>[vector<16xi32>], vector<16xf32>,
        %add3A_629 = arith.addf %add3A_621, %gather3A_628 : vector<16xf32>
        %gather3A_630 = tpu.vector_load_idx %arg9[%add3A_627] : memref<112xf32, #tpu.memory_space<vmem>>[vector<16xi32>], vector<16xf32>,
        %add3A_631 = arith.addf %add3A_623, %gather3A_630 : vector<16xf32>
        %mul3A_632 = arith.constant 10 : i32
        %mul3A_633 = vector.broadcast %mul3A_632 : i32 to vector<16xi32>
        %mul3A_634 = arith.muli %get3A_586, %mul3A_633 : vector<16xi32>
        %add3A_635 = arith.addi %mul3A_634, %get3A_589 : vector<16xi32>
        %gather3A_636 = tpu.vector_load_idx %arg8[%add3A_635] : memref<112xf32, #tpu.memory_space<vmem>>[vector<16xi32>], vector<16xf32>,
        %add3A_637 = arith.addf %add3A_629, %gather3A_636 : vector<16xf32>
        %gather3A_638 = tpu.vector_load_idx %arg9[%add3A_635] : memref<112xf32, #tpu.memory_space<vmem>>[vector<16xi32>], vector<16xf32>,
        %add3A_639 = arith.addf %add3A_631, %gather3A_638 : vector<16xf32>
        %gather3A_640 = tpu.vector_load_idx %arg10[%get3A_592] : memref<16xf32, #tpu.memory_space<vmem>>[vector<16xi32>], vector<16xf32>,
        %jit3A = arith.constant 0.000000e+00 : f32
        %broadcast_in_dim3A_641 = vector.broadcast %jit3A : f32 to vector<16xf32>
        %select_n3A = arith.select %ge3A_380, %gather3A_640, %broadcast_in_dim3A_641 : vector<16xi1>, vector<16xf32>
        %add3A_642 = arith.addf %add3A_637, %select_n3A : vector<16xf32>
        %gather3A_643 = tpu.vector_load_idx %arg11[%get3A_592] : memref<16xf32, #tpu.memory_space<vmem>>[vector<16xi32>], vector<16xf32>,
        %jit3A_644 = arith.constant 0.000000e+00 : f32
        %broadcast_in_dim3A_645 = vector.broadcast %jit3A_644 : f32 to vector<16xf32>
        %select_n3A_646 = arith.select %ge3A_380, %gather3A_643, %broadcast_in_dim3A_645 : vector<16xi1>, vector<16xf32>
        %add3A_647 = arith.addf %add3A_639, %select_n3A_646 : vector<16xf32>
        %reduce_sum3A = arith.constant true
        %reduce_sum3A_648 = vector.broadcast %reduce_sum3A : i1 to vector<16xi1>
        %reduce_sum3A_649 = tpu.scan <sum>, %add3A_642 masked %reduce_sum3A_648 : vector<16xf32>, vector<16xi1> -> vector<16xf32>
        %reduce_sum3A_650 = vector.extract %reduce_sum3A_649[15] : f32 from vector<16xf32>
        %reduce_sum3A_651 = arith.constant true
        %reduce_sum3A_652 = vector.broadcast %reduce_sum3A_651 : i1 to vector<16xi1>
        %reduce_sum3A_653 = tpu.scan <sum>, %add3A_647 masked %reduce_sum3A_652 : vector<16xf32>, vector<16xi1> -> vector<16xf32>
        %reduce_sum3A_654 = vector.extract %reduce_sum3A_653[15] : f32 from vector<16xf32>
        %eq3A = vector.broadcast %scan3A_548 : i32 to vector<16xi32>
        %eq3A_655 = arith.cmpi eq, %iota3A, %eq3A : vector<16xi32>
        %broadcast_in_dim3A_656 = vector.broadcast %reduce_sum3A_650 : f32 to vector<16xf32>
        %select_n3A_657 = arith.select %eq3A_655, %broadcast_in_dim3A_656, %scan3A_549 : vector<16xi1>, vector<16xf32>
        %eq3A_658 = vector.broadcast %scan3A_548 : i32 to vector<16xi32>
        %eq3A_659 = arith.cmpi eq, %iota3A, %eq3A_658 : vector<16xi32>
        %broadcast_in_dim3A_660 = vector.broadcast %reduce_sum3A_654 : f32 to vector<16xf32>
        %select_n3A_661 = arith.select %eq3A_659, %broadcast_in_dim3A_660, %scan3A_550 : vector<16xi1>, vector<16xf32>
        %scan3A_662 = arith.constant 1 : i32
        %scan3A_663 = arith.addi %scan3A_548, %scan3A_662 : i32
        %mul3A_664 = arith.constant 16 : i32
        %mul3A_665 = arith.muli %scan3A_529, %mul3A_664 : i32
        %add3A_666 = arith.addi %mul3A_665, %scan3A_663 : i32
        %get3A_667 = arith.index_cast %add3A_666 : i32 to index
        %get3A_668 = arith.constant 0 : index
        %get3A_669 = tpu.vector_load %arg5[%get3A_667, %get3A_668] {strides = array<i32>} : memref<64x200xi32, #tpu.memory_space<vmem>>, vector<16xi32>,
        %get3A_670 = arith.index_cast %add3A_666 : i32 to index
        %get3A_671 = arith.constant 16 : index
        %get3A_672 = tpu.vector_load %arg5[%get3A_670, %get3A_671] {strides = array<i32>} : memref<64x200xi32, #tpu.memory_space<vmem>>, vector<16xi32>,
        %get3A_673 = arith.index_cast %add3A_666 : i32 to index
        %get3A_674 = arith.constant 32 : index
        %get3A_675 = tpu.vector_load %arg5[%get3A_673, %get3A_674] {strides = array<i32>} : memref<64x200xi32, #tpu.memory_space<vmem>>, vector<16xi32>,
        %get3A_676 = arith.index_cast %add3A_666 : i32 to index
        %get3A_677 = arith.constant 48 : index
        %get3A_678 = tpu.vector_load %arg5[%get3A_676, %get3A_677] {strides = array<i32>} : memref<64x200xi32, #tpu.memory_space<vmem>>, vector<16xi32>,
        %get3A_679 = arith.index_cast %add3A_666 : i32 to index
        %get3A_680 = arith.constant 64 : index
        %get3A_681 = tpu.vector_load %arg5[%get3A_679, %get3A_680] {strides = array<i32>} : memref<64x200xi32, #tpu.memory_space<vmem>>, vector<16xi32>,
        %get3A_682 = arith.index_cast %add3A_666 : i32 to index
        %get3A_683 = arith.constant 80 : index
        %get3A_684 = tpu.vector_load %arg5[%get3A_682, %get3A_683] {strides = array<i32>} : memref<64x200xi32, #tpu.memory_space<vmem>>, vector<16xi32>,
        %get3A_685 = arith.index_cast %add3A_666 : i32 to index
        %get3A_686 = arith.constant 96 : index
        %get3A_687 = tpu.vector_load %arg5[%get3A_685, %get3A_686] {strides = array<i32>} : memref<64x200xi32, #tpu.memory_space<vmem>>, vector<16xi32>,
        %get3A_688 = arith.index_cast %add3A_666 : i32 to index
        %get3A_689 = arith.constant 112 : index
        %get3A_690 = tpu.vector_load %arg5[%get3A_688, %get3A_689] {strides = array<i32>} : memref<64x200xi32, #tpu.memory_space<vmem>>, vector<16xi32>,
        %get3A_691 = arith.index_cast %add3A_666 : i32 to index
        %get3A_692 = arith.constant 128 : index
        %get3A_693 = tpu.vector_load %arg5[%get3A_691, %get3A_692] {strides = array<i32>} : memref<64x200xi32, #tpu.memory_space<vmem>>, vector<16xi32>,
        %get3A_694 = arith.index_cast %add3A_666 : i32 to index
        %get3A_695 = arith.constant 144 : index
        %get3A_696 = tpu.vector_load %arg5[%get3A_694, %get3A_695] {strides = array<i32>} : memref<64x200xi32, #tpu.memory_space<vmem>>, vector<16xi32>,
        %get3A_697 = arith.index_cast %add3A_666 : i32 to index
        %get3A_698 = arith.constant 160 : index
        %get3A_699 = tpu.vector_load %arg5[%get3A_697, %get3A_698] {strides = array<i32>} : memref<64x200xi32, #tpu.memory_space<vmem>>, vector<16xi32>,
        %get3A_700 = arith.index_cast %add3A_666 : i32 to index
        %get3A_701 = arith.constant 176 : index
        %get3A_702 = tpu.vector_load %arg5[%get3A_700, %get3A_701] {strides = array<i32>} : memref<64x200xi32, #tpu.memory_space<vmem>>, vector<16xi32>,
        %get3A_703 = arith.index_cast %add3A_666 : i32 to index
        %get3A_704 = arith.constant 184 : index
        %get3A_705 = tpu.vector_load %arg5[%get3A_703, %get3A_704] {strides = array<i32>} : memref<64x200xi32, #tpu.memory_space<vmem>>, vector<16xi32>,
        %mul3A_706 = arith.constant 10 : i32
        %mul3A_707 = vector.broadcast %mul3A_706 : i32 to vector<16xi32>
        %mul3A_708 = arith.muli %get3A_669, %mul3A_707 : vector<16xi32>
        %add3A_709 = arith.addi %mul3A_708, %get3A_672 : vector<16xi32>
        %gather3A_710 = tpu.vector_load_idx %arg8[%add3A_709] : memref<112xf32, #tpu.memory_space<vmem>>[vector<16xi32>], vector<16xf32>,
        %add3A_711 = arith.addf %broadcast_in_dim3A_378, %gather3A_710 : vector<16xf32>
        %gather3A_712 = tpu.vector_load_idx %arg9[%add3A_709] : memref<112xf32, #tpu.memory_space<vmem>>[vector<16xi32>], vector<16xf32>,
        %add3A_713 = arith.addf %broadcast_in_dim3A_378, %gather3A_712 : vector<16xf32>
        %mul3A_714 = arith.constant 10 : i32
        %mul3A_715 = vector.broadcast %mul3A_714 : i32 to vector<16xi32>
        %mul3A_716 = arith.muli %get3A_675, %mul3A_715 : vector<16xi32>
        %add3A_717 = arith.addi %mul3A_716, %get3A_678 : vector<16xi32>
        %gather3A_718 = tpu.vector_load_idx %arg8[%add3A_717] : memref<112xf32, #tpu.memory_space<vmem>>[vector<16xi32>], vector<16xf32>,
        %add3A_719 = arith.addf %add3A_711, %gather3A_718 : vector<16xf32>
        %gather3A_720 = tpu.vector_load_idx %arg9[%add3A_717] : memref<112xf32, #tpu.memory_space<vmem>>[vector<16xi32>], vector<16xf32>,
        %add3A_721 = arith.addf %add3A_713, %gather3A_720 : vector<16xf32>
        %mul3A_722 = arith.constant 10 : i32
        %mul3A_723 = vector.broadcast %mul3A_722 : i32 to vector<16xi32>
        %mul3A_724 = arith.muli %get3A_681, %mul3A_723 : vector<16xi32>
        %add3A_725 = arith.addi %mul3A_724, %get3A_684 : vector<16xi32>
        %gather3A_726 = tpu.vector_load_idx %arg8[%add3A_725] : memref<112xf32, #tpu.memory_space<vmem>>[vector<16xi32>], vector<16xf32>,
        %add3A_727 = arith.addf %add3A_719, %gather3A_726 : vector<16xf32>
        %gather3A_728 = tpu.vector_load_idx %arg9[%add3A_725] : memref<112xf32, #tpu.memory_space<vmem>>[vector<16xi32>], vector<16xf32>,
        %add3A_729 = arith.addf %add3A_721, %gather3A_728 : vector<16xf32>
        %mul3A_730 = arith.constant 10 : i32
        %mul3A_731 = vector.broadcast %mul3A_730 : i32 to vector<16xi32>
        %mul3A_732 = arith.muli %get3A_687, %mul3A_731 : vector<16xi32>
        %add3A_733 = arith.addi %mul3A_732, %get3A_690 : vector<16xi32>
        %gather3A_734 = tpu.vector_load_idx %arg8[%add3A_733] : memref<112xf32, #tpu.memory_space<vmem>>[vector<16xi32>], vector<16xf32>,
        %add3A_735 = arith.addf %add3A_727, %gather3A_734 : vector<16xf32>
        %gather3A_736 = tpu.vector_load_idx %arg9[%add3A_733] : memref<112xf32, #tpu.memory_space<vmem>>[vector<16xi32>], vector<16xf32>,
        %add3A_737 = arith.addf %add3A_729, %gather3A_736 : vector<16xf32>
        %mul3A_738 = arith.constant 10 : i32
        %mul3A_739 = vector.broadcast %mul3A_738 : i32 to vector<16xi32>
        %mul3A_740 = arith.muli %get3A_693, %mul3A_739 : vector<16xi32>
        %add3A_741 = arith.addi %mul3A_740, %get3A_696 : vector<16xi32>
        %gather3A_742 = tpu.vector_load_idx %arg8[%add3A_741] : memref<112xf32, #tpu.memory_space<vmem>>[vector<16xi32>], vector<16xf32>,
        %add3A_743 = arith.addf %add3A_735, %gather3A_742 : vector<16xf32>
        %gather3A_744 = tpu.vector_load_idx %arg9[%add3A_741] : memref<112xf32, #tpu.memory_space<vmem>>[vector<16xi32>], vector<16xf32>,
        %add3A_745 = arith.addf %add3A_737, %gather3A_744 : vector<16xf32>
        %mul3A_746 = arith.constant 10 : i32
        %mul3A_747 = vector.broadcast %mul3A_746 : i32 to vector<16xi32>
        %mul3A_748 = arith.muli %get3A_699, %mul3A_747 : vector<16xi32>
        %add3A_749 = arith.addi %mul3A_748, %get3A_702 : vector<16xi32>
        %gather3A_750 = tpu.vector_load_idx %arg8[%add3A_749] : memref<112xf32, #tpu.memory_space<vmem>>[vector<16xi32>], vector<16xf32>,
        %add3A_751 = arith.addf %add3A_743, %gather3A_750 : vector<16xf32>
        %gather3A_752 = tpu.vector_load_idx %arg9[%add3A_749] : memref<112xf32, #tpu.memory_space<vmem>>[vector<16xi32>], vector<16xf32>,
        %add3A_753 = arith.addf %add3A_745, %gather3A_752 : vector<16xf32>
        %gather3A_754 = tpu.vector_load_idx %arg10[%get3A_705] : memref<16xf32, #tpu.memory_space<vmem>>[vector<16xi32>], vector<16xf32>,
        %jit3A_755 = arith.constant 0.000000e+00 : f32
        %broadcast_in_dim3A_756 = vector.broadcast %jit3A_755 : f32 to vector<16xf32>
        %select_n3A_757 = arith.select %ge3A_380, %gather3A_754, %broadcast_in_dim3A_756 : vector<16xi1>, vector<16xf32>
        %add3A_758 = arith.addf %add3A_751, %select_n3A_757 : vector<16xf32>
        %gather3A_759 = tpu.vector_load_idx %arg11[%get3A_705] : memref<16xf32, #tpu.memory_space<vmem>>[vector<16xi32>], vector<16xf32>,
        %jit3A_760 = arith.constant 0.000000e+00 : f32
        %broadcast_in_dim3A_761 = vector.broadcast %jit3A_760 : f32 to vector<16xf32>
        %select_n3A_762 = arith.select %ge3A_380, %gather3A_759, %broadcast_in_dim3A_761 : vector<16xi1>, vector<16xf32>
        %add3A_763 = arith.addf %add3A_753, %select_n3A_762 : vector<16xf32>
        %reduce_sum3A_764 = arith.constant true
        %reduce_sum3A_765 = vector.broadcast %reduce_sum3A_764 : i1 to vector<16xi1>
        %reduce_sum3A_766 = tpu.scan <sum>, %add3A_758 masked %reduce_sum3A_765 : vector<16xf32>, vector<16xi1> -> vector<16xf32>
        %reduce_sum3A_767 = vector.extract %reduce_sum3A_766[15] : f32 from vector<16xf32>
        %reduce_sum3A_768 = arith.constant true
        %reduce_sum3A_769 = vector.broadcast %reduce_sum3A_768 : i1 to vector<16xi1>
        %reduce_sum3A_770 = tpu.scan <sum>, %add3A_763 masked %reduce_sum3A_769 : vector<16xf32>, vector<16xi1> -> vector<16xf32>
        %reduce_sum3A_771 = vector.extract %reduce_sum3A_770[15] : f32 from vector<16xf32>
        %eq3A_772 = vector.broadcast %scan3A_663 : i32 to vector<16xi32>
        %eq3A_773 = arith.cmpi eq, %iota3A, %eq3A_772 : vector<16xi32>
        %broadcast_in_dim3A_774 = vector.broadcast %reduce_sum3A_767 : f32 to vector<16xf32>
        %select_n3A_775 = arith.select %eq3A_773, %broadcast_in_dim3A_774, %select_n3A_657 : vector<16xi1>, vector<16xf32>
        %eq3A_776 = vector.broadcast %scan3A_663 : i32 to vector<16xi32>
        %eq3A_777 = arith.cmpi eq, %iota3A, %eq3A_776 : vector<16xi32>
        %broadcast_in_dim3A_778 = vector.broadcast %reduce_sum3A_771 : f32 to vector<16xf32>
        %select_n3A_779 = arith.select %eq3A_777, %broadcast_in_dim3A_778, %select_n3A_661 : vector<16xi1>, vector<16xf32>
        scf.yield %select_n3A_775, %select_n3A_779 : vector<16xf32>, vector<16xf32>
      }
      %scan3A_536 = arith.constant 16 : i32
      %mul3A_537 = arith.constant 16 : i32
      %mul3A_538 = arith.muli %scan3A_529, %mul3A_537 : i32
      %add3A_539 = arith.constant 256 : i32
      %add3A_540 = arith.addi %add3A_539, %mul3A_538 : i32
      %swap3A_541 = arith.index_cast %add3A_540 : i32 to index
      %swap3A_542 = tpu.vector_load %arg12[%swap3A_541] {strides = array<i32>} : memref<1024xf32, #tpu.memory_space<vmem>>, vector<16xf32>,
      tpu.vector_store %arg12[%swap3A_541], %scan3A_535#0 {strides = array<i32>} : memref<1024xf32, #tpu.memory_space<vmem>>, vector<16xf32>,
      %add3A_543 = arith.constant 512 : i32
      %add3A_544 = arith.addi %add3A_543, %add3A_540 : i32
      %swap3A_545 = arith.index_cast %add3A_544 : i32 to index
      %swap3A_546 = tpu.vector_load %arg12[%swap3A_545] {strides = array<i32>} : memref<1024xf32, #tpu.memory_space<vmem>>, vector<16xf32>,
      tpu.vector_store %arg12[%swap3A_545], %scan3A_535#1 {strides = array<i32>} : memref<1024xf32, #tpu.memory_space<vmem>>, vector<16xf32>,
      %scan3A_547 = arith.constant 0 : i32
      scf.yield %scan3A_547 : i32
    }
    %scan3A_473 = arith.constant 4 : i32
    %dma_wait3A_474 = arith.constant 0 : i32
    %dma_wait3A_475 = tpu.memref_slice %arg2[%add3A_462, %dma_wait3A_474] : memref<16384x200xi32, #tpu.memory_space<hbm>> -> memref<64x200xi32, #tpu.memory_space<hbm>>
    %dma_wait3A_476 = arith.constant 0 : i32
    %dma_wait3A_477 = tpu.memref_slice %arg2[%add3A_462, %dma_wait3A_476] : memref<16384x200xi32, #tpu.memory_space<hbm>> -> memref<64x200xi32, #tpu.memory_space<hbm>>
    tpu.wait_dma2 semaphore(%arg14 : memref<!tpu.dma_semaphore, #tpu.memory_space<semaphore_mem>>) src(%dma_wait3A_477 : memref<64x200xi32, #tpu.memory_space<hbm>>) dst(%arg6 : memref<64x200xi32, #tpu.memory_space<vmem>>)
    %mul3A_478 = arith.constant 512 : i32
    %mul3A_479 = arith.muli %add3A, %mul3A_478 : i32
    %add3A_480 = arith.constant 384 : i32
    %add3A_481 = arith.addi %mul3A_479, %add3A_480 : i32
    %dma_start3A_482 = arith.constant 0 : i32
    %dma_start3A_483 = tpu.memref_slice %arg2[%add3A_481, %dma_start3A_482] : memref<16384x200xi32, #tpu.memory_space<hbm>> -> memref<64x200xi32, #tpu.memory_space<hbm>>
    %dma_start3A_484 = arith.constant 0 : i32
    %dma_start3A_485 = tpu.memref_slice %arg2[%add3A_481, %dma_start3A_484] : memref<16384x200xi32, #tpu.memory_space<hbm>> -> memref<64x200xi32, #tpu.memory_space<hbm>>
    tpu.enqueue_dma source(%dma_start3A_485 : memref<64x200xi32, #tpu.memory_space<hbm>>) target(%arg5 : memref<64x200xi32, #tpu.memory_space<vmem>>) target_semaphore(%arg13 : memref<!tpu.dma_semaphore, #tpu.memory_space<semaphore_mem>>)
    %scan3A_486 = arith.constant 0 : i32
    %scan3A_487 = arith.constant 0 : i32
    %scan3A_488 = arith.constant 4 : i32
    %scan3A_489 = arith.addi %scan3A_487, %scan3A_488 : i32
    %scan3A_490 = arith.constant 1 : i32
    %scan3A_491 = scf.for %scan3A_529 = %scan3A_487 to %scan3A_489 step %scan3A_490 iter_args(%scan3A_530 = %scan3A_486) -> (i32)  : i32 {
      %scan3A_531 = arith.constant 0 : i32
      %scan3A_532 = arith.constant 16 : i32
      %scan3A_533 = arith.addi %scan3A_531, %scan3A_532 : i32
      %scan3A_534 = arith.constant 2 : i32
      %scan3A_535:2 = scf.for %scan3A_548 = %scan3A_531 to %scan3A_533 step %scan3A_534 iter_args(%scan3A_549 = %broadcast_in_dim3A_378, %scan3A_550 = %broadcast_in_dim3A_378) -> (vector<16xf32>, vector<16xf32>)  : i32 {
        %mul3A_551 = arith.constant 16 : i32
        %mul3A_552 = arith.muli %scan3A_529, %mul3A_551 : i32
        %add3A_553 = arith.addi %mul3A_552, %scan3A_548 : i32
        %get3A_554 = arith.index_cast %add3A_553 : i32 to index
        %get3A_555 = arith.constant 0 : index
        %get3A_556 = tpu.vector_load %arg6[%get3A_554, %get3A_555] {strides = array<i32>} : memref<64x200xi32, #tpu.memory_space<vmem>>, vector<16xi32>,
        %get3A_557 = arith.index_cast %add3A_553 : i32 to index
        %get3A_558 = arith.constant 16 : index
        %get3A_559 = tpu.vector_load %arg6[%get3A_557, %get3A_558] {strides = array<i32>} : memref<64x200xi32, #tpu.memory_space<vmem>>, vector<16xi32>,
        %get3A_560 = arith.index_cast %add3A_553 : i32 to index
        %get3A_561 = arith.constant 32 : index
        %get3A_562 = tpu.vector_load %arg6[%get3A_560, %get3A_561] {strides = array<i32>} : memref<64x200xi32, #tpu.memory_space<vmem>>, vector<16xi32>,
        %get3A_563 = arith.index_cast %add3A_553 : i32 to index
        %get3A_564 = arith.constant 48 : index
        %get3A_565 = tpu.vector_load %arg6[%get3A_563, %get3A_564] {strides = array<i32>} : memref<64x200xi32, #tpu.memory_space<vmem>>, vector<16xi32>,
        %get3A_566 = arith.index_cast %add3A_553 : i32 to index
        %get3A_567 = arith.constant 64 : index
        %get3A_568 = tpu.vector_load %arg6[%get3A_566, %get3A_567] {strides = array<i32>} : memref<64x200xi32, #tpu.memory_space<vmem>>, vector<16xi32>,
        %get3A_569 = arith.index_cast %add3A_553 : i32 to index
        %get3A_570 = arith.constant 80 : index
        %get3A_571 = tpu.vector_load %arg6[%get3A_569, %get3A_570] {strides = array<i32>} : memref<64x200xi32, #tpu.memory_space<vmem>>, vector<16xi32>,
        %get3A_572 = arith.index_cast %add3A_553 : i32 to index
        %get3A_573 = arith.constant 96 : index
        %get3A_574 = tpu.vector_load %arg6[%get3A_572, %get3A_573] {strides = array<i32>} : memref<64x200xi32, #tpu.memory_space<vmem>>, vector<16xi32>,
        %get3A_575 = arith.index_cast %add3A_553 : i32 to index
        %get3A_576 = arith.constant 112 : index
        %get3A_577 = tpu.vector_load %arg6[%get3A_575, %get3A_576] {strides = array<i32>} : memref<64x200xi32, #tpu.memory_space<vmem>>, vector<16xi32>,
        %get3A_578 = arith.index_cast %add3A_553 : i32 to index
        %get3A_579 = arith.constant 128 : index
        %get3A_580 = tpu.vector_load %arg6[%get3A_578, %get3A_579] {strides = array<i32>} : memref<64x200xi32, #tpu.memory_space<vmem>>, vector<16xi32>,
        %get3A_581 = arith.index_cast %add3A_553 : i32 to index
        %get3A_582 = arith.constant 144 : index
        %get3A_583 = tpu.vector_load %arg6[%get3A_581, %get3A_582] {strides = array<i32>} : memref<64x200xi32, #tpu.memory_space<vmem>>, vector<16xi32>,
        %get3A_584 = arith.index_cast %add3A_553 : i32 to index
        %get3A_585 = arith.constant 160 : index
        %get3A_586 = tpu.vector_load %arg6[%get3A_584, %get3A_585] {strides = array<i32>} : memref<64x200xi32, #tpu.memory_space<vmem>>, vector<16xi32>,
        %get3A_587 = arith.index_cast %add3A_553 : i32 to index
        %get3A_588 = arith.constant 176 : index
        %get3A_589 = tpu.vector_load %arg6[%get3A_587, %get3A_588] {strides = array<i32>} : memref<64x200xi32, #tpu.memory_space<vmem>>, vector<16xi32>,
        %get3A_590 = arith.index_cast %add3A_553 : i32 to index
        %get3A_591 = arith.constant 184 : index
        %get3A_592 = tpu.vector_load %arg6[%get3A_590, %get3A_591] {strides = array<i32>} : memref<64x200xi32, #tpu.memory_space<vmem>>, vector<16xi32>,
        %mul3A_593 = arith.constant 10 : i32
        %mul3A_594 = vector.broadcast %mul3A_593 : i32 to vector<16xi32>
        %mul3A_595 = arith.muli %get3A_556, %mul3A_594 : vector<16xi32>
        %add3A_596 = arith.addi %mul3A_595, %get3A_559 : vector<16xi32>
        %gather3A = tpu.vector_load_idx %arg8[%add3A_596] : memref<112xf32, #tpu.memory_space<vmem>>[vector<16xi32>], vector<16xf32>,
        %add3A_597 = arith.addf %broadcast_in_dim3A_378, %gather3A : vector<16xf32>
        %gather3A_598 = tpu.vector_load_idx %arg9[%add3A_596] : memref<112xf32, #tpu.memory_space<vmem>>[vector<16xi32>], vector<16xf32>,
        %add3A_599 = arith.addf %broadcast_in_dim3A_378, %gather3A_598 : vector<16xf32>
        %mul3A_600 = arith.constant 10 : i32
        %mul3A_601 = vector.broadcast %mul3A_600 : i32 to vector<16xi32>
        %mul3A_602 = arith.muli %get3A_562, %mul3A_601 : vector<16xi32>
        %add3A_603 = arith.addi %mul3A_602, %get3A_565 : vector<16xi32>
        %gather3A_604 = tpu.vector_load_idx %arg8[%add3A_603] : memref<112xf32, #tpu.memory_space<vmem>>[vector<16xi32>], vector<16xf32>,
        %add3A_605 = arith.addf %add3A_597, %gather3A_604 : vector<16xf32>
        %gather3A_606 = tpu.vector_load_idx %arg9[%add3A_603] : memref<112xf32, #tpu.memory_space<vmem>>[vector<16xi32>], vector<16xf32>,
        %add3A_607 = arith.addf %add3A_599, %gather3A_606 : vector<16xf32>
        %mul3A_608 = arith.constant 10 : i32
        %mul3A_609 = vector.broadcast %mul3A_608 : i32 to vector<16xi32>
        %mul3A_610 = arith.muli %get3A_568, %mul3A_609 : vector<16xi32>
        %add3A_611 = arith.addi %mul3A_610, %get3A_571 : vector<16xi32>
        %gather3A_612 = tpu.vector_load_idx %arg8[%add3A_611] : memref<112xf32, #tpu.memory_space<vmem>>[vector<16xi32>], vector<16xf32>,
        %add3A_613 = arith.addf %add3A_605, %gather3A_612 : vector<16xf32>
        %gather3A_614 = tpu.vector_load_idx %arg9[%add3A_611] : memref<112xf32, #tpu.memory_space<vmem>>[vector<16xi32>], vector<16xf32>,
        %add3A_615 = arith.addf %add3A_607, %gather3A_614 : vector<16xf32>
        %mul3A_616 = arith.constant 10 : i32
        %mul3A_617 = vector.broadcast %mul3A_616 : i32 to vector<16xi32>
        %mul3A_618 = arith.muli %get3A_574, %mul3A_617 : vector<16xi32>
        %add3A_619 = arith.addi %mul3A_618, %get3A_577 : vector<16xi32>
        %gather3A_620 = tpu.vector_load_idx %arg8[%add3A_619] : memref<112xf32, #tpu.memory_space<vmem>>[vector<16xi32>], vector<16xf32>,
        %add3A_621 = arith.addf %add3A_613, %gather3A_620 : vector<16xf32>
        %gather3A_622 = tpu.vector_load_idx %arg9[%add3A_619] : memref<112xf32, #tpu.memory_space<vmem>>[vector<16xi32>], vector<16xf32>,
        %add3A_623 = arith.addf %add3A_615, %gather3A_622 : vector<16xf32>
        %mul3A_624 = arith.constant 10 : i32
        %mul3A_625 = vector.broadcast %mul3A_624 : i32 to vector<16xi32>
        %mul3A_626 = arith.muli %get3A_580, %mul3A_625 : vector<16xi32>
        %add3A_627 = arith.addi %mul3A_626, %get3A_583 : vector<16xi32>
        %gather3A_628 = tpu.vector_load_idx %arg8[%add3A_627] : memref<112xf32, #tpu.memory_space<vmem>>[vector<16xi32>], vector<16xf32>,
        %add3A_629 = arith.addf %add3A_621, %gather3A_628 : vector<16xf32>
        %gather3A_630 = tpu.vector_load_idx %arg9[%add3A_627] : memref<112xf32, #tpu.memory_space<vmem>>[vector<16xi32>], vector<16xf32>,
        %add3A_631 = arith.addf %add3A_623, %gather3A_630 : vector<16xf32>
        %mul3A_632 = arith.constant 10 : i32
        %mul3A_633 = vector.broadcast %mul3A_632 : i32 to vector<16xi32>
        %mul3A_634 = arith.muli %get3A_586, %mul3A_633 : vector<16xi32>
        %add3A_635 = arith.addi %mul3A_634, %get3A_589 : vector<16xi32>
        %gather3A_636 = tpu.vector_load_idx %arg8[%add3A_635] : memref<112xf32, #tpu.memory_space<vmem>>[vector<16xi32>], vector<16xf32>,
        %add3A_637 = arith.addf %add3A_629, %gather3A_636 : vector<16xf32>
        %gather3A_638 = tpu.vector_load_idx %arg9[%add3A_635] : memref<112xf32, #tpu.memory_space<vmem>>[vector<16xi32>], vector<16xf32>,
        %add3A_639 = arith.addf %add3A_631, %gather3A_638 : vector<16xf32>
        %gather3A_640 = tpu.vector_load_idx %arg10[%get3A_592] : memref<16xf32, #tpu.memory_space<vmem>>[vector<16xi32>], vector<16xf32>,
        %jit3A = arith.constant 0.000000e+00 : f32
        %broadcast_in_dim3A_641 = vector.broadcast %jit3A : f32 to vector<16xf32>
        %select_n3A = arith.select %ge3A_380, %gather3A_640, %broadcast_in_dim3A_641 : vector<16xi1>, vector<16xf32>
        %add3A_642 = arith.addf %add3A_637, %select_n3A : vector<16xf32>
        %gather3A_643 = tpu.vector_load_idx %arg11[%get3A_592] : memref<16xf32, #tpu.memory_space<vmem>>[vector<16xi32>], vector<16xf32>,
        %jit3A_644 = arith.constant 0.000000e+00 : f32
        %broadcast_in_dim3A_645 = vector.broadcast %jit3A_644 : f32 to vector<16xf32>
        %select_n3A_646 = arith.select %ge3A_380, %gather3A_643, %broadcast_in_dim3A_645 : vector<16xi1>, vector<16xf32>
        %add3A_647 = arith.addf %add3A_639, %select_n3A_646 : vector<16xf32>
        %reduce_sum3A = arith.constant true
        %reduce_sum3A_648 = vector.broadcast %reduce_sum3A : i1 to vector<16xi1>
        %reduce_sum3A_649 = tpu.scan <sum>, %add3A_642 masked %reduce_sum3A_648 : vector<16xf32>, vector<16xi1> -> vector<16xf32>
        %reduce_sum3A_650 = vector.extract %reduce_sum3A_649[15] : f32 from vector<16xf32>
        %reduce_sum3A_651 = arith.constant true
        %reduce_sum3A_652 = vector.broadcast %reduce_sum3A_651 : i1 to vector<16xi1>
        %reduce_sum3A_653 = tpu.scan <sum>, %add3A_647 masked %reduce_sum3A_652 : vector<16xf32>, vector<16xi1> -> vector<16xf32>
        %reduce_sum3A_654 = vector.extract %reduce_sum3A_653[15] : f32 from vector<16xf32>
        %eq3A = vector.broadcast %scan3A_548 : i32 to vector<16xi32>
        %eq3A_655 = arith.cmpi eq, %iota3A, %eq3A : vector<16xi32>
        %broadcast_in_dim3A_656 = vector.broadcast %reduce_sum3A_650 : f32 to vector<16xf32>
        %select_n3A_657 = arith.select %eq3A_655, %broadcast_in_dim3A_656, %scan3A_549 : vector<16xi1>, vector<16xf32>
        %eq3A_658 = vector.broadcast %scan3A_548 : i32 to vector<16xi32>
        %eq3A_659 = arith.cmpi eq, %iota3A, %eq3A_658 : vector<16xi32>
        %broadcast_in_dim3A_660 = vector.broadcast %reduce_sum3A_654 : f32 to vector<16xf32>
        %select_n3A_661 = arith.select %eq3A_659, %broadcast_in_dim3A_660, %scan3A_550 : vector<16xi1>, vector<16xf32>
        %scan3A_662 = arith.constant 1 : i32
        %scan3A_663 = arith.addi %scan3A_548, %scan3A_662 : i32
        %mul3A_664 = arith.constant 16 : i32
        %mul3A_665 = arith.muli %scan3A_529, %mul3A_664 : i32
        %add3A_666 = arith.addi %mul3A_665, %scan3A_663 : i32
        %get3A_667 = arith.index_cast %add3A_666 : i32 to index
        %get3A_668 = arith.constant 0 : index
        %get3A_669 = tpu.vector_load %arg6[%get3A_667, %get3A_668] {strides = array<i32>} : memref<64x200xi32, #tpu.memory_space<vmem>>, vector<16xi32>,
        %get3A_670 = arith.index_cast %add3A_666 : i32 to index
        %get3A_671 = arith.constant 16 : index
        %get3A_672 = tpu.vector_load %arg6[%get3A_670, %get3A_671] {strides = array<i32>} : memref<64x200xi32, #tpu.memory_space<vmem>>, vector<16xi32>,
        %get3A_673 = arith.index_cast %add3A_666 : i32 to index
        %get3A_674 = arith.constant 32 : index
        %get3A_675 = tpu.vector_load %arg6[%get3A_673, %get3A_674] {strides = array<i32>} : memref<64x200xi32, #tpu.memory_space<vmem>>, vector<16xi32>,
        %get3A_676 = arith.index_cast %add3A_666 : i32 to index
        %get3A_677 = arith.constant 48 : index
        %get3A_678 = tpu.vector_load %arg6[%get3A_676, %get3A_677] {strides = array<i32>} : memref<64x200xi32, #tpu.memory_space<vmem>>, vector<16xi32>,
        %get3A_679 = arith.index_cast %add3A_666 : i32 to index
        %get3A_680 = arith.constant 64 : index
        %get3A_681 = tpu.vector_load %arg6[%get3A_679, %get3A_680] {strides = array<i32>} : memref<64x200xi32, #tpu.memory_space<vmem>>, vector<16xi32>,
        %get3A_682 = arith.index_cast %add3A_666 : i32 to index
        %get3A_683 = arith.constant 80 : index
        %get3A_684 = tpu.vector_load %arg6[%get3A_682, %get3A_683] {strides = array<i32>} : memref<64x200xi32, #tpu.memory_space<vmem>>, vector<16xi32>,
        %get3A_685 = arith.index_cast %add3A_666 : i32 to index
        %get3A_686 = arith.constant 96 : index
        %get3A_687 = tpu.vector_load %arg6[%get3A_685, %get3A_686] {strides = array<i32>} : memref<64x200xi32, #tpu.memory_space<vmem>>, vector<16xi32>,
        %get3A_688 = arith.index_cast %add3A_666 : i32 to index
        %get3A_689 = arith.constant 112 : index
        %get3A_690 = tpu.vector_load %arg6[%get3A_688, %get3A_689] {strides = array<i32>} : memref<64x200xi32, #tpu.memory_space<vmem>>, vector<16xi32>,
        %get3A_691 = arith.index_cast %add3A_666 : i32 to index
        %get3A_692 = arith.constant 128 : index
        %get3A_693 = tpu.vector_load %arg6[%get3A_691, %get3A_692] {strides = array<i32>} : memref<64x200xi32, #tpu.memory_space<vmem>>, vector<16xi32>,
        %get3A_694 = arith.index_cast %add3A_666 : i32 to index
        %get3A_695 = arith.constant 144 : index
        %get3A_696 = tpu.vector_load %arg6[%get3A_694, %get3A_695] {strides = array<i32>} : memref<64x200xi32, #tpu.memory_space<vmem>>, vector<16xi32>,
        %get3A_697 = arith.index_cast %add3A_666 : i32 to index
        %get3A_698 = arith.constant 160 : index
        %get3A_699 = tpu.vector_load %arg6[%get3A_697, %get3A_698] {strides = array<i32>} : memref<64x200xi32, #tpu.memory_space<vmem>>, vector<16xi32>,
        %get3A_700 = arith.index_cast %add3A_666 : i32 to index
        %get3A_701 = arith.constant 176 : index
        %get3A_702 = tpu.vector_load %arg6[%get3A_700, %get3A_701] {strides = array<i32>} : memref<64x200xi32, #tpu.memory_space<vmem>>, vector<16xi32>,
        %get3A_703 = arith.index_cast %add3A_666 : i32 to index
        %get3A_704 = arith.constant 184 : index
        %get3A_705 = tpu.vector_load %arg6[%get3A_703, %get3A_704] {strides = array<i32>} : memref<64x200xi32, #tpu.memory_space<vmem>>, vector<16xi32>,
        %mul3A_706 = arith.constant 10 : i32
        %mul3A_707 = vector.broadcast %mul3A_706 : i32 to vector<16xi32>
        %mul3A_708 = arith.muli %get3A_669, %mul3A_707 : vector<16xi32>
        %add3A_709 = arith.addi %mul3A_708, %get3A_672 : vector<16xi32>
        %gather3A_710 = tpu.vector_load_idx %arg8[%add3A_709] : memref<112xf32, #tpu.memory_space<vmem>>[vector<16xi32>], vector<16xf32>,
        %add3A_711 = arith.addf %broadcast_in_dim3A_378, %gather3A_710 : vector<16xf32>
        %gather3A_712 = tpu.vector_load_idx %arg9[%add3A_709] : memref<112xf32, #tpu.memory_space<vmem>>[vector<16xi32>], vector<16xf32>,
        %add3A_713 = arith.addf %broadcast_in_dim3A_378, %gather3A_712 : vector<16xf32>
        %mul3A_714 = arith.constant 10 : i32
        %mul3A_715 = vector.broadcast %mul3A_714 : i32 to vector<16xi32>
        %mul3A_716 = arith.muli %get3A_675, %mul3A_715 : vector<16xi32>
        %add3A_717 = arith.addi %mul3A_716, %get3A_678 : vector<16xi32>
        %gather3A_718 = tpu.vector_load_idx %arg8[%add3A_717] : memref<112xf32, #tpu.memory_space<vmem>>[vector<16xi32>], vector<16xf32>,
        %add3A_719 = arith.addf %add3A_711, %gather3A_718 : vector<16xf32>
        %gather3A_720 = tpu.vector_load_idx %arg9[%add3A_717] : memref<112xf32, #tpu.memory_space<vmem>>[vector<16xi32>], vector<16xf32>,
        %add3A_721 = arith.addf %add3A_713, %gather3A_720 : vector<16xf32>
        %mul3A_722 = arith.constant 10 : i32
        %mul3A_723 = vector.broadcast %mul3A_722 : i32 to vector<16xi32>
        %mul3A_724 = arith.muli %get3A_681, %mul3A_723 : vector<16xi32>
        %add3A_725 = arith.addi %mul3A_724, %get3A_684 : vector<16xi32>
        %gather3A_726 = tpu.vector_load_idx %arg8[%add3A_725] : memref<112xf32, #tpu.memory_space<vmem>>[vector<16xi32>], vector<16xf32>,
        %add3A_727 = arith.addf %add3A_719, %gather3A_726 : vector<16xf32>
        %gather3A_728 = tpu.vector_load_idx %arg9[%add3A_725] : memref<112xf32, #tpu.memory_space<vmem>>[vector<16xi32>], vector<16xf32>,
        %add3A_729 = arith.addf %add3A_721, %gather3A_728 : vector<16xf32>
        %mul3A_730 = arith.constant 10 : i32
        %mul3A_731 = vector.broadcast %mul3A_730 : i32 to vector<16xi32>
        %mul3A_732 = arith.muli %get3A_687, %mul3A_731 : vector<16xi32>
        %add3A_733 = arith.addi %mul3A_732, %get3A_690 : vector<16xi32>
        %gather3A_734 = tpu.vector_load_idx %arg8[%add3A_733] : memref<112xf32, #tpu.memory_space<vmem>>[vector<16xi32>], vector<16xf32>,
        %add3A_735 = arith.addf %add3A_727, %gather3A_734 : vector<16xf32>
        %gather3A_736 = tpu.vector_load_idx %arg9[%add3A_733] : memref<112xf32, #tpu.memory_space<vmem>>[vector<16xi32>], vector<16xf32>,
        %add3A_737 = arith.addf %add3A_729, %gather3A_736 : vector<16xf32>
        %mul3A_738 = arith.constant 10 : i32
        %mul3A_739 = vector.broadcast %mul3A_738 : i32 to vector<16xi32>
        %mul3A_740 = arith.muli %get3A_693, %mul3A_739 : vector<16xi32>
        %add3A_741 = arith.addi %mul3A_740, %get3A_696 : vector<16xi32>
        %gather3A_742 = tpu.vector_load_idx %arg8[%add3A_741] : memref<112xf32, #tpu.memory_space<vmem>>[vector<16xi32>], vector<16xf32>,
        %add3A_743 = arith.addf %add3A_735, %gather3A_742 : vector<16xf32>
        %gather3A_744 = tpu.vector_load_idx %arg9[%add3A_741] : memref<112xf32, #tpu.memory_space<vmem>>[vector<16xi32>], vector<16xf32>,
        %add3A_745 = arith.addf %add3A_737, %gather3A_744 : vector<16xf32>
        %mul3A_746 = arith.constant 10 : i32
        %mul3A_747 = vector.broadcast %mul3A_746 : i32 to vector<16xi32>
        %mul3A_748 = arith.muli %get3A_699, %mul3A_747 : vector<16xi32>
        %add3A_749 = arith.addi %mul3A_748, %get3A_702 : vector<16xi32>
        %gather3A_750 = tpu.vector_load_idx %arg8[%add3A_749] : memref<112xf32, #tpu.memory_space<vmem>>[vector<16xi32>], vector<16xf32>,
        %add3A_751 = arith.addf %add3A_743, %gather3A_750 : vector<16xf32>
        %gather3A_752 = tpu.vector_load_idx %arg9[%add3A_749] : memref<112xf32, #tpu.memory_space<vmem>>[vector<16xi32>], vector<16xf32>,
        %add3A_753 = arith.addf %add3A_745, %gather3A_752 : vector<16xf32>
        %gather3A_754 = tpu.vector_load_idx %arg10[%get3A_705] : memref<16xf32, #tpu.memory_space<vmem>>[vector<16xi32>], vector<16xf32>,
        %jit3A_755 = arith.constant 0.000000e+00 : f32
        %broadcast_in_dim3A_756 = vector.broadcast %jit3A_755 : f32 to vector<16xf32>
        %select_n3A_757 = arith.select %ge3A_380, %gather3A_754, %broadcast_in_dim3A_756 : vector<16xi1>, vector<16xf32>
        %add3A_758 = arith.addf %add3A_751, %select_n3A_757 : vector<16xf32>
        %gather3A_759 = tpu.vector_load_idx %arg11[%get3A_705] : memref<16xf32, #tpu.memory_space<vmem>>[vector<16xi32>], vector<16xf32>,
        %jit3A_760 = arith.constant 0.000000e+00 : f32
        %broadcast_in_dim3A_761 = vector.broadcast %jit3A_760 : f32 to vector<16xf32>
        %select_n3A_762 = arith.select %ge3A_380, %gather3A_759, %broadcast_in_dim3A_761 : vector<16xi1>, vector<16xf32>
        %add3A_763 = arith.addf %add3A_753, %select_n3A_762 : vector<16xf32>
        %reduce_sum3A_764 = arith.constant true
        %reduce_sum3A_765 = vector.broadcast %reduce_sum3A_764 : i1 to vector<16xi1>
        %reduce_sum3A_766 = tpu.scan <sum>, %add3A_758 masked %reduce_sum3A_765 : vector<16xf32>, vector<16xi1> -> vector<16xf32>
        %reduce_sum3A_767 = vector.extract %reduce_sum3A_766[15] : f32 from vector<16xf32>
        %reduce_sum3A_768 = arith.constant true
        %reduce_sum3A_769 = vector.broadcast %reduce_sum3A_768 : i1 to vector<16xi1>
        %reduce_sum3A_770 = tpu.scan <sum>, %add3A_763 masked %reduce_sum3A_769 : vector<16xf32>, vector<16xi1> -> vector<16xf32>
        %reduce_sum3A_771 = vector.extract %reduce_sum3A_770[15] : f32 from vector<16xf32>
        %eq3A_772 = vector.broadcast %scan3A_663 : i32 to vector<16xi32>
        %eq3A_773 = arith.cmpi eq, %iota3A, %eq3A_772 : vector<16xi32>
        %broadcast_in_dim3A_774 = vector.broadcast %reduce_sum3A_767 : f32 to vector<16xf32>
        %select_n3A_775 = arith.select %eq3A_773, %broadcast_in_dim3A_774, %select_n3A_657 : vector<16xi1>, vector<16xf32>
        %eq3A_776 = vector.broadcast %scan3A_663 : i32 to vector<16xi32>
        %eq3A_777 = arith.cmpi eq, %iota3A, %eq3A_776 : vector<16xi32>
        %broadcast_in_dim3A_778 = vector.broadcast %reduce_sum3A_771 : f32 to vector<16xf32>
        %select_n3A_779 = arith.select %eq3A_777, %broadcast_in_dim3A_778, %select_n3A_661 : vector<16xi1>, vector<16xf32>
        scf.yield %select_n3A_775, %select_n3A_779 : vector<16xf32>, vector<16xf32>
      }
      %scan3A_536 = arith.constant 16 : i32
      %mul3A_537 = arith.constant 16 : i32
      %mul3A_538 = arith.muli %scan3A_529, %mul3A_537 : i32
      %add3A_539 = arith.constant 320 : i32
      %add3A_540 = arith.addi %add3A_539, %mul3A_538 : i32
      %swap3A_541 = arith.index_cast %add3A_540 : i32 to index
      %swap3A_542 = tpu.vector_load %arg12[%swap3A_541] {strides = array<i32>} : memref<1024xf32, #tpu.memory_space<vmem>>, vector<16xf32>,
      tpu.vector_store %arg12[%swap3A_541], %scan3A_535#0 {strides = array<i32>} : memref<1024xf32, #tpu.memory_space<vmem>>, vector<16xf32>,
      %add3A_543 = arith.constant 512 : i32
      %add3A_544 = arith.addi %add3A_543, %add3A_540 : i32
      %swap3A_545 = arith.index_cast %add3A_544 : i32 to index
      %swap3A_546 = tpu.vector_load %arg12[%swap3A_545] {strides = array<i32>} : memref<1024xf32, #tpu.memory_space<vmem>>, vector<16xf32>,
      tpu.vector_store %arg12[%swap3A_545], %scan3A_535#1 {strides = array<i32>} : memref<1024xf32, #tpu.memory_space<vmem>>, vector<16xf32>,
      %scan3A_547 = arith.constant 0 : i32
      scf.yield %scan3A_547 : i32
    }
    %scan3A_492 = arith.constant 4 : i32
    %dma_wait3A_493 = arith.constant 0 : i32
    %dma_wait3A_494 = tpu.memref_slice %arg2[%add3A_481, %dma_wait3A_493] : memref<16384x200xi32, #tpu.memory_space<hbm>> -> memref<64x200xi32, #tpu.memory_space<hbm>>
    %dma_wait3A_495 = arith.constant 0 : i32
    %dma_wait3A_496 = tpu.memref_slice %arg2[%add3A_481, %dma_wait3A_495] : memref<16384x200xi32, #tpu.memory_space<hbm>> -> memref<64x200xi32, #tpu.memory_space<hbm>>
    tpu.wait_dma2 semaphore(%arg13 : memref<!tpu.dma_semaphore, #tpu.memory_space<semaphore_mem>>) src(%dma_wait3A_496 : memref<64x200xi32, #tpu.memory_space<hbm>>) dst(%arg5 : memref<64x200xi32, #tpu.memory_space<vmem>>)
    %mul3A_497 = arith.constant 512 : i32
    %mul3A_498 = arith.muli %add3A, %mul3A_497 : i32
    %add3A_499 = arith.constant 448 : i32
    %add3A_500 = arith.addi %mul3A_498, %add3A_499 : i32
    %dma_start3A_501 = arith.constant 0 : i32
    %dma_start3A_502 = tpu.memref_slice %arg2[%add3A_500, %dma_start3A_501] : memref<16384x200xi32, #tpu.memory_space<hbm>> -> memref<64x200xi32, #tpu.memory_space<hbm>>
    %dma_start3A_503 = arith.constant 0 : i32
    %dma_start3A_504 = tpu.memref_slice %arg2[%add3A_500, %dma_start3A_503] : memref<16384x200xi32, #tpu.memory_space<hbm>> -> memref<64x200xi32, #tpu.memory_space<hbm>>
    tpu.enqueue_dma source(%dma_start3A_504 : memref<64x200xi32, #tpu.memory_space<hbm>>) target(%arg6 : memref<64x200xi32, #tpu.memory_space<vmem>>) target_semaphore(%arg14 : memref<!tpu.dma_semaphore, #tpu.memory_space<semaphore_mem>>)
    %scan3A_505 = arith.constant 0 : i32
    %scan3A_506 = arith.constant 0 : i32
    %scan3A_507 = arith.constant 4 : i32
    %scan3A_508 = arith.addi %scan3A_506, %scan3A_507 : i32
    %scan3A_509 = arith.constant 1 : i32
    %scan3A_510 = scf.for %scan3A_529 = %scan3A_506 to %scan3A_508 step %scan3A_509 iter_args(%scan3A_530 = %scan3A_505) -> (i32)  : i32 {
      %scan3A_531 = arith.constant 0 : i32
      %scan3A_532 = arith.constant 16 : i32
      %scan3A_533 = arith.addi %scan3A_531, %scan3A_532 : i32
      %scan3A_534 = arith.constant 2 : i32
      %scan3A_535:2 = scf.for %scan3A_548 = %scan3A_531 to %scan3A_533 step %scan3A_534 iter_args(%scan3A_549 = %broadcast_in_dim3A_378, %scan3A_550 = %broadcast_in_dim3A_378) -> (vector<16xf32>, vector<16xf32>)  : i32 {
        %mul3A_551 = arith.constant 16 : i32
        %mul3A_552 = arith.muli %scan3A_529, %mul3A_551 : i32
        %add3A_553 = arith.addi %mul3A_552, %scan3A_548 : i32
        %get3A_554 = arith.index_cast %add3A_553 : i32 to index
        %get3A_555 = arith.constant 0 : index
        %get3A_556 = tpu.vector_load %arg5[%get3A_554, %get3A_555] {strides = array<i32>} : memref<64x200xi32, #tpu.memory_space<vmem>>, vector<16xi32>,
        %get3A_557 = arith.index_cast %add3A_553 : i32 to index
        %get3A_558 = arith.constant 16 : index
        %get3A_559 = tpu.vector_load %arg5[%get3A_557, %get3A_558] {strides = array<i32>} : memref<64x200xi32, #tpu.memory_space<vmem>>, vector<16xi32>,
        %get3A_560 = arith.index_cast %add3A_553 : i32 to index
        %get3A_561 = arith.constant 32 : index
        %get3A_562 = tpu.vector_load %arg5[%get3A_560, %get3A_561] {strides = array<i32>} : memref<64x200xi32, #tpu.memory_space<vmem>>, vector<16xi32>,
        %get3A_563 = arith.index_cast %add3A_553 : i32 to index
        %get3A_564 = arith.constant 48 : index
        %get3A_565 = tpu.vector_load %arg5[%get3A_563, %get3A_564] {strides = array<i32>} : memref<64x200xi32, #tpu.memory_space<vmem>>, vector<16xi32>,
        %get3A_566 = arith.index_cast %add3A_553 : i32 to index
        %get3A_567 = arith.constant 64 : index
        %get3A_568 = tpu.vector_load %arg5[%get3A_566, %get3A_567] {strides = array<i32>} : memref<64x200xi32, #tpu.memory_space<vmem>>, vector<16xi32>,
        %get3A_569 = arith.index_cast %add3A_553 : i32 to index
        %get3A_570 = arith.constant 80 : index
        %get3A_571 = tpu.vector_load %arg5[%get3A_569, %get3A_570] {strides = array<i32>} : memref<64x200xi32, #tpu.memory_space<vmem>>, vector<16xi32>,
        %get3A_572 = arith.index_cast %add3A_553 : i32 to index
        %get3A_573 = arith.constant 96 : index
        %get3A_574 = tpu.vector_load %arg5[%get3A_572, %get3A_573] {strides = array<i32>} : memref<64x200xi32, #tpu.memory_space<vmem>>, vector<16xi32>,
        %get3A_575 = arith.index_cast %add3A_553 : i32 to index
        %get3A_576 = arith.constant 112 : index
        %get3A_577 = tpu.vector_load %arg5[%get3A_575, %get3A_576] {strides = array<i32>} : memref<64x200xi32, #tpu.memory_space<vmem>>, vector<16xi32>,
        %get3A_578 = arith.index_cast %add3A_553 : i32 to index
        %get3A_579 = arith.constant 128 : index
        %get3A_580 = tpu.vector_load %arg5[%get3A_578, %get3A_579] {strides = array<i32>} : memref<64x200xi32, #tpu.memory_space<vmem>>, vector<16xi32>,
        %get3A_581 = arith.index_cast %add3A_553 : i32 to index
        %get3A_582 = arith.constant 144 : index
        %get3A_583 = tpu.vector_load %arg5[%get3A_581, %get3A_582] {strides = array<i32>} : memref<64x200xi32, #tpu.memory_space<vmem>>, vector<16xi32>,
        %get3A_584 = arith.index_cast %add3A_553 : i32 to index
        %get3A_585 = arith.constant 160 : index
        %get3A_586 = tpu.vector_load %arg5[%get3A_584, %get3A_585] {strides = array<i32>} : memref<64x200xi32, #tpu.memory_space<vmem>>, vector<16xi32>,
        %get3A_587 = arith.index_cast %add3A_553 : i32 to index
        %get3A_588 = arith.constant 176 : index
        %get3A_589 = tpu.vector_load %arg5[%get3A_587, %get3A_588] {strides = array<i32>} : memref<64x200xi32, #tpu.memory_space<vmem>>, vector<16xi32>,
        %get3A_590 = arith.index_cast %add3A_553 : i32 to index
        %get3A_591 = arith.constant 184 : index
        %get3A_592 = tpu.vector_load %arg5[%get3A_590, %get3A_591] {strides = array<i32>} : memref<64x200xi32, #tpu.memory_space<vmem>>, vector<16xi32>,
        %mul3A_593 = arith.constant 10 : i32
        %mul3A_594 = vector.broadcast %mul3A_593 : i32 to vector<16xi32>
        %mul3A_595 = arith.muli %get3A_556, %mul3A_594 : vector<16xi32>
        %add3A_596 = arith.addi %mul3A_595, %get3A_559 : vector<16xi32>
        %gather3A = tpu.vector_load_idx %arg8[%add3A_596] : memref<112xf32, #tpu.memory_space<vmem>>[vector<16xi32>], vector<16xf32>,
        %add3A_597 = arith.addf %broadcast_in_dim3A_378, %gather3A : vector<16xf32>
        %gather3A_598 = tpu.vector_load_idx %arg9[%add3A_596] : memref<112xf32, #tpu.memory_space<vmem>>[vector<16xi32>], vector<16xf32>,
        %add3A_599 = arith.addf %broadcast_in_dim3A_378, %gather3A_598 : vector<16xf32>
        %mul3A_600 = arith.constant 10 : i32
        %mul3A_601 = vector.broadcast %mul3A_600 : i32 to vector<16xi32>
        %mul3A_602 = arith.muli %get3A_562, %mul3A_601 : vector<16xi32>
        %add3A_603 = arith.addi %mul3A_602, %get3A_565 : vector<16xi32>
        %gather3A_604 = tpu.vector_load_idx %arg8[%add3A_603] : memref<112xf32, #tpu.memory_space<vmem>>[vector<16xi32>], vector<16xf32>,
        %add3A_605 = arith.addf %add3A_597, %gather3A_604 : vector<16xf32>
        %gather3A_606 = tpu.vector_load_idx %arg9[%add3A_603] : memref<112xf32, #tpu.memory_space<vmem>>[vector<16xi32>], vector<16xf32>,
        %add3A_607 = arith.addf %add3A_599, %gather3A_606 : vector<16xf32>
        %mul3A_608 = arith.constant 10 : i32
        %mul3A_609 = vector.broadcast %mul3A_608 : i32 to vector<16xi32>
        %mul3A_610 = arith.muli %get3A_568, %mul3A_609 : vector<16xi32>
        %add3A_611 = arith.addi %mul3A_610, %get3A_571 : vector<16xi32>
        %gather3A_612 = tpu.vector_load_idx %arg8[%add3A_611] : memref<112xf32, #tpu.memory_space<vmem>>[vector<16xi32>], vector<16xf32>,
        %add3A_613 = arith.addf %add3A_605, %gather3A_612 : vector<16xf32>
        %gather3A_614 = tpu.vector_load_idx %arg9[%add3A_611] : memref<112xf32, #tpu.memory_space<vmem>>[vector<16xi32>], vector<16xf32>,
        %add3A_615 = arith.addf %add3A_607, %gather3A_614 : vector<16xf32>
        %mul3A_616 = arith.constant 10 : i32
        %mul3A_617 = vector.broadcast %mul3A_616 : i32 to vector<16xi32>
        %mul3A_618 = arith.muli %get3A_574, %mul3A_617 : vector<16xi32>
        %add3A_619 = arith.addi %mul3A_618, %get3A_577 : vector<16xi32>
        %gather3A_620 = tpu.vector_load_idx %arg8[%add3A_619] : memref<112xf32, #tpu.memory_space<vmem>>[vector<16xi32>], vector<16xf32>,
        %add3A_621 = arith.addf %add3A_613, %gather3A_620 : vector<16xf32>
        %gather3A_622 = tpu.vector_load_idx %arg9[%add3A_619] : memref<112xf32, #tpu.memory_space<vmem>>[vector<16xi32>], vector<16xf32>,
        %add3A_623 = arith.addf %add3A_615, %gather3A_622 : vector<16xf32>
        %mul3A_624 = arith.constant 10 : i32
        %mul3A_625 = vector.broadcast %mul3A_624 : i32 to vector<16xi32>
        %mul3A_626 = arith.muli %get3A_580, %mul3A_625 : vector<16xi32>
        %add3A_627 = arith.addi %mul3A_626, %get3A_583 : vector<16xi32>
        %gather3A_628 = tpu.vector_load_idx %arg8[%add3A_627] : memref<112xf32, #tpu.memory_space<vmem>>[vector<16xi32>], vector<16xf32>,
        %add3A_629 = arith.addf %add3A_621, %gather3A_628 : vector<16xf32>
        %gather3A_630 = tpu.vector_load_idx %arg9[%add3A_627] : memref<112xf32, #tpu.memory_space<vmem>>[vector<16xi32>], vector<16xf32>,
        %add3A_631 = arith.addf %add3A_623, %gather3A_630 : vector<16xf32>
        %mul3A_632 = arith.constant 10 : i32
        %mul3A_633 = vector.broadcast %mul3A_632 : i32 to vector<16xi32>
        %mul3A_634 = arith.muli %get3A_586, %mul3A_633 : vector<16xi32>
        %add3A_635 = arith.addi %mul3A_634, %get3A_589 : vector<16xi32>
        %gather3A_636 = tpu.vector_load_idx %arg8[%add3A_635] : memref<112xf32, #tpu.memory_space<vmem>>[vector<16xi32>], vector<16xf32>,
        %add3A_637 = arith.addf %add3A_629, %gather3A_636 : vector<16xf32>
        %gather3A_638 = tpu.vector_load_idx %arg9[%add3A_635] : memref<112xf32, #tpu.memory_space<vmem>>[vector<16xi32>], vector<16xf32>,
        %add3A_639 = arith.addf %add3A_631, %gather3A_638 : vector<16xf32>
        %gather3A_640 = tpu.vector_load_idx %arg10[%get3A_592] : memref<16xf32, #tpu.memory_space<vmem>>[vector<16xi32>], vector<16xf32>,
        %jit3A = arith.constant 0.000000e+00 : f32
        %broadcast_in_dim3A_641 = vector.broadcast %jit3A : f32 to vector<16xf32>
        %select_n3A = arith.select %ge3A_380, %gather3A_640, %broadcast_in_dim3A_641 : vector<16xi1>, vector<16xf32>
        %add3A_642 = arith.addf %add3A_637, %select_n3A : vector<16xf32>
        %gather3A_643 = tpu.vector_load_idx %arg11[%get3A_592] : memref<16xf32, #tpu.memory_space<vmem>>[vector<16xi32>], vector<16xf32>,
        %jit3A_644 = arith.constant 0.000000e+00 : f32
        %broadcast_in_dim3A_645 = vector.broadcast %jit3A_644 : f32 to vector<16xf32>
        %select_n3A_646 = arith.select %ge3A_380, %gather3A_643, %broadcast_in_dim3A_645 : vector<16xi1>, vector<16xf32>
        %add3A_647 = arith.addf %add3A_639, %select_n3A_646 : vector<16xf32>
        %reduce_sum3A = arith.constant true
        %reduce_sum3A_648 = vector.broadcast %reduce_sum3A : i1 to vector<16xi1>
        %reduce_sum3A_649 = tpu.scan <sum>, %add3A_642 masked %reduce_sum3A_648 : vector<16xf32>, vector<16xi1> -> vector<16xf32>
        %reduce_sum3A_650 = vector.extract %reduce_sum3A_649[15] : f32 from vector<16xf32>
        %reduce_sum3A_651 = arith.constant true
        %reduce_sum3A_652 = vector.broadcast %reduce_sum3A_651 : i1 to vector<16xi1>
        %reduce_sum3A_653 = tpu.scan <sum>, %add3A_647 masked %reduce_sum3A_652 : vector<16xf32>, vector<16xi1> -> vector<16xf32>
        %reduce_sum3A_654 = vector.extract %reduce_sum3A_653[15] : f32 from vector<16xf32>
        %eq3A = vector.broadcast %scan3A_548 : i32 to vector<16xi32>
        %eq3A_655 = arith.cmpi eq, %iota3A, %eq3A : vector<16xi32>
        %broadcast_in_dim3A_656 = vector.broadcast %reduce_sum3A_650 : f32 to vector<16xf32>
        %select_n3A_657 = arith.select %eq3A_655, %broadcast_in_dim3A_656, %scan3A_549 : vector<16xi1>, vector<16xf32>
        %eq3A_658 = vector.broadcast %scan3A_548 : i32 to vector<16xi32>
        %eq3A_659 = arith.cmpi eq, %iota3A, %eq3A_658 : vector<16xi32>
        %broadcast_in_dim3A_660 = vector.broadcast %reduce_sum3A_654 : f32 to vector<16xf32>
        %select_n3A_661 = arith.select %eq3A_659, %broadcast_in_dim3A_660, %scan3A_550 : vector<16xi1>, vector<16xf32>
        %scan3A_662 = arith.constant 1 : i32
        %scan3A_663 = arith.addi %scan3A_548, %scan3A_662 : i32
        %mul3A_664 = arith.constant 16 : i32
        %mul3A_665 = arith.muli %scan3A_529, %mul3A_664 : i32
        %add3A_666 = arith.addi %mul3A_665, %scan3A_663 : i32
        %get3A_667 = arith.index_cast %add3A_666 : i32 to index
        %get3A_668 = arith.constant 0 : index
        %get3A_669 = tpu.vector_load %arg5[%get3A_667, %get3A_668] {strides = array<i32>} : memref<64x200xi32, #tpu.memory_space<vmem>>, vector<16xi32>,
        %get3A_670 = arith.index_cast %add3A_666 : i32 to index
        %get3A_671 = arith.constant 16 : index
        %get3A_672 = tpu.vector_load %arg5[%get3A_670, %get3A_671] {strides = array<i32>} : memref<64x200xi32, #tpu.memory_space<vmem>>, vector<16xi32>,
        %get3A_673 = arith.index_cast %add3A_666 : i32 to index
        %get3A_674 = arith.constant 32 : index
        %get3A_675 = tpu.vector_load %arg5[%get3A_673, %get3A_674] {strides = array<i32>} : memref<64x200xi32, #tpu.memory_space<vmem>>, vector<16xi32>,
        %get3A_676 = arith.index_cast %add3A_666 : i32 to index
        %get3A_677 = arith.constant 48 : index
        %get3A_678 = tpu.vector_load %arg5[%get3A_676, %get3A_677] {strides = array<i32>} : memref<64x200xi32, #tpu.memory_space<vmem>>, vector<16xi32>,
        %get3A_679 = arith.index_cast %add3A_666 : i32 to index
        %get3A_680 = arith.constant 64 : index
        %get3A_681 = tpu.vector_load %arg5[%get3A_679, %get3A_680] {strides = array<i32>} : memref<64x200xi32, #tpu.memory_space<vmem>>, vector<16xi32>,
        %get3A_682 = arith.index_cast %add3A_666 : i32 to index
        %get3A_683 = arith.constant 80 : index
        %get3A_684 = tpu.vector_load %arg5[%get3A_682, %get3A_683] {strides = array<i32>} : memref<64x200xi32, #tpu.memory_space<vmem>>, vector<16xi32>,
        %get3A_685 = arith.index_cast %add3A_666 : i32 to index
        %get3A_686 = arith.constant 96 : index
        %get3A_687 = tpu.vector_load %arg5[%get3A_685, %get3A_686] {strides = array<i32>} : memref<64x200xi32, #tpu.memory_space<vmem>>, vector<16xi32>,
        %get3A_688 = arith.index_cast %add3A_666 : i32 to index
        %get3A_689 = arith.constant 112 : index
        %get3A_690 = tpu.vector_load %arg5[%get3A_688, %get3A_689] {strides = array<i32>} : memref<64x200xi32, #tpu.memory_space<vmem>>, vector<16xi32>,
        %get3A_691 = arith.index_cast %add3A_666 : i32 to index
        %get3A_692 = arith.constant 128 : index
        %get3A_693 = tpu.vector_load %arg5[%get3A_691, %get3A_692] {strides = array<i32>} : memref<64x200xi32, #tpu.memory_space<vmem>>, vector<16xi32>,
        %get3A_694 = arith.index_cast %add3A_666 : i32 to index
        %get3A_695 = arith.constant 144 : index
        %get3A_696 = tpu.vector_load %arg5[%get3A_694, %get3A_695] {strides = array<i32>} : memref<64x200xi32, #tpu.memory_space<vmem>>, vector<16xi32>,
        %get3A_697 = arith.index_cast %add3A_666 : i32 to index
        %get3A_698 = arith.constant 160 : index
        %get3A_699 = tpu.vector_load %arg5[%get3A_697, %get3A_698] {strides = array<i32>} : memref<64x200xi32, #tpu.memory_space<vmem>>, vector<16xi32>,
        %get3A_700 = arith.index_cast %add3A_666 : i32 to index
        %get3A_701 = arith.constant 176 : index
        %get3A_702 = tpu.vector_load %arg5[%get3A_700, %get3A_701] {strides = array<i32>} : memref<64x200xi32, #tpu.memory_space<vmem>>, vector<16xi32>,
        %get3A_703 = arith.index_cast %add3A_666 : i32 to index
        %get3A_704 = arith.constant 184 : index
        %get3A_705 = tpu.vector_load %arg5[%get3A_703, %get3A_704] {strides = array<i32>} : memref<64x200xi32, #tpu.memory_space<vmem>>, vector<16xi32>,
        %mul3A_706 = arith.constant 10 : i32
        %mul3A_707 = vector.broadcast %mul3A_706 : i32 to vector<16xi32>
        %mul3A_708 = arith.muli %get3A_669, %mul3A_707 : vector<16xi32>
        %add3A_709 = arith.addi %mul3A_708, %get3A_672 : vector<16xi32>
        %gather3A_710 = tpu.vector_load_idx %arg8[%add3A_709] : memref<112xf32, #tpu.memory_space<vmem>>[vector<16xi32>], vector<16xf32>,
        %add3A_711 = arith.addf %broadcast_in_dim3A_378, %gather3A_710 : vector<16xf32>
        %gather3A_712 = tpu.vector_load_idx %arg9[%add3A_709] : memref<112xf32, #tpu.memory_space<vmem>>[vector<16xi32>], vector<16xf32>,
        %add3A_713 = arith.addf %broadcast_in_dim3A_378, %gather3A_712 : vector<16xf32>
        %mul3A_714 = arith.constant 10 : i32
        %mul3A_715 = vector.broadcast %mul3A_714 : i32 to vector<16xi32>
        %mul3A_716 = arith.muli %get3A_675, %mul3A_715 : vector<16xi32>
        %add3A_717 = arith.addi %mul3A_716, %get3A_678 : vector<16xi32>
        %gather3A_718 = tpu.vector_load_idx %arg8[%add3A_717] : memref<112xf32, #tpu.memory_space<vmem>>[vector<16xi32>], vector<16xf32>,
        %add3A_719 = arith.addf %add3A_711, %gather3A_718 : vector<16xf32>
        %gather3A_720 = tpu.vector_load_idx %arg9[%add3A_717] : memref<112xf32, #tpu.memory_space<vmem>>[vector<16xi32>], vector<16xf32>,
        %add3A_721 = arith.addf %add3A_713, %gather3A_720 : vector<16xf32>
        %mul3A_722 = arith.constant 10 : i32
        %mul3A_723 = vector.broadcast %mul3A_722 : i32 to vector<16xi32>
        %mul3A_724 = arith.muli %get3A_681, %mul3A_723 : vector<16xi32>
        %add3A_725 = arith.addi %mul3A_724, %get3A_684 : vector<16xi32>
        %gather3A_726 = tpu.vector_load_idx %arg8[%add3A_725] : memref<112xf32, #tpu.memory_space<vmem>>[vector<16xi32>], vector<16xf32>,
        %add3A_727 = arith.addf %add3A_719, %gather3A_726 : vector<16xf32>
        %gather3A_728 = tpu.vector_load_idx %arg9[%add3A_725] : memref<112xf32, #tpu.memory_space<vmem>>[vector<16xi32>], vector<16xf32>,
        %add3A_729 = arith.addf %add3A_721, %gather3A_728 : vector<16xf32>
        %mul3A_730 = arith.constant 10 : i32
        %mul3A_731 = vector.broadcast %mul3A_730 : i32 to vector<16xi32>
        %mul3A_732 = arith.muli %get3A_687, %mul3A_731 : vector<16xi32>
        %add3A_733 = arith.addi %mul3A_732, %get3A_690 : vector<16xi32>
        %gather3A_734 = tpu.vector_load_idx %arg8[%add3A_733] : memref<112xf32, #tpu.memory_space<vmem>>[vector<16xi32>], vector<16xf32>,
        %add3A_735 = arith.addf %add3A_727, %gather3A_734 : vector<16xf32>
        %gather3A_736 = tpu.vector_load_idx %arg9[%add3A_733] : memref<112xf32, #tpu.memory_space<vmem>>[vector<16xi32>], vector<16xf32>,
        %add3A_737 = arith.addf %add3A_729, %gather3A_736 : vector<16xf32>
        %mul3A_738 = arith.constant 10 : i32
        %mul3A_739 = vector.broadcast %mul3A_738 : i32 to vector<16xi32>
        %mul3A_740 = arith.muli %get3A_693, %mul3A_739 : vector<16xi32>
        %add3A_741 = arith.addi %mul3A_740, %get3A_696 : vector<16xi32>
        %gather3A_742 = tpu.vector_load_idx %arg8[%add3A_741] : memref<112xf32, #tpu.memory_space<vmem>>[vector<16xi32>], vector<16xf32>,
        %add3A_743 = arith.addf %add3A_735, %gather3A_742 : vector<16xf32>
        %gather3A_744 = tpu.vector_load_idx %arg9[%add3A_741] : memref<112xf32, #tpu.memory_space<vmem>>[vector<16xi32>], vector<16xf32>,
        %add3A_745 = arith.addf %add3A_737, %gather3A_744 : vector<16xf32>
        %mul3A_746 = arith.constant 10 : i32
        %mul3A_747 = vector.broadcast %mul3A_746 : i32 to vector<16xi32>
        %mul3A_748 = arith.muli %get3A_699, %mul3A_747 : vector<16xi32>
        %add3A_749 = arith.addi %mul3A_748, %get3A_702 : vector<16xi32>
        %gather3A_750 = tpu.vector_load_idx %arg8[%add3A_749] : memref<112xf32, #tpu.memory_space<vmem>>[vector<16xi32>], vector<16xf32>,
        %add3A_751 = arith.addf %add3A_743, %gather3A_750 : vector<16xf32>
        %gather3A_752 = tpu.vector_load_idx %arg9[%add3A_749] : memref<112xf32, #tpu.memory_space<vmem>>[vector<16xi32>], vector<16xf32>,
        %add3A_753 = arith.addf %add3A_745, %gather3A_752 : vector<16xf32>
        %gather3A_754 = tpu.vector_load_idx %arg10[%get3A_705] : memref<16xf32, #tpu.memory_space<vmem>>[vector<16xi32>], vector<16xf32>,
        %jit3A_755 = arith.constant 0.000000e+00 : f32
        %broadcast_in_dim3A_756 = vector.broadcast %jit3A_755 : f32 to vector<16xf32>
        %select_n3A_757 = arith.select %ge3A_380, %gather3A_754, %broadcast_in_dim3A_756 : vector<16xi1>, vector<16xf32>
        %add3A_758 = arith.addf %add3A_751, %select_n3A_757 : vector<16xf32>
        %gather3A_759 = tpu.vector_load_idx %arg11[%get3A_705] : memref<16xf32, #tpu.memory_space<vmem>>[vector<16xi32>], vector<16xf32>,
        %jit3A_760 = arith.constant 0.000000e+00 : f32
        %broadcast_in_dim3A_761 = vector.broadcast %jit3A_760 : f32 to vector<16xf32>
        %select_n3A_762 = arith.select %ge3A_380, %gather3A_759, %broadcast_in_dim3A_761 : vector<16xi1>, vector<16xf32>
        %add3A_763 = arith.addf %add3A_753, %select_n3A_762 : vector<16xf32>
        %reduce_sum3A_764 = arith.constant true
        %reduce_sum3A_765 = vector.broadcast %reduce_sum3A_764 : i1 to vector<16xi1>
        %reduce_sum3A_766 = tpu.scan <sum>, %add3A_758 masked %reduce_sum3A_765 : vector<16xf32>, vector<16xi1> -> vector<16xf32>
        %reduce_sum3A_767 = vector.extract %reduce_sum3A_766[15] : f32 from vector<16xf32>
        %reduce_sum3A_768 = arith.constant true
        %reduce_sum3A_769 = vector.broadcast %reduce_sum3A_768 : i1 to vector<16xi1>
        %reduce_sum3A_770 = tpu.scan <sum>, %add3A_763 masked %reduce_sum3A_769 : vector<16xf32>, vector<16xi1> -> vector<16xf32>
        %reduce_sum3A_771 = vector.extract %reduce_sum3A_770[15] : f32 from vector<16xf32>
        %eq3A_772 = vector.broadcast %scan3A_663 : i32 to vector<16xi32>
        %eq3A_773 = arith.cmpi eq, %iota3A, %eq3A_772 : vector<16xi32>
        %broadcast_in_dim3A_774 = vector.broadcast %reduce_sum3A_767 : f32 to vector<16xf32>
        %select_n3A_775 = arith.select %eq3A_773, %broadcast_in_dim3A_774, %select_n3A_657 : vector<16xi1>, vector<16xf32>
        %eq3A_776 = vector.broadcast %scan3A_663 : i32 to vector<16xi32>
        %eq3A_777 = arith.cmpi eq, %iota3A, %eq3A_776 : vector<16xi32>
        %broadcast_in_dim3A_778 = vector.broadcast %reduce_sum3A_771 : f32 to vector<16xf32>
        %select_n3A_779 = arith.select %eq3A_777, %broadcast_in_dim3A_778, %select_n3A_661 : vector<16xi1>, vector<16xf32>
        scf.yield %select_n3A_775, %select_n3A_779 : vector<16xf32>, vector<16xf32>
      }
      %scan3A_536 = arith.constant 16 : i32
      %mul3A_537 = arith.constant 16 : i32
      %mul3A_538 = arith.muli %scan3A_529, %mul3A_537 : i32
      %add3A_539 = arith.constant 384 : i32
      %add3A_540 = arith.addi %add3A_539, %mul3A_538 : i32
      %swap3A_541 = arith.index_cast %add3A_540 : i32 to index
      %swap3A_542 = tpu.vector_load %arg12[%swap3A_541] {strides = array<i32>} : memref<1024xf32, #tpu.memory_space<vmem>>, vector<16xf32>,
      tpu.vector_store %arg12[%swap3A_541], %scan3A_535#0 {strides = array<i32>} : memref<1024xf32, #tpu.memory_space<vmem>>, vector<16xf32>,
      %add3A_543 = arith.constant 512 : i32
      %add3A_544 = arith.addi %add3A_543, %add3A_540 : i32
      %swap3A_545 = arith.index_cast %add3A_544 : i32 to index
      %swap3A_546 = tpu.vector_load %arg12[%swap3A_545] {strides = array<i32>} : memref<1024xf32, #tpu.memory_space<vmem>>, vector<16xf32>,
      tpu.vector_store %arg12[%swap3A_545], %scan3A_535#1 {strides = array<i32>} : memref<1024xf32, #tpu.memory_space<vmem>>, vector<16xf32>,
      %scan3A_547 = arith.constant 0 : i32
      scf.yield %scan3A_547 : i32
    }
    %scan3A_511 = arith.constant 4 : i32
    %dma_wait3A_512 = arith.constant 0 : i32
    %dma_wait3A_513 = tpu.memref_slice %arg2[%add3A_500, %dma_wait3A_512] : memref<16384x200xi32, #tpu.memory_space<hbm>> -> memref<64x200xi32, #tpu.memory_space<hbm>>
    %dma_wait3A_514 = arith.constant 0 : i32
    %dma_wait3A_515 = tpu.memref_slice %arg2[%add3A_500, %dma_wait3A_514] : memref<16384x200xi32, #tpu.memory_space<hbm>> -> memref<64x200xi32, #tpu.memory_space<hbm>>
    tpu.wait_dma2 semaphore(%arg14 : memref<!tpu.dma_semaphore, #tpu.memory_space<semaphore_mem>>) src(%dma_wait3A_515 : memref<64x200xi32, #tpu.memory_space<hbm>>) dst(%arg6 : memref<64x200xi32, #tpu.memory_space<vmem>>)
    %scan3A_516 = arith.constant 0 : i32
    %scan3A_517 = arith.constant 0 : i32
    %scan3A_518 = arith.constant 4 : i32
    %scan3A_519 = arith.addi %scan3A_517, %scan3A_518 : i32
    %scan3A_520 = arith.constant 1 : i32
    %scan3A_521 = scf.for %scan3A_529 = %scan3A_517 to %scan3A_519 step %scan3A_520 iter_args(%scan3A_530 = %scan3A_516) -> (i32)  : i32 {
      %scan3A_531 = arith.constant 0 : i32
      %scan3A_532 = arith.constant 16 : i32
      %scan3A_533 = arith.addi %scan3A_531, %scan3A_532 : i32
      %scan3A_534 = arith.constant 2 : i32
      %scan3A_535:2 = scf.for %scan3A_548 = %scan3A_531 to %scan3A_533 step %scan3A_534 iter_args(%scan3A_549 = %broadcast_in_dim3A_378, %scan3A_550 = %broadcast_in_dim3A_378) -> (vector<16xf32>, vector<16xf32>)  : i32 {
        %mul3A_551 = arith.constant 16 : i32
        %mul3A_552 = arith.muli %scan3A_529, %mul3A_551 : i32
        %add3A_553 = arith.addi %mul3A_552, %scan3A_548 : i32
        %get3A_554 = arith.index_cast %add3A_553 : i32 to index
        %get3A_555 = arith.constant 0 : index
        %get3A_556 = tpu.vector_load %arg6[%get3A_554, %get3A_555] {strides = array<i32>} : memref<64x200xi32, #tpu.memory_space<vmem>>, vector<16xi32>,
        %get3A_557 = arith.index_cast %add3A_553 : i32 to index
        %get3A_558 = arith.constant 16 : index
        %get3A_559 = tpu.vector_load %arg6[%get3A_557, %get3A_558] {strides = array<i32>} : memref<64x200xi32, #tpu.memory_space<vmem>>, vector<16xi32>,
        %get3A_560 = arith.index_cast %add3A_553 : i32 to index
        %get3A_561 = arith.constant 32 : index
        %get3A_562 = tpu.vector_load %arg6[%get3A_560, %get3A_561] {strides = array<i32>} : memref<64x200xi32, #tpu.memory_space<vmem>>, vector<16xi32>,
        %get3A_563 = arith.index_cast %add3A_553 : i32 to index
        %get3A_564 = arith.constant 48 : index
        %get3A_565 = tpu.vector_load %arg6[%get3A_563, %get3A_564] {strides = array<i32>} : memref<64x200xi32, #tpu.memory_space<vmem>>, vector<16xi32>,
        %get3A_566 = arith.index_cast %add3A_553 : i32 to index
        %get3A_567 = arith.constant 64 : index
        %get3A_568 = tpu.vector_load %arg6[%get3A_566, %get3A_567] {strides = array<i32>} : memref<64x200xi32, #tpu.memory_space<vmem>>, vector<16xi32>,
        %get3A_569 = arith.index_cast %add3A_553 : i32 to index
        %get3A_570 = arith.constant 80 : index
        %get3A_571 = tpu.vector_load %arg6[%get3A_569, %get3A_570] {strides = array<i32>} : memref<64x200xi32, #tpu.memory_space<vmem>>, vector<16xi32>,
        %get3A_572 = arith.index_cast %add3A_553 : i32 to index
        %get3A_573 = arith.constant 96 : index
        %get3A_574 = tpu.vector_load %arg6[%get3A_572, %get3A_573] {strides = array<i32>} : memref<64x200xi32, #tpu.memory_space<vmem>>, vector<16xi32>,
        %get3A_575 = arith.index_cast %add3A_553 : i32 to index
        %get3A_576 = arith.constant 112 : index
        %get3A_577 = tpu.vector_load %arg6[%get3A_575, %get3A_576] {strides = array<i32>} : memref<64x200xi32, #tpu.memory_space<vmem>>, vector<16xi32>,
        %get3A_578 = arith.index_cast %add3A_553 : i32 to index
        %get3A_579 = arith.constant 128 : index
        %get3A_580 = tpu.vector_load %arg6[%get3A_578, %get3A_579] {strides = array<i32>} : memref<64x200xi32, #tpu.memory_space<vmem>>, vector<16xi32>,
        %get3A_581 = arith.index_cast %add3A_553 : i32 to index
        %get3A_582 = arith.constant 144 : index
        %get3A_583 = tpu.vector_load %arg6[%get3A_581, %get3A_582] {strides = array<i32>} : memref<64x200xi32, #tpu.memory_space<vmem>>, vector<16xi32>,
        %get3A_584 = arith.index_cast %add3A_553 : i32 to index
        %get3A_585 = arith.constant 160 : index
        %get3A_586 = tpu.vector_load %arg6[%get3A_584, %get3A_585] {strides = array<i32>} : memref<64x200xi32, #tpu.memory_space<vmem>>, vector<16xi32>,
        %get3A_587 = arith.index_cast %add3A_553 : i32 to index
        %get3A_588 = arith.constant 176 : index
        %get3A_589 = tpu.vector_load %arg6[%get3A_587, %get3A_588] {strides = array<i32>} : memref<64x200xi32, #tpu.memory_space<vmem>>, vector<16xi32>,
        %get3A_590 = arith.index_cast %add3A_553 : i32 to index
        %get3A_591 = arith.constant 184 : index
        %get3A_592 = tpu.vector_load %arg6[%get3A_590, %get3A_591] {strides = array<i32>} : memref<64x200xi32, #tpu.memory_space<vmem>>, vector<16xi32>,
        %mul3A_593 = arith.constant 10 : i32
        %mul3A_594 = vector.broadcast %mul3A_593 : i32 to vector<16xi32>
        %mul3A_595 = arith.muli %get3A_556, %mul3A_594 : vector<16xi32>
        %add3A_596 = arith.addi %mul3A_595, %get3A_559 : vector<16xi32>
        %gather3A = tpu.vector_load_idx %arg8[%add3A_596] : memref<112xf32, #tpu.memory_space<vmem>>[vector<16xi32>], vector<16xf32>,
        %add3A_597 = arith.addf %broadcast_in_dim3A_378, %gather3A : vector<16xf32>
        %gather3A_598 = tpu.vector_load_idx %arg9[%add3A_596] : memref<112xf32, #tpu.memory_space<vmem>>[vector<16xi32>], vector<16xf32>,
        %add3A_599 = arith.addf %broadcast_in_dim3A_378, %gather3A_598 : vector<16xf32>
        %mul3A_600 = arith.constant 10 : i32
        %mul3A_601 = vector.broadcast %mul3A_600 : i32 to vector<16xi32>
        %mul3A_602 = arith.muli %get3A_562, %mul3A_601 : vector<16xi32>
        %add3A_603 = arith.addi %mul3A_602, %get3A_565 : vector<16xi32>
        %gather3A_604 = tpu.vector_load_idx %arg8[%add3A_603] : memref<112xf32, #tpu.memory_space<vmem>>[vector<16xi32>], vector<16xf32>,
        %add3A_605 = arith.addf %add3A_597, %gather3A_604 : vector<16xf32>
        %gather3A_606 = tpu.vector_load_idx %arg9[%add3A_603] : memref<112xf32, #tpu.memory_space<vmem>>[vector<16xi32>], vector<16xf32>,
        %add3A_607 = arith.addf %add3A_599, %gather3A_606 : vector<16xf32>
        %mul3A_608 = arith.constant 10 : i32
        %mul3A_609 = vector.broadcast %mul3A_608 : i32 to vector<16xi32>
        %mul3A_610 = arith.muli %get3A_568, %mul3A_609 : vector<16xi32>
        %add3A_611 = arith.addi %mul3A_610, %get3A_571 : vector<16xi32>
        %gather3A_612 = tpu.vector_load_idx %arg8[%add3A_611] : memref<112xf32, #tpu.memory_space<vmem>>[vector<16xi32>], vector<16xf32>,
        %add3A_613 = arith.addf %add3A_605, %gather3A_612 : vector<16xf32>
        %gather3A_614 = tpu.vector_load_idx %arg9[%add3A_611] : memref<112xf32, #tpu.memory_space<vmem>>[vector<16xi32>], vector<16xf32>,
        %add3A_615 = arith.addf %add3A_607, %gather3A_614 : vector<16xf32>
        %mul3A_616 = arith.constant 10 : i32
        %mul3A_617 = vector.broadcast %mul3A_616 : i32 to vector<16xi32>
        %mul3A_618 = arith.muli %get3A_574, %mul3A_617 : vector<16xi32>
        %add3A_619 = arith.addi %mul3A_618, %get3A_577 : vector<16xi32>
        %gather3A_620 = tpu.vector_load_idx %arg8[%add3A_619] : memref<112xf32, #tpu.memory_space<vmem>>[vector<16xi32>], vector<16xf32>,
        %add3A_621 = arith.addf %add3A_613, %gather3A_620 : vector<16xf32>
        %gather3A_622 = tpu.vector_load_idx %arg9[%add3A_619] : memref<112xf32, #tpu.memory_space<vmem>>[vector<16xi32>], vector<16xf32>,
        %add3A_623 = arith.addf %add3A_615, %gather3A_622 : vector<16xf32>
        %mul3A_624 = arith.constant 10 : i32
        %mul3A_625 = vector.broadcast %mul3A_624 : i32 to vector<16xi32>
        %mul3A_626 = arith.muli %get3A_580, %mul3A_625 : vector<16xi32>
        %add3A_627 = arith.addi %mul3A_626, %get3A_583 : vector<16xi32>
        %gather3A_628 = tpu.vector_load_idx %arg8[%add3A_627] : memref<112xf32, #tpu.memory_space<vmem>>[vector<16xi32>], vector<16xf32>,
        %add3A_629 = arith.addf %add3A_621, %gather3A_628 : vector<16xf32>
        %gather3A_630 = tpu.vector_load_idx %arg9[%add3A_627] : memref<112xf32, #tpu.memory_space<vmem>>[vector<16xi32>], vector<16xf32>,
        %add3A_631 = arith.addf %add3A_623, %gather3A_630 : vector<16xf32>
        %mul3A_632 = arith.constant 10 : i32
        %mul3A_633 = vector.broadcast %mul3A_632 : i32 to vector<16xi32>
        %mul3A_634 = arith.muli %get3A_586, %mul3A_633 : vector<16xi32>
        %add3A_635 = arith.addi %mul3A_634, %get3A_589 : vector<16xi32>
        %gather3A_636 = tpu.vector_load_idx %arg8[%add3A_635] : memref<112xf32, #tpu.memory_space<vmem>>[vector<16xi32>], vector<16xf32>,
        %add3A_637 = arith.addf %add3A_629, %gather3A_636 : vector<16xf32>
        %gather3A_638 = tpu.vector_load_idx %arg9[%add3A_635] : memref<112xf32, #tpu.memory_space<vmem>>[vector<16xi32>], vector<16xf32>,
        %add3A_639 = arith.addf %add3A_631, %gather3A_638 : vector<16xf32>
        %gather3A_640 = tpu.vector_load_idx %arg10[%get3A_592] : memref<16xf32, #tpu.memory_space<vmem>>[vector<16xi32>], vector<16xf32>,
        %jit3A = arith.constant 0.000000e+00 : f32
        %broadcast_in_dim3A_641 = vector.broadcast %jit3A : f32 to vector<16xf32>
        %select_n3A = arith.select %ge3A_380, %gather3A_640, %broadcast_in_dim3A_641 : vector<16xi1>, vector<16xf32>
        %add3A_642 = arith.addf %add3A_637, %select_n3A : vector<16xf32>
        %gather3A_643 = tpu.vector_load_idx %arg11[%get3A_592] : memref<16xf32, #tpu.memory_space<vmem>>[vector<16xi32>], vector<16xf32>,
        %jit3A_644 = arith.constant 0.000000e+00 : f32
        %broadcast_in_dim3A_645 = vector.broadcast %jit3A_644 : f32 to vector<16xf32>
        %select_n3A_646 = arith.select %ge3A_380, %gather3A_643, %broadcast_in_dim3A_645 : vector<16xi1>, vector<16xf32>
        %add3A_647 = arith.addf %add3A_639, %select_n3A_646 : vector<16xf32>
        %reduce_sum3A = arith.constant true
        %reduce_sum3A_648 = vector.broadcast %reduce_sum3A : i1 to vector<16xi1>
        %reduce_sum3A_649 = tpu.scan <sum>, %add3A_642 masked %reduce_sum3A_648 : vector<16xf32>, vector<16xi1> -> vector<16xf32>
        %reduce_sum3A_650 = vector.extract %reduce_sum3A_649[15] : f32 from vector<16xf32>
        %reduce_sum3A_651 = arith.constant true
        %reduce_sum3A_652 = vector.broadcast %reduce_sum3A_651 : i1 to vector<16xi1>
        %reduce_sum3A_653 = tpu.scan <sum>, %add3A_647 masked %reduce_sum3A_652 : vector<16xf32>, vector<16xi1> -> vector<16xf32>
        %reduce_sum3A_654 = vector.extract %reduce_sum3A_653[15] : f32 from vector<16xf32>
        %eq3A = vector.broadcast %scan3A_548 : i32 to vector<16xi32>
        %eq3A_655 = arith.cmpi eq, %iota3A, %eq3A : vector<16xi32>
        %broadcast_in_dim3A_656 = vector.broadcast %reduce_sum3A_650 : f32 to vector<16xf32>
        %select_n3A_657 = arith.select %eq3A_655, %broadcast_in_dim3A_656, %scan3A_549 : vector<16xi1>, vector<16xf32>
        %eq3A_658 = vector.broadcast %scan3A_548 : i32 to vector<16xi32>
        %eq3A_659 = arith.cmpi eq, %iota3A, %eq3A_658 : vector<16xi32>
        %broadcast_in_dim3A_660 = vector.broadcast %reduce_sum3A_654 : f32 to vector<16xf32>
        %select_n3A_661 = arith.select %eq3A_659, %broadcast_in_dim3A_660, %scan3A_550 : vector<16xi1>, vector<16xf32>
        %scan3A_662 = arith.constant 1 : i32
        %scan3A_663 = arith.addi %scan3A_548, %scan3A_662 : i32
        %mul3A_664 = arith.constant 16 : i32
        %mul3A_665 = arith.muli %scan3A_529, %mul3A_664 : i32
        %add3A_666 = arith.addi %mul3A_665, %scan3A_663 : i32
        %get3A_667 = arith.index_cast %add3A_666 : i32 to index
        %get3A_668 = arith.constant 0 : index
        %get3A_669 = tpu.vector_load %arg6[%get3A_667, %get3A_668] {strides = array<i32>} : memref<64x200xi32, #tpu.memory_space<vmem>>, vector<16xi32>,
        %get3A_670 = arith.index_cast %add3A_666 : i32 to index
        %get3A_671 = arith.constant 16 : index
        %get3A_672 = tpu.vector_load %arg6[%get3A_670, %get3A_671] {strides = array<i32>} : memref<64x200xi32, #tpu.memory_space<vmem>>, vector<16xi32>,
        %get3A_673 = arith.index_cast %add3A_666 : i32 to index
        %get3A_674 = arith.constant 32 : index
        %get3A_675 = tpu.vector_load %arg6[%get3A_673, %get3A_674] {strides = array<i32>} : memref<64x200xi32, #tpu.memory_space<vmem>>, vector<16xi32>,
        %get3A_676 = arith.index_cast %add3A_666 : i32 to index
        %get3A_677 = arith.constant 48 : index
        %get3A_678 = tpu.vector_load %arg6[%get3A_676, %get3A_677] {strides = array<i32>} : memref<64x200xi32, #tpu.memory_space<vmem>>, vector<16xi32>,
        %get3A_679 = arith.index_cast %add3A_666 : i32 to index
        %get3A_680 = arith.constant 64 : index
        %get3A_681 = tpu.vector_load %arg6[%get3A_679, %get3A_680] {strides = array<i32>} : memref<64x200xi32, #tpu.memory_space<vmem>>, vector<16xi32>,
        %get3A_682 = arith.index_cast %add3A_666 : i32 to index
        %get3A_683 = arith.constant 80 : index
        %get3A_684 = tpu.vector_load %arg6[%get3A_682, %get3A_683] {strides = array<i32>} : memref<64x200xi32, #tpu.memory_space<vmem>>, vector<16xi32>,
        %get3A_685 = arith.index_cast %add3A_666 : i32 to index
        %get3A_686 = arith.constant 96 : index
        %get3A_687 = tpu.vector_load %arg6[%get3A_685, %get3A_686] {strides = array<i32>} : memref<64x200xi32, #tpu.memory_space<vmem>>, vector<16xi32>,
        %get3A_688 = arith.index_cast %add3A_666 : i32 to index
        %get3A_689 = arith.constant 112 : index
        %get3A_690 = tpu.vector_load %arg6[%get3A_688, %get3A_689] {strides = array<i32>} : memref<64x200xi32, #tpu.memory_space<vmem>>, vector<16xi32>,
        %get3A_691 = arith.index_cast %add3A_666 : i32 to index
        %get3A_692 = arith.constant 128 : index
        %get3A_693 = tpu.vector_load %arg6[%get3A_691, %get3A_692] {strides = array<i32>} : memref<64x200xi32, #tpu.memory_space<vmem>>, vector<16xi32>,
        %get3A_694 = arith.index_cast %add3A_666 : i32 to index
        %get3A_695 = arith.constant 144 : index
        %get3A_696 = tpu.vector_load %arg6[%get3A_694, %get3A_695] {strides = array<i32>} : memref<64x200xi32, #tpu.memory_space<vmem>>, vector<16xi32>,
        %get3A_697 = arith.index_cast %add3A_666 : i32 to index
        %get3A_698 = arith.constant 160 : index
        %get3A_699 = tpu.vector_load %arg6[%get3A_697, %get3A_698] {strides = array<i32>} : memref<64x200xi32, #tpu.memory_space<vmem>>, vector<16xi32>,
        %get3A_700 = arith.index_cast %add3A_666 : i32 to index
        %get3A_701 = arith.constant 176 : index
        %get3A_702 = tpu.vector_load %arg6[%get3A_700, %get3A_701] {strides = array<i32>} : memref<64x200xi32, #tpu.memory_space<vmem>>, vector<16xi32>,
        %get3A_703 = arith.index_cast %add3A_666 : i32 to index
        %get3A_704 = arith.constant 184 : index
        %get3A_705 = tpu.vector_load %arg6[%get3A_703, %get3A_704] {strides = array<i32>} : memref<64x200xi32, #tpu.memory_space<vmem>>, vector<16xi32>,
        %mul3A_706 = arith.constant 10 : i32
        %mul3A_707 = vector.broadcast %mul3A_706 : i32 to vector<16xi32>
        %mul3A_708 = arith.muli %get3A_669, %mul3A_707 : vector<16xi32>
        %add3A_709 = arith.addi %mul3A_708, %get3A_672 : vector<16xi32>
        %gather3A_710 = tpu.vector_load_idx %arg8[%add3A_709] : memref<112xf32, #tpu.memory_space<vmem>>[vector<16xi32>], vector<16xf32>,
        %add3A_711 = arith.addf %broadcast_in_dim3A_378, %gather3A_710 : vector<16xf32>
        %gather3A_712 = tpu.vector_load_idx %arg9[%add3A_709] : memref<112xf32, #tpu.memory_space<vmem>>[vector<16xi32>], vector<16xf32>,
        %add3A_713 = arith.addf %broadcast_in_dim3A_378, %gather3A_712 : vector<16xf32>
        %mul3A_714 = arith.constant 10 : i32
        %mul3A_715 = vector.broadcast %mul3A_714 : i32 to vector<16xi32>
        %mul3A_716 = arith.muli %get3A_675, %mul3A_715 : vector<16xi32>
        %add3A_717 = arith.addi %mul3A_716, %get3A_678 : vector<16xi32>
        %gather3A_718 = tpu.vector_load_idx %arg8[%add3A_717] : memref<112xf32, #tpu.memory_space<vmem>>[vector<16xi32>], vector<16xf32>,
        %add3A_719 = arith.addf %add3A_711, %gather3A_718 : vector<16xf32>
        %gather3A_720 = tpu.vector_load_idx %arg9[%add3A_717] : memref<112xf32, #tpu.memory_space<vmem>>[vector<16xi32>], vector<16xf32>,
        %add3A_721 = arith.addf %add3A_713, %gather3A_720 : vector<16xf32>
        %mul3A_722 = arith.constant 10 : i32
        %mul3A_723 = vector.broadcast %mul3A_722 : i32 to vector<16xi32>
        %mul3A_724 = arith.muli %get3A_681, %mul3A_723 : vector<16xi32>
        %add3A_725 = arith.addi %mul3A_724, %get3A_684 : vector<16xi32>
        %gather3A_726 = tpu.vector_load_idx %arg8[%add3A_725] : memref<112xf32, #tpu.memory_space<vmem>>[vector<16xi32>], vector<16xf32>,
        %add3A_727 = arith.addf %add3A_719, %gather3A_726 : vector<16xf32>
        %gather3A_728 = tpu.vector_load_idx %arg9[%add3A_725] : memref<112xf32, #tpu.memory_space<vmem>>[vector<16xi32>], vector<16xf32>,
        %add3A_729 = arith.addf %add3A_721, %gather3A_728 : vector<16xf32>
        %mul3A_730 = arith.constant 10 : i32
        %mul3A_731 = vector.broadcast %mul3A_730 : i32 to vector<16xi32>
        %mul3A_732 = arith.muli %get3A_687, %mul3A_731 : vector<16xi32>
        %add3A_733 = arith.addi %mul3A_732, %get3A_690 : vector<16xi32>
        %gather3A_734 = tpu.vector_load_idx %arg8[%add3A_733] : memref<112xf32, #tpu.memory_space<vmem>>[vector<16xi32>], vector<16xf32>,
        %add3A_735 = arith.addf %add3A_727, %gather3A_734 : vector<16xf32>
        %gather3A_736 = tpu.vector_load_idx %arg9[%add3A_733] : memref<112xf32, #tpu.memory_space<vmem>>[vector<16xi32>], vector<16xf32>,
        %add3A_737 = arith.addf %add3A_729, %gather3A_736 : vector<16xf32>
        %mul3A_738 = arith.constant 10 : i32
        %mul3A_739 = vector.broadcast %mul3A_738 : i32 to vector<16xi32>
        %mul3A_740 = arith.muli %get3A_693, %mul3A_739 : vector<16xi32>
        %add3A_741 = arith.addi %mul3A_740, %get3A_696 : vector<16xi32>
        %gather3A_742 = tpu.vector_load_idx %arg8[%add3A_741] : memref<112xf32, #tpu.memory_space<vmem>>[vector<16xi32>], vector<16xf32>,
        %add3A_743 = arith.addf %add3A_735, %gather3A_742 : vector<16xf32>
        %gather3A_744 = tpu.vector_load_idx %arg9[%add3A_741] : memref<112xf32, #tpu.memory_space<vmem>>[vector<16xi32>], vector<16xf32>,
        %add3A_745 = arith.addf %add3A_737, %gather3A_744 : vector<16xf32>
        %mul3A_746 = arith.constant 10 : i32
        %mul3A_747 = vector.broadcast %mul3A_746 : i32 to vector<16xi32>
        %mul3A_748 = arith.muli %get3A_699, %mul3A_747 : vector<16xi32>
        %add3A_749 = arith.addi %mul3A_748, %get3A_702 : vector<16xi32>
        %gather3A_750 = tpu.vector_load_idx %arg8[%add3A_749] : memref<112xf32, #tpu.memory_space<vmem>>[vector<16xi32>], vector<16xf32>,
        %add3A_751 = arith.addf %add3A_743, %gather3A_750 : vector<16xf32>
        %gather3A_752 = tpu.vector_load_idx %arg9[%add3A_749] : memref<112xf32, #tpu.memory_space<vmem>>[vector<16xi32>], vector<16xf32>,
        %add3A_753 = arith.addf %add3A_745, %gather3A_752 : vector<16xf32>
        %gather3A_754 = tpu.vector_load_idx %arg10[%get3A_705] : memref<16xf32, #tpu.memory_space<vmem>>[vector<16xi32>], vector<16xf32>,
        %jit3A_755 = arith.constant 0.000000e+00 : f32
        %broadcast_in_dim3A_756 = vector.broadcast %jit3A_755 : f32 to vector<16xf32>
        %select_n3A_757 = arith.select %ge3A_380, %gather3A_754, %broadcast_in_dim3A_756 : vector<16xi1>, vector<16xf32>
        %add3A_758 = arith.addf %add3A_751, %select_n3A_757 : vector<16xf32>
        %gather3A_759 = tpu.vector_load_idx %arg11[%get3A_705] : memref<16xf32, #tpu.memory_space<vmem>>[vector<16xi32>], vector<16xf32>,
        %jit3A_760 = arith.constant 0.000000e+00 : f32
        %broadcast_in_dim3A_761 = vector.broadcast %jit3A_760 : f32 to vector<16xf32>
        %select_n3A_762 = arith.select %ge3A_380, %gather3A_759, %broadcast_in_dim3A_761 : vector<16xi1>, vector<16xf32>
        %add3A_763 = arith.addf %add3A_753, %select_n3A_762 : vector<16xf32>
        %reduce_sum3A_764 = arith.constant true
        %reduce_sum3A_765 = vector.broadcast %reduce_sum3A_764 : i1 to vector<16xi1>
        %reduce_sum3A_766 = tpu.scan <sum>, %add3A_758 masked %reduce_sum3A_765 : vector<16xf32>, vector<16xi1> -> vector<16xf32>
        %reduce_sum3A_767 = vector.extract %reduce_sum3A_766[15] : f32 from vector<16xf32>
        %reduce_sum3A_768 = arith.constant true
        %reduce_sum3A_769 = vector.broadcast %reduce_sum3A_768 : i1 to vector<16xi1>
        %reduce_sum3A_770 = tpu.scan <sum>, %add3A_763 masked %reduce_sum3A_769 : vector<16xf32>, vector<16xi1> -> vector<16xf32>
        %reduce_sum3A_771 = vector.extract %reduce_sum3A_770[15] : f32 from vector<16xf32>
        %eq3A_772 = vector.broadcast %scan3A_663 : i32 to vector<16xi32>
        %eq3A_773 = arith.cmpi eq, %iota3A, %eq3A_772 : vector<16xi32>
        %broadcast_in_dim3A_774 = vector.broadcast %reduce_sum3A_767 : f32 to vector<16xf32>
        %select_n3A_775 = arith.select %eq3A_773, %broadcast_in_dim3A_774, %select_n3A_657 : vector<16xi1>, vector<16xf32>
        %eq3A_776 = vector.broadcast %scan3A_663 : i32 to vector<16xi32>
        %eq3A_777 = arith.cmpi eq, %iota3A, %eq3A_776 : vector<16xi32>
        %broadcast_in_dim3A_778 = vector.broadcast %reduce_sum3A_771 : f32 to vector<16xf32>
        %select_n3A_779 = arith.select %eq3A_777, %broadcast_in_dim3A_778, %select_n3A_661 : vector<16xi1>, vector<16xf32>
        scf.yield %select_n3A_775, %select_n3A_779 : vector<16xf32>, vector<16xf32>
      }
      %scan3A_536 = arith.constant 16 : i32
      %mul3A_537 = arith.constant 16 : i32
      %mul3A_538 = arith.muli %scan3A_529, %mul3A_537 : i32
      %add3A_539 = arith.constant 448 : i32
      %add3A_540 = arith.addi %add3A_539, %mul3A_538 : i32
      %swap3A_541 = arith.index_cast %add3A_540 : i32 to index
      %swap3A_542 = tpu.vector_load %arg12[%swap3A_541] {strides = array<i32>} : memref<1024xf32, #tpu.memory_space<vmem>>, vector<16xf32>,
      tpu.vector_store %arg12[%swap3A_541], %scan3A_535#0 {strides = array<i32>} : memref<1024xf32, #tpu.memory_space<vmem>>, vector<16xf32>,
      %add3A_543 = arith.constant 512 : i32
      %add3A_544 = arith.addi %add3A_543, %add3A_540 : i32
      %swap3A_545 = arith.index_cast %add3A_544 : i32 to index
      %swap3A_546 = tpu.vector_load %arg12[%swap3A_545] {strides = array<i32>} : memref<1024xf32, #tpu.memory_space<vmem>>, vector<16xf32>,
      tpu.vector_store %arg12[%swap3A_545], %scan3A_535#1 {strides = array<i32>} : memref<1024xf32, #tpu.memory_space<vmem>>, vector<16xf32>,
      %scan3A_547 = arith.constant 0 : i32
      scf.yield %scan3A_547 : i32
    }
    %scan3A_522 = arith.constant 4 : i32
    %mul3A_523 = arith.constant 512 : i32
    %mul3A_524 = arith.muli %add3A, %mul3A_523 : i32
    "tpu.region"() ({
      %run_scoped3A = tpu.sem_alloc : memref<!tpu.dma_semaphore, #tpu.memory_space<semaphore_mem>>
      %dma_start3A_529 = arith.constant 0 : i32
      %dma_start3A_530 = tpu.memref_slice %arg12[%dma_start3A_529] : memref<1024xf32, #tpu.memory_space<vmem>> -> memref<512xf32, #tpu.memory_space<vmem>>
      %dma_start3A_531 = tpu.memref_slice %arg4[%mul3A_524] : memref<32768xf32, #tpu.memory_space<hbm>> -> memref<512xf32, #tpu.memory_space<hbm>>
      %dma_start3A_532 = tpu.memref_slice %arg4[%mul3A_524] : memref<32768xf32, #tpu.memory_space<hbm>> -> memref<512xf32, #tpu.memory_space<hbm>>
      %dma_start3A_533 = arith.constant 0 : i32
      %dma_start3A_534 = tpu.memref_slice %arg12[%dma_start3A_533] : memref<1024xf32, #tpu.memory_space<vmem>> -> memref<512xf32, #tpu.memory_space<vmem>>
      tpu.enqueue_dma source(%dma_start3A_534 : memref<512xf32, #tpu.memory_space<vmem>>) target(%dma_start3A_532 : memref<512xf32, #tpu.memory_space<hbm>>) target_semaphore(%run_scoped3A : memref<!tpu.dma_semaphore, #tpu.memory_space<semaphore_mem>>)
      %dma_wait3A_535 = arith.constant 0 : i32
      %dma_wait3A_536 = tpu.memref_slice %arg12[%dma_wait3A_535] : memref<1024xf32, #tpu.memory_space<vmem>> -> memref<512xf32, #tpu.memory_space<vmem>>
      %dma_wait3A_537 = tpu.memref_slice %arg4[%mul3A_524] : memref<32768xf32, #tpu.memory_space<hbm>> -> memref<512xf32, #tpu.memory_space<hbm>>
      %dma_wait3A_538 = tpu.memref_slice %arg4[%mul3A_524] : memref<32768xf32, #tpu.memory_space<hbm>> -> memref<512xf32, #tpu.memory_space<hbm>>
      %dma_wait3A_539 = arith.constant 0 : i32
      %dma_wait3A_540 = tpu.memref_slice %arg12[%dma_wait3A_539] : memref<1024xf32, #tpu.memory_space<vmem>> -> memref<512xf32, #tpu.memory_space<vmem>>
      tpu.wait_dma2 semaphore(%run_scoped3A : memref<!tpu.dma_semaphore, #tpu.memory_space<semaphore_mem>>) src(%dma_wait3A_540 : memref<512xf32, #tpu.memory_space<vmem>>) dst(%dma_wait3A_538 : memref<512xf32, #tpu.memory_space<hbm>>)
      tpu.yield
    }) : () -> ()
    %mul3A_525 = arith.constant 512 : i32
    %mul3A_526 = arith.muli %add3A, %mul3A_525 : i32
    %add3A_527 = arith.constant 16384 : i32
    %add3A_528 = arith.addi %add3A_527, %mul3A_526 : i32
    "tpu.region"() ({
      %run_scoped3A = tpu.sem_alloc : memref<!tpu.dma_semaphore, #tpu.memory_space<semaphore_mem>>
      %dma_start3A_529 = arith.constant 512 : i32
      %dma_start3A_530 = tpu.memref_slice %arg12[%dma_start3A_529] : memref<1024xf32, #tpu.memory_space<vmem>> -> memref<512xf32, #tpu.memory_space<vmem>>
      %dma_start3A_531 = tpu.memref_slice %arg4[%add3A_528] : memref<32768xf32, #tpu.memory_space<hbm>> -> memref<512xf32, #tpu.memory_space<hbm>>
      %dma_start3A_532 = tpu.memref_slice %arg4[%add3A_528] : memref<32768xf32, #tpu.memory_space<hbm>> -> memref<512xf32, #tpu.memory_space<hbm>>
      %dma_start3A_533 = arith.constant 512 : i32
      %dma_start3A_534 = tpu.memref_slice %arg12[%dma_start3A_533] : memref<1024xf32, #tpu.memory_space<vmem>> -> memref<512xf32, #tpu.memory_space<vmem>>
      tpu.enqueue_dma source(%dma_start3A_534 : memref<512xf32, #tpu.memory_space<vmem>>) target(%dma_start3A_532 : memref<512xf32, #tpu.memory_space<hbm>>) target_semaphore(%run_scoped3A : memref<!tpu.dma_semaphore, #tpu.memory_space<semaphore_mem>>)
      %dma_wait3A_535 = arith.constant 512 : i32
      %dma_wait3A_536 = tpu.memref_slice %arg12[%dma_wait3A_535] : memref<1024xf32, #tpu.memory_space<vmem>> -> memref<512xf32, #tpu.memory_space<vmem>>
      %dma_wait3A_537 = tpu.memref_slice %arg4[%add3A_528] : memref<32768xf32, #tpu.memory_space<hbm>> -> memref<512xf32, #tpu.memory_space<hbm>>
      %dma_wait3A_538 = tpu.memref_slice %arg4[%add3A_528] : memref<32768xf32, #tpu.memory_space<hbm>> -> memref<512xf32, #tpu.memory_space<hbm>>
      %dma_wait3A_539 = arith.constant 512 : i32
      %dma_wait3A_540 = tpu.memref_slice %arg12[%dma_wait3A_539] : memref<1024xf32, #tpu.memory_space<vmem>> -> memref<512xf32, #tpu.memory_space<vmem>>
      tpu.wait_dma2 semaphore(%run_scoped3A : memref<!tpu.dma_semaphore, #tpu.memory_space<semaphore_mem>>) src(%dma_wait3A_540 : memref<512xf32, #tpu.memory_space<vmem>>) dst(%dma_wait3A_538 : memref<512xf32, #tpu.memory_space<hbm>>)
      tpu.yield
    }) : () -> ()
    return
  }
}

</mosaic_0001>

<sc_bundles>
// kernel: kernel.3.cloned.1.call-start
scs
__scs_entry_jumppad:
0x0: {  	(pc) =	sbr.rel $0x88, $3  }
0x1: {  	(tag) =	ssettag $0x0;
	lr =	simm.s32 $0x1  }
0x2: {  	[smem:$0x3F9B] =	sst lr;
	_ =	strace $0xD0000000  }
0x3: {  	_ = 	snop  }
0x4: {  	_ = 	snop  }
0x5: {  	_ = 	snop  }
0x6: {  	_ = 	snop  }
0x7: {  	_ = 	snop  }
__scs_overlays_trampoline_lowered:
0x8: {  	[smem:$0x3FAA] =	sst s0  }
0x9: {  	[smem:$0x3FAB] =	sst s1  }
0xa: {  	[smem:$0x3FAC] =	sst s2  }
0xb: {  	[smem:$0x3FAD] =	sst s3  }
0xc: {  	[smem:$0x3FAE] =	sst s4  }
0xd: {  	[smem:$0x3FAF] =	sst s5  }
0xe: {  	[smem:$0x3FB0] =	sst s6  }
0xf: {  	[smem:$0x3FB1] =	sst s7  }
0x10: {  	[smem:$0x3FB2] =	sst s8  }
0x11: {  	[smem:$0x3FB3] =	sst s9;
	s0 =	simm.s32 @!p0 $0x0  }
0x12: {  	s1 =	sld [smem:$0x3F99];
	s0 =	simm.s32 @p0 $0x1  }
0x13: {  	[smem:$0x3FB4] =	sst s0;
	s0 =	simm.s32 @!p1 $0x0  }
0x14: {  	s2 =	sld [smem:$0x3F98];
	s0 =	simm.s32 @p1 $0x1  }
0x15: {  	[smem:$0x3FB5] =	sst s0;
	s0 =	simm.s32 @!p2 $0x0  }
0x16: {  	s3 =	sld [smem:$0x3FDB];
	s0 =	simm.s32 @p2 $0x1  }
0x17: {  	s4 =	simm.s32 $0x1BF5;
	[smem:$0x3FB7] =	sst s0  }
0x18: {  	s0 =	sld [smem:$0x3F9A];
	_ =	swait.ge [sflag:s4], $0x0  }
0x19: {  	s7 =	sld [smem:$0x3F9B]  }
0x1a: {  	s8 =	sadd.s32 $0xFFFFE003, lr  }
0x1b: {  	s9 =	sadd.s32 $0xFFFFFEF7, lr;
	s5 =	simm.s32 $0xFFFFFFFF;
	p2 =	slt.u32 s8, $0xFFFFF086  }
0x1c: {  	p1 =	slt.u32 s9, $0xF7A;
	s5 =	simm.s32 @!p2 $0x0  }
0x1d: {  	s5 =	simm.s32 @p1 $0x1;
	p0 =	seq.s32 s7, s2  }
0x1e: {  	s7 =	smul.u32 @!p0 $0xF7A, s2;
	p2 =	seq.s32 @!p0 s5, $0x0  }
0x1f: {  	s9 =	smul.u32 $0xF7A, s1;
	s8 =	simm.s32 @!p0 $0x1BF5;
	p2 =	por !p2, p0  }
0x20: {  	[sflag:s8] =	ssyncset.s32 @!p0 $0xFFFFF086;
	s6 =	sadd.s32 @!p0 s3, s7;
	s7 =	simm.s32 @!p0 $0x108  }
0x21: {  	s3 =	sadd.s32 s3, s9;
	s6 =	sadd.s32 @!p0 $0x88, s6;
	s7 =	simm.s32 @p2 $0x1082  }
0x22: {  	[simem:s7], [sflag:s8] =	dma.local @!p0 [hbm:s6], $0xF7A  }
0x23: {  	s9 =	sor.u32 $0xD0000000, s2;
	s6 =	simm.s32 $0x108;
	_ =	swait.ge @!p0 [sflag:s8], $0x0  }
0x24: {  	s3 =	sadd.s32 $0x88, s3;
	s6 =	simm.s32 @!p1 $0x1082;
	[sflag:s4] =	ssyncset.s32 $0xFFFFF086  }
0x25: {  	[simem:s6], [sflag:s4] =	dma.local [hbm:s3], $0xF7A  }
0x26: {  	[smem:$0x3F9B] =	sst s1;
	(tag) =	ssettag s2;
	_ =	strace s9  }
0x27: {  	s1 =	sld [smem:$0x3FAB]  }
0x28: {  	s2 =	sld [smem:$0x3FAC]  }
0x29: {  	s4 =	sld [smem:$0x3FAE]  }
0x2a: {  	p0 =	seq.s32 s5, $0x0;
	s5 =	sld [smem:$0x3FAF]  }
0x2b: {  	s6 =	sld [smem:$0x3FB0]  }
0x2c: {  	s7 =	sld [smem:$0x3FB1]  }
0x2d: {  	s3 =	simm.s32 $0x108;
	s8 =	sld [smem:$0x3FB2]  }
0x2e: {  	s3 =	simm.s32 @!p0 $0x1082;
	s9 =	sld [smem:$0x3FB3]  }
0x2f: {  	lr =	sadd.s32 s0, s3;
	s0 =	sld [smem:$0x3FAA]  }
0x30: {  	s3 =	sld [smem:$0x3FAD]  }
0x31: {  	[smem:$0x3FB6] =	sst s10  }
0x32: {  	s10 =	sld [smem:$0x3FB4];
	_ =	sdelay $0x3  }
0x33: {  	p0 =	seq.s32 s10, $0x1;
	s10 =	sld [smem:$0x3FB6];
	_ =	sdelay $0x3  }
0x34: {  	[smem:$0x3FB6] =	sst s10  }
0x35: {  	s10 =	sld [smem:$0x3FB5];
	_ =	sdelay $0x3  }
0x36: {  	p1 =	seq.s32 s10, $0x1;
	s10 =	sld [smem:$0x3FB6];
	_ =	sdelay $0x3  }
0x37: {  	[smem:$0x3FB6] =	sst s10  }
0x38: {  	s10 =	sld [smem:$0x3FB7]  }
0x39: {  	_ = 	snop;
	(pc) =	sbr.ind lr, $3  }
0x3a: {  	_ = 	snop  }
0x3b: {  	_ = 	snop  }
0x3c: {  	p2 =	seq.s32 s10, $0x1;
	s10 =	sld [smem:$0x3FB6]  }
0x3d: {  	_ =	shalt  }
0x3e: {  	_ =	shalt  }
0x3f: {  	_ =	shalt  }
0x40: {  	_ =	shalt  }
0x41: {  	_ =	shalt  }
0x42: {  	_ =	shalt  }
0x43: {  	_ =	shalt  }
0x44: {  	_ =	shalt  }
0x45: {  	_ =	shalt  }
0x46: {  	_ =	shalt  }
0x47: {  	_ =	shalt  }
0x48: {  	_ =	shalt  }
0x49: {  	_ =	shalt  }
0x4a: {  	_ =	shalt  }
0x4b: {  	_ =	shalt  }
0x4c: {  	_ =	shalt  }
0x4d: {  	_ =	shalt  }
0x4e: {  	_ =	shalt  }
0x4f: {  	_ =	shalt  }
0x50: {  	_ =	shalt  }
0x51: {  	_ =	shalt  }
0x52: {  	_ =	shalt  }
0x53: {  	_ =	shalt  }
0x54: {  	_ =	shalt  }
0x55: {  	_ =	shalt  }
0x56: {  	_ =	shalt  }
0x57: {  	_ =	shalt  }
0x58: {  	_ =	shalt  }
0x59: {  	_ =	shalt  }
0x5a: {  	_ =	shalt  }
0x5b: {  	_ =	shalt  }
0x5c: {  	_ =	shalt  }
0x5d: {  	_ =	shalt  }
0x5e: {  	_ =	shalt  }
0x5f: {  	_ =	shalt  }
0x60: {  	_ =	shalt  }
0x61: {  	_ =	shalt  }
0x62: {  	_ =	shalt  }
0x63: {  	_ =	shalt  }
0x64: {  	_ =	shalt  }
0x65: {  	_ =	shalt  }
0x66: {  	_ =	shalt  }
0x67: {  	_ =	shalt  }
0x68: {  	_ =	shalt  }
0x69: {  	_ =	shalt  }
0x6a: {  	_ =	shalt  }
0x6b: {  	_ =	shalt  }
0x6c: {  	_ =	shalt  }
0x6d: {  	_ =	shalt  }
0x6e: {  	_ =	shalt  }
0x6f: {  	_ =	shalt  }
0x70: {  	_ =	shalt  }
0x71: {  	_ =	shalt  }
0x72: {  	_ =	shalt  }
0x73: {  	_ =	shalt  }
0x74: {  	_ =	shalt  }
0x75: {  	_ =	shalt  }
0x76: {  	_ =	shalt  }
0x77: {  	_ =	shalt  }
0x78: {  	_ =	shalt  }
0x79: {  	_ =	shalt  }
0x7a: {  	_ =	shalt  }
0x7b: {  	_ =	shalt  }
0x7c: {  	_ =	shalt  }
0x7d: {  	_ =	shalt  }
0x7e: {  	_ =	shalt  }
0x7f: {  	_ =	shalt  }
0x80: {  	_ =	shalt  }
0x81: {  	_ =	shalt  }
0x82: {  	_ =	shalt  }
0x83: {  	_ =	shalt  }
0x84: {  	_ =	shalt  }
0x85: {  	_ =	shalt  }
0x86: {  	_ =	shalt  }
0x87: {  	_ =	shalt  }
.Lfunc_end0:
.L_simem_size_0:
called_computation_lowered:
.L_overlay_start_0:
0x88: {  	s2 =	sld [smem:$0x3FD9]  }
0x89: {  	s3 =	sld [smem:$0x3FFE];
	_ =	sdelay $0x1  }
0x8a: {  	s1 =	srdreg.scid  }
0x8b: {  	s0 =	sand.u32 $0x1, s1  }
0x8c: {  	s17 =	sshll.u32 s0, $0xA;
	s2 =	sadd.s32 s3, s2  }
0x8d: {  	s2 =	sadd.s32 s2, s17  }
0x8e: {  	[smem:$0x3FC2] =	sst s2  }
0x8f: {  	_ = 	snop  }
0x90: {  	s2 =	sld [smem:$0x3FD0];
	(tm) =	ssettm $0x1  }
0x91: {  	s18 =	sld [smem:$0x3FFB];
	_ =	sdelay $0x3  }
0x92: {  	_ =	strace s18  }
0x93: {  	s3 =	sld [smem:$0x3FFC];
	_ =	sdelay $0x3  }
0x94: {  	_ =	strace s3  }
0x95: {  	s3 =	sld [smem:$0x3FFD];
	_ =	sdelay $0x3  }
0x96: {  	_ =	strace s3  }
0x97: {  	_ =	strace $0x8FFFFFFF  }
0x98: {  	s19 =	sld [smem:$0x3FDB];
	_ =	sdelay $0x1  }
0x99: {  	s4 =	simm.s32 $_scs_section_size  }
0x9a: {  	s5 =	simm.s32 $_size__tile_overlayer_lowered;
	s6 =	simm.s32 $_tile_overlayer_lowered  }
0x9b: {  	s22 =	simm.s32 $0x1BFF;
	s21 =	sshll.u32 s6, $0x1;
	s3 =	sadd.s32 s4, s19  }
0x9c: {  	s7 =	simm.s32 $0x0;
	s20 =	sshll.u32 s5, $0x1;
	s5 =	sadd.s32 s21, s3  }
0x9d: {  	[timem:s7], [sflag:s22] =	dma.local [hbm:s5], s20  }
0x9e: {  	_ =	swait.ge [sflag:s22], s20  }
0x9f: {  	s4 =	ssub.s32 $0x0, s20;
	[sflag:s22] =	ssyncset.done $0x0  }
0xa0: {  	[sflag:s22] =	ssyncadd.s32 s4;
	_ =	sdelay $0x1  }
0xa1: {  	s23 =	simm.s32 $0x1B8B  }
0xa2: {  	_ =	swait.ge [sflag:s23], $0x1  }
0xa3: {  	[sflag:s23] =	ssyncset.done $0x0  }
0xa4: {  	s25 =	simm.s32 $0x1B8E;
	s24 =	sld [smem:$0x3FFE];
	[sflag:s23] =	ssyncadd.s32 $0xFFFFFFFF  }
0xa5: {  	s26 =	simm.s32 $execute0_lowered;
	[smem:$0x3FD2] =	sst s25  }
0xa6: {  	s5 =	sshll.u32 s26, $0x1;
	_ =	strace $0x80000046;
	[dreg:$0x1] =	wrdreg $0xFFFFFFFF  }
0xa7: {  	s28 =	simm.s32 $_size_execute0_lowered;
	s3 =	sadd.s32 s3, s5;
	[dreg:$0x0] =	wrdreg $0x0  }
0xa8: {  	s5 =	sshll.u32 s28, $0x1;
	[dreg:$0x2] =	wrdreg s3  }
0xa9: {  	[dreg:$0x3] =	wrdreg s5  }
0xaa: {  	[dreg:$0x4] =	wrdreg $0xC0  }
0xab: {  	_ =	task [dreg:s7], $0x5FFFF  }
0xac: {  	[dreg:$0x1] =	wrdreg $0xFFFFFFFF  }
0xad: {  	[dreg:$0x0] =	wrdreg $0x60  }
0xae: {  	[dreg:$0x2] =	wrdreg s24  }
0xaf: {  	[dreg:$0x3] =	wrdreg s2  }
0xb0: {  	[dreg:$0x4] =	wrdreg $0x9  }
0xb1: {  	_ =	task.clear_ibuf [dreg:s7], $0x5FFFF;
	_ =	strace $0x90000046  }
0xb2: {  	s29 =	simm.s32 $0x9;
	_ =	strace $0x80000048  }
0xb3: {  	_ =	swait.ge [sflag:s29], $0x1  }
0xb4: {  	[sflag:s29] =	ssyncadd.s32 $0xFFFFFFFF  }
0xb5: {  	_ =	strace $0x90000048  }
0xb6: {  	_ =	sfence  }
0xb7: {  	s30 =	sld [smem:$0x0];
	_ =	sdelay $0x2  }
0xb8: {  	s31 =	sshll.u32 s1, $0xD;
	s1 =	sshrl.u32 s1, $0x2  }
0xb9: {  	s3 =	sand.u32 $0x4000, s31;
	s1 =	sadd.s32 s1, s30  }
0xba: {  	s0 =	sor.u32 s3, s0;
	s1 =	sshll.u32 s1, $0x11  }
0xbb: {  	s0 =	sor.u32 s1, s0  }
0xbc: {  	s0 =	sadd.s32 $0x8F2B, s0  }
0xbd: {  	[sflag:s0] =	ssyncadd.remote.s32 $0x1  }
0xbe: {  	_ =	sfence.sel $0xFFFF  }
0xbf: {  	[dreg:$0x0] =	wrdreg $0xFFFFFFFF;
	(pc) =	sbr.abs _section_cstart, $3  }
0xc0: {  	[dreg:$0x1] =	wrdreg $0xFFFFFFFF  }
0xc1: {  	_ =	task.clear_ibuf [dreg:s7], $0x2FFFF;
	_ =	strace $0x9FFFFFFF  }
0xc2: {  	(tm) =	ssettm $0x7FFFFFFF  }
0xc3: {  	_ =	shalt  }
tec
execute0_lowered:
.L_overlay_start_1:
0x0: {  	(tag) =	ssettag $0x1  }
0x1: {  	s0 =	rddreg [dreg:$0x0]  }
0x2: {  	s1 =	srdreg.scid;
	s3 =	simm.s32 $0x0;
	s2 =	stileid.u32  }
0x3: {  	s16 =	simm.s32 $0x3;
	s17 =	simm.s32 $0x1;
	s18 =	simm.s32 $0x4000  }
0x4: {  	s19 =	simm.s32 $0x8080;
	s20 =	simm.s32 $0x8100;
	s21 =	simm.s32 $0x8180  }
0x5: {  	s22 =	simm.s32 $0x8200;
	s23 =	simm.s32 $0x2;
	s1 =	sand.u32 $0x1, s1  }
0x6: {  	s26 =	simm.s32 $0x0;
	s2 =	sshll.u32 s2, $0xA;
	s4 =	sshll.u32 s1, $0x9  }
0x7: {  	[smem:$0x7FF] =	sst s3;
	s1 =	ssub.s32 $0x2, s1;
	s2 =	sor.u32 s4, s2  }
0x8: {  	_ =	strace $0x80000047;
	s31 =	sshrl.u32 s1, $0x1;
	s4 =	sshll.u32 s2, $0x5  }
0x9: {  	s2 =	sshrl.u32 s2, $0x3;
	s1 =	ssub.s32 s1, s31;
	s11 =	sadd.s32 s4, s0  }
0xa: {  	s0 =	sadd.s32 s2, s0;
	s14 =	smax.u32 s1, $0x1;
	s4 =	sadd.s32 $0xA00, s11  }
0xb: {  	s5 =	sadd.s32 $0x1200, s11;
	s6 =	sadd.s32 $0x1A00, s11;
	s7 =	sadd.s32 $0x2200, s11  }
0xc: {  	s8 =	sadd.s32 $0x2A00, s11;
	s9 =	sadd.s32 $0x3200, s11;
	s10 =	sadd.s32 $0x3A00, s11  }
0xd: {  	vm0 =	vmmov $0xff;
	v0 =	vlaneseq.u32;
	s11 =	sadd.s32 $0x4200, s11;
	s12 =	sadd.s32 $0x80A00, s0;
	s13 =	sadd.s32 $0x81200, s0  }
.LBB2_1:
0xe: {  	[tilespmem:s3], [sflag:$0x1] =	stream.linear.gather [hbm4b:s4+s3], $0x4000, $0x38;
	[tilespmem:$0x8680] =	vst v63  }
0xf: {  	s0 =	rddreg [dreg:$0x1];
	s1 =	simm.s32 $0x8000  }
0x10: {  	[tilespmem:s1], [sflag:$0x3] =	stream.linear.gather [hbm4b:s0+s3], $0x80, $0x38;
	[tilespmem:$0x8680] =	vst v63  }
0x11: {  	_ =	swait.ge [sflag:s16], $0x80  }
0x12: {  	[sflag:s16] =	ssyncset.done $0x0  }
0x13: {  	[sflag:s16] =	ssyncadd.s32 $0xFFFFFF80  }
0x14: {  	v1 =	vld [tilespmem:$0x8000]  }
0x15: {  	v2 =	vld [tilespmem:$0x8010];
	_ =	sdelay $0x1  }
0x16: {  	v5 =	vld [tilespmem:$0x8020];
	_ =	sdelay $0x1  }
0x17: {  	v6 =	vld [tilespmem:$0x8030]  }
0x18: {  	v3 =	vadd.f32 v2, v1;
	_ =	sdelay $0x1  }
0x19: {  	v3 =	vadd.f32 v5, v3;
	_ =	sdelay $0x1  }
0x1a: {  	v3 =	vadd.f32 v6, v3;
	_ =	sdelay $0x1  }
0x1b: {  	v7 =	vmul.f32 $2.500000000e-01, v3;
	_ =	sdelay $0x1  }
0x1c: {  	v4 =	vsub.f32 v1, v7;
	v3 =	vsub.f32 v2, v7;
	_ =	sdelay $0x1  }
0x1d: {  	v1 =	vsub.f32 v5, v7;
	v44 =	vmul.f32 v4, v4;
	v8 =	vmul.f32 v3, v3;
	_ =	sdelay $0x1  }
0x1e: {  	v2 =	vsub.f32 v6, v7;
	v45 =	vmul.f32 v1, v1;
	v5 =	vadd.f32 v8, v44;
	_ =	sdelay $0x1  }
0x1f: {  	v46 =	vmul.f32 v2, v2;
	v5 =	vadd.f32 v5, v45;
	_ =	sdelay $0x1  }
0x20: {  	v5 =	vadd.f32 v5, v46;
	_ =	sdelay $0x1  }
0x21: {  	v5 =	vmul.f32 $2.500000000e-01, v5;
	_ =	sdelay $0x1  }
0x22: {  	v5 =	vadd.f32 $9.999999740e-06, v5;
	_ =	sdelay $0x1  }
0x23: {  	v47 =	vmul.f32 $5.000000000e-01, v5;
	_ =	sdelay $0x1  }
0x24: {  	v6 =	vadd.f32 $5.000000000e-01, v47;
	_ =	sdelay $0x1  }
0x25: {  	(erf) = vrcp.f32 v6;
	_ =	sdelay $0x8  }
0x26: {  	v48 =	vpop (erf)  }
0x27: {  	v7 =	vmul.f32 v48, v5;
	_ =	sdelay $0x1  }
0x28: {  	v6 =	vadd.f32 v7, v6;
	_ =	sdelay $0x1  }
0x29: {  	v6 =	vmul.f32 $5.000000000e-01, v6;
	_ =	sdelay $0x1  }
0x2a: {  	(erf) = vrcp.f32 v6;
	_ =	sdelay $0x8  }
0x2b: {  	v49 =	vpop (erf)  }
0x2c: {  	v7 =	vmul.f32 v49, v5;
	_ =	sdelay $0x1  }
0x2d: {  	v6 =	vadd.f32 v7, v6;
	_ =	sdelay $0x1  }
0x2e: {  	v6 =	vmul.f32 $5.000000000e-01, v6;
	_ =	sdelay $0x1  }
0x2f: {  	(erf) = vrcp.f32 v6;
	_ =	sdelay $0x8  }
0x30: {  	v50 =	vpop (erf)  }
0x31: {  	v7 =	vmul.f32 v50, v5;
	_ =	sdelay $0x1  }
0x32: {  	v6 =	vadd.f32 v7, v6;
	_ =	sdelay $0x1  }
0x33: {  	v6 =	vmul.f32 $5.000000000e-01, v6;
	_ =	sdelay $0x1  }
0x34: {  	(erf) = vrcp.f32 v6;
	_ =	sdelay $0x8  }
0x35: {  	v51 =	vpop (erf)  }
0x36: {  	v7 =	vmul.f32 v51, v5;
	_ =	sdelay $0x1  }
0x37: {  	v6 =	vadd.f32 v7, v6;
	_ =	sdelay $0x1  }
0x38: {  	v6 =	vmul.f32 $5.000000000e-01, v6;
	_ =	sdelay $0x1  }
0x39: {  	(erf) = vrcp.f32 v6;
	_ =	sdelay $0x8  }
0x3a: {  	v52 =	vpop (erf)  }
0x3b: {  	v7 =	vmul.f32 v52, v5;
	_ =	sdelay $0x1  }
0x3c: {  	v6 =	vadd.f32 v7, v6;
	_ =	sdelay $0x1  }
0x3d: {  	v6 =	vmul.f32 $5.000000000e-01, v6;
	_ =	sdelay $0x1  }
0x3e: {  	(erf) = vrcp.f32 v6;
	_ =	sdelay $0x8  }
0x3f: {  	v53 =	vpop (erf)  }
0x40: {  	v7 =	vmul.f32 v53, v5;
	_ =	sdelay $0x1  }
0x41: {  	v6 =	vadd.f32 v7, v6;
	_ =	sdelay $0x1  }
0x42: {  	v6 =	vmul.f32 $5.000000000e-01, v6;
	_ =	sdelay $0x1  }
0x43: {  	(erf) = vrcp.f32 v6;
	_ =	sdelay $0x8  }
0x44: {  	v54 =	vpop (erf)  }
0x45: {  	v7 =	vmul.f32 v54, v5;
	_ =	sdelay $0x1  }
0x46: {  	v6 =	vadd.f32 v7, v6;
	_ =	sdelay $0x1  }
0x47: {  	v6 =	vmul.f32 $5.000000000e-01, v6;
	_ =	sdelay $0x1  }
0x48: {  	(erf) = vrcp.f32 v6;
	_ =	sdelay $0x8  }
0x49: {  	v55 =	vpop (erf)  }
0x4a: {  	v7 =	vmul.f32 v55, v5;
	_ =	sdelay $0x1  }
0x4b: {  	v6 =	vadd.f32 v7, v6;
	_ =	sdelay $0x1  }
0x4c: {  	v6 =	vmul.f32 $5.000000000e-01, v6;
	_ =	sdelay $0x1  }
0x4d: {  	(erf) = vrcp.f32 v6;
	_ =	sdelay $0x8  }
0x4e: {  	v56 =	vpop (erf)  }
0x4f: {  	v7 =	vmul.f32 v56, v5;
	_ =	sdelay $0x1  }
0x50: {  	v6 =	vadd.f32 v7, v6;
	_ =	sdelay $0x1  }
0x51: {  	v6 =	vmul.f32 $5.000000000e-01, v6;
	_ =	sdelay $0x1  }
0x52: {  	(erf) = vrcp.f32 v6;
	_ =	sdelay $0x8  }
0x53: {  	v57 =	vpop (erf)  }
0x54: {  	v7 =	vmul.f32 v57, v5;
	_ =	sdelay $0x1  }
0x55: {  	v6 =	vadd.f32 v7, v6;
	_ =	sdelay $0x1  }
0x56: {  	v6 =	vmul.f32 $5.000000000e-01, v6;
	_ =	sdelay $0x1  }
0x57: {  	(erf) = vrcp.f32 v6;
	_ =	sdelay $0x8  }
0x58: {  	v58 =	vpop (erf)  }
0x59: {  	v7 =	vmul.f32 v58, v5;
	_ =	sdelay $0x1  }
0x5a: {  	v6 =	vadd.f32 v7, v6;
	_ =	sdelay $0x1  }
0x5b: {  	v6 =	vmul.f32 $5.000000000e-01, v6;
	_ =	sdelay $0x1  }
0x5c: {  	(erf) = vrcp.f32 v6;
	_ =	sdelay $0x8  }
0x5d: {  	v59 =	vpop (erf)  }
0x5e: {  	v7 =	vmul.f32 v59, v5;
	_ =	sdelay $0x1  }
0x5f: {  	v6 =	vadd.f32 v7, v6;
	_ =	sdelay $0x1  }
0x60: {  	v6 =	vmul.f32 $5.000000000e-01, v6;
	_ =	sdelay $0x1  }
0x61: {  	(erf) = vrcp.f32 v6;
	_ =	sdelay $0x8  }
0x62: {  	v60 =	vpop (erf)  }
0x63: {  	v7 =	vmul.f32 v60, v5;
	_ =	sdelay $0x1  }
0x64: {  	v6 =	vadd.f32 v7, v6;
	_ =	sdelay $0x1  }
0x65: {  	v6 =	vmul.f32 $5.000000000e-01, v6;
	_ =	sdelay $0x1  }
0x66: {  	(erf) = vrcp.f32 v6;
	_ =	sdelay $0x8  }
0x67: {  	v61 =	vpop (erf)  }
0x68: {  	v7 =	vmul.f32 v61, v5;
	_ =	sdelay $0x1  }
0x69: {  	v6 =	vadd.f32 v7, v6;
	_ =	sdelay $0x1  }
0x6a: {  	v6 =	vmul.f32 $5.000000000e-01, v6;
	_ =	sdelay $0x1  }
0x6b: {  	(erf) = vrcp.f32 v6;
	_ =	sdelay $0x8  }
0x6c: {  	v62 =	vpop (erf)  }
0x6d: {  	v7 =	vmul.f32 v62, v5;
	_ =	sdelay $0x1  }
0x6e: {  	v6 =	vadd.f32 v7, v6;
	_ =	sdelay $0x1  }
0x6f: {  	v6 =	vmul.f32 $5.000000000e-01, v6;
	_ =	sdelay $0x1  }
0x70: {  	(erf) = vrcp.f32 v6;
	_ =	sdelay $0x8  }
0x71: {  	v63 =	vpop (erf)  }
0x72: {  	v7 =	vmul.f32 v63, v5;
	_ =	sdelay $0x1  }
0x73: {  	v6 =	vadd.f32 v7, v6;
	_ =	sdelay $0x1  }
0x74: {  	v6 =	vmul.f32 $5.000000000e-01, v6;
	_ =	sdelay $0x1  }
0x75: {  	(erf) = vrcp.f32 v6;
	_ =	sdelay $0x8  }
0x76: {  	v9 =	vpop (erf)  }
0x77: {  	v7 =	vmul.f32 v9, v5;
	_ =	sdelay $0x1  }
0x78: {  	v6 =	vadd.f32 v7, v6;
	_ =	sdelay $0x1  }
0x79: {  	v6 =	vmul.f32 $5.000000000e-01, v6;
	_ =	sdelay $0x1  }
0x7a: {  	(erf) = vrcp.f32 v6;
	_ =	sdelay $0x8  }
0x7b: {  	v10 =	vpop (erf)  }
0x7c: {  	v7 =	vmul.f32 v10, v5;
	_ =	sdelay $0x1  }
0x7d: {  	v6 =	vadd.f32 v7, v6;
	_ =	sdelay $0x1  }
0x7e: {  	v6 =	vmul.f32 $5.000000000e-01, v6;
	_ =	sdelay $0x1  }
0x7f: {  	(erf) = vrcp.f32 v6;
	_ =	sdelay $0x8  }
0x80: {  	v11 =	vpop (erf)  }
0x81: {  	v7 =	vmul.f32 v11, v5;
	_ =	sdelay $0x1  }
0x82: {  	v6 =	vadd.f32 v7, v6;
	_ =	sdelay $0x1  }
0x83: {  	v6 =	vmul.f32 $5.000000000e-01, v6;
	_ =	sdelay $0x1  }
0x84: {  	(erf) = vrcp.f32 v6;
	_ =	sdelay $0x8  }
0x85: {  	v12 =	vpop (erf)  }
0x86: {  	v7 =	vmul.f32 v12, v5;
	_ =	sdelay $0x1  }
0x87: {  	v6 =	vadd.f32 v7, v6;
	_ =	sdelay $0x1  }
0x88: {  	v6 =	vmul.f32 $5.000000000e-01, v6;
	_ =	sdelay $0x1  }
0x89: {  	(erf) = vrcp.f32 v6;
	_ =	sdelay $0x8  }
0x8a: {  	v13 =	vpop (erf)  }
0x8b: {  	v7 =	vmul.f32 v13, v5;
	_ =	sdelay $0x1  }
0x8c: {  	v6 =	vadd.f32 v7, v6;
	_ =	sdelay $0x1  }
0x8d: {  	v6 =	vmul.f32 $5.000000000e-01, v6;
	_ =	sdelay $0x1  }
0x8e: {  	(erf) = vrcp.f32 v6;
	_ =	sdelay $0x8  }
0x8f: {  	v14 =	vpop (erf)  }
0x90: {  	v7 =	vmul.f32 v14, v5;
	_ =	sdelay $0x1  }
0x91: {  	v6 =	vadd.f32 v7, v6;
	_ =	sdelay $0x1  }
0x92: {  	v6 =	vmul.f32 $5.000000000e-01, v6;
	_ =	sdelay $0x1  }
0x93: {  	(erf) = vrcp.f32 v6;
	_ =	sdelay $0x8  }
0x94: {  	v15 =	vpop (erf)  }
0x95: {  	v7 =	vmul.f32 v15, v5;
	_ =	sdelay $0x1  }
0x96: {  	v6 =	vadd.f32 v7, v6;
	_ =	sdelay $0x1  }
0x97: {  	v6 =	vmul.f32 $5.000000000e-01, v6;
	_ =	sdelay $0x1  }
0x98: {  	(erf) = vrcp.f32 v6;
	_ =	sdelay $0x8  }
0x99: {  	v16 =	vpop (erf)  }
0x9a: {  	v5 =	vmul.f32 v16, v5;
	_ =	sdelay $0x1  }
0x9b: {  	v5 =	vadd.f32 v5, v6;
	_ =	sdelay $0x1  }
0x9c: {  	v5 =	vmul.f32 $5.000000000e-01, v5  }
0x9d: {  	v17 =	vld [tilespmem:$0x8040]  }
0x9e: {  	(erf) = vrcp.f32 v5;
	_ =	sdelay $0x3  }
0x9f: {  	v19 =	vbroadcast v17, $0x0;
	v20 =	vbroadcast v17, $0x1  }
0xa0: {  	v21 =	vbroadcast v17, $0x4;
	v22 =	vbroadcast v17, $0x5  }
0xa1: {  	v23 =	vbroadcast v17, $0x3;
	v24 =	vbroadcast v17, $0x6  }
0xa2: {  	v25 =	vbroadcast v17, $0x8;
	v26 =	vbroadcast v17, $0x7  }
0xa3: {  	v27 =	vbroadcast v17, $0x9;
	v28 =	vbroadcast v17, $0xA  }
0xa4: {  	v30 =	vbroadcast v17, $0xE;
	v32 =	vbroadcast v17, $0xB;
	v18 =	vpop (erf)  }
0xa5: {  	v4 =	vmul.f32 v18, v4;
	v3 =	vmul.f32 v18, v3  }
0xa6: {  	v9 =	vbroadcast v17, $0x2;
	v1 =	vmul.f32 v18, v1  }
0xa7: {  	v4 =	vmul.f32 v4, v19;
	v3 =	vmul.f32 v3, v20  }
0xa8: {  	v10 =	vbroadcast v17, $0xC;
	v2 =	vmul.f32 v18, v2  }
0xa9: {  	v1 =	vmul.f32 v1, v9;
	v4 =	vadd.f32 v4, v21;
	v3 =	vadd.f32 v3, v22  }
0xaa: {  	v11 =	vbroadcast v17, $0xD;
	v2 =	vmul.f32 v2, v23  }
0xab: {  	v1 =	vadd.f32 v1, v24;
	v6 =	vmul.f32 v4, v25;
	v8 =	vmul.f32 v3, v27  }
0xac: {  	v29 =	vld [tilespmem:$0x8050];
	v4 =	vmul.f32 v4, v10;
	v3 =	vmul.f32 v3, v11  }
0xad: {  	v2 =	vadd.f32 v2, v26;
	v31 =	vmul.f32 v1, v28;
	v6 =	vadd.f32 v8, v6  }
0xae: {  	v33 =	vbroadcast v17, $0xF;
	v1 =	vmul.f32 v1, v30;
	v3 =	vadd.f32 v3, v4  }
0xaf: {  	v35 =	vmul.f32 v2, v32;
	v34 =	vadd.f32 v6, v31  }
0xb0: {  	v2 =	vmul.f32 v2, v33;
	v1 =	vadd.f32 v3, v1  }
0xb1: {  	v36 =	vbroadcast v29, $0x0;
	v3 =	vadd.f32 v34, v35  }
0xb2: {  	v1 =	vadd.f32 v1, v2;
	v2 =	vbroadcast v29, $0x1  }
0xb3: {  	v3 =	vadd.f32 v3, v36  }
0xb4: {  	v1 =	vadd.f32 v1, v2  }
0xb5: {  	v2 =	vmul.f32 $4.999999890e-03, v3  }
0xb6: {  	v1 =	vmul.f32 $4.999999890e-03, v1  }
0xb7: {  	v3 =	vbroadcast v2, $0x0  }
0xb8: {  	v37 =	vbroadcast v1, $0x0  }
0xb9: {  	[tilespmem:$0x8180] =	vst v2;
	v39 =	vbroadcast v1, $0x1;
	v3 =	vadd.f32 v3, v2  }
0xba: {  	v38 =	vbroadcast v2, $0x1;
	[tilespmem:$0x8200] =	vst v1;
	v4 =	vadd.f32 v37, v1  }
0xbb: {  	v42 =	vbroadcast v1, $0x2;
	v41 =	vadd.f32 v39, v1;
	[tilespmem:$0x8080] =	vst v3  }
0xbc: {  	v45 =	vbroadcast v1, $0x3;
	v3 =	vadd.f32 v38, v2;
	[tilespmem:$0x8100] =	vst v4  }
0xbd: {  	v40 =	vbroadcast v2, $0x2;
	v44 =	vadd.f32 v42, v1;
	[tilespmem:$0x810A] =	vst v41  }
0xbe: {  	v48 =	vbroadcast v1, $0x4;
	v47 =	vadd.f32 v45, v1;
	[tilespmem:$0x808A] =	vst v3  }
0xbf: {  	v43 =	vbroadcast v2, $0x3;
	v3 =	vadd.f32 v40, v2;
	[tilespmem:$0x8114] =	vst v44  }
0xc0: {  	v51 =	vbroadcast v1, $0x5;
	v50 =	vadd.f32 v48, v1;
	[tilespmem:$0x811E] =	vst v47  }
0xc1: {  	v46 =	vbroadcast v2, $0x4;
	[tilespmem:$0x8094] =	vst v3;
	v3 =	vadd.f32 v43, v2  }
0xc2: {  	v54 =	vbroadcast v1, $0x6;
	v53 =	vadd.f32 v51, v1;
	[tilespmem:$0x8128] =	vst v50  }
0xc3: {  	v49 =	vbroadcast v2, $0x5;
	[tilespmem:$0x809E] =	vst v3;
	v3 =	vadd.f32 v46, v2  }
0xc4: {  	v57 =	vbroadcast v1, $0x7;
	v56 =	vadd.f32 v54, v1;
	[tilespmem:$0x8132] =	vst v53  }
0xc5: {  	v52 =	vbroadcast v2, $0x6;
	[tilespmem:$0x80A8] =	vst v3;
	v3 =	vadd.f32 v49, v2  }
0xc6: {  	v60 =	vbroadcast v1, $0x8;
	v59 =	vadd.f32 v57, v1;
	[tilespmem:$0x813C] =	vst v56  }
0xc7: {  	v55 =	vbroadcast v2, $0x7;
	[tilespmem:$0x80B2] =	vst v3;
	v3 =	vadd.f32 v52, v2  }
0xc8: {  	v63 =	vbroadcast v1, $0x9;
	v62 =	vadd.f32 v60, v1;
	[tilespmem:$0x8146] =	vst v59  }
0xc9: {  	v58 =	vbroadcast v2, $0x8;
	[tilespmem:$0x80BC] =	vst v3;
	v3 =	vadd.f32 v55, v2  }
0xca: {  	v61 =	vbroadcast v2, $0x9;
	v1 =	vadd.f32 v63, v1;
	[tilespmem:$0x8150] =	vst v62  }
0xcb: {  	[tilespmem:$0x80C6] =	vst v3;
	v3 =	vadd.f32 v58, v2  }
0xcc: {  	[tilespmem:$0x815A] =	vst v1;
	v2 =	vadd.f32 v61, v2  }
0xcd: {  	[tilespmem:$0x80D0] =	vst v3  }
0xce: {  	[tilespmem:$0x80DA] =	vst v2  }
0xcf: {  	_ =	swait.ge [sflag:s17], $0x4000  }
0xd0: {  	[sflag:s17] =	ssyncset.done $0x0  }
0xd1: {  	s28 =	simm.s32 $0x0;
	[sflag:s17] =	ssyncadd.s32 $0xFFFFC000  }
0xd2: {  	[tilespmem:s18], [sflag:$0x2] =	stream.linear.gather [hbm4b:s5+s3], $0x4000, $0x38;
	[tilespmem:$0x8680] =	vst v63  }
.LBB2_2:
0xd3: {  	s0 =	sshll.u32 s28, $0xE;
	s30 =	simm.s32 $0x0  }
0xd4: {  	s31 =	sshra.s32 s0, $0x2;
	s0 =	simm.s32 $0x80;
	s1 =	sand.u32 $0x800, s30  }
0xd5: {  	s15 =	simm.s32 $0x0;
	s1 =	sadd.s32 s1, s31;
	s2 =	sand.u32 $0x380, s0  }
0xd6: {  	s15 =	sand.u32 $0x300, s15;
	s2 =	sadd.s32 s2, s1  }
0xd7: {  	s1 =	sadd.s32 s15, s1;
	v3 =	vld [tilespmem:s2+$0x438]  }
0xd8: {  	v2 =	vld [tilespmem:s1+$0x438]  }
0xd9: {  	v1 =	vld [tilespmem:s2+$0x430]  }
0xda: {  	v4 =	vld [tilespmem:s1+$0x430]  }
0xdb: {  	v5 =	vld [tilespmem:s2+$0x410]  }
0xdc: {  	v8 =	vld [tilespmem:s2+$0x420]  }
0xdd: {  	v6 =	vld [tilespmem:s1+$0x410]  }
0xde: {  	v7 =	vld [tilespmem:s1+$0x420]  }
0xdf: {  	v24 =	vld [tilespmem:s2+$0x70]  }
0xe0: {  	v9 =	vld [tilespmem:s2+$0x400]  }
0xe1: {  	v10 =	vld [tilespmem:s1+$0x70]  }
0xe2: {  	v11 =	vld [tilespmem:s1+$0x400]  }
0xe3: {  	v14 =	vld [tilespmem:s2+$0x50]  }
0xe4: {  	v25 =	vld [tilespmem:s2+$0x60]  }
0xe5: {  	v12 =	vld [tilespmem:s1+$0x50]  }
0xe6: {  	v13 =	vld [tilespmem:s1+$0x60]  }
0xe7: {  	v17 =	vld [tilespmem:s2+$0x30]  }
0xe8: {  	v18 =	vld [tilespmem:s2+$0x40]  }
0xe9: {  	v15 =	vld [tilespmem:s1+$0x30]  }
0xea: {  	v16 =	vld [tilespmem:s1+$0x40]  }
0xeb: {  	v21 =	vld [tilespmem:s2+$0x10]  }
0xec: {  	v22 =	vld [tilespmem:s2+$0x20]  }
0xed: {  	v27 =	vld [tilespmem:s2+$0x0];
	v8 =	vmul.u32 $0xA, v8  }
0xee: {  	v19 =	vld [tilespmem:s1+$0x10]  }
0xef: {  	v20 =	vld [tilespmem:s1+$0x20];
	v28 =	vmul.u32 $0xA, v9;
	v26 =	vadd.s32 v1, v8  }
0xf0: {  	v23 =	vld [tilespmem:s1+$0x0]  }
0xf1: {  	v29 =	vmul.u32 $0xA, v25;
	v25 =	vadd.s32 v5, v28;
	v9 =	vld.idx.msk [tilespmem:v3+s21+$0x0], $0xffff  }
0xf2: {  	v27 =	vmul.u32 $0xA, v27;
	v8 =	vld.idx.msk [tilespmem:v3+s22+$0x0], $0xffff  }
0xf3: {  	s29 =	simm.s32 $0x0;
	s1 =	simm.s32 $0x2;
	v1 =	vimm.f32 $0.0e+00;
	v24 =	vadd.s32 v24, v29;
	v5 =	vld.idx.msk [tilespmem:v2+s21+$0x0], $0xffff;
	v3 =	vimm.f32 $0.0e+00  }
.LBB2_3:
0xf4: {  	p0 =	slt.u32 s1, $0xE;
	v21 =	vadd.s32 v21, v27;
	v22 =	vmul.u32 $0xA, v22;
	v27 =	vld.idx.msk [tilespmem:v26+s19+$0x0], $0xffff  }
0xf5: {  	v26 =	vld.idx.msk [tilespmem:v26+s20+$0x0], $0xffff  }
0xf6: {  	v18 =	vmul.u32 $0xA, v18;
	v17 =	vadd.s32 v17, v22;
	v22 =	vld.idx.msk [tilespmem:v25+s19+$0x0], $0xffff  }
0xf7: {  	v25 =	vld.idx.msk [tilespmem:v25+s20+$0x0], $0xffff  }
0xf8: {  	v23 =	vmul.u32 $0xA, v23;
	v14 =	vadd.s32 v14, v18;
	v18 =	vld.idx.msk [tilespmem:v24+s19+$0x0], $0xffff  }
0xf9: {  	v28 =	vld.idx.msk [tilespmem:v21+s19+$0x0], $0xffff  }
0xfa: {  	v20 =	vmul.u32 $0xA, v20;
	v19 =	vadd.s32 v19, v23;
	v23 =	vld.idx.msk [tilespmem:v24+s20+$0x0], $0xffff  }
0xfb: {  	v24 =	vld.idx.msk [tilespmem:v17+s19+$0x0], $0xffff  }
0xfc: {  	v16 =	vmul.u32 $0xA, v16;
	v15 =	vadd.s32 v15, v20;
	v20 =	vld.idx.msk [tilespmem:v21+s20+$0x0], $0xffff  }
0xfd: {  	v21 =	vld.idx.msk [tilespmem:v14+s19+$0x0], $0xffff  }
0xfe: {  	v13 =	vmul.u32 $0xA, v13;
	v12 =	vadd.s32 v12, v16;
	v16 =	vld.idx.msk [tilespmem:v17+s20+$0x0], $0xffff  }
0xff: {  	v28 =	vadd.f32 $0.0e+00, v28;
	v17 =	vld.idx.msk [tilespmem:v19+s19+$0x0], $0xffff  }
0x100: {  	v11 =	vmul.u32 $0xA, v11;
	v10 =	vadd.s32 v10, v13;
	v13 =	vld.idx.msk [tilespmem:v14+s20+$0x0], $0xffff  }
0x101: {  	v24 =	vadd.f32 v24, v28;
	v14 =	vld.idx.msk [tilespmem:v15+s19+$0x0], $0xffff  }
0x102: {  	v7 =	vmul.u32 $0xA, v7;
	v6 =	vadd.s32 v6, v11;
	v11 =	vadd.f32 $0.0e+00, v20;
	v19 =	vld.idx.msk [tilespmem:v19+s20+$0x0], $0xffff  }
0x103: {  	v21 =	vadd.f32 v21, v24;
	v20 =	vld.idx.msk [tilespmem:v12+s19+$0x0], $0xffff  }
0x104: {  	v4 =	vadd.s32 v4, v7;
	v7 =	vadd.f32 v16, v11;
	v15 =	vld.idx.msk [tilespmem:v15+s20+$0x0], $0xffff  }
0x105: {  	v11 =	vadd.f32 $0.0e+00, v17;
	v17 =	vadd.f32 v18, v21;
	v16 =	vld.idx.msk [tilespmem:v10+s19+$0x0], $0xffff  }
0x106: {  	v7 =	vadd.f32 v13, v7;
	v12 =	vld.idx.msk [tilespmem:v12+s20+$0x0], $0xffff  }
0x107: {  	s30 =	sadd.s32 $0x200, s30;
	v11 =	vadd.f32 v14, v11;
	v14 =	vadd.f32 v22, v17;
	v13 =	vld.idx.msk [tilespmem:v6+s19+$0x0], $0xffff  }
0x108: {  	s0 =	sadd.s32 $0x100, s0;
	s2 =	sand.u32 $0x800, s30;
	v17 =	vadd.f32 $0.0e+00, v19;
	v7 =	vadd.f32 v23, v7;
	v10 =	vld.idx.msk [tilespmem:v10+s20+$0x0], $0xffff  }
0x109: {  	s15 =	sadd.s32 s2, s31;
	s2 =	sand.u32 $0x380, s0;
	v11 =	vadd.f32 v20, v11;
	v14 =	vadd.f32 v27, v14;
	v18 =	vld.idx.msk [tilespmem:v4+s19+$0x0], $0xffff  }
0x10a: {  	v9 =	vsel vm0, $0x0, v9;
	s2 =	sadd.s32 s2, s15;
	v15 =	vadd.f32 v15, v17;
	v7 =	vadd.f32 v25, v7;
	v6 =	vld.idx.msk [tilespmem:v6+s20+$0x0], $0xffff  }
0x10b: {  	s24 =	sadd.s32 $0xFFFFFF80, s0;
	v11 =	vadd.f32 v16, v11;
	v9 =	vadd.f32 v9, v14;
	v24 =	vld [tilespmem:s2+$0x438]  }
0x10c: {  	s24 =	sand.u32 $0x300, s24;
	v12 =	vadd.f32 v12, v15;
	v14 =	vld.idx.msk [tilespmem:v4+s20+$0x0], $0xffff;
	v4 =	vadd.f32 v26, v7  }
0x10d: {  	s15 =	sadd.s32 s24, s15;
	v8 =	vsel vm0, $0x0, v8;
	v7 =	vadd.f32 v13, v11;
	v11 =	vld.idx.msk [tilespmem:v2+s22+$0x0], $0xffff;
	(xrf2) =	vadd.scan.msk.f32 $0xffff, v9  }
0x10e: {  	v9 =	vadd.f32 v10, v12;
	v2 =	vld [tilespmem:s15+$0x438];
	v8 =	vadd.f32 v8, v4  }
0x10f: {  	v7 =	vadd.f32 v18, v7;
	v23 =	vld [tilespmem:s2+$0x430]  }
0x110: {  	v5 =	vsel vm0, $0x0, v5;
	v6 =	vadd.f32 v6, v9;
	v4 =	vld [tilespmem:s15+$0x430];
	(xrf2) =	vadd.scan.msk.f32 $0xffff, v8  }
0x111: {  	v5 =	vadd.f32 v5, v7;
	v8 =	vld [tilespmem:s2+$0x410]  }
0x112: {  	v10 =	vadd.f32 v14, v6;
	v9 =	vld [tilespmem:s2+$0x420]  }
0x113: {  	v11 =	vsel vm0, $0x0, v11;
	v6 =	vld [tilespmem:s15+$0x410];
	(xrf2) =	vadd.scan.msk.f32 $0xffff, v5  }
0x114: {  	v11 =	vadd.f32 v11, v10;
	v7 =	vld [tilespmem:s15+$0x420]  }
0x115: {  	v28 =	vld [tilespmem:s2+$0x70]  }
0x116: {  	v25 =	vld [tilespmem:s2+$0x400];
	(xrf2) =	vadd.scan.msk.f32 $0xffff, v11  }
0x117: {  	v10 =	vld [tilespmem:s15+$0x70];
	v5, _, _ =	vpop (xrf2)  }
0x118: {  	v11 =	vld [tilespmem:s15+$0x400]  }
0x119: {  	v14 =	vld [tilespmem:s2+$0x50]  }
0x11a: {  	v27 =	vld [tilespmem:s2+$0x60];
	v19, _, _ =	vpop (xrf2)  }
0x11b: {  	v12 =	vld [tilespmem:s15+$0x50]  }
0x11c: {  	v13 =	vld [tilespmem:s15+$0x60]  }
0x11d: {  	v17 =	vld [tilespmem:s2+$0x30];
	v20, _, _ =	vpop (xrf2)  }
0x11e: {  	v18 =	vld [tilespmem:s2+$0x40]  }
0x11f: {  	v21 =	vmov s29;
	v15 =	vld [tilespmem:s15+$0x30]  }
0x120: {  	s24 =	sadd.s32 $0x1, s29;
	s29 =	smov.u32 s1;
	vm1 =	veq.s32 v21, v0;
	v16 =	vld [tilespmem:s15+$0x40];
	v22, _, _ =	vpop (xrf2)  }
0x121: {  	v29 =	vmov s24;
	v20 =	vbroadcast v20, $0xF;
	v21 =	vld [tilespmem:s2+$0x10];
	v26 =	vbroadcast v22, $0xF  }
0x122: {  	vm2 =	veq.s32 v29, v0;
	v5 =	vbroadcast v5, $0xF;
	v29 =	vbroadcast v19, $0xF;
	v22 =	vld [tilespmem:s2+$0x20]  }
0x123: {  	v9 =	vmul.u32 $0xA, v9;
	v1 =	vsel vm1, v20, v1;
	v30 =	vld [tilespmem:s2+$0x0];
	v3 =	vsel vm1, v26, v3  }
0x124: {  	v1 =	vsel vm2, v5, v1;
	v19 =	vld [tilespmem:s15+$0x10];
	v3 =	vsel vm2, v29, v3  }
.Ltmp0:
0x125: {  	v5 =	vmul.u32 $0xA, v25;
	v26 =	vadd.s32 v23, v9;
	v20 =	vld [tilespmem:s15+$0x20];
	(pc) =	sbr.rel @p0 .LBB2_3-.Ltmp0, $4  }
0x126: {  	v23 =	vld [tilespmem:s15+$0x0]  }
0x127: {  	v25 =	vadd.s32 v8, v5;
	v29 =	vmul.u32 $0xA, v27;
	v9 =	vld.idx.msk [tilespmem:v24+s21+$0x0], $0xffff  }
0x128: {  	v27 =	vmul.u32 $0xA, v30;
	v8 =	vld.idx.msk [tilespmem:v24+s22+$0x0], $0xffff  }
0x129: {  	s1 =	sadd.s32 $0x2, s1;
	v24 =	vadd.s32 v28, v29;
	v5 =	vld.idx.msk [tilespmem:v2+s21+$0x0], $0xffff  }
0x12a: {  	_ =	sdelay $0x3  }
0x12b: {  	v36 =	vld.idx.msk [tilespmem:v26+s19+$0x0], $0xffff  }
0x12c: {  	v21 =	vadd.s32 v21, v27;
	v22 =	vmul.u32 $0xA, v22;
	v37 =	vld.idx.msk [tilespmem:v26+s20+$0x0], $0xffff  }
0x12d: {  	v18 =	vmul.u32 $0xA, v18;
	v38 =	vld.idx.msk [tilespmem:v25+s19+$0x0], $0xffff  }
0x12e: {  	v39 =	vld.idx.msk [tilespmem:v25+s20+$0x0], $0xffff;
	v17 =	vadd.s32 v17, v22  }
0x12f: {  	v40 =	vld.idx.msk [tilespmem:v24+s19+$0x0], $0xffff;
	v14 =	vadd.s32 v14, v18  }
0x130: {  	v41 =	vld.idx.msk [tilespmem:v24+s20+$0x0], $0xffff;
	v23 =	vmul.u32 $0xA, v23  }
0x131: {  	v28 =	vld.idx.msk [tilespmem:v21+s19+$0x0], $0xffff  }
0x132: {  	v20 =	vmul.u32 $0xA, v20;
	v19 =	vadd.s32 v19, v23;
	v21 =	vld.idx.msk [tilespmem:v21+s20+$0x0], $0xffff  }
0x133: {  	v42 =	vld.idx.msk [tilespmem:v17+s19+$0x0], $0xffff  }
0x134: {  	v16 =	vmul.u32 $0xA, v16;
	v15 =	vadd.s32 v15, v20;
	v43 =	vld.idx.msk [tilespmem:v14+s19+$0x0], $0xffff  }
0x135: {  	v17 =	vld.idx.msk [tilespmem:v17+s20+$0x0], $0xffff  }
0x136: {  	v13 =	vmul.u32 $0xA, v13;
	v12 =	vadd.s32 v12, v16;
	v14 =	vld.idx.msk [tilespmem:v14+s20+$0x0], $0xffff  }
0x137: {  	v44 =	vld.idx.msk [tilespmem:v19+s19+$0x0], $0xffff  }
0x138: {  	v11 =	vmul.u32 $0xA, v11;
	v10 =	vadd.s32 v10, v13;
	v45 =	vld.idx.msk [tilespmem:v19+s20+$0x0], $0xffff  }
0x139: {  	v46 =	vld.idx.msk [tilespmem:v15+s19+$0x0], $0xffff  }
0x13a: {  	v7 =	vmul.u32 $0xA, v7;
	v6 =	vadd.s32 v6, v11;
	v47 =	vld.idx.msk [tilespmem:v15+s20+$0x0], $0xffff;
	v28 =	vadd.f32 $0.0e+00, v28  }
0x13b: {  	v49 =	vld.idx.msk [tilespmem:v12+s19+$0x0], $0xffff;
	v48 =	vadd.f32 $0.0e+00, v21  }
0x13c: {  	v4 =	vadd.s32 v4, v7;
	v12 =	vld.idx.msk [tilespmem:v12+s20+$0x0], $0xffff;
	v24 =	vadd.f32 v42, v28;
	v50 =	vadd.f32 $0.0e+00, v44  }
0x13d: {  	v51 =	vld.idx.msk [tilespmem:v10+s19+$0x0], $0xffff;
	v15 =	vadd.f32 v17, v48;
	v13 =	vadd.f32 $0.0e+00, v45  }
0x13e: {  	v10 =	vld.idx.msk [tilespmem:v10+s20+$0x0], $0xffff;
	v52 =	vadd.f32 v43, v24;
	v7 =	vadd.f32 v46, v50  }
0x13f: {  	v53 =	vld.idx.msk [tilespmem:v6+s19+$0x0], $0xffff;
	v14 =	vadd.f32 v14, v15;
	v11 =	vadd.f32 v47, v13  }
0x140: {  	v6 =	vld.idx.msk [tilespmem:v6+s20+$0x0], $0xffff;
	v54 =	vadd.f32 v40, v52;
	v7 =	vadd.f32 v49, v7  }
0x141: {  	v55 =	vld.idx.msk [tilespmem:v4+s19+$0x0], $0xffff;
	v14 =	vadd.f32 v41, v14;
	v11 =	vadd.f32 v12, v11  }
0x142: {  	v4 =	vld.idx.msk [tilespmem:v4+s20+$0x0], $0xffff;
	v56 =	vadd.f32 v38, v54;
	v7 =	vadd.f32 v51, v7  }
0x143: {  	v2 =	vld.idx.msk [tilespmem:v2+s22+$0x0], $0xffff;
	v57 =	vadd.f32 v39, v14;
	v10 =	vadd.f32 v10, v11  }
0x144: {  	v58 =	vadd.f32 v36, v56;
	v7 =	vadd.f32 v53, v7  }
0x145: {  	v9 =	vsel vm0, $0x0, v9;
	v59 =	vadd.f32 v37, v57;
	v6 =	vadd.f32 v6, v10  }
0x146: {  	v8 =	vsel vm0, $0x0, v8;
	v9 =	vadd.f32 v9, v58;
	v7 =	vadd.f32 v55, v7  }
0x147: {  	v5 =	vsel vm0, $0x0, v5;
	v8 =	vadd.f32 v8, v59;
	v4 =	vadd.f32 v4, v6  }
0x148: {  	v2 =	vsel vm0, $0x0, v2;
	(xrf2) =	vadd.scan.msk.f32 $0xffff, v9;
	v5 =	vadd.f32 v5, v7  }
0x149: {  	(xrf2) =	vadd.scan.msk.f32 $0xffff, v8;
	v2 =	vadd.f32 v2, v4  }
0x14a: {  	(xrf2) =	vadd.scan.msk.f32 $0xffff, v5  }
0x14b: {  	(xrf2) =	vadd.scan.msk.f32 $0xffff, v2;
	_ =	sdelay $0x6  }
0x14c: {  	v2, _, _ =	vpop (xrf2)  }
0x14d: {  	v60, _, _ =	vpop (xrf2)  }
0x14e: {  	v61 =	vmov s29;
	s31 =	sshll.u32 s28, $0x4;
	s28 =	sadd.s32 $0x1, s28;
	v5, _, _ =	vpop (xrf2)  }
0x14f: {  	s0 =	sadd.s32 $0x1, s29;
	vm1 =	veq.s32 v61, v0;
	p0 =	sne.s32 s28, $0x4;
	v62, _, _ =	vpop (xrf2);
	v5 =	vbroadcast v5, $0xF  }
.Ltmp1:
0x150: {  	v63 =	vmov s0;
	v2 =	vbroadcast v2, $0xF;
	v6 =	vbroadcast v62, $0xF;
	(pc) =	sbr.rel @p0 .LBB2_2-.Ltmp1, $4  }
0x151: {  	vm2 =	veq.s32 v63, v0;
	v4 =	vbroadcast v60, $0xF;
	v1 =	vsel vm1, v5, v1  }
0x152: {  	v3 =	vsel vm1, v6, v3;
	v1 =	vsel vm2, v2, v1  }
0x153: {  	v2 =	vsel vm2, v4, v3;
	[tilespmem:s31+$0x8280] =	vst v1  }
0x154: {  	[tilespmem:s31+$0x8480] =	vst v2  }
0x155: {  	_ =	swait.ge [sflag:s23], $0x4000  }
0x156: {  	[sflag:s23] =	ssyncset.done $0x0  }
0x157: {  	s28 =	simm.s32 $0x0;
	s29 =	simm.s32 $0x0;
	[sflag:s23] =	ssyncadd.s32 $0xFFFFC000  }
0x158: {  	[tilespmem:s28], [sflag:$0x1] =	stream.linear.gather [hbm4b:s6+s28], $0x4000, $0x38;
	[tilespmem:$0x8680] =	vst v63  }
.LBB2_6:
0x159: {  	s0 =	sshll.u32 s29, $0xE  }
0x15a: {  	s0 =	sshra.s32 s0, $0x2  }
0x15b: {  	s1 =	sand.u32 $0x800, s28;
	s31 =	sadd.s32 $0x4000, s0;
	s0 =	simm.s32 $0x80  }
0x15c: {  	s15 =	simm.s32 $0x0;
	s1 =	sadd.s32 s1, s31;
	s2 =	sand.u32 $0x380, s0  }
0x15d: {  	s15 =	sand.u32 $0x300, s15;
	s2 =	sadd.s32 s2, s1  }
0x15e: {  	s1 =	sadd.s32 s15, s1;
	v3 =	vld [tilespmem:s2+$0x438]  }
0x15f: {  	v2 =	vld [tilespmem:s1+$0x438]  }
0x160: {  	v1 =	vld [tilespmem:s2+$0x430]  }
0x161: {  	v4 =	vld [tilespmem:s1+$0x430]  }
0x162: {  	v5 =	vld [tilespmem:s2+$0x410]  }
0x163: {  	v8 =	vld [tilespmem:s2+$0x420]  }
0x164: {  	v6 =	vld [tilespmem:s1+$0x410]  }
0x165: {  	v7 =	vld [tilespmem:s1+$0x420]  }
0x166: {  	v24 =	vld [tilespmem:s2+$0x70]  }
0x167: {  	v9 =	vld [tilespmem:s2+$0x400]  }
0x168: {  	v10 =	vld [tilespmem:s1+$0x70]  }
0x169: {  	v11 =	vld [tilespmem:s1+$0x400]  }
0x16a: {  	v14 =	vld [tilespmem:s2+$0x50]  }
0x16b: {  	v25 =	vld [tilespmem:s2+$0x60]  }
0x16c: {  	v12 =	vld [tilespmem:s1+$0x50]  }
0x16d: {  	v13 =	vld [tilespmem:s1+$0x60]  }
0x16e: {  	v17 =	vld [tilespmem:s2+$0x30]  }
0x16f: {  	v18 =	vld [tilespmem:s2+$0x40]  }
0x170: {  	v15 =	vld [tilespmem:s1+$0x30]  }
0x171: {  	v16 =	vld [tilespmem:s1+$0x40]  }
0x172: {  	v21 =	vld [tilespmem:s2+$0x10]  }
0x173: {  	v22 =	vld [tilespmem:s2+$0x20]  }
0x174: {  	v27 =	vld [tilespmem:s2+$0x0];
	v8 =	vmul.u32 $0xA, v8  }
0x175: {  	v19 =	vld [tilespmem:s1+$0x10]  }
0x176: {  	v20 =	vld [tilespmem:s1+$0x20];
	v28 =	vmul.u32 $0xA, v9;
	v26 =	vadd.s32 v1, v8  }
0x177: {  	v23 =	vld [tilespmem:s1+$0x0]  }
0x178: {  	v29 =	vmul.u32 $0xA, v25;
	v25 =	vadd.s32 v5, v28;
	v9 =	vld.idx.msk [tilespmem:v3+s21+$0x0], $0xffff  }
0x179: {  	v27 =	vmul.u32 $0xA, v27;
	v8 =	vld.idx.msk [tilespmem:v3+s22+$0x0], $0xffff  }
0x17a: {  	s30 =	simm.s32 $0x0;
	s1 =	simm.s32 $0x2;
	s2 =	simm.s32 $0x0;
	v1 =	vimm.f32 $0.0e+00;
	v24 =	vadd.s32 v24, v29;
	v5 =	vld.idx.msk [tilespmem:v2+s21+$0x0], $0xffff;
	v3 =	vimm.f32 $0.0e+00  }
.LBB2_7:
0x17b: {  	p0 =	slt.u32 s1, $0xE;
	v21 =	vadd.s32 v21, v27;
	v22 =	vmul.u32 $0xA, v22;
	v27 =	vld.idx.msk [tilespmem:v26+s19+$0x0], $0xffff  }
0x17c: {  	v26 =	vld.idx.msk [tilespmem:v26+s20+$0x0], $0xffff  }
0x17d: {  	v18 =	vmul.u32 $0xA, v18;
	v17 =	vadd.s32 v17, v22;
	v22 =	vld.idx.msk [tilespmem:v25+s19+$0x0], $0xffff  }
0x17e: {  	v25 =	vld.idx.msk [tilespmem:v25+s20+$0x0], $0xffff  }
0x17f: {  	v23 =	vmul.u32 $0xA, v23;
	v14 =	vadd.s32 v14, v18;
	v18 =	vld.idx.msk [tilespmem:v24+s19+$0x0], $0xffff  }
0x180: {  	v28 =	vld.idx.msk [tilespmem:v21+s19+$0x0], $0xffff  }
0x181: {  	v20 =	vmul.u32 $0xA, v20;
	v19 =	vadd.s32 v19, v23;
	v23 =	vld.idx.msk [tilespmem:v24+s20+$0x0], $0xffff  }
0x182: {  	v24 =	vld.idx.msk [tilespmem:v17+s19+$0x0], $0xffff  }
0x183: {  	v16 =	vmul.u32 $0xA, v16;
	v15 =	vadd.s32 v15, v20;
	v20 =	vld.idx.msk [tilespmem:v21+s20+$0x0], $0xffff  }
0x184: {  	v21 =	vld.idx.msk [tilespmem:v14+s19+$0x0], $0xffff  }
0x185: {  	v13 =	vmul.u32 $0xA, v13;
	v12 =	vadd.s32 v12, v16;
	v16 =	vld.idx.msk [tilespmem:v17+s20+$0x0], $0xffff  }
0x186: {  	v28 =	vadd.f32 $0.0e+00, v28;
	v17 =	vld.idx.msk [tilespmem:v19+s19+$0x0], $0xffff  }
0x187: {  	v11 =	vmul.u32 $0xA, v11;
	v10 =	vadd.s32 v10, v13;
	v13 =	vld.idx.msk [tilespmem:v14+s20+$0x0], $0xffff  }
0x188: {  	v24 =	vadd.f32 v24, v28;
	v14 =	vld.idx.msk [tilespmem:v15+s19+$0x0], $0xffff  }
0x189: {  	v7 =	vmul.u32 $0xA, v7;
	v6 =	vadd.s32 v6, v11;
	v11 =	vadd.f32 $0.0e+00, v20;
	v19 =	vld.idx.msk [tilespmem:v19+s20+$0x0], $0xffff  }
0x18a: {  	v21 =	vadd.f32 v21, v24;
	v20 =	vld.idx.msk [tilespmem:v12+s19+$0x0], $0xffff  }
0x18b: {  	v4 =	vadd.s32 v4, v7;
	v7 =	vadd.f32 v16, v11;
	v15 =	vld.idx.msk [tilespmem:v15+s20+$0x0], $0xffff  }
0x18c: {  	v11 =	vadd.f32 $0.0e+00, v17;
	v17 =	vadd.f32 v18, v21;
	v16 =	vld.idx.msk [tilespmem:v10+s19+$0x0], $0xffff  }
0x18d: {  	v7 =	vadd.f32 v13, v7;
	v12 =	vld.idx.msk [tilespmem:v12+s20+$0x0], $0xffff  }
0x18e: {  	s2 =	sadd.s32 $0x200, s2;
	v11 =	vadd.f32 v14, v11;
	v14 =	vadd.f32 v22, v17;
	v13 =	vld.idx.msk [tilespmem:v6+s19+$0x0], $0xffff  }
0x18f: {  	s0 =	sadd.s32 $0x100, s0;
	s15 =	sand.u32 $0x800, s2;
	v17 =	vadd.f32 $0.0e+00, v19;
	v7 =	vadd.f32 v23, v7;
	v10 =	vld.idx.msk [tilespmem:v10+s20+$0x0], $0xffff  }
0x190: {  	s24 =	sadd.s32 s15, s31;
	s15 =	sand.u32 $0x380, s0;
	v11 =	vadd.f32 v20, v11;
	v14 =	vadd.f32 v27, v14;
	v18 =	vld.idx.msk [tilespmem:v4+s19+$0x0], $0xffff  }
0x191: {  	v9 =	vsel vm0, $0x0, v9;
	s15 =	sadd.s32 s15, s24;
	v15 =	vadd.f32 v15, v17;
	v7 =	vadd.f32 v25, v7;
	v6 =	vld.idx.msk [tilespmem:v6+s20+$0x0], $0xffff  }
0x192: {  	s25 =	sadd.s32 $0xFFFFFF80, s0;
	v11 =	vadd.f32 v16, v11;
	v9 =	vadd.f32 v9, v14;
	v24 =	vld [tilespmem:s15+$0x438]  }
0x193: {  	s25 =	sand.u32 $0x300, s25;
	v12 =	vadd.f32 v12, v15;
	v14 =	vld.idx.msk [tilespmem:v4+s20+$0x0], $0xffff;
	v4 =	vadd.f32 v26, v7  }
0x194: {  	s24 =	sadd.s32 s25, s24;
	v8 =	vsel vm0, $0x0, v8;
	v7 =	vadd.f32 v13, v11;
	v11 =	vld.idx.msk [tilespmem:v2+s22+$0x0], $0xffff;
	(xrf2) =	vadd.scan.msk.f32 $0xffff, v9  }
0x195: {  	v9 =	vadd.f32 v10, v12;
	v2 =	vld [tilespmem:s24+$0x438];
	v8 =	vadd.f32 v8, v4  }
0x196: {  	v7 =	vadd.f32 v18, v7;
	v23 =	vld [tilespmem:s15+$0x430]  }
0x197: {  	v5 =	vsel vm0, $0x0, v5;
	v6 =	vadd.f32 v6, v9;
	v4 =	vld [tilespmem:s24+$0x430];
	(xrf2) =	vadd.scan.msk.f32 $0xffff, v8  }
0x198: {  	v5 =	vadd.f32 v5, v7;
	v8 =	vld [tilespmem:s15+$0x410]  }
0x199: {  	v10 =	vadd.f32 v14, v6;
	v9 =	vld [tilespmem:s15+$0x420]  }
0x19a: {  	v11 =	vsel vm0, $0x0, v11;
	v6 =	vld [tilespmem:s24+$0x410];
	(xrf2) =	vadd.scan.msk.f32 $0xffff, v5  }
0x19b: {  	v11 =	vadd.f32 v11, v10;
	v7 =	vld [tilespmem:s24+$0x420]  }
0x19c: {  	v28 =	vld [tilespmem:s15+$0x70]  }
0x19d: {  	v25 =	vld [tilespmem:s15+$0x400];
	(xrf2) =	vadd.scan.msk.f32 $0xffff, v11  }
0x19e: {  	v10 =	vld [tilespmem:s24+$0x70];
	v5, _, _ =	vpop (xrf2)  }
0x19f: {  	v11 =	vld [tilespmem:s24+$0x400]  }
0x1a0: {  	v14 =	vld [tilespmem:s15+$0x50]  }
0x1a1: {  	v27 =	vld [tilespmem:s15+$0x60];
	v19, _, _ =	vpop (xrf2)  }
0x1a2: {  	v12 =	vld [tilespmem:s24+$0x50]  }
0x1a3: {  	v13 =	vld [tilespmem:s24+$0x60]  }
0x1a4: {  	v17 =	vld [tilespmem:s15+$0x30];
	v20, _, _ =	vpop (xrf2)  }
0x1a5: {  	v18 =	vld [tilespmem:s15+$0x40]  }
0x1a6: {  	v21 =	vmov s30;
	v15 =	vld [tilespmem:s24+$0x30]  }
0x1a7: {  	s25 =	sadd.s32 $0x1, s30;
	s30 =	smov.u32 s1;
	vm1 =	veq.s32 v21, v0;
	v16 =	vld [tilespmem:s24+$0x40];
	v22, _, _ =	vpop (xrf2)  }
0x1a8: {  	v29 =	vmov s25;
	v20 =	vbroadcast v20, $0xF;
	v21 =	vld [tilespmem:s15+$0x10];
	v26 =	vbroadcast v22, $0xF  }
0x1a9: {  	vm2 =	veq.s32 v29, v0;
	v5 =	vbroadcast v5, $0xF;
	v29 =	vbroadcast v19, $0xF;
	v22 =	vld [tilespmem:s15+$0x20]  }
0x1aa: {  	v9 =	vmul.u32 $0xA, v9;
	v1 =	vsel vm1, v20, v1;
	v30 =	vld [tilespmem:s15+$0x0];
	v3 =	vsel vm1, v26, v3  }
0x1ab: {  	v1 =	vsel vm2, v5, v1;
	v19 =	vld [tilespmem:s24+$0x10];
	v3 =	vsel vm2, v29, v3  }
.Ltmp2:
0x1ac: {  	v5 =	vmul.u32 $0xA, v25;
	v26 =	vadd.s32 v23, v9;
	v20 =	vld [tilespmem:s24+$0x20];
	(pc) =	sbr.rel @p0 .LBB2_7-.Ltmp2, $4  }
0x1ad: {  	v23 =	vld [tilespmem:s24+$0x0]  }
0x1ae: {  	v25 =	vadd.s32 v8, v5;
	v29 =	vmul.u32 $0xA, v27;
	v9 =	vld.idx.msk [tilespmem:v24+s21+$0x0], $0xffff  }
0x1af: {  	v27 =	vmul.u32 $0xA, v30;
	v8 =	vld.idx.msk [tilespmem:v24+s22+$0x0], $0xffff  }
0x1b0: {  	s1 =	sadd.s32 $0x2, s1;
	v24 =	vadd.s32 v28, v29;
	v5 =	vld.idx.msk [tilespmem:v2+s21+$0x0], $0xffff  }
0x1b1: {  	_ =	sdelay $0x3  }
0x1b2: {  	v36 =	vld.idx.msk [tilespmem:v26+s19+$0x0], $0xffff  }
0x1b3: {  	v21 =	vadd.s32 v21, v27;
	v22 =	vmul.u32 $0xA, v22;
	v37 =	vld.idx.msk [tilespmem:v26+s20+$0x0], $0xffff  }
0x1b4: {  	v18 =	vmul.u32 $0xA, v18;
	v38 =	vld.idx.msk [tilespmem:v25+s19+$0x0], $0xffff  }
0x1b5: {  	v39 =	vld.idx.msk [tilespmem:v25+s20+$0x0], $0xffff;
	v17 =	vadd.s32 v17, v22  }
0x1b6: {  	v40 =	vld.idx.msk [tilespmem:v24+s19+$0x0], $0xffff;
	v14 =	vadd.s32 v14, v18  }
0x1b7: {  	v41 =	vld.idx.msk [tilespmem:v24+s20+$0x0], $0xffff;
	v23 =	vmul.u32 $0xA, v23  }
0x1b8: {  	v28 =	vld.idx.msk [tilespmem:v21+s19+$0x0], $0xffff  }
0x1b9: {  	v20 =	vmul.u32 $0xA, v20;
	v19 =	vadd.s32 v19, v23;
	v21 =	vld.idx.msk [tilespmem:v21+s20+$0x0], $0xffff  }
0x1ba: {  	v42 =	vld.idx.msk [tilespmem:v17+s19+$0x0], $0xffff  }
0x1bb: {  	v16 =	vmul.u32 $0xA, v16;
	v15 =	vadd.s32 v15, v20;
	v43 =	vld.idx.msk [tilespmem:v14+s19+$0x0], $0xffff  }
0x1bc: {  	v17 =	vld.idx.msk [tilespmem:v17+s20+$0x0], $0xffff  }
0x1bd: {  	v13 =	vmul.u32 $0xA, v13;
	v12 =	vadd.s32 v12, v16;
	v14 =	vld.idx.msk [tilespmem:v14+s20+$0x0], $0xffff  }
0x1be: {  	v44 =	vld.idx.msk [tilespmem:v19+s19+$0x0], $0xffff  }
0x1bf: {  	v11 =	vmul.u32 $0xA, v11;
	v10 =	vadd.s32 v10, v13;
	v45 =	vld.idx.msk [tilespmem:v19+s20+$0x0], $0xffff  }
0x1c0: {  	v46 =	vld.idx.msk [tilespmem:v15+s19+$0x0], $0xffff  }
0x1c1: {  	v7 =	vmul.u32 $0xA, v7;
	v6 =	vadd.s32 v6, v11;
	v47 =	vld.idx.msk [tilespmem:v15+s20+$0x0], $0xffff;
	v28 =	vadd.f32 $0.0e+00, v28  }
0x1c2: {  	v49 =	vld.idx.msk [tilespmem:v12+s19+$0x0], $0xffff;
	v48 =	vadd.f32 $0.0e+00, v21  }
0x1c3: {  	v4 =	vadd.s32 v4, v7;
	v12 =	vld.idx.msk [tilespmem:v12+s20+$0x0], $0xffff;
	v24 =	vadd.f32 v42, v28;
	v50 =	vadd.f32 $0.0e+00, v44  }
0x1c4: {  	v51 =	vld.idx.msk [tilespmem:v10+s19+$0x0], $0xffff;
	v15 =	vadd.f32 v17, v48;
	v13 =	vadd.f32 $0.0e+00, v45  }
0x1c5: {  	v10 =	vld.idx.msk [tilespmem:v10+s20+$0x0], $0xffff;
	v52 =	vadd.f32 v43, v24;
	v7 =	vadd.f32 v46, v50  }
0x1c6: {  	v53 =	vld.idx.msk [tilespmem:v6+s19+$0x0], $0xffff;
	v14 =	vadd.f32 v14, v15;
	v11 =	vadd.f32 v47, v13  }
0x1c7: {  	v6 =	vld.idx.msk [tilespmem:v6+s20+$0x0], $0xffff;
	v54 =	vadd.f32 v40, v52;
	v7 =	vadd.f32 v49, v7  }
0x1c8: {  	v55 =	vld.idx.msk [tilespmem:v4+s19+$0x0], $0xffff;
	v14 =	vadd.f32 v41, v14;
	v11 =	vadd.f32 v12, v11  }
0x1c9: {  	v4 =	vld.idx.msk [tilespmem:v4+s20+$0x0], $0xffff;
	v56 =	vadd.f32 v38, v54;
	v7 =	vadd.f32 v51, v7  }
0x1ca: {  	v2 =	vld.idx.msk [tilespmem:v2+s22+$0x0], $0xffff;
	v57 =	vadd.f32 v39, v14;
	v10 =	vadd.f32 v10, v11  }
0x1cb: {  	v58 =	vadd.f32 v36, v56;
	v7 =	vadd.f32 v53, v7  }
0x1cc: {  	v9 =	vsel vm0, $0x0, v9;
	v59 =	vadd.f32 v37, v57;
	v6 =	vadd.f32 v6, v10  }
0x1cd: {  	v8 =	vsel vm0, $0x0, v8;
	v9 =	vadd.f32 v9, v58;
	v7 =	vadd.f32 v55, v7  }
0x1ce: {  	v5 =	vsel vm0, $0x0, v5;
	v8 =	vadd.f32 v8, v59;
	v4 =	vadd.f32 v4, v6  }
0x1cf: {  	v2 =	vsel vm0, $0x0, v2;
	(xrf2) =	vadd.scan.msk.f32 $0xffff, v9;
	v5 =	vadd.f32 v5, v7  }
0x1d0: {  	(xrf2) =	vadd.scan.msk.f32 $0xffff, v8;
	v2 =	vadd.f32 v2, v4  }
0x1d1: {  	(xrf2) =	vadd.scan.msk.f32 $0xffff, v5  }
0x1d2: {  	(xrf2) =	vadd.scan.msk.f32 $0xffff, v2;
	_ =	sdelay $0x6  }
0x1d3: {  	v2, _, _ =	vpop (xrf2)  }
0x1d4: {  	v60, _, _ =	vpop (xrf2)  }
0x1d5: {  	v61 =	vmov s30;
	s31 =	sshll.u32 s29, $0x4;
	s29 =	sadd.s32 $0x1, s29;
	v5, _, _ =	vpop (xrf2)  }
0x1d6: {  	s0 =	sadd.s32 $0x1, s30;
	vm1 =	veq.s32 v61, v0;
	p0 =	sne.s32 s29, $0x4;
	v62, _, _ =	vpop (xrf2);
	v5 =	vbroadcast v5, $0xF  }
.Ltmp3:
0x1d7: {  	v63 =	vmov s0;
	v2 =	vbroadcast v2, $0xF;
	v6 =	vbroadcast v62, $0xF;
	(pc) =	sbr.rel @p0 .LBB2_6-.Ltmp3, $4  }
0x1d8: {  	vm2 =	veq.s32 v63, v0;
	v4 =	vbroadcast v60, $0xF;
	v1 =	vsel vm1, v5, v1  }
0x1d9: {  	s0 =	sand.u32 $0x3FFFFFF0, s31;
	v3 =	vsel vm1, v6, v3;
	v1 =	vsel vm2, v2, v1  }
0x1da: {  	v2 =	vsel vm2, v4, v3;
	[tilespmem:s0+$0x82C0] =	vst v1  }
0x1db: {  	[tilespmem:s0+$0x84C0] =	vst v2  }
0x1dc: {  	_ =	swait.ge [sflag:s17], $0x4000  }
0x1dd: {  	[sflag:s17] =	ssyncset.done $0x0  }
0x1de: {  	s28 =	simm.s32 $0x0;
	s29 =	simm.s32 $0x0;
	[sflag:s17] =	ssyncadd.s32 $0xFFFFC000  }
0x1df: {  	[tilespmem:s18], [sflag:$0x2] =	stream.linear.gather [hbm4b:s7+s28], $0x4000, $0x38;
	[tilespmem:$0x8680] =	vst v63  }
.LBB2_10:
0x1e0: {  	s0 =	sshll.u32 s29, $0xE  }
0x1e1: {  	s1 =	sand.u32 $0x800, s28;
	s31 =	sshra.s32 s0, $0x2;
	s0 =	simm.s32 $0x80  }
0x1e2: {  	s15 =	simm.s32 $0x0;
	s1 =	sadd.s32 s1, s31;
	s2 =	sand.u32 $0x380, s0  }
0x1e3: {  	s15 =	sand.u32 $0x300, s15;
	s2 =	sadd.s32 s2, s1  }
0x1e4: {  	s1 =	sadd.s32 s15, s1;
	v3 =	vld [tilespmem:s2+$0x438]  }
0x1e5: {  	v2 =	vld [tilespmem:s1+$0x438]  }
0x1e6: {  	v1 =	vld [tilespmem:s2+$0x430]  }
0x1e7: {  	v4 =	vld [tilespmem:s1+$0x430]  }
0x1e8: {  	v5 =	vld [tilespmem:s2+$0x410]  }
0x1e9: {  	v8 =	vld [tilespmem:s2+$0x420]  }
0x1ea: {  	v6 =	vld [tilespmem:s1+$0x410]  }
0x1eb: {  	v7 =	vld [tilespmem:s1+$0x420]  }
0x1ec: {  	v24 =	vld [tilespmem:s2+$0x70]  }
0x1ed: {  	v9 =	vld [tilespmem:s2+$0x400]  }
0x1ee: {  	v10 =	vld [tilespmem:s1+$0x70]  }
0x1ef: {  	v11 =	vld [tilespmem:s1+$0x400]  }
0x1f0: {  	v14 =	vld [tilespmem:s2+$0x50]  }
0x1f1: {  	v25 =	vld [tilespmem:s2+$0x60]  }
0x1f2: {  	v12 =	vld [tilespmem:s1+$0x50]  }
0x1f3: {  	v13 =	vld [tilespmem:s1+$0x60]  }
0x1f4: {  	v17 =	vld [tilespmem:s2+$0x30]  }
0x1f5: {  	v18 =	vld [tilespmem:s2+$0x40]  }
0x1f6: {  	v15 =	vld [tilespmem:s1+$0x30]  }
0x1f7: {  	v16 =	vld [tilespmem:s1+$0x40]  }
0x1f8: {  	v21 =	vld [tilespmem:s2+$0x10]  }
0x1f9: {  	v22 =	vld [tilespmem:s2+$0x20]  }
0x1fa: {  	v27 =	vld [tilespmem:s2+$0x0];
	v8 =	vmul.u32 $0xA, v8  }
0x1fb: {  	v19 =	vld [tilespmem:s1+$0x10]  }
0x1fc: {  	v20 =	vld [tilespmem:s1+$0x20];
	v28 =	vmul.u32 $0xA, v9;
	v26 =	vadd.s32 v1, v8  }
0x1fd: {  	v23 =	vld [tilespmem:s1+$0x0]  }
0x1fe: {  	v29 =	vmul.u32 $0xA, v25;
	v25 =	vadd.s32 v5, v28;
	v9 =	vld.idx.msk [tilespmem:v3+s21+$0x0], $0xffff  }
0x1ff: {  	v27 =	vmul.u32 $0xA, v27;
	v8 =	vld.idx.msk [tilespmem:v3+s22+$0x0], $0xffff  }
0x200: {  	s30 =	simm.s32 $0x0;
	s1 =	simm.s32 $0x2;
	s2 =	simm.s32 $0x0;
	v1 =	vimm.f32 $0.0e+00;
	v24 =	vadd.s32 v24, v29;
	v5 =	vld.idx.msk [tilespmem:v2+s21+$0x0], $0xffff;
	v3 =	vimm.f32 $0.0e+00  }
.LBB2_11:
0x201: {  	p0 =	slt.u32 s1, $0xE;
	v21 =	vadd.s32 v21, v27;
	v22 =	vmul.u32 $0xA, v22;
	v27 =	vld.idx.msk [tilespmem:v26+s19+$0x0], $0xffff  }
0x202: {  	v26 =	vld.idx.msk [tilespmem:v26+s20+$0x0], $0xffff  }
0x203: {  	v18 =	vmul.u32 $0xA, v18;
	v17 =	vadd.s32 v17, v22;
	v22 =	vld.idx.msk [tilespmem:v25+s19+$0x0], $0xffff  }
0x204: {  	v25 =	vld.idx.msk [tilespmem:v25+s20+$0x0], $0xffff  }
0x205: {  	v23 =	vmul.u32 $0xA, v23;
	v14 =	vadd.s32 v14, v18;
	v18 =	vld.idx.msk [tilespmem:v24+s19+$0x0], $0xffff  }
0x206: {  	v28 =	vld.idx.msk [tilespmem:v21+s19+$0x0], $0xffff  }
0x207: {  	v20 =	vmul.u32 $0xA, v20;
	v19 =	vadd.s32 v19, v23;
	v23 =	vld.idx.msk [tilespmem:v24+s20+$0x0], $0xffff  }
0x208: {  	v24 =	vld.idx.msk [tilespmem:v17+s19+$0x0], $0xffff  }
0x209: {  	v16 =	vmul.u32 $0xA, v16;
	v15 =	vadd.s32 v15, v20;
	v20 =	vld.idx.msk [tilespmem:v21+s20+$0x0], $0xffff  }
0x20a: {  	v21 =	vld.idx.msk [tilespmem:v14+s19+$0x0], $0xffff  }
0x20b: {  	v13 =	vmul.u32 $0xA, v13;
	v12 =	vadd.s32 v12, v16;
	v16 =	vld.idx.msk [tilespmem:v17+s20+$0x0], $0xffff  }
0x20c: {  	v28 =	vadd.f32 $0.0e+00, v28;
	v17 =	vld.idx.msk [tilespmem:v19+s19+$0x0], $0xffff  }
0x20d: {  	v11 =	vmul.u32 $0xA, v11;
	v10 =	vadd.s32 v10, v13;
	v13 =	vld.idx.msk [tilespmem:v14+s20+$0x0], $0xffff  }
0x20e: {  	v24 =	vadd.f32 v24, v28;
	v14 =	vld.idx.msk [tilespmem:v15+s19+$0x0], $0xffff  }
0x20f: {  	v7 =	vmul.u32 $0xA, v7;
	v6 =	vadd.s32 v6, v11;
	v11 =	vadd.f32 $0.0e+00, v20;
	v19 =	vld.idx.msk [tilespmem:v19+s20+$0x0], $0xffff  }
0x210: {  	v21 =	vadd.f32 v21, v24;
	v20 =	vld.idx.msk [tilespmem:v12+s19+$0x0], $0xffff  }
0x211: {  	v4 =	vadd.s32 v4, v7;
	v7 =	vadd.f32 v16, v11;
	v15 =	vld.idx.msk [tilespmem:v15+s20+$0x0], $0xffff  }
0x212: {  	v11 =	vadd.f32 $0.0e+00, v17;
	v17 =	vadd.f32 v18, v21;
	v16 =	vld.idx.msk [tilespmem:v10+s19+$0x0], $0xffff  }
0x213: {  	v7 =	vadd.f32 v13, v7;
	v12 =	vld.idx.msk [tilespmem:v12+s20+$0x0], $0xffff  }
0x214: {  	s2 =	sadd.s32 $0x200, s2;
	v11 =	vadd.f32 v14, v11;
	v14 =	vadd.f32 v22, v17;
	v13 =	vld.idx.msk [tilespmem:v6+s19+$0x0], $0xffff  }
0x215: {  	s0 =	sadd.s32 $0x100, s0;
	s15 =	sand.u32 $0x800, s2;
	v17 =	vadd.f32 $0.0e+00, v19;
	v7 =	vadd.f32 v23, v7;
	v10 =	vld.idx.msk [tilespmem:v10+s20+$0x0], $0xffff  }
0x216: {  	s24 =	sadd.s32 s15, s31;
	s15 =	sand.u32 $0x380, s0;
	v11 =	vadd.f32 v20, v11;
	v14 =	vadd.f32 v27, v14;
	v18 =	vld.idx.msk [tilespmem:v4+s19+$0x0], $0xffff  }
0x217: {  	v9 =	vsel vm0, $0x0, v9;
	s15 =	sadd.s32 s15, s24;
	v15 =	vadd.f32 v15, v17;
	v7 =	vadd.f32 v25, v7;
	v6 =	vld.idx.msk [tilespmem:v6+s20+$0x0], $0xffff  }
0x218: {  	s25 =	sadd.s32 $0xFFFFFF80, s0;
	v11 =	vadd.f32 v16, v11;
	v9 =	vadd.f32 v9, v14;
	v24 =	vld [tilespmem:s15+$0x438]  }
0x219: {  	s25 =	sand.u32 $0x300, s25;
	v12 =	vadd.f32 v12, v15;
	v14 =	vld.idx.msk [tilespmem:v4+s20+$0x0], $0xffff;
	v4 =	vadd.f32 v26, v7  }
0x21a: {  	s24 =	sadd.s32 s25, s24;
	v8 =	vsel vm0, $0x0, v8;
	v7 =	vadd.f32 v13, v11;
	v11 =	vld.idx.msk [tilespmem:v2+s22+$0x0], $0xffff;
	(xrf2) =	vadd.scan.msk.f32 $0xffff, v9  }
0x21b: {  	v9 =	vadd.f32 v10, v12;
	v2 =	vld [tilespmem:s24+$0x438];
	v8 =	vadd.f32 v8, v4  }
0x21c: {  	v7 =	vadd.f32 v18, v7;
	v23 =	vld [tilespmem:s15+$0x430]  }
0x21d: {  	v5 =	vsel vm0, $0x0, v5;
	v6 =	vadd.f32 v6, v9;
	v4 =	vld [tilespmem:s24+$0x430];
	(xrf2) =	vadd.scan.msk.f32 $0xffff, v8  }
0x21e: {  	v5 =	vadd.f32 v5, v7;
	v8 =	vld [tilespmem:s15+$0x410]  }
0x21f: {  	v10 =	vadd.f32 v14, v6;
	v9 =	vld [tilespmem:s15+$0x420]  }
0x220: {  	v11 =	vsel vm0, $0x0, v11;
	v6 =	vld [tilespmem:s24+$0x410];
	(xrf2) =	vadd.scan.msk.f32 $0xffff, v5  }
0x221: {  	v11 =	vadd.f32 v11, v10;
	v7 =	vld [tilespmem:s24+$0x420]  }
0x222: {  	v28 =	vld [tilespmem:s15+$0x70]  }
0x223: {  	v25 =	vld [tilespmem:s15+$0x400];
	(xrf2) =	vadd.scan.msk.f32 $0xffff, v11  }
0x224: {  	v10 =	vld [tilespmem:s24+$0x70];
	v5, _, _ =	vpop (xrf2)  }
0x225: {  	v11 =	vld [tilespmem:s24+$0x400]  }
0x226: {  	v14 =	vld [tilespmem:s15+$0x50]  }
0x227: {  	v27 =	vld [tilespmem:s15+$0x60];
	v19, _, _ =	vpop (xrf2)  }
0x228: {  	v12 =	vld [tilespmem:s24+$0x50]  }
0x229: {  	v13 =	vld [tilespmem:s24+$0x60]  }
0x22a: {  	v17 =	vld [tilespmem:s15+$0x30];
	v20, _, _ =	vpop (xrf2)  }
0x22b: {  	v18 =	vld [tilespmem:s15+$0x40]  }
0x22c: {  	v21 =	vmov s30;
	v15 =	vld [tilespmem:s24+$0x30]  }
0x22d: {  	s25 =	sadd.s32 $0x1, s30;
	s30 =	smov.u32 s1;
	vm1 =	veq.s32 v21, v0;
	v16 =	vld [tilespmem:s24+$0x40];
	v22, _, _ =	vpop (xrf2)  }
0x22e: {  	v29 =	vmov s25;
	v20 =	vbroadcast v20, $0xF;
	v21 =	vld [tilespmem:s15+$0x10];
	v26 =	vbroadcast v22, $0xF  }
0x22f: {  	vm2 =	veq.s32 v29, v0;
	v5 =	vbroadcast v5, $0xF;
	v29 =	vbroadcast v19, $0xF;
	v22 =	vld [tilespmem:s15+$0x20]  }
0x230: {  	v9 =	vmul.u32 $0xA, v9;
	v1 =	vsel vm1, v20, v1;
	v30 =	vld [tilespmem:s15+$0x0];
	v3 =	vsel vm1, v26, v3  }
0x231: {  	v1 =	vsel vm2, v5, v1;
	v19 =	vld [tilespmem:s24+$0x10];
	v3 =	vsel vm2, v29, v3  }
.Ltmp4:
0x232: {  	v5 =	vmul.u32 $0xA, v25;
	v26 =	vadd.s32 v23, v9;
	v20 =	vld [tilespmem:s24+$0x20];
	(pc) =	sbr.rel @p0 .LBB2_11-.Ltmp4, $4  }
0x233: {  	v23 =	vld [tilespmem:s24+$0x0]  }
0x234: {  	v25 =	vadd.s32 v8, v5;
	v29 =	vmul.u32 $0xA, v27;
	v9 =	vld.idx.msk [tilespmem:v24+s21+$0x0], $0xffff  }
0x235: {  	v27 =	vmul.u32 $0xA, v30;
	v8 =	vld.idx.msk [tilespmem:v24+s22+$0x0], $0xffff  }
0x236: {  	s1 =	sadd.s32 $0x2, s1;
	v24 =	vadd.s32 v28, v29;
	v5 =	vld.idx.msk [tilespmem:v2+s21+$0x0], $0xffff  }
0x237: {  	_ =	sdelay $0x3  }
0x238: {  	v36 =	vld.idx.msk [tilespmem:v26+s19+$0x0], $0xffff  }
0x239: {  	v21 =	vadd.s32 v21, v27;
	v22 =	vmul.u32 $0xA, v22;
	v37 =	vld.idx.msk [tilespmem:v26+s20+$0x0], $0xffff  }
0x23a: {  	v18 =	vmul.u32 $0xA, v18;
	v38 =	vld.idx.msk [tilespmem:v25+s19+$0x0], $0xffff  }
0x23b: {  	v39 =	vld.idx.msk [tilespmem:v25+s20+$0x0], $0xffff;
	v17 =	vadd.s32 v17, v22  }
0x23c: {  	v40 =	vld.idx.msk [tilespmem:v24+s19+$0x0], $0xffff;
	v14 =	vadd.s32 v14, v18  }
0x23d: {  	v41 =	vld.idx.msk [tilespmem:v24+s20+$0x0], $0xffff;
	v23 =	vmul.u32 $0xA, v23  }
0x23e: {  	v28 =	vld.idx.msk [tilespmem:v21+s19+$0x0], $0xffff  }
0x23f: {  	v20 =	vmul.u32 $0xA, v20;
	v19 =	vadd.s32 v19, v23;
	v21 =	vld.idx.msk [tilespmem:v21+s20+$0x0], $0xffff  }
0x240: {  	v42 =	vld.idx.msk [tilespmem:v17+s19+$0x0], $0xffff  }
0x241: {  	v16 =	vmul.u32 $0xA, v16;
	v15 =	vadd.s32 v15, v20;
	v43 =	vld.idx.msk [tilespmem:v14+s19+$0x0], $0xffff  }
0x242: {  	v17 =	vld.idx.msk [tilespmem:v17+s20+$0x0], $0xffff  }
0x243: {  	v13 =	vmul.u32 $0xA, v13;
	v12 =	vadd.s32 v12, v16;
	v14 =	vld.idx.msk [tilespmem:v14+s20+$0x0], $0xffff  }
0x244: {  	v44 =	vld.idx.msk [tilespmem:v19+s19+$0x0], $0xffff  }
0x245: {  	v11 =	vmul.u32 $0xA, v11;
	v10 =	vadd.s32 v10, v13;
	v45 =	vld.idx.msk [tilespmem:v19+s20+$0x0], $0xffff  }
0x246: {  	v46 =	vld.idx.msk [tilespmem:v15+s19+$0x0], $0xffff  }
0x247: {  	v7 =	vmul.u32 $0xA, v7;
	v6 =	vadd.s32 v6, v11;
	v47 =	vld.idx.msk [tilespmem:v15+s20+$0x0], $0xffff;
	v28 =	vadd.f32 $0.0e+00, v28  }
0x248: {  	v49 =	vld.idx.msk [tilespmem:v12+s19+$0x0], $0xffff;
	v48 =	vadd.f32 $0.0e+00, v21  }
0x249: {  	v4 =	vadd.s32 v4, v7;
	v12 =	vld.idx.msk [tilespmem:v12+s20+$0x0], $0xffff;
	v24 =	vadd.f32 v42, v28;
	v50 =	vadd.f32 $0.0e+00, v44  }
0x24a: {  	v51 =	vld.idx.msk [tilespmem:v10+s19+$0x0], $0xffff;
	v15 =	vadd.f32 v17, v48;
	v13 =	vadd.f32 $0.0e+00, v45  }
0x24b: {  	v10 =	vld.idx.msk [tilespmem:v10+s20+$0x0], $0xffff;
	v52 =	vadd.f32 v43, v24;
	v7 =	vadd.f32 v46, v50  }
0x24c: {  	v53 =	vld.idx.msk [tilespmem:v6+s19+$0x0], $0xffff;
	v14 =	vadd.f32 v14, v15;
	v11 =	vadd.f32 v47, v13  }
0x24d: {  	v6 =	vld.idx.msk [tilespmem:v6+s20+$0x0], $0xffff;
	v54 =	vadd.f32 v40, v52;
	v7 =	vadd.f32 v49, v7  }
0x24e: {  	v55 =	vld.idx.msk [tilespmem:v4+s19+$0x0], $0xffff;
	v14 =	vadd.f32 v41, v14;
	v11 =	vadd.f32 v12, v11  }
0x24f: {  	v4 =	vld.idx.msk [tilespmem:v4+s20+$0x0], $0xffff;
	v56 =	vadd.f32 v38, v54;
	v7 =	vadd.f32 v51, v7  }
0x250: {  	v2 =	vld.idx.msk [tilespmem:v2+s22+$0x0], $0xffff;
	v57 =	vadd.f32 v39, v14;
	v10 =	vadd.f32 v10, v11  }
0x251: {  	v58 =	vadd.f32 v36, v56;
	v7 =	vadd.f32 v53, v7  }
0x252: {  	v9 =	vsel vm0, $0x0, v9;
	v59 =	vadd.f32 v37, v57;
	v6 =	vadd.f32 v6, v10  }
0x253: {  	v8 =	vsel vm0, $0x0, v8;
	v9 =	vadd.f32 v9, v58;
	v7 =	vadd.f32 v55, v7  }
0x254: {  	v5 =	vsel vm0, $0x0, v5;
	v8 =	vadd.f32 v8, v59;
	v4 =	vadd.f32 v4, v6  }
0x255: {  	v2 =	vsel vm0, $0x0, v2;
	(xrf2) =	vadd.scan.msk.f32 $0xffff, v9;
	v5 =	vadd.f32 v5, v7  }
0x256: {  	(xrf2) =	vadd.scan.msk.f32 $0xffff, v8;
	v2 =	vadd.f32 v2, v4  }
0x257: {  	(xrf2) =	vadd.scan.msk.f32 $0xffff, v5  }
0x258: {  	(xrf2) =	vadd.scan.msk.f32 $0xffff, v2;
	_ =	sdelay $0x6  }
0x259: {  	v2, _, _ =	vpop (xrf2)  }
0x25a: {  	v60, _, _ =	vpop (xrf2)  }
0x25b: {  	v61 =	vmov s30;
	s31 =	sshll.u32 s29, $0x4;
	s29 =	sadd.s32 $0x1, s29;
	v5, _, _ =	vpop (xrf2)  }
0x25c: {  	s0 =	sadd.s32 $0x1, s30;
	vm1 =	veq.s32 v61, v0;
	p0 =	sne.s32 s29, $0x4;
	v62, _, _ =	vpop (xrf2);
	v5 =	vbroadcast v5, $0xF  }
.Ltmp5:
0x25d: {  	v63 =	vmov s0;
	v2 =	vbroadcast v2, $0xF;
	v6 =	vbroadcast v62, $0xF;
	(pc) =	sbr.rel @p0 .LBB2_10-.Ltmp5, $4  }
0x25e: {  	vm2 =	veq.s32 v63, v0;
	v4 =	vbroadcast v60, $0xF;
	v1 =	vsel vm1, v5, v1  }
0x25f: {  	v3 =	vsel vm1, v6, v3;
	v1 =	vsel vm2, v2, v1  }
0x260: {  	v2 =	vsel vm2, v4, v3;
	[tilespmem:s31+$0x8300] =	vst v1  }
0x261: {  	[tilespmem:s31+$0x8500] =	vst v2  }
0x262: {  	_ =	swait.ge [sflag:s23], $0x4000  }
0x263: {  	[sflag:s23] =	ssyncset.done $0x0  }
0x264: {  	s28 =	simm.s32 $0x0;
	s29 =	simm.s32 $0x0;
	[sflag:s23] =	ssyncadd.s32 $0xFFFFC000  }
0x265: {  	[tilespmem:s28], [sflag:$0x1] =	stream.linear.gather [hbm4b:s8+s28], $0x4000, $0x38;
	[tilespmem:$0x8680] =	vst v63  }
.LBB2_14:
0x266: {  	s0 =	sshll.u32 s29, $0xE  }
0x267: {  	s0 =	sshra.s32 s0, $0x2  }
0x268: {  	s1 =	sand.u32 $0x800, s28;
	s31 =	sadd.s32 $0x4000, s0;
	s0 =	simm.s32 $0x80  }
0x269: {  	s15 =	simm.s32 $0x0;
	s1 =	sadd.s32 s1, s31;
	s2 =	sand.u32 $0x380, s0  }
0x26a: {  	s15 =	sand.u32 $0x300, s15;
	s2 =	sadd.s32 s2, s1  }
0x26b: {  	s1 =	sadd.s32 s15, s1;
	v3 =	vld [tilespmem:s2+$0x438]  }
0x26c: {  	v2 =	vld [tilespmem:s1+$0x438]  }
0x26d: {  	v1 =	vld [tilespmem:s2+$0x430]  }
0x26e: {  	v4 =	vld [tilespmem:s1+$0x430]  }
0x26f: {  	v5 =	vld [tilespmem:s2+$0x410]  }
0x270: {  	v8 =	vld [tilespmem:s2+$0x420]  }
0x271: {  	v6 =	vld [tilespmem:s1+$0x410]  }
0x272: {  	v7 =	vld [tilespmem:s1+$0x420]  }
0x273: {  	v24 =	vld [tilespmem:s2+$0x70]  }
0x274: {  	v9 =	vld [tilespmem:s2+$0x400]  }
0x275: {  	v10 =	vld [tilespmem:s1+$0x70]  }
0x276: {  	v11 =	vld [tilespmem:s1+$0x400]  }
0x277: {  	v14 =	vld [tilespmem:s2+$0x50]  }
0x278: {  	v25 =	vld [tilespmem:s2+$0x60]  }
0x279: {  	v12 =	vld [tilespmem:s1+$0x50]  }
0x27a: {  	v13 =	vld [tilespmem:s1+$0x60]  }
0x27b: {  	v17 =	vld [tilespmem:s2+$0x30]  }
0x27c: {  	v18 =	vld [tilespmem:s2+$0x40]  }
0x27d: {  	v15 =	vld [tilespmem:s1+$0x30]  }
0x27e: {  	v16 =	vld [tilespmem:s1+$0x40]  }
0x27f: {  	v21 =	vld [tilespmem:s2+$0x10]  }
0x280: {  	v22 =	vld [tilespmem:s2+$0x20]  }
0x281: {  	v27 =	vld [tilespmem:s2+$0x0];
	v8 =	vmul.u32 $0xA, v8  }
0x282: {  	v19 =	vld [tilespmem:s1+$0x10]  }
0x283: {  	v20 =	vld [tilespmem:s1+$0x20];
	v28 =	vmul.u32 $0xA, v9;
	v26 =	vadd.s32 v1, v8  }
0x284: {  	v23 =	vld [tilespmem:s1+$0x0]  }
0x285: {  	v29 =	vmul.u32 $0xA, v25;
	v25 =	vadd.s32 v5, v28;
	v9 =	vld.idx.msk [tilespmem:v3+s21+$0x0], $0xffff  }
0x286: {  	v27 =	vmul.u32 $0xA, v27;
	v8 =	vld.idx.msk [tilespmem:v3+s22+$0x0], $0xffff  }
0x287: {  	s30 =	simm.s32 $0x0;
	s1 =	simm.s32 $0x2;
	s2 =	simm.s32 $0x0;
	v1 =	vimm.f32 $0.0e+00;
	v24 =	vadd.s32 v24, v29;
	v5 =	vld.idx.msk [tilespmem:v2+s21+$0x0], $0xffff;
	v3 =	vimm.f32 $0.0e+00  }
.LBB2_15:
0x288: {  	p0 =	slt.u32 s1, $0xE;
	v21 =	vadd.s32 v21, v27;
	v22 =	vmul.u32 $0xA, v22;
	v27 =	vld.idx.msk [tilespmem:v26+s19+$0x0], $0xffff  }
0x289: {  	v26 =	vld.idx.msk [tilespmem:v26+s20+$0x0], $0xffff  }
0x28a: {  	v18 =	vmul.u32 $0xA, v18;
	v17 =	vadd.s32 v17, v22;
	v22 =	vld.idx.msk [tilespmem:v25+s19+$0x0], $0xffff  }
0x28b: {  	v25 =	vld.idx.msk [tilespmem:v25+s20+$0x0], $0xffff  }
0x28c: {  	v23 =	vmul.u32 $0xA, v23;
	v14 =	vadd.s32 v14, v18;
	v18 =	vld.idx.msk [tilespmem:v24+s19+$0x0], $0xffff  }
0x28d: {  	v28 =	vld.idx.msk [tilespmem:v21+s19+$0x0], $0xffff  }
0x28e: {  	v20 =	vmul.u32 $0xA, v20;
	v19 =	vadd.s32 v19, v23;
	v23 =	vld.idx.msk [tilespmem:v24+s20+$0x0], $0xffff  }
0x28f: {  	v24 =	vld.idx.msk [tilespmem:v17+s19+$0x0], $0xffff  }
0x290: {  	v16 =	vmul.u32 $0xA, v16;
	v15 =	vadd.s32 v15, v20;
	v20 =	vld.idx.msk [tilespmem:v21+s20+$0x0], $0xffff  }
0x291: {  	v21 =	vld.idx.msk [tilespmem:v14+s19+$0x0], $0xffff  }
0x292: {  	v13 =	vmul.u32 $0xA, v13;
	v12 =	vadd.s32 v12, v16;
	v16 =	vld.idx.msk [tilespmem:v17+s20+$0x0], $0xffff  }
0x293: {  	v28 =	vadd.f32 $0.0e+00, v28;
	v17 =	vld.idx.msk [tilespmem:v19+s19+$0x0], $0xffff  }
0x294: {  	v11 =	vmul.u32 $0xA, v11;
	v10 =	vadd.s32 v10, v13;
	v13 =	vld.idx.msk [tilespmem:v14+s20+$0x0], $0xffff  }
0x295: {  	v24 =	vadd.f32 v24, v28;
	v14 =	vld.idx.msk [tilespmem:v15+s19+$0x0], $0xffff  }
0x296: {  	v7 =	vmul.u32 $0xA, v7;
	v6 =	vadd.s32 v6, v11;
	v11 =	vadd.f32 $0.0e+00, v20;
	v19 =	vld.idx.msk [tilespmem:v19+s20+$0x0], $0xffff  }
0x297: {  	v21 =	vadd.f32 v21, v24;
	v20 =	vld.idx.msk [tilespmem:v12+s19+$0x0], $0xffff  }
0x298: {  	v4 =	vadd.s32 v4, v7;
	v7 =	vadd.f32 v16, v11;
	v15 =	vld.idx.msk [tilespmem:v15+s20+$0x0], $0xffff  }
0x299: {  	v11 =	vadd.f32 $0.0e+00, v17;
	v17 =	vadd.f32 v18, v21;
	v16 =	vld.idx.msk [tilespmem:v10+s19+$0x0], $0xffff  }
0x29a: {  	v7 =	vadd.f32 v13, v7;
	v12 =	vld.idx.msk [tilespmem:v12+s20+$0x0], $0xffff  }
0x29b: {  	s2 =	sadd.s32 $0x200, s2;
	v11 =	vadd.f32 v14, v11;
	v14 =	vadd.f32 v22, v17;
	v13 =	vld.idx.msk [tilespmem:v6+s19+$0x0], $0xffff  }
0x29c: {  	s0 =	sadd.s32 $0x100, s0;
	s15 =	sand.u32 $0x800, s2;
	v17 =	vadd.f32 $0.0e+00, v19;
	v7 =	vadd.f32 v23, v7;
	v10 =	vld.idx.msk [tilespmem:v10+s20+$0x0], $0xffff  }
0x29d: {  	s24 =	sadd.s32 s15, s31;
	s15 =	sand.u32 $0x380, s0;
	v11 =	vadd.f32 v20, v11;
	v14 =	vadd.f32 v27, v14;
	v18 =	vld.idx.msk [tilespmem:v4+s19+$0x0], $0xffff  }
0x29e: {  	v9 =	vsel vm0, $0x0, v9;
	s15 =	sadd.s32 s15, s24;
	v15 =	vadd.f32 v15, v17;
	v7 =	vadd.f32 v25, v7;
	v6 =	vld.idx.msk [tilespmem:v6+s20+$0x0], $0xffff  }
0x29f: {  	s25 =	sadd.s32 $0xFFFFFF80, s0;
	v11 =	vadd.f32 v16, v11;
	v9 =	vadd.f32 v9, v14;
	v24 =	vld [tilespmem:s15+$0x438]  }
0x2a0: {  	s25 =	sand.u32 $0x300, s25;
	v12 =	vadd.f32 v12, v15;
	v14 =	vld.idx.msk [tilespmem:v4+s20+$0x0], $0xffff;
	v4 =	vadd.f32 v26, v7  }
0x2a1: {  	s24 =	sadd.s32 s25, s24;
	v8 =	vsel vm0, $0x0, v8;
	v7 =	vadd.f32 v13, v11;
	v11 =	vld.idx.msk [tilespmem:v2+s22+$0x0], $0xffff;
	(xrf2) =	vadd.scan.msk.f32 $0xffff, v9  }
0x2a2: {  	v9 =	vadd.f32 v10, v12;
	v2 =	vld [tilespmem:s24+$0x438];
	v8 =	vadd.f32 v8, v4  }
0x2a3: {  	v7 =	vadd.f32 v18, v7;
	v23 =	vld [tilespmem:s15+$0x430]  }
0x2a4: {  	v5 =	vsel vm0, $0x0, v5;
	v6 =	vadd.f32 v6, v9;
	v4 =	vld [tilespmem:s24+$0x430];
	(xrf2) =	vadd.scan.msk.f32 $0xffff, v8  }
0x2a5: {  	v5 =	vadd.f32 v5, v7;
	v8 =	vld [tilespmem:s15+$0x410]  }
0x2a6: {  	v10 =	vadd.f32 v14, v6;
	v9 =	vld [tilespmem:s15+$0x420]  }
0x2a7: {  	v11 =	vsel vm0, $0x0, v11;
	v6 =	vld [tilespmem:s24+$0x410];
	(xrf2) =	vadd.scan.msk.f32 $0xffff, v5  }
0x2a8: {  	v11 =	vadd.f32 v11, v10;
	v7 =	vld [tilespmem:s24+$0x420]  }
0x2a9: {  	v28 =	vld [tilespmem:s15+$0x70]  }
0x2aa: {  	v25 =	vld [tilespmem:s15+$0x400];
	(xrf2) =	vadd.scan.msk.f32 $0xffff, v11  }
0x2ab: {  	v10 =	vld [tilespmem:s24+$0x70];
	v5, _, _ =	vpop (xrf2)  }
0x2ac: {  	v11 =	vld [tilespmem:s24+$0x400]  }
0x2ad: {  	v14 =	vld [tilespmem:s15+$0x50]  }
0x2ae: {  	v27 =	vld [tilespmem:s15+$0x60];
	v19, _, _ =	vpop (xrf2)  }
0x2af: {  	v12 =	vld [tilespmem:s24+$0x50]  }
0x2b0: {  	v13 =	vld [tilespmem:s24+$0x60]  }
0x2b1: {  	v17 =	vld [tilespmem:s15+$0x30];
	v20, _, _ =	vpop (xrf2)  }
0x2b2: {  	v18 =	vld [tilespmem:s15+$0x40]  }
0x2b3: {  	v21 =	vmov s30;
	v15 =	vld [tilespmem:s24+$0x30]  }
0x2b4: {  	s25 =	sadd.s32 $0x1, s30;
	s30 =	smov.u32 s1;
	vm1 =	veq.s32 v21, v0;
	v16 =	vld [tilespmem:s24+$0x40];
	v22, _, _ =	vpop (xrf2)  }
0x2b5: {  	v29 =	vmov s25;
	v20 =	vbroadcast v20, $0xF;
	v21 =	vld [tilespmem:s15+$0x10];
	v26 =	vbroadcast v22, $0xF  }
0x2b6: {  	vm2 =	veq.s32 v29, v0;
	v5 =	vbroadcast v5, $0xF;
	v29 =	vbroadcast v19, $0xF;
	v22 =	vld [tilespmem:s15+$0x20]  }
0x2b7: {  	v9 =	vmul.u32 $0xA, v9;
	v1 =	vsel vm1, v20, v1;
	v30 =	vld [tilespmem:s15+$0x0];
	v3 =	vsel vm1, v26, v3  }
0x2b8: {  	v1 =	vsel vm2, v5, v1;
	v19 =	vld [tilespmem:s24+$0x10];
	v3 =	vsel vm2, v29, v3  }
.Ltmp6:
0x2b9: {  	v5 =	vmul.u32 $0xA, v25;
	v26 =	vadd.s32 v23, v9;
	v20 =	vld [tilespmem:s24+$0x20];
	(pc) =	sbr.rel @p0 .LBB2_15-.Ltmp6, $4  }
0x2ba: {  	v23 =	vld [tilespmem:s24+$0x0]  }
0x2bb: {  	v25 =	vadd.s32 v8, v5;
	v29 =	vmul.u32 $0xA, v27;
	v9 =	vld.idx.msk [tilespmem:v24+s21+$0x0], $0xffff  }
0x2bc: {  	v27 =	vmul.u32 $0xA, v30;
	v8 =	vld.idx.msk [tilespmem:v24+s22+$0x0], $0xffff  }
0x2bd: {  	s1 =	sadd.s32 $0x2, s1;
	v24 =	vadd.s32 v28, v29;
	v5 =	vld.idx.msk [tilespmem:v2+s21+$0x0], $0xffff  }
0x2be: {  	_ =	sdelay $0x3  }
0x2bf: {  	v36 =	vld.idx.msk [tilespmem:v26+s19+$0x0], $0xffff  }
0x2c0: {  	v21 =	vadd.s32 v21, v27;
	v22 =	vmul.u32 $0xA, v22;
	v37 =	vld.idx.msk [tilespmem:v26+s20+$0x0], $0xffff  }
0x2c1: {  	v18 =	vmul.u32 $0xA, v18;
	v38 =	vld.idx.msk [tilespmem:v25+s19+$0x0], $0xffff  }
0x2c2: {  	v39 =	vld.idx.msk [tilespmem:v25+s20+$0x0], $0xffff;
	v17 =	vadd.s32 v17, v22  }
0x2c3: {  	v40 =	vld.idx.msk [tilespmem:v24+s19+$0x0], $0xffff;
	v14 =	vadd.s32 v14, v18  }
0x2c4: {  	v41 =	vld.idx.msk [tilespmem:v24+s20+$0x0], $0xffff;
	v23 =	vmul.u32 $0xA, v23  }
0x2c5: {  	v28 =	vld.idx.msk [tilespmem:v21+s19+$0x0], $0xffff  }
0x2c6: {  	v20 =	vmul.u32 $0xA, v20;
	v19 =	vadd.s32 v19, v23;
	v21 =	vld.idx.msk [tilespmem:v21+s20+$0x0], $0xffff  }
0x2c7: {  	v42 =	vld.idx.msk [tilespmem:v17+s19+$0x0], $0xffff  }
0x2c8: {  	v16 =	vmul.u32 $0xA, v16;
	v15 =	vadd.s32 v15, v20;
	v43 =	vld.idx.msk [tilespmem:v14+s19+$0x0], $0xffff  }
0x2c9: {  	v17 =	vld.idx.msk [tilespmem:v17+s20+$0x0], $0xffff  }
0x2ca: {  	v13 =	vmul.u32 $0xA, v13;
	v12 =	vadd.s32 v12, v16;
	v14 =	vld.idx.msk [tilespmem:v14+s20+$0x0], $0xffff  }
0x2cb: {  	v44 =	vld.idx.msk [tilespmem:v19+s19+$0x0], $0xffff  }
0x2cc: {  	v11 =	vmul.u32 $0xA, v11;
	v10 =	vadd.s32 v10, v13;
	v45 =	vld.idx.msk [tilespmem:v19+s20+$0x0], $0xffff  }
0x2cd: {  	v46 =	vld.idx.msk [tilespmem:v15+s19+$0x0], $0xffff  }
0x2ce: {  	v7 =	vmul.u32 $0xA, v7;
	v6 =	vadd.s32 v6, v11;
	v47 =	vld.idx.msk [tilespmem:v15+s20+$0x0], $0xffff;
	v28 =	vadd.f32 $0.0e+00, v28  }
0x2cf: {  	v49 =	vld.idx.msk [tilespmem:v12+s19+$0x0], $0xffff;
	v48 =	vadd.f32 $0.0e+00, v21  }
0x2d0: {  	v4 =	vadd.s32 v4, v7;
	v12 =	vld.idx.msk [tilespmem:v12+s20+$0x0], $0xffff;
	v24 =	vadd.f32 v42, v28;
	v50 =	vadd.f32 $0.0e+00, v44  }
0x2d1: {  	v51 =	vld.idx.msk [tilespmem:v10+s19+$0x0], $0xffff;
	v15 =	vadd.f32 v17, v48;
	v13 =	vadd.f32 $0.0e+00, v45  }
0x2d2: {  	v10 =	vld.idx.msk [tilespmem:v10+s20+$0x0], $0xffff;
	v52 =	vadd.f32 v43, v24;
	v7 =	vadd.f32 v46, v50  }
0x2d3: {  	v53 =	vld.idx.msk [tilespmem:v6+s19+$0x0], $0xffff;
	v14 =	vadd.f32 v14, v15;
	v11 =	vadd.f32 v47, v13  }
0x2d4: {  	v6 =	vld.idx.msk [tilespmem:v6+s20+$0x0], $0xffff;
	v54 =	vadd.f32 v40, v52;
	v7 =	vadd.f32 v49, v7  }
0x2d5: {  	v55 =	vld.idx.msk [tilespmem:v4+s19+$0x0], $0xffff;
	v14 =	vadd.f32 v41, v14;
	v11 =	vadd.f32 v12, v11  }
0x2d6: {  	v4 =	vld.idx.msk [tilespmem:v4+s20+$0x0], $0xffff;
	v56 =	vadd.f32 v38, v54;
	v7 =	vadd.f32 v51, v7  }
0x2d7: {  	v2 =	vld.idx.msk [tilespmem:v2+s22+$0x0], $0xffff;
	v57 =	vadd.f32 v39, v14;
	v10 =	vadd.f32 v10, v11  }
0x2d8: {  	v58 =	vadd.f32 v36, v56;
	v7 =	vadd.f32 v53, v7  }
0x2d9: {  	v9 =	vsel vm0, $0x0, v9;
	v59 =	vadd.f32 v37, v57;
	v6 =	vadd.f32 v6, v10  }
0x2da: {  	v8 =	vsel vm0, $0x0, v8;
	v9 =	vadd.f32 v9, v58;
	v7 =	vadd.f32 v55, v7  }
0x2db: {  	v5 =	vsel vm0, $0x0, v5;
	v8 =	vadd.f32 v8, v59;
	v4 =	vadd.f32 v4, v6  }
0x2dc: {  	v2 =	vsel vm0, $0x0, v2;
	(xrf2) =	vadd.scan.msk.f32 $0xffff, v9;
	v5 =	vadd.f32 v5, v7  }
0x2dd: {  	(xrf2) =	vadd.scan.msk.f32 $0xffff, v8;
	v2 =	vadd.f32 v2, v4  }
0x2de: {  	(xrf2) =	vadd.scan.msk.f32 $0xffff, v5  }
0x2df: {  	(xrf2) =	vadd.scan.msk.f32 $0xffff, v2;
	_ =	sdelay $0x6  }
0x2e0: {  	v2, _, _ =	vpop (xrf2)  }
0x2e1: {  	v60, _, _ =	vpop (xrf2)  }
0x2e2: {  	v61 =	vmov s30;
	s31 =	sshll.u32 s29, $0x4;
	s29 =	sadd.s32 $0x1, s29;
	v5, _, _ =	vpop (xrf2)  }
0x2e3: {  	s0 =	sadd.s32 $0x1, s30;
	vm1 =	veq.s32 v61, v0;
	p0 =	sne.s32 s29, $0x4;
	v62, _, _ =	vpop (xrf2);
	v5 =	vbroadcast v5, $0xF  }
.Ltmp7:
0x2e4: {  	v63 =	vmov s0;
	v2 =	vbroadcast v2, $0xF;
	v6 =	vbroadcast v62, $0xF;
	(pc) =	sbr.rel @p0 .LBB2_14-.Ltmp7, $4  }
0x2e5: {  	vm2 =	veq.s32 v63, v0;
	v4 =	vbroadcast v60, $0xF;
	v1 =	vsel vm1, v5, v1  }
0x2e6: {  	s0 =	sand.u32 $0x3FFFFFF0, s31;
	v3 =	vsel vm1, v6, v3;
	v1 =	vsel vm2, v2, v1  }
0x2e7: {  	v2 =	vsel vm2, v4, v3;
	[tilespmem:s0+$0x8340] =	vst v1  }
0x2e8: {  	[tilespmem:s0+$0x8540] =	vst v2  }
0x2e9: {  	_ =	swait.ge [sflag:s17], $0x4000  }
0x2ea: {  	[sflag:s17] =	ssyncset.done $0x0  }
0x2eb: {  	s28 =	simm.s32 $0x0;
	s29 =	simm.s32 $0x0;
	[sflag:s17] =	ssyncadd.s32 $0xFFFFC000  }
0x2ec: {  	[tilespmem:s18], [sflag:$0x2] =	stream.linear.gather [hbm4b:s9+s28], $0x4000, $0x38;
	[tilespmem:$0x8680] =	vst v63  }
.LBB2_18:
0x2ed: {  	s0 =	sshll.u32 s29, $0xE  }
0x2ee: {  	s1 =	sand.u32 $0x800, s28;
	s31 =	sshra.s32 s0, $0x2;
	s0 =	simm.s32 $0x80  }
0x2ef: {  	s15 =	simm.s32 $0x0;
	s1 =	sadd.s32 s1, s31;
	s2 =	sand.u32 $0x380, s0  }
0x2f0: {  	s15 =	sand.u32 $0x300, s15;
	s2 =	sadd.s32 s2, s1  }
0x2f1: {  	s1 =	sadd.s32 s15, s1;
	v3 =	vld [tilespmem:s2+$0x438]  }
0x2f2: {  	v2 =	vld [tilespmem:s1+$0x438]  }
0x2f3: {  	v1 =	vld [tilespmem:s2+$0x430]  }
0x2f4: {  	v4 =	vld [tilespmem:s1+$0x430]  }
0x2f5: {  	v5 =	vld [tilespmem:s2+$0x410]  }
0x2f6: {  	v8 =	vld [tilespmem:s2+$0x420]  }
0x2f7: {  	v6 =	vld [tilespmem:s1+$0x410]  }
0x2f8: {  	v7 =	vld [tilespmem:s1+$0x420]  }
0x2f9: {  	v24 =	vld [tilespmem:s2+$0x70]  }
0x2fa: {  	v9 =	vld [tilespmem:s2+$0x400]  }
0x2fb: {  	v10 =	vld [tilespmem:s1+$0x70]  }
0x2fc: {  	v11 =	vld [tilespmem:s1+$0x400]  }
0x2fd: {  	v14 =	vld [tilespmem:s2+$0x50]  }
0x2fe: {  	v25 =	vld [tilespmem:s2+$0x60]  }
0x2ff: {  	v12 =	vld [tilespmem:s1+$0x50]  }
0x300: {  	v13 =	vld [tilespmem:s1+$0x60]  }
0x301: {  	v17 =	vld [tilespmem:s2+$0x30]  }
0x302: {  	v18 =	vld [tilespmem:s2+$0x40]  }
0x303: {  	v15 =	vld [tilespmem:s1+$0x30]  }
0x304: {  	v16 =	vld [tilespmem:s1+$0x40]  }
0x305: {  	v21 =	vld [tilespmem:s2+$0x10]  }
0x306: {  	v22 =	vld [tilespmem:s2+$0x20]  }
0x307: {  	v27 =	vld [tilespmem:s2+$0x0];
	v8 =	vmul.u32 $0xA, v8  }
0x308: {  	v19 =	vld [tilespmem:s1+$0x10]  }
0x309: {  	v20 =	vld [tilespmem:s1+$0x20];
	v28 =	vmul.u32 $0xA, v9;
	v26 =	vadd.s32 v1, v8  }
0x30a: {  	v23 =	vld [tilespmem:s1+$0x0]  }
0x30b: {  	v29 =	vmul.u32 $0xA, v25;
	v25 =	vadd.s32 v5, v28;
	v9 =	vld.idx.msk [tilespmem:v3+s21+$0x0], $0xffff  }
0x30c: {  	v27 =	vmul.u32 $0xA, v27;
	v8 =	vld.idx.msk [tilespmem:v3+s22+$0x0], $0xffff  }
0x30d: {  	s30 =	simm.s32 $0x0;
	s1 =	simm.s32 $0x2;
	s2 =	simm.s32 $0x0;
	v1 =	vimm.f32 $0.0e+00;
	v24 =	vadd.s32 v24, v29;
	v5 =	vld.idx.msk [tilespmem:v2+s21+$0x0], $0xffff;
	v3 =	vimm.f32 $0.0e+00  }
.LBB2_19:
0x30e: {  	p0 =	slt.u32 s1, $0xE;
	v21 =	vadd.s32 v21, v27;
	v22 =	vmul.u32 $0xA, v22;
	v27 =	vld.idx.msk [tilespmem:v26+s19+$0x0], $0xffff  }
0x30f: {  	v26 =	vld.idx.msk [tilespmem:v26+s20+$0x0], $0xffff  }
0x310: {  	v18 =	vmul.u32 $0xA, v18;
	v17 =	vadd.s32 v17, v22;
	v22 =	vld.idx.msk [tilespmem:v25+s19+$0x0], $0xffff  }
0x311: {  	v25 =	vld.idx.msk [tilespmem:v25+s20+$0x0], $0xffff  }
0x312: {  	v23 =	vmul.u32 $0xA, v23;
	v14 =	vadd.s32 v14, v18;
	v18 =	vld.idx.msk [tilespmem:v24+s19+$0x0], $0xffff  }
0x313: {  	v28 =	vld.idx.msk [tilespmem:v21+s19+$0x0], $0xffff  }
0x314: {  	v20 =	vmul.u32 $0xA, v20;
	v19 =	vadd.s32 v19, v23;
	v23 =	vld.idx.msk [tilespmem:v24+s20+$0x0], $0xffff  }
0x315: {  	v24 =	vld.idx.msk [tilespmem:v17+s19+$0x0], $0xffff  }
0x316: {  	v16 =	vmul.u32 $0xA, v16;
	v15 =	vadd.s32 v15, v20;
	v20 =	vld.idx.msk [tilespmem:v21+s20+$0x0], $0xffff  }
0x317: {  	v21 =	vld.idx.msk [tilespmem:v14+s19+$0x0], $0xffff  }
0x318: {  	v13 =	vmul.u32 $0xA, v13;
	v12 =	vadd.s32 v12, v16;
	v16 =	vld.idx.msk [tilespmem:v17+s20+$0x0], $0xffff  }
0x319: {  	v28 =	vadd.f32 $0.0e+00, v28;
	v17 =	vld.idx.msk [tilespmem:v19+s19+$0x0], $0xffff  }
0x31a: {  	v11 =	vmul.u32 $0xA, v11;
	v10 =	vadd.s32 v10, v13;
	v13 =	vld.idx.msk [tilespmem:v14+s20+$0x0], $0xffff  }
0x31b: {  	v24 =	vadd.f32 v24, v28;
	v14 =	vld.idx.msk [tilespmem:v15+s19+$0x0], $0xffff  }
0x31c: {  	v7 =	vmul.u32 $0xA, v7;
	v6 =	vadd.s32 v6, v11;
	v11 =	vadd.f32 $0.0e+00, v20;
	v19 =	vld.idx.msk [tilespmem:v19+s20+$0x0], $0xffff  }
0x31d: {  	v21 =	vadd.f32 v21, v24;
	v20 =	vld.idx.msk [tilespmem:v12+s19+$0x0], $0xffff  }
0x31e: {  	v4 =	vadd.s32 v4, v7;
	v7 =	vadd.f32 v16, v11;
	v15 =	vld.idx.msk [tilespmem:v15+s20+$0x0], $0xffff  }
0x31f: {  	v11 =	vadd.f32 $0.0e+00, v17;
	v17 =	vadd.f32 v18, v21;
	v16 =	vld.idx.msk [tilespmem:v10+s19+$0x0], $0xffff  }
0x320: {  	v7 =	vadd.f32 v13, v7;
	v12 =	vld.idx.msk [tilespmem:v12+s20+$0x0], $0xffff  }
0x321: {  	s2 =	sadd.s32 $0x200, s2;
	v11 =	vadd.f32 v14, v11;
	v14 =	vadd.f32 v22, v17;
	v13 =	vld.idx.msk [tilespmem:v6+s19+$0x0], $0xffff  }
0x322: {  	s0 =	sadd.s32 $0x100, s0;
	s15 =	sand.u32 $0x800, s2;
	v17 =	vadd.f32 $0.0e+00, v19;
	v7 =	vadd.f32 v23, v7;
	v10 =	vld.idx.msk [tilespmem:v10+s20+$0x0], $0xffff  }
0x323: {  	s24 =	sadd.s32 s15, s31;
	s15 =	sand.u32 $0x380, s0;
	v11 =	vadd.f32 v20, v11;
	v14 =	vadd.f32 v27, v14;
	v18 =	vld.idx.msk [tilespmem:v4+s19+$0x0], $0xffff  }
0x324: {  	v9 =	vsel vm0, $0x0, v9;
	s15 =	sadd.s32 s15, s24;
	v15 =	vadd.f32 v15, v17;
	v7 =	vadd.f32 v25, v7;
	v6 =	vld.idx.msk [tilespmem:v6+s20+$0x0], $0xffff  }
0x325: {  	s25 =	sadd.s32 $0xFFFFFF80, s0;
	v11 =	vadd.f32 v16, v11;
	v9 =	vadd.f32 v9, v14;
	v24 =	vld [tilespmem:s15+$0x438]  }
0x326: {  	s25 =	sand.u32 $0x300, s25;
	v12 =	vadd.f32 v12, v15;
	v14 =	vld.idx.msk [tilespmem:v4+s20+$0x0], $0xffff;
	v4 =	vadd.f32 v26, v7  }
0x327: {  	s24 =	sadd.s32 s25, s24;
	v8 =	vsel vm0, $0x0, v8;
	v7 =	vadd.f32 v13, v11;
	v11 =	vld.idx.msk [tilespmem:v2+s22+$0x0], $0xffff;
	(xrf2) =	vadd.scan.msk.f32 $0xffff, v9  }
0x328: {  	v9 =	vadd.f32 v10, v12;
	v2 =	vld [tilespmem:s24+$0x438];
	v8 =	vadd.f32 v8, v4  }
0x329: {  	v7 =	vadd.f32 v18, v7;
	v23 =	vld [tilespmem:s15+$0x430]  }
0x32a: {  	v5 =	vsel vm0, $0x0, v5;
	v6 =	vadd.f32 v6, v9;
	v4 =	vld [tilespmem:s24+$0x430];
	(xrf2) =	vadd.scan.msk.f32 $0xffff, v8  }
0x32b: {  	v5 =	vadd.f32 v5, v7;
	v8 =	vld [tilespmem:s15+$0x410]  }
0x32c: {  	v10 =	vadd.f32 v14, v6;
	v9 =	vld [tilespmem:s15+$0x420]  }
0x32d: {  	v11 =	vsel vm0, $0x0, v11;
	v6 =	vld [tilespmem:s24+$0x410];
	(xrf2) =	vadd.scan.msk.f32 $0xffff, v5  }
0x32e: {  	v11 =	vadd.f32 v11, v10;
	v7 =	vld [tilespmem:s24+$0x420]  }
0x32f: {  	v28 =	vld [tilespmem:s15+$0x70]  }
0x330: {  	v25 =	vld [tilespmem:s15+$0x400];
	(xrf2) =	vadd.scan.msk.f32 $0xffff, v11  }
0x331: {  	v10 =	vld [tilespmem:s24+$0x70];
	v5, _, _ =	vpop (xrf2)  }
0x332: {  	v11 =	vld [tilespmem:s24+$0x400]  }
0x333: {  	v14 =	vld [tilespmem:s15+$0x50]  }
0x334: {  	v27 =	vld [tilespmem:s15+$0x60];
	v19, _, _ =	vpop (xrf2)  }
0x335: {  	v12 =	vld [tilespmem:s24+$0x50]  }
0x336: {  	v13 =	vld [tilespmem:s24+$0x60]  }
0x337: {  	v17 =	vld [tilespmem:s15+$0x30];
	v20, _, _ =	vpop (xrf2)  }
0x338: {  	v18 =	vld [tilespmem:s15+$0x40]  }
0x339: {  	v21 =	vmov s30;
	v15 =	vld [tilespmem:s24+$0x30]  }
0x33a: {  	s25 =	sadd.s32 $0x1, s30;
	s30 =	smov.u32 s1;
	vm1 =	veq.s32 v21, v0;
	v16 =	vld [tilespmem:s24+$0x40];
	v22, _, _ =	vpop (xrf2)  }
0x33b: {  	v29 =	vmov s25;
	v20 =	vbroadcast v20, $0xF;
	v21 =	vld [tilespmem:s15+$0x10];
	v26 =	vbroadcast v22, $0xF  }
0x33c: {  	vm2 =	veq.s32 v29, v0;
	v5 =	vbroadcast v5, $0xF;
	v29 =	vbroadcast v19, $0xF;
	v22 =	vld [tilespmem:s15+$0x20]  }
0x33d: {  	v9 =	vmul.u32 $0xA, v9;
	v1 =	vsel vm1, v20, v1;
	v30 =	vld [tilespmem:s15+$0x0];
	v3 =	vsel vm1, v26, v3  }
0x33e: {  	v1 =	vsel vm2, v5, v1;
	v19 =	vld [tilespmem:s24+$0x10];
	v3 =	vsel vm2, v29, v3  }
.Ltmp8:
0x33f: {  	v5 =	vmul.u32 $0xA, v25;
	v26 =	vadd.s32 v23, v9;
	v20 =	vld [tilespmem:s24+$0x20];
	(pc) =	sbr.rel @p0 .LBB2_19-.Ltmp8, $4  }
0x340: {  	v23 =	vld [tilespmem:s24+$0x0]  }
0x341: {  	v25 =	vadd.s32 v8, v5;
	v29 =	vmul.u32 $0xA, v27;
	v9 =	vld.idx.msk [tilespmem:v24+s21+$0x0], $0xffff  }
0x342: {  	v27 =	vmul.u32 $0xA, v30;
	v8 =	vld.idx.msk [tilespmem:v24+s22+$0x0], $0xffff  }
0x343: {  	s1 =	sadd.s32 $0x2, s1;
	v24 =	vadd.s32 v28, v29;
	v5 =	vld.idx.msk [tilespmem:v2+s21+$0x0], $0xffff  }
0x344: {  	_ =	sdelay $0x3  }
0x345: {  	v36 =	vld.idx.msk [tilespmem:v26+s19+$0x0], $0xffff  }
0x346: {  	v21 =	vadd.s32 v21, v27;
	v22 =	vmul.u32 $0xA, v22;
	v37 =	vld.idx.msk [tilespmem:v26+s20+$0x0], $0xffff  }
0x347: {  	v18 =	vmul.u32 $0xA, v18;
	v38 =	vld.idx.msk [tilespmem:v25+s19+$0x0], $0xffff  }
0x348: {  	v39 =	vld.idx.msk [tilespmem:v25+s20+$0x0], $0xffff;
	v17 =	vadd.s32 v17, v22  }
0x349: {  	v40 =	vld.idx.msk [tilespmem:v24+s19+$0x0], $0xffff;
	v14 =	vadd.s32 v14, v18  }
0x34a: {  	v41 =	vld.idx.msk [tilespmem:v24+s20+$0x0], $0xffff;
	v23 =	vmul.u32 $0xA, v23  }
0x34b: {  	v28 =	vld.idx.msk [tilespmem:v21+s19+$0x0], $0xffff  }
0x34c: {  	v20 =	vmul.u32 $0xA, v20;
	v19 =	vadd.s32 v19, v23;
	v21 =	vld.idx.msk [tilespmem:v21+s20+$0x0], $0xffff  }
0x34d: {  	v42 =	vld.idx.msk [tilespmem:v17+s19+$0x0], $0xffff  }
0x34e: {  	v16 =	vmul.u32 $0xA, v16;
	v15 =	vadd.s32 v15, v20;
	v43 =	vld.idx.msk [tilespmem:v14+s19+$0x0], $0xffff  }
0x34f: {  	v17 =	vld.idx.msk [tilespmem:v17+s20+$0x0], $0xffff  }
0x350: {  	v13 =	vmul.u32 $0xA, v13;
	v12 =	vadd.s32 v12, v16;
	v14 =	vld.idx.msk [tilespmem:v14+s20+$0x0], $0xffff  }
0x351: {  	v44 =	vld.idx.msk [tilespmem:v19+s19+$0x0], $0xffff  }
0x352: {  	v11 =	vmul.u32 $0xA, v11;
	v10 =	vadd.s32 v10, v13;
	v45 =	vld.idx.msk [tilespmem:v19+s20+$0x0], $0xffff  }
0x353: {  	v46 =	vld.idx.msk [tilespmem:v15+s19+$0x0], $0xffff  }
0x354: {  	v7 =	vmul.u32 $0xA, v7;
	v6 =	vadd.s32 v6, v11;
	v47 =	vld.idx.msk [tilespmem:v15+s20+$0x0], $0xffff;
	v28 =	vadd.f32 $0.0e+00, v28  }
0x355: {  	v49 =	vld.idx.msk [tilespmem:v12+s19+$0x0], $0xffff;
	v48 =	vadd.f32 $0.0e+00, v21  }
0x356: {  	v4 =	vadd.s32 v4, v7;
	v12 =	vld.idx.msk [tilespmem:v12+s20+$0x0], $0xffff;
	v24 =	vadd.f32 v42, v28;
	v50 =	vadd.f32 $0.0e+00, v44  }
0x357: {  	v51 =	vld.idx.msk [tilespmem:v10+s19+$0x0], $0xffff;
	v15 =	vadd.f32 v17, v48;
	v13 =	vadd.f32 $0.0e+00, v45  }
0x358: {  	v10 =	vld.idx.msk [tilespmem:v10+s20+$0x0], $0xffff;
	v52 =	vadd.f32 v43, v24;
	v7 =	vadd.f32 v46, v50  }
0x359: {  	v53 =	vld.idx.msk [tilespmem:v6+s19+$0x0], $0xffff;
	v14 =	vadd.f32 v14, v15;
	v11 =	vadd.f32 v47, v13  }
0x35a: {  	v6 =	vld.idx.msk [tilespmem:v6+s20+$0x0], $0xffff;
	v54 =	vadd.f32 v40, v52;
	v7 =	vadd.f32 v49, v7  }
0x35b: {  	v55 =	vld.idx.msk [tilespmem:v4+s19+$0x0], $0xffff;
	v14 =	vadd.f32 v41, v14;
	v11 =	vadd.f32 v12, v11  }
0x35c: {  	v4 =	vld.idx.msk [tilespmem:v4+s20+$0x0], $0xffff;
	v56 =	vadd.f32 v38, v54;
	v7 =	vadd.f32 v51, v7  }
0x35d: {  	v2 =	vld.idx.msk [tilespmem:v2+s22+$0x0], $0xffff;
	v57 =	vadd.f32 v39, v14;
	v10 =	vadd.f32 v10, v11  }
0x35e: {  	v58 =	vadd.f32 v36, v56;
	v7 =	vadd.f32 v53, v7  }
0x35f: {  	v9 =	vsel vm0, $0x0, v9;
	v59 =	vadd.f32 v37, v57;
	v6 =	vadd.f32 v6, v10  }
0x360: {  	v8 =	vsel vm0, $0x0, v8;
	v9 =	vadd.f32 v9, v58;
	v7 =	vadd.f32 v55, v7  }
0x361: {  	v5 =	vsel vm0, $0x0, v5;
	v8 =	vadd.f32 v8, v59;
	v4 =	vadd.f32 v4, v6  }
0x362: {  	v2 =	vsel vm0, $0x0, v2;
	(xrf2) =	vadd.scan.msk.f32 $0xffff, v9;
	v5 =	vadd.f32 v5, v7  }
0x363: {  	(xrf2) =	vadd.scan.msk.f32 $0xffff, v8;
	v2 =	vadd.f32 v2, v4  }
0x364: {  	(xrf2) =	vadd.scan.msk.f32 $0xffff, v5  }
0x365: {  	(xrf2) =	vadd.scan.msk.f32 $0xffff, v2;
	_ =	sdelay $0x6  }
0x366: {  	v2, _, _ =	vpop (xrf2)  }
0x367: {  	v60, _, _ =	vpop (xrf2)  }
0x368: {  	v61 =	vmov s30;
	s31 =	sshll.u32 s29, $0x4;
	s29 =	sadd.s32 $0x1, s29;
	v5, _, _ =	vpop (xrf2)  }
0x369: {  	s0 =	sadd.s32 $0x1, s30;
	vm1 =	veq.s32 v61, v0;
	p0 =	sne.s32 s29, $0x4;
	v62, _, _ =	vpop (xrf2);
	v5 =	vbroadcast v5, $0xF  }
.Ltmp9:
0x36a: {  	v63 =	vmov s0;
	v2 =	vbroadcast v2, $0xF;
	v6 =	vbroadcast v62, $0xF;
	(pc) =	sbr.rel @p0 .LBB2_18-.Ltmp9, $4  }
0x36b: {  	vm2 =	veq.s32 v63, v0;
	v4 =	vbroadcast v60, $0xF;
	v1 =	vsel vm1, v5, v1  }
0x36c: {  	v3 =	vsel vm1, v6, v3;
	v1 =	vsel vm2, v2, v1  }
0x36d: {  	v2 =	vsel vm2, v4, v3;
	[tilespmem:s31+$0x8380] =	vst v1  }
0x36e: {  	[tilespmem:s31+$0x8580] =	vst v2  }
0x36f: {  	_ =	swait.ge [sflag:s23], $0x4000  }
0x370: {  	[sflag:s23] =	ssyncset.done $0x0  }
0x371: {  	s28 =	simm.s32 $0x0;
	s29 =	simm.s32 $0x0;
	[sflag:s23] =	ssyncadd.s32 $0xFFFFC000  }
0x372: {  	[tilespmem:s28], [sflag:$0x1] =	stream.linear.gather [hbm4b:s10+s28], $0x4000, $0x38;
	[tilespmem:$0x8680] =	vst v63  }
.LBB2_22:
0x373: {  	s0 =	sshll.u32 s29, $0xE  }
0x374: {  	s0 =	sshra.s32 s0, $0x2  }
0x375: {  	s1 =	sand.u32 $0x800, s28;
	s31 =	sadd.s32 $0x4000, s0;
	s0 =	simm.s32 $0x80  }
0x376: {  	s15 =	simm.s32 $0x0;
	s1 =	sadd.s32 s1, s31;
	s2 =	sand.u32 $0x380, s0  }
0x377: {  	s15 =	sand.u32 $0x300, s15;
	s2 =	sadd.s32 s2, s1  }
0x378: {  	s1 =	sadd.s32 s15, s1;
	v3 =	vld [tilespmem:s2+$0x438]  }
0x379: {  	v2 =	vld [tilespmem:s1+$0x438]  }
0x37a: {  	v1 =	vld [tilespmem:s2+$0x430]  }
0x37b: {  	v4 =	vld [tilespmem:s1+$0x430]  }
0x37c: {  	v5 =	vld [tilespmem:s2+$0x410]  }
0x37d: {  	v8 =	vld [tilespmem:s2+$0x420]  }
0x37e: {  	v6 =	vld [tilespmem:s1+$0x410]  }
0x37f: {  	v7 =	vld [tilespmem:s1+$0x420]  }
0x380: {  	v24 =	vld [tilespmem:s2+$0x70]  }
0x381: {  	v9 =	vld [tilespmem:s2+$0x400]  }
0x382: {  	v10 =	vld [tilespmem:s1+$0x70]  }
0x383: {  	v11 =	vld [tilespmem:s1+$0x400]  }
0x384: {  	v14 =	vld [tilespmem:s2+$0x50]  }
0x385: {  	v25 =	vld [tilespmem:s2+$0x60]  }
0x386: {  	v12 =	vld [tilespmem:s1+$0x50]  }
0x387: {  	v13 =	vld [tilespmem:s1+$0x60]  }
0x388: {  	v17 =	vld [tilespmem:s2+$0x30]  }
0x389: {  	v18 =	vld [tilespmem:s2+$0x40]  }
0x38a: {  	v15 =	vld [tilespmem:s1+$0x30]  }
0x38b: {  	v16 =	vld [tilespmem:s1+$0x40]  }
0x38c: {  	v21 =	vld [tilespmem:s2+$0x10]  }
0x38d: {  	v22 =	vld [tilespmem:s2+$0x20]  }
0x38e: {  	v27 =	vld [tilespmem:s2+$0x0];
	v8 =	vmul.u32 $0xA, v8  }
0x38f: {  	v19 =	vld [tilespmem:s1+$0x10]  }
0x390: {  	v20 =	vld [tilespmem:s1+$0x20];
	v28 =	vmul.u32 $0xA, v9;
	v26 =	vadd.s32 v1, v8  }
0x391: {  	v23 =	vld [tilespmem:s1+$0x0]  }
0x392: {  	v29 =	vmul.u32 $0xA, v25;
	v25 =	vadd.s32 v5, v28;
	v9 =	vld.idx.msk [tilespmem:v3+s21+$0x0], $0xffff  }
0x393: {  	v27 =	vmul.u32 $0xA, v27;
	v8 =	vld.idx.msk [tilespmem:v3+s22+$0x0], $0xffff  }
0x394: {  	s30 =	simm.s32 $0x0;
	s1 =	simm.s32 $0x2;
	s2 =	simm.s32 $0x0;
	v1 =	vimm.f32 $0.0e+00;
	v24 =	vadd.s32 v24, v29;
	v5 =	vld.idx.msk [tilespmem:v2+s21+$0x0], $0xffff;
	v3 =	vimm.f32 $0.0e+00  }
.LBB2_23:
0x395: {  	p0 =	slt.u32 s1, $0xE;
	v21 =	vadd.s32 v21, v27;
	v22 =	vmul.u32 $0xA, v22;
	v27 =	vld.idx.msk [tilespmem:v26+s19+$0x0], $0xffff  }
0x396: {  	v26 =	vld.idx.msk [tilespmem:v26+s20+$0x0], $0xffff  }
0x397: {  	v18 =	vmul.u32 $0xA, v18;
	v17 =	vadd.s32 v17, v22;
	v22 =	vld.idx.msk [tilespmem:v25+s19+$0x0], $0xffff  }
0x398: {  	v25 =	vld.idx.msk [tilespmem:v25+s20+$0x0], $0xffff  }
0x399: {  	v23 =	vmul.u32 $0xA, v23;
	v14 =	vadd.s32 v14, v18;
	v18 =	vld.idx.msk [tilespmem:v24+s19+$0x0], $0xffff  }
0x39a: {  	v28 =	vld.idx.msk [tilespmem:v21+s19+$0x0], $0xffff  }
0x39b: {  	v20 =	vmul.u32 $0xA, v20;
	v19 =	vadd.s32 v19, v23;
	v23 =	vld.idx.msk [tilespmem:v24+s20+$0x0], $0xffff  }
0x39c: {  	v24 =	vld.idx.msk [tilespmem:v17+s19+$0x0], $0xffff  }
0x39d: {  	v16 =	vmul.u32 $0xA, v16;
	v15 =	vadd.s32 v15, v20;
	v20 =	vld.idx.msk [tilespmem:v21+s20+$0x0], $0xffff  }
0x39e: {  	v21 =	vld.idx.msk [tilespmem:v14+s19+$0x0], $0xffff  }
0x39f: {  	v13 =	vmul.u32 $0xA, v13;
	v12 =	vadd.s32 v12, v16;
	v16 =	vld.idx.msk [tilespmem:v17+s20+$0x0], $0xffff  }
0x3a0: {  	v28 =	vadd.f32 $0.0e+00, v28;
	v17 =	vld.idx.msk [tilespmem:v19+s19+$0x0], $0xffff  }
0x3a1: {  	v11 =	vmul.u32 $0xA, v11;
	v10 =	vadd.s32 v10, v13;
	v13 =	vld.idx.msk [tilespmem:v14+s20+$0x0], $0xffff  }
0x3a2: {  	v24 =	vadd.f32 v24, v28;
	v14 =	vld.idx.msk [tilespmem:v15+s19+$0x0], $0xffff  }
0x3a3: {  	v7 =	vmul.u32 $0xA, v7;
	v6 =	vadd.s32 v6, v11;
	v11 =	vadd.f32 $0.0e+00, v20;
	v19 =	vld.idx.msk [tilespmem:v19+s20+$0x0], $0xffff  }
0x3a4: {  	v21 =	vadd.f32 v21, v24;
	v20 =	vld.idx.msk [tilespmem:v12+s19+$0x0], $0xffff  }
0x3a5: {  	v4 =	vadd.s32 v4, v7;
	v7 =	vadd.f32 v16, v11;
	v15 =	vld.idx.msk [tilespmem:v15+s20+$0x0], $0xffff  }
0x3a6: {  	v11 =	vadd.f32 $0.0e+00, v17;
	v17 =	vadd.f32 v18, v21;
	v16 =	vld.idx.msk [tilespmem:v10+s19+$0x0], $0xffff  }
0x3a7: {  	v7 =	vadd.f32 v13, v7;
	v12 =	vld.idx.msk [tilespmem:v12+s20+$0x0], $0xffff  }
0x3a8: {  	s2 =	sadd.s32 $0x200, s2;
	v11 =	vadd.f32 v14, v11;
	v14 =	vadd.f32 v22, v17;
	v13 =	vld.idx.msk [tilespmem:v6+s19+$0x0], $0xffff  }
0x3a9: {  	s0 =	sadd.s32 $0x100, s0;
	s15 =	sand.u32 $0x800, s2;
	v17 =	vadd.f32 $0.0e+00, v19;
	v7 =	vadd.f32 v23, v7;
	v10 =	vld.idx.msk [tilespmem:v10+s20+$0x0], $0xffff  }
0x3aa: {  	s24 =	sadd.s32 s15, s31;
	s15 =	sand.u32 $0x380, s0;
	v11 =	vadd.f32 v20, v11;
	v14 =	vadd.f32 v27, v14;
	v18 =	vld.idx.msk [tilespmem:v4+s19+$0x0], $0xffff  }
0x3ab: {  	v9 =	vsel vm0, $0x0, v9;
	s15 =	sadd.s32 s15, s24;
	v15 =	vadd.f32 v15, v17;
	v7 =	vadd.f32 v25, v7;
	v6 =	vld.idx.msk [tilespmem:v6+s20+$0x0], $0xffff  }
0x3ac: {  	s25 =	sadd.s32 $0xFFFFFF80, s0;
	v11 =	vadd.f32 v16, v11;
	v9 =	vadd.f32 v9, v14;
	v24 =	vld [tilespmem:s15+$0x438]  }
0x3ad: {  	s25 =	sand.u32 $0x300, s25;
	v12 =	vadd.f32 v12, v15;
	v14 =	vld.idx.msk [tilespmem:v4+s20+$0x0], $0xffff;
	v4 =	vadd.f32 v26, v7  }
0x3ae: {  	s24 =	sadd.s32 s25, s24;
	v8 =	vsel vm0, $0x0, v8;
	v7 =	vadd.f32 v13, v11;
	v11 =	vld.idx.msk [tilespmem:v2+s22+$0x0], $0xffff;
	(xrf2) =	vadd.scan.msk.f32 $0xffff, v9  }
0x3af: {  	v9 =	vadd.f32 v10, v12;
	v2 =	vld [tilespmem:s24+$0x438];
	v8 =	vadd.f32 v8, v4  }
0x3b0: {  	v7 =	vadd.f32 v18, v7;
	v23 =	vld [tilespmem:s15+$0x430]  }
0x3b1: {  	v5 =	vsel vm0, $0x0, v5;
	v6 =	vadd.f32 v6, v9;
	v4 =	vld [tilespmem:s24+$0x430];
	(xrf2) =	vadd.scan.msk.f32 $0xffff, v8  }
0x3b2: {  	v5 =	vadd.f32 v5, v7;
	v8 =	vld [tilespmem:s15+$0x410]  }
0x3b3: {  	v10 =	vadd.f32 v14, v6;
	v9 =	vld [tilespmem:s15+$0x420]  }
0x3b4: {  	v11 =	vsel vm0, $0x0, v11;
	v6 =	vld [tilespmem:s24+$0x410];
	(xrf2) =	vadd.scan.msk.f32 $0xffff, v5  }
0x3b5: {  	v11 =	vadd.f32 v11, v10;
	v7 =	vld [tilespmem:s24+$0x420]  }
0x3b6: {  	v28 =	vld [tilespmem:s15+$0x70]  }
0x3b7: {  	v25 =	vld [tilespmem:s15+$0x400];
	(xrf2) =	vadd.scan.msk.f32 $0xffff, v11  }
0x3b8: {  	v10 =	vld [tilespmem:s24+$0x70];
	v5, _, _ =	vpop (xrf2)  }
0x3b9: {  	v11 =	vld [tilespmem:s24+$0x400]  }
0x3ba: {  	v14 =	vld [tilespmem:s15+$0x50]  }
0x3bb: {  	v27 =	vld [tilespmem:s15+$0x60];
	v19, _, _ =	vpop (xrf2)  }
0x3bc: {  	v12 =	vld [tilespmem:s24+$0x50]  }
0x3bd: {  	v13 =	vld [tilespmem:s24+$0x60]  }
0x3be: {  	v17 =	vld [tilespmem:s15+$0x30];
	v20, _, _ =	vpop (xrf2)  }
0x3bf: {  	v18 =	vld [tilespmem:s15+$0x40]  }
0x3c0: {  	v21 =	vmov s30;
	v15 =	vld [tilespmem:s24+$0x30]  }
0x3c1: {  	s25 =	sadd.s32 $0x1, s30;
	s30 =	smov.u32 s1;
	vm1 =	veq.s32 v21, v0;
	v16 =	vld [tilespmem:s24+$0x40];
	v22, _, _ =	vpop (xrf2)  }
0x3c2: {  	v29 =	vmov s25;
	v20 =	vbroadcast v20, $0xF;
	v21 =	vld [tilespmem:s15+$0x10];
	v26 =	vbroadcast v22, $0xF  }
0x3c3: {  	vm2 =	veq.s32 v29, v0;
	v5 =	vbroadcast v5, $0xF;
	v29 =	vbroadcast v19, $0xF;
	v22 =	vld [tilespmem:s15+$0x20]  }
0x3c4: {  	v9 =	vmul.u32 $0xA, v9;
	v1 =	vsel vm1, v20, v1;
	v30 =	vld [tilespmem:s15+$0x0];
	v3 =	vsel vm1, v26, v3  }
0x3c5: {  	v1 =	vsel vm2, v5, v1;
	v19 =	vld [tilespmem:s24+$0x10];
	v3 =	vsel vm2, v29, v3  }
.Ltmp10:
0x3c6: {  	v5 =	vmul.u32 $0xA, v25;
	v26 =	vadd.s32 v23, v9;
	v20 =	vld [tilespmem:s24+$0x20];
	(pc) =	sbr.rel @p0 .LBB2_23-.Ltmp10, $4  }
0x3c7: {  	v23 =	vld [tilespmem:s24+$0x0]  }
0x3c8: {  	v25 =	vadd.s32 v8, v5;
	v29 =	vmul.u32 $0xA, v27;
	v9 =	vld.idx.msk [tilespmem:v24+s21+$0x0], $0xffff  }
0x3c9: {  	v27 =	vmul.u32 $0xA, v30;
	v8 =	vld.idx.msk [tilespmem:v24+s22+$0x0], $0xffff  }
0x3ca: {  	s1 =	sadd.s32 $0x2, s1;
	v24 =	vadd.s32 v28, v29;
	v5 =	vld.idx.msk [tilespmem:v2+s21+$0x0], $0xffff  }
0x3cb: {  	_ =	sdelay $0x3  }
0x3cc: {  	v36 =	vld.idx.msk [tilespmem:v26+s19+$0x0], $0xffff  }
0x3cd: {  	v21 =	vadd.s32 v21, v27;
	v22 =	vmul.u32 $0xA, v22;
	v37 =	vld.idx.msk [tilespmem:v26+s20+$0x0], $0xffff  }
0x3ce: {  	v18 =	vmul.u32 $0xA, v18;
	v38 =	vld.idx.msk [tilespmem:v25+s19+$0x0], $0xffff  }
0x3cf: {  	v39 =	vld.idx.msk [tilespmem:v25+s20+$0x0], $0xffff;
	v17 =	vadd.s32 v17, v22  }
0x3d0: {  	v40 =	vld.idx.msk [tilespmem:v24+s19+$0x0], $0xffff;
	v14 =	vadd.s32 v14, v18  }
0x3d1: {  	v41 =	vld.idx.msk [tilespmem:v24+s20+$0x0], $0xffff;
	v23 =	vmul.u32 $0xA, v23  }
0x3d2: {  	v28 =	vld.idx.msk [tilespmem:v21+s19+$0x0], $0xffff  }
0x3d3: {  	v20 =	vmul.u32 $0xA, v20;
	v19 =	vadd.s32 v19, v23;
	v21 =	vld.idx.msk [tilespmem:v21+s20+$0x0], $0xffff  }
0x3d4: {  	v42 =	vld.idx.msk [tilespmem:v17+s19+$0x0], $0xffff  }
0x3d5: {  	v16 =	vmul.u32 $0xA, v16;
	v15 =	vadd.s32 v15, v20;
	v43 =	vld.idx.msk [tilespmem:v14+s19+$0x0], $0xffff  }
0x3d6: {  	v17 =	vld.idx.msk [tilespmem:v17+s20+$0x0], $0xffff  }
0x3d7: {  	v13 =	vmul.u32 $0xA, v13;
	v12 =	vadd.s32 v12, v16;
	v14 =	vld.idx.msk [tilespmem:v14+s20+$0x0], $0xffff  }
0x3d8: {  	v44 =	vld.idx.msk [tilespmem:v19+s19+$0x0], $0xffff  }
0x3d9: {  	v11 =	vmul.u32 $0xA, v11;
	v10 =	vadd.s32 v10, v13;
	v45 =	vld.idx.msk [tilespmem:v19+s20+$0x0], $0xffff  }
0x3da: {  	v46 =	vld.idx.msk [tilespmem:v15+s19+$0x0], $0xffff  }
0x3db: {  	v7 =	vmul.u32 $0xA, v7;
	v6 =	vadd.s32 v6, v11;
	v47 =	vld.idx.msk [tilespmem:v15+s20+$0x0], $0xffff;
	v28 =	vadd.f32 $0.0e+00, v28  }
0x3dc: {  	v49 =	vld.idx.msk [tilespmem:v12+s19+$0x0], $0xffff;
	v48 =	vadd.f32 $0.0e+00, v21  }
0x3dd: {  	v4 =	vadd.s32 v4, v7;
	v12 =	vld.idx.msk [tilespmem:v12+s20+$0x0], $0xffff;
	v24 =	vadd.f32 v42, v28;
	v50 =	vadd.f32 $0.0e+00, v44  }
0x3de: {  	v51 =	vld.idx.msk [tilespmem:v10+s19+$0x0], $0xffff;
	v15 =	vadd.f32 v17, v48;
	v13 =	vadd.f32 $0.0e+00, v45  }
0x3df: {  	v10 =	vld.idx.msk [tilespmem:v10+s20+$0x0], $0xffff;
	v52 =	vadd.f32 v43, v24;
	v7 =	vadd.f32 v46, v50  }
0x3e0: {  	v53 =	vld.idx.msk [tilespmem:v6+s19+$0x0], $0xffff;
	v14 =	vadd.f32 v14, v15;
	v11 =	vadd.f32 v47, v13  }
0x3e1: {  	v6 =	vld.idx.msk [tilespmem:v6+s20+$0x0], $0xffff;
	v54 =	vadd.f32 v40, v52;
	v7 =	vadd.f32 v49, v7  }
0x3e2: {  	v55 =	vld.idx.msk [tilespmem:v4+s19+$0x0], $0xffff;
	v14 =	vadd.f32 v41, v14;
	v11 =	vadd.f32 v12, v11  }
0x3e3: {  	v4 =	vld.idx.msk [tilespmem:v4+s20+$0x0], $0xffff;
	v56 =	vadd.f32 v38, v54;
	v7 =	vadd.f32 v51, v7  }
0x3e4: {  	v2 =	vld.idx.msk [tilespmem:v2+s22+$0x0], $0xffff;
	v57 =	vadd.f32 v39, v14;
	v10 =	vadd.f32 v10, v11  }
0x3e5: {  	v58 =	vadd.f32 v36, v56;
	v7 =	vadd.f32 v53, v7  }
0x3e6: {  	v9 =	vsel vm0, $0x0, v9;
	v59 =	vadd.f32 v37, v57;
	v6 =	vadd.f32 v6, v10  }
0x3e7: {  	v8 =	vsel vm0, $0x0, v8;
	v9 =	vadd.f32 v9, v58;
	v7 =	vadd.f32 v55, v7  }
0x3e8: {  	v5 =	vsel vm0, $0x0, v5;
	v8 =	vadd.f32 v8, v59;
	v4 =	vadd.f32 v4, v6  }
0x3e9: {  	v2 =	vsel vm0, $0x0, v2;
	(xrf2) =	vadd.scan.msk.f32 $0xffff, v9;
	v5 =	vadd.f32 v5, v7  }
0x3ea: {  	(xrf2) =	vadd.scan.msk.f32 $0xffff, v8;
	v2 =	vadd.f32 v2, v4  }
0x3eb: {  	(xrf2) =	vadd.scan.msk.f32 $0xffff, v5  }
0x3ec: {  	(xrf2) =	vadd.scan.msk.f32 $0xffff, v2;
	_ =	sdelay $0x6  }
0x3ed: {  	v2, _, _ =	vpop (xrf2)  }
0x3ee: {  	v60, _, _ =	vpop (xrf2)  }
0x3ef: {  	v61 =	vmov s30;
	s31 =	sshll.u32 s29, $0x4;
	s29 =	sadd.s32 $0x1, s29;
	v5, _, _ =	vpop (xrf2)  }
0x3f0: {  	s0 =	sadd.s32 $0x1, s30;
	vm1 =	veq.s32 v61, v0;
	p0 =	sne.s32 s29, $0x4;
	v62, _, _ =	vpop (xrf2);
	v5 =	vbroadcast v5, $0xF  }
.Ltmp11:
0x3f1: {  	v63 =	vmov s0;
	v2 =	vbroadcast v2, $0xF;
	v6 =	vbroadcast v62, $0xF;
	(pc) =	sbr.rel @p0 .LBB2_22-.Ltmp11, $4  }
0x3f2: {  	vm2 =	veq.s32 v63, v0;
	v4 =	vbroadcast v60, $0xF;
	v1 =	vsel vm1, v5, v1  }
0x3f3: {  	s0 =	sand.u32 $0x3FFFFFF0, s31;
	v3 =	vsel vm1, v6, v3;
	v1 =	vsel vm2, v2, v1  }
0x3f4: {  	v2 =	vsel vm2, v4, v3;
	[tilespmem:s0+$0x83C0] =	vst v1  }
0x3f5: {  	[tilespmem:s0+$0x85C0] =	vst v2  }
0x3f6: {  	_ =	swait.ge [sflag:s17], $0x4000  }
0x3f7: {  	[sflag:s17] =	ssyncset.done $0x0  }
0x3f8: {  	s28 =	simm.s32 $0x0;
	s29 =	simm.s32 $0x0;
	[sflag:s17] =	ssyncadd.s32 $0xFFFFC000  }
0x3f9: {  	[tilespmem:s18], [sflag:$0x2] =	stream.linear.gather [hbm4b:s11+s28], $0x4000, $0x38;
	[tilespmem:$0x8680] =	vst v63  }
.LBB2_26:
0x3fa: {  	s0 =	sshll.u32 s29, $0xE  }
0x3fb: {  	s1 =	sand.u32 $0x800, s28;
	s31 =	sshra.s32 s0, $0x2;
	s0 =	simm.s32 $0x80  }
0x3fc: {  	s15 =	simm.s32 $0x0;
	s1 =	sadd.s32 s1, s31;
	s2 =	sand.u32 $0x380, s0  }
0x3fd: {  	s15 =	sand.u32 $0x300, s15;
	s2 =	sadd.s32 s2, s1  }
0x3fe: {  	s1 =	sadd.s32 s15, s1;
	v3 =	vld [tilespmem:s2+$0x438]  }
0x3ff: {  	v2 =	vld [tilespmem:s1+$0x438]  }
0x400: {  	v1 =	vld [tilespmem:s2+$0x430]  }
0x401: {  	v4 =	vld [tilespmem:s1+$0x430]  }
0x402: {  	v5 =	vld [tilespmem:s2+$0x410]  }
0x403: {  	v8 =	vld [tilespmem:s2+$0x420]  }
0x404: {  	v6 =	vld [tilespmem:s1+$0x410]  }
0x405: {  	v7 =	vld [tilespmem:s1+$0x420]  }
0x406: {  	v24 =	vld [tilespmem:s2+$0x70]  }
0x407: {  	v9 =	vld [tilespmem:s2+$0x400]  }
0x408: {  	v10 =	vld [tilespmem:s1+$0x70]  }
0x409: {  	v11 =	vld [tilespmem:s1+$0x400]  }
0x40a: {  	v14 =	vld [tilespmem:s2+$0x50]  }
0x40b: {  	v25 =	vld [tilespmem:s2+$0x60]  }
0x40c: {  	v12 =	vld [tilespmem:s1+$0x50]  }
0x40d: {  	v13 =	vld [tilespmem:s1+$0x60]  }
0x40e: {  	v17 =	vld [tilespmem:s2+$0x30]  }
0x40f: {  	v18 =	vld [tilespmem:s2+$0x40]  }
0x410: {  	v15 =	vld [tilespmem:s1+$0x30]  }
0x411: {  	v16 =	vld [tilespmem:s1+$0x40]  }
0x412: {  	v21 =	vld [tilespmem:s2+$0x10]  }
0x413: {  	v22 =	vld [tilespmem:s2+$0x20]  }
0x414: {  	v27 =	vld [tilespmem:s2+$0x0];
	v8 =	vmul.u32 $0xA, v8  }
0x415: {  	v19 =	vld [tilespmem:s1+$0x10]  }
0x416: {  	v20 =	vld [tilespmem:s1+$0x20];
	v28 =	vmul.u32 $0xA, v9;
	v26 =	vadd.s32 v1, v8  }
0x417: {  	v23 =	vld [tilespmem:s1+$0x0]  }
0x418: {  	v29 =	vmul.u32 $0xA, v25;
	v25 =	vadd.s32 v5, v28;
	v9 =	vld.idx.msk [tilespmem:v3+s21+$0x0], $0xffff  }
0x419: {  	v27 =	vmul.u32 $0xA, v27;
	v8 =	vld.idx.msk [tilespmem:v3+s22+$0x0], $0xffff  }
0x41a: {  	s30 =	simm.s32 $0x0;
	s1 =	simm.s32 $0x2;
	s2 =	simm.s32 $0x0;
	v1 =	vimm.f32 $0.0e+00;
	v24 =	vadd.s32 v24, v29;
	v5 =	vld.idx.msk [tilespmem:v2+s21+$0x0], $0xffff;
	v3 =	vimm.f32 $0.0e+00  }
.LBB2_27:
0x41b: {  	p0 =	slt.u32 s1, $0xE;
	v21 =	vadd.s32 v21, v27;
	v22 =	vmul.u32 $0xA, v22;
	v27 =	vld.idx.msk [tilespmem:v26+s19+$0x0], $0xffff  }
0x41c: {  	v26 =	vld.idx.msk [tilespmem:v26+s20+$0x0], $0xffff  }
0x41d: {  	v18 =	vmul.u32 $0xA, v18;
	v17 =	vadd.s32 v17, v22;
	v22 =	vld.idx.msk [tilespmem:v25+s19+$0x0], $0xffff  }
0x41e: {  	v25 =	vld.idx.msk [tilespmem:v25+s20+$0x0], $0xffff  }
0x41f: {  	v23 =	vmul.u32 $0xA, v23;
	v14 =	vadd.s32 v14, v18;
	v18 =	vld.idx.msk [tilespmem:v24+s19+$0x0], $0xffff  }
0x420: {  	v28 =	vld.idx.msk [tilespmem:v21+s19+$0x0], $0xffff  }
0x421: {  	v20 =	vmul.u32 $0xA, v20;
	v19 =	vadd.s32 v19, v23;
	v23 =	vld.idx.msk [tilespmem:v24+s20+$0x0], $0xffff  }
0x422: {  	v24 =	vld.idx.msk [tilespmem:v17+s19+$0x0], $0xffff  }
0x423: {  	v16 =	vmul.u32 $0xA, v16;
	v15 =	vadd.s32 v15, v20;
	v20 =	vld.idx.msk [tilespmem:v21+s20+$0x0], $0xffff  }
0x424: {  	v21 =	vld.idx.msk [tilespmem:v14+s19+$0x0], $0xffff  }
0x425: {  	v13 =	vmul.u32 $0xA, v13;
	v12 =	vadd.s32 v12, v16;
	v16 =	vld.idx.msk [tilespmem:v17+s20+$0x0], $0xffff  }
0x426: {  	v28 =	vadd.f32 $0.0e+00, v28;
	v17 =	vld.idx.msk [tilespmem:v19+s19+$0x0], $0xffff  }
0x427: {  	v11 =	vmul.u32 $0xA, v11;
	v10 =	vadd.s32 v10, v13;
	v13 =	vld.idx.msk [tilespmem:v14+s20+$0x0], $0xffff  }
0x428: {  	v24 =	vadd.f32 v24, v28;
	v14 =	vld.idx.msk [tilespmem:v15+s19+$0x0], $0xffff  }
0x429: {  	v7 =	vmul.u32 $0xA, v7;
	v6 =	vadd.s32 v6, v11;
	v11 =	vadd.f32 $0.0e+00, v20;
	v19 =	vld.idx.msk [tilespmem:v19+s20+$0x0], $0xffff  }
0x42a: {  	v21 =	vadd.f32 v21, v24;
	v20 =	vld.idx.msk [tilespmem:v12+s19+$0x0], $0xffff  }
0x42b: {  	v4 =	vadd.s32 v4, v7;
	v7 =	vadd.f32 v16, v11;
	v15 =	vld.idx.msk [tilespmem:v15+s20+$0x0], $0xffff  }
0x42c: {  	v11 =	vadd.f32 $0.0e+00, v17;
	v17 =	vadd.f32 v18, v21;
	v16 =	vld.idx.msk [tilespmem:v10+s19+$0x0], $0xffff  }
0x42d: {  	v7 =	vadd.f32 v13, v7;
	v12 =	vld.idx.msk [tilespmem:v12+s20+$0x0], $0xffff  }
0x42e: {  	s2 =	sadd.s32 $0x200, s2;
	v11 =	vadd.f32 v14, v11;
	v14 =	vadd.f32 v22, v17;
	v13 =	vld.idx.msk [tilespmem:v6+s19+$0x0], $0xffff  }
0x42f: {  	s0 =	sadd.s32 $0x100, s0;
	s15 =	sand.u32 $0x800, s2;
	v17 =	vadd.f32 $0.0e+00, v19;
	v7 =	vadd.f32 v23, v7;
	v10 =	vld.idx.msk [tilespmem:v10+s20+$0x0], $0xffff  }
0x430: {  	s24 =	sadd.s32 s15, s31;
	s15 =	sand.u32 $0x380, s0;
	v11 =	vadd.f32 v20, v11;
	v14 =	vadd.f32 v27, v14;
	v18 =	vld.idx.msk [tilespmem:v4+s19+$0x0], $0xffff  }
0x431: {  	v9 =	vsel vm0, $0x0, v9;
	s15 =	sadd.s32 s15, s24;
	v15 =	vadd.f32 v15, v17;
	v7 =	vadd.f32 v25, v7;
	v6 =	vld.idx.msk [tilespmem:v6+s20+$0x0], $0xffff  }
0x432: {  	s25 =	sadd.s32 $0xFFFFFF80, s0;
	v11 =	vadd.f32 v16, v11;
	v9 =	vadd.f32 v9, v14;
	v24 =	vld [tilespmem:s15+$0x438]  }
0x433: {  	s25 =	sand.u32 $0x300, s25;
	v12 =	vadd.f32 v12, v15;
	v14 =	vld.idx.msk [tilespmem:v4+s20+$0x0], $0xffff;
	v4 =	vadd.f32 v26, v7  }
0x434: {  	s24 =	sadd.s32 s25, s24;
	v8 =	vsel vm0, $0x0, v8;
	v7 =	vadd.f32 v13, v11;
	v11 =	vld.idx.msk [tilespmem:v2+s22+$0x0], $0xffff;
	(xrf2) =	vadd.scan.msk.f32 $0xffff, v9  }
0x435: {  	v9 =	vadd.f32 v10, v12;
	v2 =	vld [tilespmem:s24+$0x438];
	v8 =	vadd.f32 v8, v4  }
0x436: {  	v7 =	vadd.f32 v18, v7;
	v23 =	vld [tilespmem:s15+$0x430]  }
0x437: {  	v5 =	vsel vm0, $0x0, v5;
	v6 =	vadd.f32 v6, v9;
	v4 =	vld [tilespmem:s24+$0x430];
	(xrf2) =	vadd.scan.msk.f32 $0xffff, v8  }
0x438: {  	v5 =	vadd.f32 v5, v7;
	v8 =	vld [tilespmem:s15+$0x410]  }
0x439: {  	v10 =	vadd.f32 v14, v6;
	v9 =	vld [tilespmem:s15+$0x420]  }
0x43a: {  	v11 =	vsel vm0, $0x0, v11;
	v6 =	vld [tilespmem:s24+$0x410];
	(xrf2) =	vadd.scan.msk.f32 $0xffff, v5  }
0x43b: {  	v11 =	vadd.f32 v11, v10;
	v7 =	vld [tilespmem:s24+$0x420]  }
0x43c: {  	v28 =	vld [tilespmem:s15+$0x70]  }
0x43d: {  	v25 =	vld [tilespmem:s15+$0x400];
	(xrf2) =	vadd.scan.msk.f32 $0xffff, v11  }
0x43e: {  	v10 =	vld [tilespmem:s24+$0x70];
	v5, _, _ =	vpop (xrf2)  }
0x43f: {  	v11 =	vld [tilespmem:s24+$0x400]  }
0x440: {  	v14 =	vld [tilespmem:s15+$0x50]  }
0x441: {  	v27 =	vld [tilespmem:s15+$0x60];
	v19, _, _ =	vpop (xrf2)  }
0x442: {  	v12 =	vld [tilespmem:s24+$0x50]  }
0x443: {  	v13 =	vld [tilespmem:s24+$0x60]  }
0x444: {  	v17 =	vld [tilespmem:s15+$0x30];
	v20, _, _ =	vpop (xrf2)  }
0x445: {  	v18 =	vld [tilespmem:s15+$0x40]  }
0x446: {  	v21 =	vmov s30;
	v15 =	vld [tilespmem:s24+$0x30]  }
0x447: {  	s25 =	sadd.s32 $0x1, s30;
	s30 =	smov.u32 s1;
	vm1 =	veq.s32 v21, v0;
	v16 =	vld [tilespmem:s24+$0x40];
	v22, _, _ =	vpop (xrf2)  }
0x448: {  	v29 =	vmov s25;
	v20 =	vbroadcast v20, $0xF;
	v21 =	vld [tilespmem:s15+$0x10];
	v26 =	vbroadcast v22, $0xF  }
0x449: {  	vm2 =	veq.s32 v29, v0;
	v5 =	vbroadcast v5, $0xF;
	v29 =	vbroadcast v19, $0xF;
	v22 =	vld [tilespmem:s15+$0x20]  }
0x44a: {  	v9 =	vmul.u32 $0xA, v9;
	v1 =	vsel vm1, v20, v1;
	v30 =	vld [tilespmem:s15+$0x0];
	v3 =	vsel vm1, v26, v3  }
0x44b: {  	v1 =	vsel vm2, v5, v1;
	v19 =	vld [tilespmem:s24+$0x10];
	v3 =	vsel vm2, v29, v3  }
.Ltmp12:
0x44c: {  	v5 =	vmul.u32 $0xA, v25;
	v26 =	vadd.s32 v23, v9;
	v20 =	vld [tilespmem:s24+$0x20];
	(pc) =	sbr.rel @p0 .LBB2_27-.Ltmp12, $4  }
0x44d: {  	v23 =	vld [tilespmem:s24+$0x0]  }
0x44e: {  	v25 =	vadd.s32 v8, v5;
	v29 =	vmul.u32 $0xA, v27;
	v9 =	vld.idx.msk [tilespmem:v24+s21+$0x0], $0xffff  }
0x44f: {  	v27 =	vmul.u32 $0xA, v30;
	v8 =	vld.idx.msk [tilespmem:v24+s22+$0x0], $0xffff  }
0x450: {  	s1 =	sadd.s32 $0x2, s1;
	v24 =	vadd.s32 v28, v29;
	v5 =	vld.idx.msk [tilespmem:v2+s21+$0x0], $0xffff  }
0x451: {  	_ =	sdelay $0x3  }
0x452: {  	v36 =	vld.idx.msk [tilespmem:v26+s19+$0x0], $0xffff  }
0x453: {  	v21 =	vadd.s32 v21, v27;
	v22 =	vmul.u32 $0xA, v22;
	v37 =	vld.idx.msk [tilespmem:v26+s20+$0x0], $0xffff  }
0x454: {  	v18 =	vmul.u32 $0xA, v18;
	v38 =	vld.idx.msk [tilespmem:v25+s19+$0x0], $0xffff  }
0x455: {  	v39 =	vld.idx.msk [tilespmem:v25+s20+$0x0], $0xffff;
	v17 =	vadd.s32 v17, v22  }
0x456: {  	v40 =	vld.idx.msk [tilespmem:v24+s19+$0x0], $0xffff;
	v14 =	vadd.s32 v14, v18  }
0x457: {  	v41 =	vld.idx.msk [tilespmem:v24+s20+$0x0], $0xffff;
	v23 =	vmul.u32 $0xA, v23  }
0x458: {  	v28 =	vld.idx.msk [tilespmem:v21+s19+$0x0], $0xffff  }
0x459: {  	v20 =	vmul.u32 $0xA, v20;
	v19 =	vadd.s32 v19, v23;
	v21 =	vld.idx.msk [tilespmem:v21+s20+$0x0], $0xffff  }
0x45a: {  	v42 =	vld.idx.msk [tilespmem:v17+s19+$0x0], $0xffff  }
0x45b: {  	v16 =	vmul.u32 $0xA, v16;
	v15 =	vadd.s32 v15, v20;
	v43 =	vld.idx.msk [tilespmem:v14+s19+$0x0], $0xffff  }
0x45c: {  	v17 =	vld.idx.msk [tilespmem:v17+s20+$0x0], $0xffff  }
0x45d: {  	v13 =	vmul.u32 $0xA, v13;
	v12 =	vadd.s32 v12, v16;
	v14 =	vld.idx.msk [tilespmem:v14+s20+$0x0], $0xffff  }
0x45e: {  	v44 =	vld.idx.msk [tilespmem:v19+s19+$0x0], $0xffff  }
0x45f: {  	v11 =	vmul.u32 $0xA, v11;
	v10 =	vadd.s32 v10, v13;
	v45 =	vld.idx.msk [tilespmem:v19+s20+$0x0], $0xffff  }
0x460: {  	v46 =	vld.idx.msk [tilespmem:v15+s19+$0x0], $0xffff  }
0x461: {  	v7 =	vmul.u32 $0xA, v7;
	v6 =	vadd.s32 v6, v11;
	v47 =	vld.idx.msk [tilespmem:v15+s20+$0x0], $0xffff;
	v28 =	vadd.f32 $0.0e+00, v28  }
0x462: {  	v49 =	vld.idx.msk [tilespmem:v12+s19+$0x0], $0xffff;
	v48 =	vadd.f32 $0.0e+00, v21  }
0x463: {  	v4 =	vadd.s32 v4, v7;
	v12 =	vld.idx.msk [tilespmem:v12+s20+$0x0], $0xffff;
	v24 =	vadd.f32 v42, v28;
	v50 =	vadd.f32 $0.0e+00, v44  }
0x464: {  	v51 =	vld.idx.msk [tilespmem:v10+s19+$0x0], $0xffff;
	v15 =	vadd.f32 v17, v48;
	v13 =	vadd.f32 $0.0e+00, v45  }
0x465: {  	v10 =	vld.idx.msk [tilespmem:v10+s20+$0x0], $0xffff;
	v52 =	vadd.f32 v43, v24;
	v7 =	vadd.f32 v46, v50  }
0x466: {  	v53 =	vld.idx.msk [tilespmem:v6+s19+$0x0], $0xffff;
	v14 =	vadd.f32 v14, v15;
	v11 =	vadd.f32 v47, v13  }
0x467: {  	v6 =	vld.idx.msk [tilespmem:v6+s20+$0x0], $0xffff;
	v54 =	vadd.f32 v40, v52;
	v7 =	vadd.f32 v49, v7  }
0x468: {  	v55 =	vld.idx.msk [tilespmem:v4+s19+$0x0], $0xffff;
	v14 =	vadd.f32 v41, v14;
	v11 =	vadd.f32 v12, v11  }
0x469: {  	v4 =	vld.idx.msk [tilespmem:v4+s20+$0x0], $0xffff;
	v56 =	vadd.f32 v38, v54;
	v7 =	vadd.f32 v51, v7  }
0x46a: {  	v2 =	vld.idx.msk [tilespmem:v2+s22+$0x0], $0xffff;
	v57 =	vadd.f32 v39, v14;
	v10 =	vadd.f32 v10, v11  }
0x46b: {  	v58 =	vadd.f32 v36, v56;
	v7 =	vadd.f32 v53, v7  }
0x46c: {  	v9 =	vsel vm0, $0x0, v9;
	v59 =	vadd.f32 v37, v57;
	v6 =	vadd.f32 v6, v10  }
0x46d: {  	v8 =	vsel vm0, $0x0, v8;
	v9 =	vadd.f32 v9, v58;
	v7 =	vadd.f32 v55, v7  }
0x46e: {  	v5 =	vsel vm0, $0x0, v5;
	v8 =	vadd.f32 v8, v59;
	v4 =	vadd.f32 v4, v6  }
0x46f: {  	v2 =	vsel vm0, $0x0, v2;
	(xrf2) =	vadd.scan.msk.f32 $0xffff, v9;
	v5 =	vadd.f32 v5, v7  }
0x470: {  	(xrf2) =	vadd.scan.msk.f32 $0xffff, v8;
	v2 =	vadd.f32 v2, v4  }
0x471: {  	(xrf2) =	vadd.scan.msk.f32 $0xffff, v5  }
0x472: {  	(xrf2) =	vadd.scan.msk.f32 $0xffff, v2;
	_ =	sdelay $0x6  }
0x473: {  	v2, _, _ =	vpop (xrf2)  }
0x474: {  	v60, _, _ =	vpop (xrf2)  }
0x475: {  	v61 =	vmov s30;
	s31 =	sshll.u32 s29, $0x4;
	s29 =	sadd.s32 $0x1, s29;
	v5, _, _ =	vpop (xrf2)  }
0x476: {  	s0 =	sadd.s32 $0x1, s30;
	vm1 =	veq.s32 v61, v0;
	p0 =	sne.s32 s29, $0x4;
	v62, _, _ =	vpop (xrf2);
	v5 =	vbroadcast v5, $0xF  }
.Ltmp13:
0x477: {  	v63 =	vmov s0;
	v2 =	vbroadcast v2, $0xF;
	v6 =	vbroadcast v62, $0xF;
	(pc) =	sbr.rel @p0 .LBB2_26-.Ltmp13, $4  }
0x478: {  	vm2 =	veq.s32 v63, v0;
	v4 =	vbroadcast v60, $0xF;
	v1 =	vsel vm1, v5, v1  }
0x479: {  	v3 =	vsel vm1, v6, v3;
	v1 =	vsel vm2, v2, v1  }
0x47a: {  	v2 =	vsel vm2, v4, v3;
	[tilespmem:s31+$0x8400] =	vst v1  }
0x47b: {  	[tilespmem:s31+$0x8600] =	vst v2  }
0x47c: {  	_ =	swait.ge [sflag:s23], $0x4000  }
0x47d: {  	[sflag:s23] =	ssyncset.done $0x0  }
0x47e: {  	s28 =	simm.s32 $0x0;
	s29 =	simm.s32 $0x0;
	[sflag:s23] =	ssyncadd.s32 $0xFFFFC000  }
.LBB2_30:
0x47f: {  	s0 =	sshll.u32 s29, $0xE  }
0x480: {  	s0 =	sshra.s32 s0, $0x2  }
0x481: {  	s1 =	sand.u32 $0x800, s28;
	s31 =	sadd.s32 $0x4000, s0;
	s0 =	simm.s32 $0x80  }
0x482: {  	s15 =	simm.s32 $0x0;
	s1 =	sadd.s32 s1, s31;
	s2 =	sand.u32 $0x380, s0  }
0x483: {  	s15 =	sand.u32 $0x300, s15;
	s2 =	sadd.s32 s2, s1  }
0x484: {  	s1 =	sadd.s32 s15, s1;
	v3 =	vld [tilespmem:s2+$0x438]  }
0x485: {  	v2 =	vld [tilespmem:s1+$0x438]  }
0x486: {  	v1 =	vld [tilespmem:s2+$0x430]  }
0x487: {  	v4 =	vld [tilespmem:s1+$0x430]  }
0x488: {  	v5 =	vld [tilespmem:s2+$0x410]  }
0x489: {  	v8 =	vld [tilespmem:s2+$0x420]  }
0x48a: {  	v6 =	vld [tilespmem:s1+$0x410]  }
0x48b: {  	v7 =	vld [tilespmem:s1+$0x420]  }
0x48c: {  	v24 =	vld [tilespmem:s2+$0x70]  }
0x48d: {  	v9 =	vld [tilespmem:s2+$0x400]  }
0x48e: {  	v10 =	vld [tilespmem:s1+$0x70]  }
0x48f: {  	v11 =	vld [tilespmem:s1+$0x400]  }
0x490: {  	v14 =	vld [tilespmem:s2+$0x50]  }
0x491: {  	v25 =	vld [tilespmem:s2+$0x60]  }
0x492: {  	v12 =	vld [tilespmem:s1+$0x50]  }
0x493: {  	v13 =	vld [tilespmem:s1+$0x60]  }
0x494: {  	v17 =	vld [tilespmem:s2+$0x30]  }
0x495: {  	v18 =	vld [tilespmem:s2+$0x40]  }
0x496: {  	v15 =	vld [tilespmem:s1+$0x30]  }
0x497: {  	v16 =	vld [tilespmem:s1+$0x40]  }
0x498: {  	v21 =	vld [tilespmem:s2+$0x10]  }
0x499: {  	v22 =	vld [tilespmem:s2+$0x20]  }
0x49a: {  	v27 =	vld [tilespmem:s2+$0x0];
	v8 =	vmul.u32 $0xA, v8  }
0x49b: {  	v19 =	vld [tilespmem:s1+$0x10]  }
0x49c: {  	v20 =	vld [tilespmem:s1+$0x20];
	v28 =	vmul.u32 $0xA, v9;
	v26 =	vadd.s32 v1, v8  }
0x49d: {  	v23 =	vld [tilespmem:s1+$0x0]  }
0x49e: {  	v29 =	vmul.u32 $0xA, v25;
	v25 =	vadd.s32 v5, v28;
	v9 =	vld.idx.msk [tilespmem:v3+s21+$0x0], $0xffff  }
0x49f: {  	v27 =	vmul.u32 $0xA, v27;
	v8 =	vld.idx.msk [tilespmem:v3+s22+$0x0], $0xffff  }
0x4a0: {  	s30 =	simm.s32 $0x0;
	s1 =	simm.s32 $0x2;
	s2 =	simm.s32 $0x0;
	v1 =	vimm.f32 $0.0e+00;
	v24 =	vadd.s32 v24, v29;
	v5 =	vld.idx.msk [tilespmem:v2+s21+$0x0], $0xffff;
	v3 =	vimm.f32 $0.0e+00  }
.LBB2_31:
0x4a1: {  	p0 =	slt.u32 s1, $0xE;
	v21 =	vadd.s32 v21, v27;
	v22 =	vmul.u32 $0xA, v22;
	v27 =	vld.idx.msk [tilespmem:v26+s19+$0x0], $0xffff  }
0x4a2: {  	v26 =	vld.idx.msk [tilespmem:v26+s20+$0x0], $0xffff  }
0x4a3: {  	v18 =	vmul.u32 $0xA, v18;
	v17 =	vadd.s32 v17, v22;
	v22 =	vld.idx.msk [tilespmem:v25+s19+$0x0], $0xffff  }
0x4a4: {  	v25 =	vld.idx.msk [tilespmem:v25+s20+$0x0], $0xffff  }
0x4a5: {  	v23 =	vmul.u32 $0xA, v23;
	v14 =	vadd.s32 v14, v18;
	v18 =	vld.idx.msk [tilespmem:v24+s19+$0x0], $0xffff  }
0x4a6: {  	v28 =	vld.idx.msk [tilespmem:v21+s19+$0x0], $0xffff  }
0x4a7: {  	v20 =	vmul.u32 $0xA, v20;
	v19 =	vadd.s32 v19, v23;
	v23 =	vld.idx.msk [tilespmem:v24+s20+$0x0], $0xffff  }
0x4a8: {  	v24 =	vld.idx.msk [tilespmem:v17+s19+$0x0], $0xffff  }
0x4a9: {  	v16 =	vmul.u32 $0xA, v16;
	v15 =	vadd.s32 v15, v20;
	v20 =	vld.idx.msk [tilespmem:v21+s20+$0x0], $0xffff  }
0x4aa: {  	v21 =	vld.idx.msk [tilespmem:v14+s19+$0x0], $0xffff  }
0x4ab: {  	v13 =	vmul.u32 $0xA, v13;
	v12 =	vadd.s32 v12, v16;
	v16 =	vld.idx.msk [tilespmem:v17+s20+$0x0], $0xffff  }
0x4ac: {  	v28 =	vadd.f32 $0.0e+00, v28;
	v17 =	vld.idx.msk [tilespmem:v19+s19+$0x0], $0xffff  }
0x4ad: {  	v11 =	vmul.u32 $0xA, v11;
	v10 =	vadd.s32 v10, v13;
	v13 =	vld.idx.msk [tilespmem:v14+s20+$0x0], $0xffff  }
0x4ae: {  	v24 =	vadd.f32 v24, v28;
	v14 =	vld.idx.msk [tilespmem:v15+s19+$0x0], $0xffff  }
0x4af: {  	v7 =	vmul.u32 $0xA, v7;
	v6 =	vadd.s32 v6, v11;
	v11 =	vadd.f32 $0.0e+00, v20;
	v19 =	vld.idx.msk [tilespmem:v19+s20+$0x0], $0xffff  }
0x4b0: {  	v21 =	vadd.f32 v21, v24;
	v20 =	vld.idx.msk [tilespmem:v12+s19+$0x0], $0xffff  }
0x4b1: {  	v4 =	vadd.s32 v4, v7;
	v7 =	vadd.f32 v16, v11;
	v15 =	vld.idx.msk [tilespmem:v15+s20+$0x0], $0xffff  }
0x4b2: {  	v11 =	vadd.f32 $0.0e+00, v17;
	v17 =	vadd.f32 v18, v21;
	v16 =	vld.idx.msk [tilespmem:v10+s19+$0x0], $0xffff  }
0x4b3: {  	v7 =	vadd.f32 v13, v7;
	v12 =	vld.idx.msk [tilespmem:v12+s20+$0x0], $0xffff  }
0x4b4: {  	s2 =	sadd.s32 $0x200, s2;
	v11 =	vadd.f32 v14, v11;
	v14 =	vadd.f32 v22, v17;
	v13 =	vld.idx.msk [tilespmem:v6+s19+$0x0], $0xffff  }
0x4b5: {  	s0 =	sadd.s32 $0x100, s0;
	s15 =	sand.u32 $0x800, s2;
	v17 =	vadd.f32 $0.0e+00, v19;
	v7 =	vadd.f32 v23, v7;
	v10 =	vld.idx.msk [tilespmem:v10+s20+$0x0], $0xffff  }
0x4b6: {  	s24 =	sadd.s32 s15, s31;
	s15 =	sand.u32 $0x380, s0;
	v11 =	vadd.f32 v20, v11;
	v14 =	vadd.f32 v27, v14;
	v18 =	vld.idx.msk [tilespmem:v4+s19+$0x0], $0xffff  }
0x4b7: {  	v9 =	vsel vm0, $0x0, v9;
	s15 =	sadd.s32 s15, s24;
	v15 =	vadd.f32 v15, v17;
	v7 =	vadd.f32 v25, v7;
	v6 =	vld.idx.msk [tilespmem:v6+s20+$0x0], $0xffff  }
0x4b8: {  	s25 =	sadd.s32 $0xFFFFFF80, s0;
	v11 =	vadd.f32 v16, v11;
	v9 =	vadd.f32 v9, v14;
	v24 =	vld [tilespmem:s15+$0x438]  }
0x4b9: {  	s25 =	sand.u32 $0x300, s25;
	v12 =	vadd.f32 v12, v15;
	v14 =	vld.idx.msk [tilespmem:v4+s20+$0x0], $0xffff;
	v4 =	vadd.f32 v26, v7  }
0x4ba: {  	s24 =	sadd.s32 s25, s24;
	v8 =	vsel vm0, $0x0, v8;
	v7 =	vadd.f32 v13, v11;
	v11 =	vld.idx.msk [tilespmem:v2+s22+$0x0], $0xffff;
	(xrf2) =	vadd.scan.msk.f32 $0xffff, v9  }
0x4bb: {  	v9 =	vadd.f32 v10, v12;
	v2 =	vld [tilespmem:s24+$0x438];
	v8 =	vadd.f32 v8, v4  }
0x4bc: {  	v7 =	vadd.f32 v18, v7;
	v23 =	vld [tilespmem:s15+$0x430]  }
0x4bd: {  	v5 =	vsel vm0, $0x0, v5;
	v6 =	vadd.f32 v6, v9;
	v4 =	vld [tilespmem:s24+$0x430];
	(xrf2) =	vadd.scan.msk.f32 $0xffff, v8  }
0x4be: {  	v5 =	vadd.f32 v5, v7;
	v8 =	vld [tilespmem:s15+$0x410]  }
0x4bf: {  	v10 =	vadd.f32 v14, v6;
	v9 =	vld [tilespmem:s15+$0x420]  }
0x4c0: {  	v11 =	vsel vm0, $0x0, v11;
	v6 =	vld [tilespmem:s24+$0x410];
	(xrf2) =	vadd.scan.msk.f32 $0xffff, v5  }
0x4c1: {  	v11 =	vadd.f32 v11, v10;
	v7 =	vld [tilespmem:s24+$0x420]  }
0x4c2: {  	v28 =	vld [tilespmem:s15+$0x70]  }
0x4c3: {  	v25 =	vld [tilespmem:s15+$0x400];
	(xrf2) =	vadd.scan.msk.f32 $0xffff, v11  }
0x4c4: {  	v10 =	vld [tilespmem:s24+$0x70];
	v5, _, _ =	vpop (xrf2)  }
0x4c5: {  	v11 =	vld [tilespmem:s24+$0x400]  }
0x4c6: {  	v14 =	vld [tilespmem:s15+$0x50]  }
0x4c7: {  	v27 =	vld [tilespmem:s15+$0x60];
	v19, _, _ =	vpop (xrf2)  }
0x4c8: {  	v12 =	vld [tilespmem:s24+$0x50]  }
0x4c9: {  	v13 =	vld [tilespmem:s24+$0x60]  }
0x4ca: {  	v17 =	vld [tilespmem:s15+$0x30];
	v20, _, _ =	vpop (xrf2)  }
0x4cb: {  	v18 =	vld [tilespmem:s15+$0x40]  }
0x4cc: {  	v21 =	vmov s30;
	v15 =	vld [tilespmem:s24+$0x30]  }
0x4cd: {  	s25 =	sadd.s32 $0x1, s30;
	s30 =	smov.u32 s1;
	vm1 =	veq.s32 v21, v0;
	v16 =	vld [tilespmem:s24+$0x40];
	v22, _, _ =	vpop (xrf2)  }
0x4ce: {  	v29 =	vmov s25;
	v20 =	vbroadcast v20, $0xF;
	v21 =	vld [tilespmem:s15+$0x10];
	v26 =	vbroadcast v22, $0xF  }
0x4cf: {  	vm2 =	veq.s32 v29, v0;
	v5 =	vbroadcast v5, $0xF;
	v29 =	vbroadcast v19, $0xF;
	v22 =	vld [tilespmem:s15+$0x20]  }
0x4d0: {  	v9 =	vmul.u32 $0xA, v9;
	v1 =	vsel vm1, v20, v1;
	v30 =	vld [tilespmem:s15+$0x0];
	v3 =	vsel vm1, v26, v3  }
0x4d1: {  	v1 =	vsel vm2, v5, v1;
	v19 =	vld [tilespmem:s24+$0x10];
	v3 =	vsel vm2, v29, v3  }
.Ltmp14:
0x4d2: {  	v5 =	vmul.u32 $0xA, v25;
	v26 =	vadd.s32 v23, v9;
	v20 =	vld [tilespmem:s24+$0x20];
	(pc) =	sbr.rel @p0 .LBB2_31-.Ltmp14, $4  }
0x4d3: {  	v23 =	vld [tilespmem:s24+$0x0]  }
0x4d4: {  	v25 =	vadd.s32 v8, v5;
	v29 =	vmul.u32 $0xA, v27;
	v9 =	vld.idx.msk [tilespmem:v24+s21+$0x0], $0xffff  }
0x4d5: {  	v27 =	vmul.u32 $0xA, v30;
	v8 =	vld.idx.msk [tilespmem:v24+s22+$0x0], $0xffff  }
0x4d6: {  	s1 =	sadd.s32 $0x2, s1;
	v24 =	vadd.s32 v28, v29;
	v5 =	vld.idx.msk [tilespmem:v2+s21+$0x0], $0xffff  }
0x4d7: {  	_ =	sdelay $0x3  }
0x4d8: {  	v36 =	vld.idx.msk [tilespmem:v26+s19+$0x0], $0xffff  }
0x4d9: {  	v21 =	vadd.s32 v21, v27;
	v22 =	vmul.u32 $0xA, v22;
	v37 =	vld.idx.msk [tilespmem:v26+s20+$0x0], $0xffff  }
0x4da: {  	v18 =	vmul.u32 $0xA, v18;
	v38 =	vld.idx.msk [tilespmem:v25+s19+$0x0], $0xffff  }
0x4db: {  	v39 =	vld.idx.msk [tilespmem:v25+s20+$0x0], $0xffff;
	v17 =	vadd.s32 v17, v22  }
0x4dc: {  	v40 =	vld.idx.msk [tilespmem:v24+s19+$0x0], $0xffff;
	v14 =	vadd.s32 v14, v18  }
0x4dd: {  	v41 =	vld.idx.msk [tilespmem:v24+s20+$0x0], $0xffff;
	v23 =	vmul.u32 $0xA, v23  }
0x4de: {  	v28 =	vld.idx.msk [tilespmem:v21+s19+$0x0], $0xffff  }
0x4df: {  	v20 =	vmul.u32 $0xA, v20;
	v19 =	vadd.s32 v19, v23;
	v21 =	vld.idx.msk [tilespmem:v21+s20+$0x0], $0xffff  }
0x4e0: {  	v42 =	vld.idx.msk [tilespmem:v17+s19+$0x0], $0xffff  }
0x4e1: {  	v16 =	vmul.u32 $0xA, v16;
	v15 =	vadd.s32 v15, v20;
	v43 =	vld.idx.msk [tilespmem:v14+s19+$0x0], $0xffff  }
0x4e2: {  	v17 =	vld.idx.msk [tilespmem:v17+s20+$0x0], $0xffff  }
0x4e3: {  	v13 =	vmul.u32 $0xA, v13;
	v12 =	vadd.s32 v12, v16;
	v14 =	vld.idx.msk [tilespmem:v14+s20+$0x0], $0xffff  }
0x4e4: {  	v44 =	vld.idx.msk [tilespmem:v19+s19+$0x0], $0xffff  }
0x4e5: {  	v11 =	vmul.u32 $0xA, v11;
	v10 =	vadd.s32 v10, v13;
	v45 =	vld.idx.msk [tilespmem:v19+s20+$0x0], $0xffff  }
0x4e6: {  	v46 =	vld.idx.msk [tilespmem:v15+s19+$0x0], $0xffff  }
0x4e7: {  	v7 =	vmul.u32 $0xA, v7;
	v6 =	vadd.s32 v6, v11;
	v47 =	vld.idx.msk [tilespmem:v15+s20+$0x0], $0xffff;
	v28 =	vadd.f32 $0.0e+00, v28  }
0x4e8: {  	v49 =	vld.idx.msk [tilespmem:v12+s19+$0x0], $0xffff;
	v48 =	vadd.f32 $0.0e+00, v21  }
0x4e9: {  	v4 =	vadd.s32 v4, v7;
	v12 =	vld.idx.msk [tilespmem:v12+s20+$0x0], $0xffff;
	v24 =	vadd.f32 v42, v28;
	v50 =	vadd.f32 $0.0e+00, v44  }
0x4ea: {  	v51 =	vld.idx.msk [tilespmem:v10+s19+$0x0], $0xffff;
	v15 =	vadd.f32 v17, v48;
	v13 =	vadd.f32 $0.0e+00, v45  }
0x4eb: {  	v10 =	vld.idx.msk [tilespmem:v10+s20+$0x0], $0xffff;
	v52 =	vadd.f32 v43, v24;
	v7 =	vadd.f32 v46, v50  }
0x4ec: {  	v53 =	vld.idx.msk [tilespmem:v6+s19+$0x0], $0xffff;
	v14 =	vadd.f32 v14, v15;
	v11 =	vadd.f32 v47, v13  }
0x4ed: {  	v6 =	vld.idx.msk [tilespmem:v6+s20+$0x0], $0xffff;
	v54 =	vadd.f32 v40, v52;
	v7 =	vadd.f32 v49, v7  }
0x4ee: {  	v55 =	vld.idx.msk [tilespmem:v4+s19+$0x0], $0xffff;
	v14 =	vadd.f32 v41, v14;
	v11 =	vadd.f32 v12, v11  }
0x4ef: {  	v4 =	vld.idx.msk [tilespmem:v4+s20+$0x0], $0xffff;
	v56 =	vadd.f32 v38, v54;
	v7 =	vadd.f32 v51, v7  }
0x4f0: {  	v2 =	vld.idx.msk [tilespmem:v2+s22+$0x0], $0xffff;
	v57 =	vadd.f32 v39, v14;
	v10 =	vadd.f32 v10, v11  }
0x4f1: {  	v58 =	vadd.f32 v36, v56;
	v7 =	vadd.f32 v53, v7  }
0x4f2: {  	v9 =	vsel vm0, $0x0, v9;
	v59 =	vadd.f32 v37, v57;
	v6 =	vadd.f32 v6, v10  }
0x4f3: {  	v8 =	vsel vm0, $0x0, v8;
	v9 =	vadd.f32 v9, v58;
	v7 =	vadd.f32 v55, v7  }
0x4f4: {  	v5 =	vsel vm0, $0x0, v5;
	v8 =	vadd.f32 v8, v59;
	v4 =	vadd.f32 v4, v6  }
0x4f5: {  	v2 =	vsel vm0, $0x0, v2;
	(xrf2) =	vadd.scan.msk.f32 $0xffff, v9;
	v5 =	vadd.f32 v5, v7  }
0x4f6: {  	(xrf2) =	vadd.scan.msk.f32 $0xffff, v8;
	v2 =	vadd.f32 v2, v4  }
0x4f7: {  	(xrf2) =	vadd.scan.msk.f32 $0xffff, v5  }
0x4f8: {  	(xrf2) =	vadd.scan.msk.f32 $0xffff, v2;
	_ =	sdelay $0x6  }
0x4f9: {  	v2, _, _ =	vpop (xrf2)  }
0x4fa: {  	v60, _, _ =	vpop (xrf2)  }
0x4fb: {  	v61 =	vmov s30;
	s31 =	sshll.u32 s29, $0x4;
	s29 =	sadd.s32 $0x1, s29;
	v5, _, _ =	vpop (xrf2)  }
0x4fc: {  	s0 =	sadd.s32 $0x1, s30;
	vm1 =	veq.s32 v61, v0;
	p0 =	sne.s32 s29, $0x4;
	v62, _, _ =	vpop (xrf2);
	v5 =	vbroadcast v5, $0xF  }
.Ltmp15:
0x4fd: {  	v63 =	vmov s0;
	v2 =	vbroadcast v2, $0xF;
	v6 =	vbroadcast v62, $0xF;
	(pc) =	sbr.rel @p0 .LBB2_30-.Ltmp15, $4  }
0x4fe: {  	vm2 =	veq.s32 v63, v0;
	v4 =	vbroadcast v60, $0xF;
	v1 =	vsel vm1, v5, v1  }
0x4ff: {  	s0 =	sand.u32 $0x3FFFFFF0, s31;
	v3 =	vsel vm1, v6, v3;
	v1 =	vsel vm2, v2, v1  }
0x500: {  	v2 =	vsel vm2, v4, v3;
	[tilespmem:s0+$0x8440] =	vst v1  }
0x501: {  	[tilespmem:s0+$0x8640] =	vst v2  }
0x502: {  	s0 =	simm.s32 $0x8280  }
0x503: {  	[hbm4b:s12+s3] =	stream.linear.scatter [tilespmem:s0], [sflag:$0x3], $0x200, $0x38;
	[tilespmem:$0x8680] =	vst v63  }
0x504: {  	s26 =	sadd.s32 $0x1, s26;
	_ =	swait.ge [sflag:s16], $0x200  }
0x505: {  	p0 =	sne.s32 s26, s14;
	[sflag:s16] =	ssyncset.done $0x0  }
.Ltmp16:
0x506: {  	s31 =	simm.s32 $0x8480;
	[sflag:s16] =	ssyncadd.s32 $0xFFFFFE00;
	(pc) =	sbr.rel @p0 .LBB2_1-.Ltmp16, $4  }
0x507: {  	[hbm4b:s13+s3] =	stream.linear.scatter [tilespmem:s31], [sflag:$0x3], $0x200, $0x38;
	[tilespmem:$0x8680] =	vst v63  }
0x508: {  	_ =	swait.ge [sflag:s16], $0x200  }
0x509: {  	[sflag:s16] =	ssyncset.done $0x0  }
0x50a: {  	[sflag:s16] =	ssyncadd.s32 $0xFFFFFE00  }
0x50b: {  	_ =	sfence.sel $0x180000  }
0x50c: {  	[bflag:$0x0] =	sbarrier.arrive $0xFFFF  }
0x50d: {  	_ =	strace $0x90000047  }
0x50e: {  	s0 =	stileid.u32;
	[bflag:$0x2] =	sbarrier.arrive $0xFFFF  }
0x50f: {  	p0 =	sne.s32 s0, $0x0;
	s0 =	rddreg [dreg:$0x2]  }
0x510: {  	s0 =	sadd.s32 @!p0 $0x100000, s0  }
0x511: {  	[sflag:s0] =	ssyncadd.tile.s32 @!p0 $0x1;
	_ =	shalt  }
.Lfunc_end2:
_tile_overlayer_lowered:
.L_overlay_start_2:
0x512: {  	(tag) =	ssettag $0x2  }
0x513: {  	s0 =	rddreg [dreg:$0x0];
	s2 =	stileid.u32  }
0x514: {  	s1 =	rddreg [dreg:$0x1];
	p0 =	sne.s32 s2, $0x0  }
0x515: {  	s3 =	rddreg [dreg:$0x2];
	[bflag:$0x3] =	sbarrier.arrive $0xFFFF;
	s2 =	simm.s32 @!p0 $0x1C03  }
0x516: {  	[timem:s3], [sflag:s2] =	dma.local @!p0 [hbm:s0], s1  }
0x517: {  	s0 =	simm.s32 @!p0 $0x3  }
0x518: {  	_ =	swait.ge @!p0 [sflag:s0], s1  }
0x519: {  	s1 =	ssub.s32 @!p0 $0x0, s1;
	[sflag:s0] =	ssyncset.done @!p0 $0x0  }
0x51a: {  	[sflag:s0] =	ssyncadd.s32 @!p0 s1  }
0x51b: {  	[bflag:$0x3] =	sbarrier.arrive $0xFFFF  }
0x51c: {  	_ =	shalt  }

</sc_bundles>
